<compile_context>
chip_gen: v7x
topology: tpu7x:2x2x1
jax: 0.10.2.dev20260603
libtpu: 0.0.44.dev20260713+nightly
codegen_flags: <defaults>
</compile_context>

<pallas_src>
import dataclasses
import functools

import jax
import jax.numpy as jnp
from jax import lax
from jax.experimental import pallas as pl
from jax.experimental.pallas import tpu as pltpu
from jax.experimental.pallas import tpu_sc as plsc

N = 10000
D = 128
E = 320000

NC = 2
NS = 16
NW = NC * NS

CH = 128
NCHUNK = 80
EPT = NCHUNK * CH
E_PAD = NW * EPT
NPAD = 10240
RPT = NPAD // NS
SCH = 64
SNCHUNK = EPT // SCH
NBUF = 4
SNPASS = 4
SCPP = SNCHUNK // SNPASS

RB = 512
GRID = NPAD // RB


@functools.cache
def _sc_kernels():
    mesh = plsc.VectorSubcoreMesh(core_axis_name="c", subcore_axis_name="s")
    cp = pltpu.CompilerParams()
    if "needs_layout_passes" in pltpu.CompilerParams.__dataclass_fields__:
        cp = dataclasses.replace(cp, needs_layout_passes=False)

    L = 16
    HR = NPAD // D

    @functools.partial(
        pl.kernel,
        out_type=jax.ShapeDtypeStruct((NC, HR, D), jnp.float32),
        mesh=mesh,
        compiler_params=cp,
        scratch_types=[
            pltpu.VMEM((NCHUNK, CH), jnp.int32),
            pltpu.VMEM((HR, D), jnp.float32),
            pltpu.VMEM((HR,), jnp.int32),
            pltpu.VMEM_SHARED((HR, D), jnp.float32),
        ],
    )
    def deg_kernel(dst_hbm, zeros_hbm, rowid_hbm, out_hbm,
                   dst_v, hist_v, rowid_v, deg_sh):
        cid = lax.axis_index("c")
        sid = lax.axis_index("s")
        wid = sid * NC + cid
        pltpu.sync_copy(dst_hbm.at[wid], dst_v)
        pltpu.sync_copy(zeros_hbm, hist_v)
        pltpu.sync_copy(rowid_hbm, rowid_v)

        @pl.when(sid == 0)
        def _():
            pltpu.sync_copy(zeros_hbm, deg_sh)

        ones = jnp.ones((L,), jnp.float32)

        @pl.loop(0, NCHUNK)
        def _(j):
            @pl.loop(0, CH, step=L)
            def _(k):
                idx = dst_v.at[j][pl.ds(k, L)]
                hi = jnp.right_shift(idx, 7)
                lo = jnp.bitwise_and(idx, 127)
                plsc.addupdate_scatter(hist_v, [hi, lo], ones)

        plsc.subcore_barrier()
        pltpu.sync_copy(hist_v, deg_sh.at[rowid_v], add=True)
        plsc.subcore_barrier()

        @pl.when(sid == 0)
        def _():
            pltpu.sync_copy(deg_sh, out_hbm.at[cid])

    @functools.partial(
        pl.kernel,
        out_type=jax.ShapeDtypeStruct((NC, NPAD, D), jnp.float32),
        mesh=mesh,
        scratch_types=[
            pltpu.VMEM((SCPP, SCH), jnp.int32),
            pltpu.VMEM((SCPP, SCH), jnp.int32),
        ] + [pltpu.VMEM((SCH, D), jnp.float32)] * NBUF + [
            pltpu.VMEM_SHARED((NPAD, D), jnp.float32),
        ] + [pltpu.SemaphoreType.DMA] * (2 * NBUF),
    )
    def segsum_kernel(y_hbm, src_hbm, dst_hbm, zeros_hbm, out_hbm,
                      src_v, dst_v, *rest):
        rows = rest[:NBUF]
        acc_sh = rest[NBUF]
        gsem = rest[NBUF + 1:NBUF + 1 + NBUF]
        ssem = rest[NBUF + 1 + NBUF:]
        cid = lax.axis_index("c")
        sid = lax.axis_index("s")
        wid = sid * NC + cid
        pltpu.sync_copy(zeros_hbm, acc_sh.at[pl.ds(sid * RPT, RPT)])
        plsc.subcore_barrier()

        def gather(j, b):
            return pltpu.async_copy(y_hbm.at[src_v.at[j]], rows[b], gsem[b])

        def gather_wait(j, b):
            pltpu.make_async_copy(y_hbm.at[src_v.at[j]], rows[b],
                                  gsem[b]).wait()

        def scatter(j, b):
            return pltpu.async_copy(rows[b], acc_sh.at[dst_v.at[j]], ssem[b],
                                    add=True)

        def scatter_wait(j, b):
            pltpu.make_async_copy(rows[b], acc_sh.at[dst_v.at[j]],
                                  ssem[b]).wait()

        for p in range(SNPASS):
            pltpu.sync_copy(src_hbm.at[wid, pl.ds(p * SCPP, SCPP)], src_v)
            pltpu.sync_copy(dst_hbm.at[wid, pl.ds(p * SCPP, SCPP)], dst_v)
            for b in range(NBUF):
                gather(b, b)

            @pl.loop(0, SCPP, step=NBUF)
            def _(j):
                for b in range(NBUF):
                    gather_wait(j + b, b)
                    scatter(j + b, b)
                for b in range(NBUF):
                    scatter_wait(j + b, b)

                    @pl.when(j + b + NBUF < SCPP)
                    def _():
                        gather(j + b + NBUF, b)

        plsc.subcore_barrier()
        pltpu.sync_copy(
            acc_sh.at[pl.ds(sid * RPT, RPT)],
            out_hbm.at[cid, pl.ds(sid * RPT, RPT)],
        )

    return deg_kernel, segsum_kernel



def _dinv_of(deg_ref):
    deg = deg_ref[0, :, 0] + deg_ref[1, :, 0] + 1.0
    return lax.rsqrt(deg)


def _mm_scale_body(x_ref, w_ref, deg_ref, y_ref):
    dinv = _dinv_of(deg_ref)
    xw = jnp.dot(x_ref[...], w_ref[...], preferred_element_type=jnp.float32,
                 precision=lax.Precision.HIGHEST)
    y_ref[...] = dinv[:, None] * xw


def _epi_mm_body(acc_ref, y_ref, deg_ref, b_ref, w_ref, out_ref):
    dinv = _dinv_of(deg_ref)
    s = acc_ref[0] + acc_ref[1] + y_ref[...]
    z = jnp.maximum(dinv[:, None] * s + b_ref[0], 0.0)
    zw = jnp.dot(z, w_ref[...], preferred_element_type=jnp.float32,
                 precision=lax.Precision.HIGHEST)
    out_ref[...] = dinv[:, None] * zw


def _epi_final_body(acc_ref, y_ref, deg_ref, b_ref, out_ref):
    dinv = _dinv_of(deg_ref)
    s = acc_ref[0] + acc_ref[1] + y_ref[...]
    out_ref[...] = jnp.maximum(dinv[:, None] * s + b_ref[0], 0.0)


_spec_rows = pl.BlockSpec((RB, D), lambda i: (i, 0))
_spec_w = pl.BlockSpec((D, D), lambda i: (0, 0))
_spec_deg = pl.BlockSpec((NC, RB, 1), lambda i: (0, i, 0))
_spec_acc = pl.BlockSpec((NC, RB, D), lambda i: (0, i, 0))
_spec_b = pl.BlockSpec((1, D), lambda i: (0, 0))
_out_rows = jax.ShapeDtypeStruct((NPAD, D), jnp.float32)

_mm_scale = pl.pallas_call(
    _mm_scale_body, grid=(GRID,),
    in_specs=[_spec_rows, _spec_w, _spec_deg],
    out_specs=_spec_rows, out_shape=_out_rows)

_epi_mm = pl.pallas_call(
    _epi_mm_body, grid=(GRID,),
    in_specs=[_spec_acc, _spec_rows, _spec_deg, _spec_b, _spec_w],
    out_specs=_spec_rows, out_shape=_out_rows)

_epi_final = pl.pallas_call(
    _epi_final_body, grid=(GRID,),
    in_specs=[_spec_acc, _spec_rows, _spec_deg, _spec_b],
    out_specs=_spec_rows, out_shape=_out_rows)



def kernel(x, edge_index, W1, b1, W2, b2):
    src = edge_index[0].astype(jnp.int32)
    dst = edge_index[1].astype(jnp.int32)
    ppt = EPT - E // NW
    pad_src = jnp.zeros((NW, ppt), jnp.int32)
    pad_dst = jnp.broadcast_to(N + jnp.arange(ppt, dtype=jnp.int32) % (NPAD - N),
                               (NW, ppt))
    src_t = jnp.concatenate([src.reshape(NW, E // NW), pad_src], axis=1)
    dst_t = jnp.concatenate([dst.reshape(NW, E // NW), pad_dst], axis=1)
    src_r = src_t.reshape(NW, SNCHUNK, SCH)
    dst_r = dst_t.reshape(NW, SNCHUNK, SCH)
    dst_d = dst_t.reshape(NW, NCHUNK, CH)

    x_p = jnp.pad(x, ((0, NPAD - N), (0, 0)))
    zeros_h = jnp.zeros((NPAD // D, D), jnp.float32)
    rowid = jnp.arange(NPAD // D, dtype=jnp.int32)
    zeros_r = jnp.zeros((RPT, D), jnp.float32)
    b1r = b1.reshape(1, D)
    b2r = b2.reshape(1, D)

    deg_kernel, segsum_kernel = _sc_kernels()
    deg = deg_kernel(dst_d, zeros_h, rowid).reshape(NC, NPAD, 1)

    y1 = _mm_scale(x_p, W1, deg)
    acc1 = segsum_kernel(y1, src_r, dst_r, zeros_r)
    y2 = _epi_mm(acc1, y1, deg, b1r, W2)
    acc2 = segsum_kernel(y2, src_r, dst_r, zeros_r)
    out = _epi_final(acc2, y2, deg, b2r)
    return out[:N]

# --- scband reference (transcript-rebuilt; emitter-appended) ---
"""Pipeline reference for scband-polyline-subgraph-encoder-670014898400 (READ-ONLY COPY).

The authoritative reference and input builder live on the scoring server;
editing this copy changes nothing except your own understanding.
"""

import jax, jax.numpy as jnp
import numpy as np

N_NODES = 10000
D_IN = 128
D_HID = 128
N_EDGES = 320000


def gcn_conv(x, edge_index, W, b):
    n = x.shape[0]
    src = edge_index[0]
    dst = edge_index[1]
    # add self-loops (PyG GCNConv default add_self_loops=True)
    loop = jnp.arange(n, dtype=edge_index.dtype)
    src = jnp.concatenate([src, loop])
    dst = jnp.concatenate([dst, loop])
    # symmetric normalization: deg computed at destination with unit edge weights
    deg = jnp.zeros((n,), dtype=x.dtype).at[dst].add(1.0)
    deg_inv_sqrt = jnp.where(deg > 0, 1.0 / jnp.sqrt(deg), 0.0)
    norm = deg_inv_sqrt[src] * deg_inv_sqrt[dst]
    # linear transform then propagate messages from src, aggregate (sum) at dst
    xw = x @ W
    msg = norm[:, None] * jnp.take(xw, src, axis=0)
    out = jnp.zeros_like(xw).at[dst].add(msg)
    return out + b


def setup_inputs(seed: int = 0) -> dict:
    key = jax.random.key(seed)
    k1, k2, k3, k4, k5, k6 = jax.random.split(key, 6)
    x = jax.random.normal(k1, (N_NODES, D_IN), dtype=jnp.float32)
    edge_index = jax.random.randint(k2, (2, N_EDGES), 0, N_NODES, dtype=jnp.int64)
    s1 = 1.0 / np.sqrt(D_IN)
    s2 = 1.0 / np.sqrt(D_HID)
    W1 = jax.random.uniform(k3, (D_IN, D_HID), dtype=jnp.float32, minval=-s1, maxval=s1)
    b1 = jax.random.uniform(k4, (D_HID,), dtype=jnp.float32, minval=-s1, maxval=s1)
    W2 = jax.random.uniform(k5, (D_HID, D_HID), dtype=jnp.float32, minval=-s2, maxval=s2)
    b2 = jax.random.uniform(k6, (D_HID,), dtype=jnp.float32, minval=-s2, maxval=s2)
    return {"x": x, "edge_index": edge_index, "W1": W1, "b1": b1, "W2": W2, "b2": b2}


def reference(x, edge_index, W1, b1, W2, b2):
    h = jax.nn.relu(gcn_conv(x, edge_index, W1, b1))
    out = jax.nn.relu(gcn_conv(h, edge_index, W2, b2))
    return out

if __name__ == "__main__":
    import jax
    _d = setup_inputs()
    print(jax.jit(kernel)(*tuple(_d.values())))

</pallas_src>

<mosaic_0001>
#map = affine_map<(d0, d1) -> (0, 0, 0)>
#map1 = affine_map<(d0, d1) -> (0, 0)>
#map2 = affine_map<(d0, d1) -> (0)>
module attributes {stable_mosaic.version = 14 : i64} {
  func.func @deg_kernel(%arg0: i32, %arg1: i32, %arg2: memref<32x80x128xi32, #tpu.memory_space<hbm>>, %arg3: memref<80x128xf32, #tpu.memory_space<hbm>>, %arg4: memref<80xi32, #tpu.memory_space<hbm>>, %arg5: memref<2x80x128xf32, #tpu.memory_space<hbm>>, %arg6: memref<80x128xi32, #tpu.memory_space<vmem>>, %arg7: memref<80x128xf32, #tpu.memory_space<vmem>>, %arg8: memref<80xi32, #tpu.memory_space<vmem>>, %arg9: memref<80x128xf32, #tpu.memory_space<vmem_shared>>) attributes {dimension_semantics = [#tpu.dimension_semantics<core_parallel>, #tpu.dimension_semantics<subcore_parallel>], iteration_bounds = array<i64: 2, 16>, scalar_prefetch = 0 : i64, scratch_operands = 4 : i64, tpu.core_type = #tpu.core_type<sc_vector_subcore>, window_params = [{transform_indices = #map}, {transform_indices = #map1}, {transform_indices = #map2}, {transform_indices = #map}]} {
    %mul3A = arith.constant 2 : i32
    %mul3A_0 = arith.muli %arg1, %mul3A : i32
    %add3A = arith.addi %mul3A_0, %arg0 : i32
    "tpu.region"() ({
      %run_scoped3A = tpu.sem_alloc : memref<!tpu.dma_semaphore, #tpu.memory_space<semaphore_mem>>
      %dma_start3A = arith.constant 0 : i32
      %dma_start3A_14 = arith.constant 0 : i32
      %dma_start3A_15 = tpu.memref_slice %arg2[%add3A, %dma_start3A, %dma_start3A_14] : memref<32x80x128xi32, #tpu.memory_space<hbm>> -> memref<1x80x128xi32, #tpu.memory_space<hbm>>
      %dma_start3A_16 = tpu.memref_squeeze %dma_start3A_15 : memref<1x80x128xi32, #tpu.memory_space<hbm>> -> memref<80x128xi32, #tpu.memory_space<hbm>>
      %dma_start3A_17 = arith.constant 0 : i32
      %dma_start3A_18 = arith.constant 0 : i32
      %dma_start3A_19 = tpu.memref_slice %arg2[%add3A, %dma_start3A_17, %dma_start3A_18] : memref<32x80x128xi32, #tpu.memory_space<hbm>> -> memref<1x80x128xi32, #tpu.memory_space<hbm>>
      %dma_start3A_20 = tpu.memref_squeeze %dma_start3A_19 : memref<1x80x128xi32, #tpu.memory_space<hbm>> -> memref<80x128xi32, #tpu.memory_space<hbm>>
      tpu.enqueue_dma source(%dma_start3A_20 : memref<80x128xi32, #tpu.memory_space<hbm>>) target(%arg6 : memref<80x128xi32, #tpu.memory_space<vmem>>) target_semaphore(%run_scoped3A : memref<!tpu.dma_semaphore, #tpu.memory_space<semaphore_mem>>)
      %dma_wait3A = arith.constant 0 : i32
      %dma_wait3A_21 = arith.constant 0 : i32
      %dma_wait3A_22 = tpu.memref_slice %arg2[%add3A, %dma_wait3A, %dma_wait3A_21] : memref<32x80x128xi32, #tpu.memory_space<hbm>> -> memref<1x80x128xi32, #tpu.memory_space<hbm>>
      %dma_wait3A_23 = tpu.memref_squeeze %dma_wait3A_22 : memref<1x80x128xi32, #tpu.memory_space<hbm>> -> memref<80x128xi32, #tpu.memory_space<hbm>>
      %dma_wait3A_24 = arith.constant 0 : i32
      %dma_wait3A_25 = arith.constant 0 : i32
      %dma_wait3A_26 = tpu.memref_slice %arg2[%add3A, %dma_wait3A_24, %dma_wait3A_25] : memref<32x80x128xi32, #tpu.memory_space<hbm>> -> memref<1x80x128xi32, #tpu.memory_space<hbm>>
      %dma_wait3A_27 = tpu.memref_squeeze %dma_wait3A_26 : memref<1x80x128xi32, #tpu.memory_space<hbm>> -> memref<80x128xi32, #tpu.memory_space<hbm>>
      tpu.wait_dma2 semaphore(%run_scoped3A : memref<!tpu.dma_semaphore, #tpu.memory_space<semaphore_mem>>) src(%dma_wait3A_27 : memref<80x128xi32, #tpu.memory_space<hbm>>) dst(%arg6 : memref<80x128xi32, #tpu.memory_space<vmem>>)
      tpu.yield
    }) : () -> ()
    "tpu.region"() ({
      %run_scoped3A = tpu.sem_alloc : memref<!tpu.dma_semaphore, #tpu.memory_space<semaphore_mem>>
      tpu.enqueue_dma source(%arg3 : memref<80x128xf32, #tpu.memory_space<hbm>>) target(%arg7 : memref<80x128xf32, #tpu.memory_space<vmem>>) target_semaphore(%run_scoped3A : memref<!tpu.dma_semaphore, #tpu.memory_space<semaphore_mem>>)
      tpu.wait_dma2 semaphore(%run_scoped3A : memref<!tpu.dma_semaphore, #tpu.memory_space<semaphore_mem>>) src(%arg3 : memref<80x128xf32, #tpu.memory_space<hbm>>) dst(%arg7 : memref<80x128xf32, #tpu.memory_space<vmem>>)
      tpu.yield
    }) : () -> ()
    "tpu.region"() ({
      %run_scoped3A = tpu.sem_alloc : memref<!tpu.dma_semaphore, #tpu.memory_space<semaphore_mem>>
      tpu.enqueue_dma source(%arg4 : memref<80xi32, #tpu.memory_space<hbm>>) target(%arg8 : memref<80xi32, #tpu.memory_space<vmem>>) target_semaphore(%run_scoped3A : memref<!tpu.dma_semaphore, #tpu.memory_space<semaphore_mem>>)
      tpu.wait_dma2 semaphore(%run_scoped3A : memref<!tpu.dma_semaphore, #tpu.memory_space<semaphore_mem>>) src(%arg4 : memref<80xi32, #tpu.memory_space<hbm>>) dst(%arg8 : memref<80xi32, #tpu.memory_space<vmem>>)
      tpu.yield
    }) : () -> ()
    %eq3A = arith.constant 0 : i32
    %eq3A_1 = arith.cmpi eq, %arg1, %eq3A : i32
    %convert_element_type3A = arith.extui %eq3A_1 : i1 to i32
    %cond3A = arith.constant 0 : i32
    %cond3A_2 = arith.cmpi ne, %convert_element_type3A, %cond3A : i32
    scf.if %cond3A_2 {
      "tpu.region"() ({
        %run_scoped3A = tpu.sem_alloc : memref<!tpu.dma_semaphore, #tpu.memory_space<semaphore_mem>>
        tpu.enqueue_dma source(%arg3 : memref<80x128xf32, #tpu.memory_space<hbm>>) target(%arg9 : memref<80x128xf32, #tpu.memory_space<vmem_shared>>) target_semaphore(%run_scoped3A : memref<!tpu.dma_semaphore, #tpu.memory_space<semaphore_mem>>)
        tpu.wait_dma2 semaphore(%run_scoped3A : memref<!tpu.dma_semaphore, #tpu.memory_space<semaphore_mem>>) src(%arg3 : memref<80x128xf32, #tpu.memory_space<hbm>>) dst(%arg9 : memref<80x128xf32, #tpu.memory_space<vmem_shared>>)
        tpu.yield
      }) : () -> ()
    } else {
    }
    %broadcast_in_dim3A = arith.constant 1.000000e+00 : f32
    %broadcast_in_dim3A_3 = vector.broadcast %broadcast_in_dim3A : f32 to vector<16xf32>
    %scan3A = arith.constant 0 : i32
    %scan3A_4 = arith.constant 80 : i32
    %scan3A_5 = arith.addi %scan3A, %scan3A_4 : i32
    %scan3A_6 = arith.constant 1 : i32
    scf.for %scan3A_14 = %scan3A to %scan3A_5 step %scan3A_6  : i32 {
      %mul3A_15 = arith.constant 1 : i32
      %mul3A_16 = arith.muli %scan3A_14, %mul3A_15 : i32
      %add3A_17 = arith.constant 0 : i32
      %add3A_18 = arith.addi %add3A_17, %mul3A_16 : i32
      %scan3A_19 = arith.constant 0 : i32
      %scan3A_20 = arith.constant 8 : i32
      %scan3A_21 = arith.addi %scan3A_19, %scan3A_20 : i32
      %scan3A_22 = arith.constant 1 : i32
      scf.for %scan3A_24 = %scan3A_19 to %scan3A_21 step %scan3A_22  : i32 {
        %mul3A_25 = arith.constant 16 : i32
        %mul3A_26 = arith.muli %scan3A_24, %mul3A_25 : i32
        %add3A_27 = arith.constant 0 : i32
        %add3A_28 = arith.addi %add3A_27, %mul3A_26 : i32
        %get3A = arith.constant 0 : i32
        %get3A_29 = tpu.memref_slice %arg6[%add3A_18, %get3A] : memref<80x128xi32, #tpu.memory_space<vmem>> -> memref<1x128xi32, #tpu.memory_space<vmem>>
        %get3A_30 = tpu.memref_squeeze %get3A_29 : memref<1x128xi32, #tpu.memory_space<vmem>> -> memref<128xi32, #tpu.memory_space<vmem>>
        %get3A_31 = arith.index_cast %add3A_28 : i32 to index
        %get3A_32 = tpu.vector_load %get3A_30[%get3A_31] {strides = array<i32>} : memref<128xi32, #tpu.memory_space<vmem>>, vector<16xi32>,
        %shift_right_arithmetic3A = arith.constant 7 : i32
        %shift_right_arithmetic3A_33 = vector.broadcast %shift_right_arithmetic3A : i32 to vector<16xi32>
        %shift_right_arithmetic3A_34 = arith.shrsi %get3A_32, %shift_right_arithmetic3A_33 : vector<16xi32>
        %and3A = arith.constant 127 : i32
        %and3A_35 = vector.broadcast %and3A : i32 to vector<16xi32>
        %and3A_36 = arith.andi %get3A_32, %and3A_35 : vector<16xi32>
        tpu.vector_store_idx %arg7[%shift_right_arithmetic3A_34, %and3A_36], %broadcast_in_dim3A_3 {add = true} : memref<80x128xf32, #tpu.memory_space<vmem>>[vector<16xi32>, vector<16xi32>], vector<16xf32>,
      }
      %scan3A_23 = arith.constant 8 : i32
    }
    %scan3A_7 = arith.constant 80 : i32
    %barrier3A = arith.constant 0 : index
    tpu.barrier barrier_id(%barrier3A)
    "tpu.region"() ({
      %run_scoped3A = tpu.sem_alloc : memref<!tpu.dma_semaphore, #tpu.memory_space<semaphore_mem>>
      %dma_start3A = arith.constant 0 : i32
      %dma_start3A_14 = arith.constant 0 : i32
      %dma_start3A_15 = tpu.memref_slice %arg9[%dma_start3A, %dma_start3A_14] : memref<80x128xf32, #tpu.memory_space<vmem_shared>> -> memref<80x128xf32, #tpu.memory_space<vmem_shared>>
      tpu.enqueue_indirect_dma source(%arg7 : memref<80x128xf32, #tpu.memory_space<vmem>>) target(%dma_start3A_15 : memref<80x128xf32, #tpu.memory_space<vmem_shared>>) offsets(%arg8 : memref<80xi32, #tpu.memory_space<vmem>>) semaphore(%run_scoped3A : memref<!tpu.dma_semaphore, #tpu.memory_space<semaphore_mem>>) {add = true}
      %dma_wait3A = arith.constant 0 : i32
      %dma_wait3A_16 = arith.constant 0 : i32
      %dma_wait3A_17 = tpu.memref_slice %arg9[%dma_wait3A, %dma_wait3A_16] : memref<80x128xf32, #tpu.memory_space<vmem_shared>> -> memref<80x128xf32, #tpu.memory_space<vmem_shared>>
      tpu.wait_indirect_dma semaphore(%run_scoped3A : memref<!tpu.dma_semaphore, #tpu.memory_space<semaphore_mem>>) src(%arg7 : memref<80x128xf32, #tpu.memory_space<vmem>>) dst(%dma_wait3A_17 : memref<80x128xf32, #tpu.memory_space<vmem_shared>>)
      tpu.yield
    }) : () -> ()
    %barrier3A_8 = arith.constant 0 : index
    tpu.barrier barrier_id(%barrier3A_8)
    %eq3A_9 = arith.constant 0 : i32
    %eq3A_10 = arith.cmpi eq, %arg1, %eq3A_9 : i32
    %convert_element_type3A_11 = arith.extui %eq3A_10 : i1 to i32
    %cond3A_12 = arith.constant 0 : i32
    %cond3A_13 = arith.cmpi ne, %convert_element_type3A_11, %cond3A_12 : i32
    scf.if %cond3A_13 {
      "tpu.region"() ({
        %run_scoped3A = tpu.sem_alloc : memref<!tpu.dma_semaphore, #tpu.memory_space<semaphore_mem>>
        %dma_start3A = arith.constant 0 : i32
        %dma_start3A_14 = arith.constant 0 : i32
        %dma_start3A_15 = tpu.memref_slice %arg5[%arg0, %dma_start3A, %dma_start3A_14] : memref<2x80x128xf32, #tpu.memory_space<hbm>> -> memref<1x80x128xf32, #tpu.memory_space<hbm>>
        %dma_start3A_16 = tpu.memref_squeeze %dma_start3A_15 : memref<1x80x128xf32, #tpu.memory_space<hbm>> -> memref<80x128xf32, #tpu.memory_space<hbm>>
        tpu.enqueue_dma source(%arg9 : memref<80x128xf32, #tpu.memory_space<vmem_shared>>) target(%dma_start3A_16 : memref<80x128xf32, #tpu.memory_space<hbm>>) target_semaphore(%run_scoped3A : memref<!tpu.dma_semaphore, #tpu.memory_space<semaphore_mem>>)
        %dma_wait3A = arith.constant 0 : i32
        %dma_wait3A_17 = arith.constant 0 : i32
        %dma_wait3A_18 = tpu.memref_slice %arg5[%arg0, %dma_wait3A, %dma_wait3A_17] : memref<2x80x128xf32, #tpu.memory_space<hbm>> -> memref<1x80x128xf32, #tpu.memory_space<hbm>>
        %dma_wait3A_19 = tpu.memref_squeeze %dma_wait3A_18 : memref<1x80x128xf32, #tpu.memory_space<hbm>> -> memref<80x128xf32, #tpu.memory_space<hbm>>
        tpu.wait_dma2 semaphore(%run_scoped3A : memref<!tpu.dma_semaphore, #tpu.memory_space<semaphore_mem>>) src(%arg9 : memref<80x128xf32, #tpu.memory_space<vmem_shared>>) dst(%dma_wait3A_19 : memref<80x128xf32, #tpu.memory_space<hbm>>)
        tpu.yield
      }) : () -> ()
    } else {
    }
    return
  }
}

#map = affine_map<(d0, d1) -> (0, 0)>
#map1 = affine_map<(d0, d1) -> (0, 0, 0)>
module attributes {stable_mosaic.version = 14 : i64} {
  func.func @segsum_kernel(%arg0: i32, %arg1: i32, %arg2: memref<10240x128xf32, #tpu.memory_space<hbm>>, %arg3: memref<32x160x64xi32, #tpu.memory_space<hbm>>, %arg4: memref<32x160x64xi32, #tpu.memory_space<hbm>>, %arg5: memref<640x128xf32, #tpu.memory_space<hbm>>, %arg6: memref<2x10240x128xf32, #tpu.memory_space<hbm>>, %arg7: memref<40x64xi32, #tpu.memory_space<vmem>>, %arg8: memref<40x64xi32, #tpu.memory_space<vmem>>, %arg9: memref<64x128xf32, #tpu.memory_space<vmem>>, %arg10: memref<64x128xf32, #tpu.memory_space<vmem>>, %arg11: memref<64x128xf32, #tpu.memory_space<vmem>>, %arg12: memref<64x128xf32, #tpu.memory_space<vmem>>, %arg13: memref<10240x128xf32, #tpu.memory_space<vmem_shared>>, %arg14: memref<!tpu.dma_semaphore, #tpu.memory_space<semaphore_mem>>, %arg15: memref<!tpu.dma_semaphore, #tpu.memory_space<semaphore_mem>>, %arg16: memref<!tpu.dma_semaphore, #tpu.memory_space<semaphore_mem>>, %arg17: memref<!tpu.dma_semaphore, #tpu.memory_space<semaphore_mem>>, %arg18: memref<!tpu.dma_semaphore, #tpu.memory_space<semaphore_mem>>, %arg19: memref<!tpu.dma_semaphore, #tpu.memory_space<semaphore_mem>>, %arg20: memref<!tpu.dma_semaphore, #tpu.memory_space<semaphore_mem>>, %arg21: memref<!tpu.dma_semaphore, #tpu.memory_space<semaphore_mem>>) attributes {dimension_semantics = [#tpu.dimension_semantics<core_parallel>, #tpu.dimension_semantics<subcore_parallel>], iteration_bounds = array<i64: 2, 16>, scalar_prefetch = 0 : i64, scratch_operands = 15 : i64, tpu.core_type = #tpu.core_type<sc_vector_subcore>, window_params = [{transform_indices = #map}, {transform_indices = #map1}, {transform_indices = #map1}, {transform_indices = #map}, {transform_indices = #map1}]} {
    %mul3A = arith.constant 2 : i32
    %mul3A_0 = arith.muli %arg1, %mul3A : i32
    %add3A = arith.addi %mul3A_0, %arg0 : i32
    %mul3A_1 = arith.constant 640 : i32
    %mul3A_2 = arith.muli %arg1, %mul3A_1 : i32
    "tpu.region"() ({
      %run_scoped3A = tpu.sem_alloc : memref<!tpu.dma_semaphore, #tpu.memory_space<semaphore_mem>>
      %dma_start3A_138 = arith.constant 0 : i32
      %dma_start3A_139 = tpu.memref_slice %arg13[%mul3A_2, %dma_start3A_138] : memref<10240x128xf32, #tpu.memory_space<vmem_shared>> -> memref<640x128xf32, #tpu.memory_space<vmem_shared>>
      tpu.enqueue_dma source(%arg5 : memref<640x128xf32, #tpu.memory_space<hbm>>) target(%dma_start3A_139 : memref<640x128xf32, #tpu.memory_space<vmem_shared>>) target_semaphore(%run_scoped3A : memref<!tpu.dma_semaphore, #tpu.memory_space<semaphore_mem>>)
      %dma_wait3A = arith.constant 0 : i32
      %dma_wait3A_140 = tpu.memref_slice %arg13[%mul3A_2, %dma_wait3A] : memref<10240x128xf32, #tpu.memory_space<vmem_shared>> -> memref<640x128xf32, #tpu.memory_space<vmem_shared>>
      tpu.wait_dma2 semaphore(%run_scoped3A : memref<!tpu.dma_semaphore, #tpu.memory_space<semaphore_mem>>) src(%arg5 : memref<640x128xf32, #tpu.memory_space<hbm>>) dst(%dma_wait3A_140 : memref<640x128xf32, #tpu.memory_space<vmem_shared>>)
      tpu.yield
    }) : () -> ()
    %barrier3A = arith.constant 0 : index
    tpu.barrier barrier_id(%barrier3A)
    "tpu.region"() ({
      %run_scoped3A = tpu.sem_alloc : memref<!tpu.dma_semaphore, #tpu.memory_space<semaphore_mem>>
      %dma_start3A_138 = arith.constant 0 : i32
      %dma_start3A_139 = arith.constant 0 : i32
      %dma_start3A_140 = tpu.memref_slice %arg3[%add3A, %dma_start3A_138, %dma_start3A_139] : memref<32x160x64xi32, #tpu.memory_space<hbm>> -> memref<1x40x64xi32, #tpu.memory_space<hbm>>
      %dma_start3A_141 = tpu.memref_squeeze %dma_start3A_140 : memref<1x40x64xi32, #tpu.memory_space<hbm>> -> memref<40x64xi32, #tpu.memory_space<hbm>>
      %dma_start3A_142 = arith.constant 0 : i32
      %dma_start3A_143 = arith.constant 0 : i32
      %dma_start3A_144 = tpu.memref_slice %arg3[%add3A, %dma_start3A_142, %dma_start3A_143] : memref<32x160x64xi32, #tpu.memory_space<hbm>> -> memref<1x40x64xi32, #tpu.memory_space<hbm>>
      %dma_start3A_145 = tpu.memref_squeeze %dma_start3A_144 : memref<1x40x64xi32, #tpu.memory_space<hbm>> -> memref<40x64xi32, #tpu.memory_space<hbm>>
      tpu.enqueue_dma source(%dma_start3A_145 : memref<40x64xi32, #tpu.memory_space<hbm>>) target(%arg7 : memref<40x64xi32, #tpu.memory_space<vmem>>) target_semaphore(%run_scoped3A : memref<!tpu.dma_semaphore, #tpu.memory_space<semaphore_mem>>)
      %dma_wait3A = arith.constant 0 : i32
      %dma_wait3A_146 = arith.constant 0 : i32
      %dma_wait3A_147 = tpu.memref_slice %arg3[%add3A, %dma_wait3A, %dma_wait3A_146] : memref<32x160x64xi32, #tpu.memory_space<hbm>> -> memref<1x40x64xi32, #tpu.memory_space<hbm>>
      %dma_wait3A_148 = tpu.memref_squeeze %dma_wait3A_147 : memref<1x40x64xi32, #tpu.memory_space<hbm>> -> memref<40x64xi32, #tpu.memory_space<hbm>>
      %dma_wait3A_149 = arith.constant 0 : i32
      %dma_wait3A_150 = arith.constant 0 : i32
      %dma_wait3A_151 = tpu.memref_slice %arg3[%add3A, %dma_wait3A_149, %dma_wait3A_150] : memref<32x160x64xi32, #tpu.memory_space<hbm>> -> memref<1x40x64xi32, #tpu.memory_space<hbm>>
      %dma_wait3A_152 = tpu.memref_squeeze %dma_wait3A_151 : memref<1x40x64xi32, #tpu.memory_space<hbm>> -> memref<40x64xi32, #tpu.memory_space<hbm>>
      tpu.wait_dma2 semaphore(%run_scoped3A : memref<!tpu.dma_semaphore, #tpu.memory_space<semaphore_mem>>) src(%dma_wait3A_152 : memref<40x64xi32, #tpu.memory_space<hbm>>) dst(%arg7 : memref<40x64xi32, #tpu.memory_space<vmem>>)
      tpu.yield
    }) : () -> ()
    "tpu.region"() ({
      %run_scoped3A = tpu.sem_alloc : memref<!tpu.dma_semaphore, #tpu.memory_space<semaphore_mem>>
      %dma_start3A_138 = arith.constant 0 : i32
      %dma_start3A_139 = arith.constant 0 : i32
      %dma_start3A_140 = tpu.memref_slice %arg4[%add3A, %dma_start3A_138, %dma_start3A_139] : memref<32x160x64xi32, #tpu.memory_space<hbm>> -> memref<1x40x64xi32, #tpu.memory_space<hbm>>
      %dma_start3A_141 = tpu.memref_squeeze %dma_start3A_140 : memref<1x40x64xi32, #tpu.memory_space<hbm>> -> memref<40x64xi32, #tpu.memory_space<hbm>>
      %dma_start3A_142 = arith.constant 0 : i32
      %dma_start3A_143 = arith.constant 0 : i32
      %dma_start3A_144 = tpu.memref_slice %arg4[%add3A, %dma_start3A_142, %dma_start3A_143] : memref<32x160x64xi32, #tpu.memory_space<hbm>> -> memref<1x40x64xi32, #tpu.memory_space<hbm>>
      %dma_start3A_145 = tpu.memref_squeeze %dma_start3A_144 : memref<1x40x64xi32, #tpu.memory_space<hbm>> -> memref<40x64xi32, #tpu.memory_space<hbm>>
      tpu.enqueue_dma source(%dma_start3A_145 : memref<40x64xi32, #tpu.memory_space<hbm>>) target(%arg8 : memref<40x64xi32, #tpu.memory_space<vmem>>) target_semaphore(%run_scoped3A : memref<!tpu.dma_semaphore, #tpu.memory_space<semaphore_mem>>)
      %dma_wait3A = arith.constant 0 : i32
      %dma_wait3A_146 = arith.constant 0 : i32
      %dma_wait3A_147 = tpu.memref_slice %arg4[%add3A, %dma_wait3A, %dma_wait3A_146] : memref<32x160x64xi32, #tpu.memory_space<hbm>> -> memref<1x40x64xi32, #tpu.memory_space<hbm>>
      %dma_wait3A_148 = tpu.memref_squeeze %dma_wait3A_147 : memref<1x40x64xi32, #tpu.memory_space<hbm>> -> memref<40x64xi32, #tpu.memory_space<hbm>>
      %dma_wait3A_149 = arith.constant 0 : i32
      %dma_wait3A_150 = arith.constant 0 : i32
      %dma_wait3A_151 = tpu.memref_slice %arg4[%add3A, %dma_wait3A_149, %dma_wait3A_150] : memref<32x160x64xi32, #tpu.memory_space<hbm>> -> memref<1x40x64xi32, #tpu.memory_space<hbm>>
      %dma_wait3A_152 = tpu.memref_squeeze %dma_wait3A_151 : memref<1x40x64xi32, #tpu.memory_space<hbm>> -> memref<40x64xi32, #tpu.memory_space<hbm>>
      tpu.wait_dma2 semaphore(%run_scoped3A : memref<!tpu.dma_semaphore, #tpu.memory_space<semaphore_mem>>) src(%dma_wait3A_152 : memref<40x64xi32, #tpu.memory_space<hbm>>) dst(%arg8 : memref<40x64xi32, #tpu.memory_space<vmem>>)
      tpu.yield
    }) : () -> ()
    %dma_start3A = arith.constant 0 : i32
    %dma_start3A_3 = arith.constant 0 : i32
    %dma_start3A_4 = tpu.memref_slice %arg7[%dma_start3A, %dma_start3A_3] : memref<40x64xi32, #tpu.memory_space<vmem>> -> memref<1x64xi32, #tpu.memory_space<vmem>>
    %dma_start3A_5 = tpu.memref_squeeze %dma_start3A_4 : memref<1x64xi32, #tpu.memory_space<vmem>> -> memref<64xi32, #tpu.memory_space<vmem>>
    %dma_start3A_6 = arith.constant 0 : i32
    %dma_start3A_7 = arith.constant 0 : i32
    %dma_start3A_8 = tpu.memref_slice %arg2[%dma_start3A_6, %dma_start3A_7] : memref<10240x128xf32, #tpu.memory_space<hbm>> -> memref<10240x128xf32, #tpu.memory_space<hbm>>
    tpu.enqueue_indirect_dma source(%dma_start3A_8 : memref<10240x128xf32, #tpu.memory_space<hbm>>) target(%arg9 : memref<64x128xf32, #tpu.memory_space<vmem>>) offsets(%dma_start3A_5 : memref<64xi32, #tpu.memory_space<vmem>>) semaphore(%arg14 : memref<!tpu.dma_semaphore, #tpu.memory_space<semaphore_mem>>)
    %dma_start3A_9 = arith.constant 1 : i32
    %dma_start3A_10 = arith.constant 0 : i32
    %dma_start3A_11 = tpu.memref_slice %arg7[%dma_start3A_9, %dma_start3A_10] : memref<40x64xi32, #tpu.memory_space<vmem>> -> memref<1x64xi32, #tpu.memory_space<vmem>>
    %dma_start3A_12 = tpu.memref_squeeze %dma_start3A_11 : memref<1x64xi32, #tpu.memory_space<vmem>> -> memref<64xi32, #tpu.memory_space<vmem>>
    %dma_start3A_13 = arith.constant 0 : i32
    %dma_start3A_14 = arith.constant 0 : i32
    %dma_start3A_15 = tpu.memref_slice %arg2[%dma_start3A_13, %dma_start3A_14] : memref<10240x128xf32, #tpu.memory_space<hbm>> -> memref<10240x128xf32, #tpu.memory_space<hbm>>
    tpu.enqueue_indirect_dma source(%dma_start3A_15 : memref<10240x128xf32, #tpu.memory_space<hbm>>) target(%arg10 : memref<64x128xf32, #tpu.memory_space<vmem>>) offsets(%dma_start3A_12 : memref<64xi32, #tpu.memory_space<vmem>>) semaphore(%arg15 : memref<!tpu.dma_semaphore, #tpu.memory_space<semaphore_mem>>)
    %dma_start3A_16 = arith.constant 2 : i32
    %dma_start3A_17 = arith.constant 0 : i32
    %dma_start3A_18 = tpu.memref_slice %arg7[%dma_start3A_16, %dma_start3A_17] : memref<40x64xi32, #tpu.memory_space<vmem>> -> memref<1x64xi32, #tpu.memory_space<vmem>>
    %dma_start3A_19 = tpu.memref_squeeze %dma_start3A_18 : memref<1x64xi32, #tpu.memory_space<vmem>> -> memref<64xi32, #tpu.memory_space<vmem>>
    %dma_start3A_20 = arith.constant 0 : i32
    %dma_start3A_21 = arith.constant 0 : i32
    %dma_start3A_22 = tpu.memref_slice %arg2[%dma_start3A_20, %dma_start3A_21] : memref<10240x128xf32, #tpu.memory_space<hbm>> -> memref<10240x128xf32, #tpu.memory_space<hbm>>
    tpu.enqueue_indirect_dma source(%dma_start3A_22 : memref<10240x128xf32, #tpu.memory_space<hbm>>) target(%arg11 : memref<64x128xf32, #tpu.memory_space<vmem>>) offsets(%dma_start3A_19 : memref<64xi32, #tpu.memory_space<vmem>>) semaphore(%arg16 : memref<!tpu.dma_semaphore, #tpu.memory_space<semaphore_mem>>)
    %dma_start3A_23 = arith.constant 3 : i32
    %dma_start3A_24 = arith.constant 0 : i32
    %dma_start3A_25 = tpu.memref_slice %arg7[%dma_start3A_23, %dma_start3A_24] : memref<40x64xi32, #tpu.memory_space<vmem>> -> memref<1x64xi32, #tpu.memory_space<vmem>>
    %dma_start3A_26 = tpu.memref_squeeze %dma_start3A_25 : memref<1x64xi32, #tpu.memory_space<vmem>> -> memref<64xi32, #tpu.memory_space<vmem>>
    %dma_start3A_27 = arith.constant 0 : i32
    %dma_start3A_28 = arith.constant 0 : i32
    %dma_start3A_29 = tpu.memref_slice %arg2[%dma_start3A_27, %dma_start3A_28] : memref<10240x128xf32, #tpu.memory_space<hbm>> -> memref<10240x128xf32, #tpu.memory_space<hbm>>
    tpu.enqueue_indirect_dma source(%dma_start3A_29 : memref<10240x128xf32, #tpu.memory_space<hbm>>) target(%arg12 : memref<64x128xf32, #tpu.memory_space<vmem>>) offsets(%dma_start3A_26 : memref<64xi32, #tpu.memory_space<vmem>>) semaphore(%arg17 : memref<!tpu.dma_semaphore, #tpu.memory_space<semaphore_mem>>)
    %scan3A = arith.constant 0 : i32
    %scan3A_30 = arith.constant 10 : i32
    %scan3A_31 = arith.addi %scan3A, %scan3A_30 : i32
    %scan3A_32 = arith.constant 1 : i32
    scf.for %scan3A_138 = %scan3A to %scan3A_31 step %scan3A_32  : i32 {
      %mul3A_139 = arith.constant 4 : i32
      %mul3A_140 = arith.muli %scan3A_138, %mul3A_139 : i32
      %add3A_141 = arith.constant 0 : i32
      %add3A_142 = arith.addi %add3A_141, %mul3A_140 : i32
      %add3A_143 = arith.constant 0 : i32
      %add3A_144 = arith.addi %add3A_142, %add3A_143 : i32
      %dma_wait3A = arith.constant 0 : i32
      %dma_wait3A_145 = tpu.memref_slice %arg7[%add3A_144, %dma_wait3A] : memref<40x64xi32, #tpu.memory_space<vmem>> -> memref<1x64xi32, #tpu.memory_space<vmem>>
      %dma_wait3A_146 = tpu.memref_squeeze %dma_wait3A_145 : memref<1x64xi32, #tpu.memory_space<vmem>> -> memref<64xi32, #tpu.memory_space<vmem>>
      %dma_wait3A_147 = arith.constant 0 : i32
      %dma_wait3A_148 = arith.constant 0 : i32
      %dma_wait3A_149 = tpu.memref_slice %arg2[%dma_wait3A_147, %dma_wait3A_148] : memref<10240x128xf32, #tpu.memory_space<hbm>> -> memref<10240x128xf32, #tpu.memory_space<hbm>>
      tpu.wait_indirect_dma semaphore(%arg14 : memref<!tpu.dma_semaphore, #tpu.memory_space<semaphore_mem>>) src(%dma_wait3A_149 : memref<10240x128xf32, #tpu.memory_space<hbm>>) dst(%arg9 : memref<64x128xf32, #tpu.memory_space<vmem>>)
      %add3A_150 = arith.constant 0 : i32
      %add3A_151 = arith.addi %add3A_142, %add3A_150 : i32
      %dma_start3A_152 = arith.constant 0 : i32
      %dma_start3A_153 = tpu.memref_slice %arg8[%add3A_151, %dma_start3A_152] : memref<40x64xi32, #tpu.memory_space<vmem>> -> memref<1x64xi32, #tpu.memory_space<vmem>>
      %dma_start3A_154 = tpu.memref_squeeze %dma_start3A_153 : memref<1x64xi32, #tpu.memory_space<vmem>> -> memref<64xi32, #tpu.memory_space<vmem>>
      %dma_start3A_155 = arith.constant 0 : i32
      %dma_start3A_156 = arith.constant 0 : i32
      %dma_start3A_157 = tpu.memref_slice %arg13[%dma_start3A_155, %dma_start3A_156] : memref<10240x128xf32, #tpu.memory_space<vmem_shared>> -> memref<10240x128xf32, #tpu.memory_space<vmem_shared>>
      tpu.enqueue_indirect_dma source(%arg9 : memref<64x128xf32, #tpu.memory_space<vmem>>) target(%dma_start3A_157 : memref<10240x128xf32, #tpu.memory_space<vmem_shared>>) offsets(%dma_start3A_154 : memref<64xi32, #tpu.memory_space<vmem>>) semaphore(%arg18 : memref<!tpu.dma_semaphore, #tpu.memory_space<semaphore_mem>>) {add = true}
      %add3A_158 = arith.constant 1 : i32
      %add3A_159 = arith.addi %add3A_142, %add3A_158 : i32
      %dma_wait3A_160 = arith.constant 0 : i32
      %dma_wait3A_161 = tpu.memref_slice %arg7[%add3A_159, %dma_wait3A_160] : memref<40x64xi32, #tpu.memory_space<vmem>> -> memref<1x64xi32, #tpu.memory_space<vmem>>
      %dma_wait3A_162 = tpu.memref_squeeze %dma_wait3A_161 : memref<1x64xi32, #tpu.memory_space<vmem>> -> memref<64xi32, #tpu.memory_space<vmem>>
      %dma_wait3A_163 = arith.constant 0 : i32
      %dma_wait3A_164 = arith.constant 0 : i32
      %dma_wait3A_165 = tpu.memref_slice %arg2[%dma_wait3A_163, %dma_wait3A_164] : memref<10240x128xf32, #tpu.memory_space<hbm>> -> memref<10240x128xf32, #tpu.memory_space<hbm>>
      tpu.wait_indirect_dma semaphore(%arg15 : memref<!tpu.dma_semaphore, #tpu.memory_space<semaphore_mem>>) src(%dma_wait3A_165 : memref<10240x128xf32, #tpu.memory_space<hbm>>) dst(%arg10 : memref<64x128xf32, #tpu.memory_space<vmem>>)
      %add3A_166 = arith.constant 1 : i32
      %add3A_167 = arith.addi %add3A_142, %add3A_166 : i32
      %dma_start3A_168 = arith.constant 0 : i32
      %dma_start3A_169 = tpu.memref_slice %arg8[%add3A_167, %dma_start3A_168] : memref<40x64xi32, #tpu.memory_space<vmem>> -> memref<1x64xi32, #tpu.memory_space<vmem>>
      %dma_start3A_170 = tpu.memref_squeeze %dma_start3A_169 : memref<1x64xi32, #tpu.memory_space<vmem>> -> memref<64xi32, #tpu.memory_space<vmem>>
      %dma_start3A_171 = arith.constant 0 : i32
      %dma_start3A_172 = arith.constant 0 : i32
      %dma_start3A_173 = tpu.memref_slice %arg13[%dma_start3A_171, %dma_start3A_172] : memref<10240x128xf32, #tpu.memory_space<vmem_shared>> -> memref<10240x128xf32, #tpu.memory_space<vmem_shared>>
      tpu.enqueue_indirect_dma source(%arg10 : memref<64x128xf32, #tpu.memory_space<vmem>>) target(%dma_start3A_173 : memref<10240x128xf32, #tpu.memory_space<vmem_shared>>) offsets(%dma_start3A_170 : memref<64xi32, #tpu.memory_space<vmem>>) semaphore(%arg19 : memref<!tpu.dma_semaphore, #tpu.memory_space<semaphore_mem>>) {add = true}
      %add3A_174 = arith.constant 2 : i32
      %add3A_175 = arith.addi %add3A_142, %add3A_174 : i32
      %dma_wait3A_176 = arith.constant 0 : i32
      %dma_wait3A_177 = tpu.memref_slice %arg7[%add3A_175, %dma_wait3A_176] : memref<40x64xi32, #tpu.memory_space<vmem>> -> memref<1x64xi32, #tpu.memory_space<vmem>>
      %dma_wait3A_178 = tpu.memref_squeeze %dma_wait3A_177 : memref<1x64xi32, #tpu.memory_space<vmem>> -> memref<64xi32, #tpu.memory_space<vmem>>
      %dma_wait3A_179 = arith.constant 0 : i32
      %dma_wait3A_180 = arith.constant 0 : i32
      %dma_wait3A_181 = tpu.memref_slice %arg2[%dma_wait3A_179, %dma_wait3A_180] : memref<10240x128xf32, #tpu.memory_space<hbm>> -> memref<10240x128xf32, #tpu.memory_space<hbm>>
      tpu.wait_indirect_dma semaphore(%arg16 : memref<!tpu.dma_semaphore, #tpu.memory_space<semaphore_mem>>) src(%dma_wait3A_181 : memref<10240x128xf32, #tpu.memory_space<hbm>>) dst(%arg11 : memref<64x128xf32, #tpu.memory_space<vmem>>)
      %add3A_182 = arith.constant 2 : i32
      %add3A_183 = arith.addi %add3A_142, %add3A_182 : i32
      %dma_start3A_184 = arith.constant 0 : i32
      %dma_start3A_185 = tpu.memref_slice %arg8[%add3A_183, %dma_start3A_184] : memref<40x64xi32, #tpu.memory_space<vmem>> -> memref<1x64xi32, #tpu.memory_space<vmem>>
      %dma_start3A_186 = tpu.memref_squeeze %dma_start3A_185 : memref<1x64xi32, #tpu.memory_space<vmem>> -> memref<64xi32, #tpu.memory_space<vmem>>
      %dma_start3A_187 = arith.constant 0 : i32
      %dma_start3A_188 = arith.constant 0 : i32
      %dma_start3A_189 = tpu.memref_slice %arg13[%dma_start3A_187, %dma_start3A_188] : memref<10240x128xf32, #tpu.memory_space<vmem_shared>> -> memref<10240x128xf32, #tpu.memory_space<vmem_shared>>
      tpu.enqueue_indirect_dma source(%arg11 : memref<64x128xf32, #tpu.memory_space<vmem>>) target(%dma_start3A_189 : memref<10240x128xf32, #tpu.memory_space<vmem_shared>>) offsets(%dma_start3A_186 : memref<64xi32, #tpu.memory_space<vmem>>) semaphore(%arg20 : memref<!tpu.dma_semaphore, #tpu.memory_space<semaphore_mem>>) {add = true}
      %add3A_190 = arith.constant 3 : i32
      %add3A_191 = arith.addi %add3A_142, %add3A_190 : i32
      %dma_wait3A_192 = arith.constant 0 : i32
      %dma_wait3A_193 = tpu.memref_slice %arg7[%add3A_191, %dma_wait3A_192] : memref<40x64xi32, #tpu.memory_space<vmem>> -> memref<1x64xi32, #tpu.memory_space<vmem>>
      %dma_wait3A_194 = tpu.memref_squeeze %dma_wait3A_193 : memref<1x64xi32, #tpu.memory_space<vmem>> -> memref<64xi32, #tpu.memory_space<vmem>>
      %dma_wait3A_195 = arith.constant 0 : i32
      %dma_wait3A_196 = arith.constant 0 : i32
      %dma_wait3A_197 = tpu.memref_slice %arg2[%dma_wait3A_195, %dma_wait3A_196] : memref<10240x128xf32, #tpu.memory_space<hbm>> -> memref<10240x128xf32, #tpu.memory_space<hbm>>
      tpu.wait_indirect_dma semaphore(%arg17 : memref<!tpu.dma_semaphore, #tpu.memory_space<semaphore_mem>>) src(%dma_wait3A_197 : memref<10240x128xf32, #tpu.memory_space<hbm>>) dst(%arg12 : memref<64x128xf32, #tpu.memory_space<vmem>>)
      %add3A_198 = arith.constant 3 : i32
      %add3A_199 = arith.addi %add3A_142, %add3A_198 : i32
      %dma_start3A_200 = arith.constant 0 : i32
      %dma_start3A_201 = tpu.memref_slice %arg8[%add3A_199, %dma_start3A_200] : memref<40x64xi32, #tpu.memory_space<vmem>> -> memref<1x64xi32, #tpu.memory_space<vmem>>
      %dma_start3A_202 = tpu.memref_squeeze %dma_start3A_201 : memref<1x64xi32, #tpu.memory_space<vmem>> -> memref<64xi32, #tpu.memory_space<vmem>>
      %dma_start3A_203 = arith.constant 0 : i32
      %dma_start3A_204 = arith.constant 0 : i32
      %dma_start3A_205 = tpu.memref_slice %arg13[%dma_start3A_203, %dma_start3A_204] : memref<10240x128xf32, #tpu.memory_space<vmem_shared>> -> memref<10240x128xf32, #tpu.memory_space<vmem_shared>>
      tpu.enqueue_indirect_dma source(%arg12 : memref<64x128xf32, #tpu.memory_space<vmem>>) target(%dma_start3A_205 : memref<10240x128xf32, #tpu.memory_space<vmem_shared>>) offsets(%dma_start3A_202 : memref<64xi32, #tpu.memory_space<vmem>>) semaphore(%arg21 : memref<!tpu.dma_semaphore, #tpu.memory_space<semaphore_mem>>) {add = true}
      %add3A_206 = arith.constant 0 : i32
      %add3A_207 = arith.addi %add3A_142, %add3A_206 : i32
      %dma_wait3A_208 = arith.constant 0 : i32
      %dma_wait3A_209 = tpu.memref_slice %arg8[%add3A_207, %dma_wait3A_208] : memref<40x64xi32, #tpu.memory_space<vmem>> -> memref<1x64xi32, #tpu.memory_space<vmem>>
      %dma_wait3A_210 = tpu.memref_squeeze %dma_wait3A_209 : memref<1x64xi32, #tpu.memory_space<vmem>> -> memref<64xi32, #tpu.memory_space<vmem>>
      %dma_wait3A_211 = arith.constant 0 : i32
      %dma_wait3A_212 = arith.constant 0 : i32
      %dma_wait3A_213 = tpu.memref_slice %arg13[%dma_wait3A_211, %dma_wait3A_212] : memref<10240x128xf32, #tpu.memory_space<vmem_shared>> -> memref<10240x128xf32, #tpu.memory_space<vmem_shared>>
      tpu.wait_indirect_dma semaphore(%arg18 : memref<!tpu.dma_semaphore, #tpu.memory_space<semaphore_mem>>) src(%arg9 : memref<64x128xf32, #tpu.memory_space<vmem>>) dst(%dma_wait3A_213 : memref<10240x128xf32, #tpu.memory_space<vmem_shared>>)
      %add3A_214 = arith.constant 0 : i32
      %add3A_215 = arith.addi %add3A_142, %add3A_214 : i32
      %add3A_216 = arith.constant 4 : i32
      %add3A_217 = arith.addi %add3A_215, %add3A_216 : i32
      %lt3A = arith.constant 40 : i32
      %lt3A_218 = arith.cmpi slt, %add3A_217, %lt3A : i32
      %convert_element_type3A = arith.extui %lt3A_218 : i1 to i32
      %cond3A = arith.constant 0 : i32
      %cond3A_219 = arith.cmpi ne, %convert_element_type3A, %cond3A : i32
      scf.if %cond3A_219 {
        %add3A_271 = arith.constant 0 : i32
        %add3A_272 = arith.addi %add3A_142, %add3A_271 : i32
        %add3A_273 = arith.constant 4 : i32
        %add3A_274 = arith.addi %add3A_272, %add3A_273 : i32
        %dma_start3A_275 = arith.constant 0 : i32
        %dma_start3A_276 = tpu.memref_slice %arg7[%add3A_274, %dma_start3A_275] : memref<40x64xi32, #tpu.memory_space<vmem>> -> memref<1x64xi32, #tpu.memory_space<vmem>>
        %dma_start3A_277 = tpu.memref_squeeze %dma_start3A_276 : memref<1x64xi32, #tpu.memory_space<vmem>> -> memref<64xi32, #tpu.memory_space<vmem>>
        %dma_start3A_278 = arith.constant 0 : i32
        %dma_start3A_279 = arith.constant 0 : i32
        %dma_start3A_280 = tpu.memref_slice %arg2[%dma_start3A_278, %dma_start3A_279] : memref<10240x128xf32, #tpu.memory_space<hbm>> -> memref<10240x128xf32, #tpu.memory_space<hbm>>
        tpu.enqueue_indirect_dma source(%dma_start3A_280 : memref<10240x128xf32, #tpu.memory_space<hbm>>) target(%arg9 : memref<64x128xf32, #tpu.memory_space<vmem>>) offsets(%dma_start3A_277 : memref<64xi32, #tpu.memory_space<vmem>>) semaphore(%arg14 : memref<!tpu.dma_semaphore, #tpu.memory_space<semaphore_mem>>)
      } else {
      }
      %add3A_220 = arith.constant 1 : i32
      %add3A_221 = arith.addi %add3A_142, %add3A_220 : i32
      %dma_wait3A_222 = arith.constant 0 : i32
      %dma_wait3A_223 = tpu.memref_slice %arg8[%add3A_221, %dma_wait3A_222] : memref<40x64xi32, #tpu.memory_space<vmem>> -> memref<1x64xi32, #tpu.memory_space<vmem>>
      %dma_wait3A_224 = tpu.memref_squeeze %dma_wait3A_223 : memref<1x64xi32, #tpu.memory_space<vmem>> -> memref<64xi32, #tpu.memory_space<vmem>>
      %dma_wait3A_225 = arith.constant 0 : i32
      %dma_wait3A_226 = arith.constant 0 : i32
      %dma_wait3A_227 = tpu.memref_slice %arg13[%dma_wait3A_225, %dma_wait3A_226] : memref<10240x128xf32, #tpu.memory_space<vmem_shared>> -> memref<10240x128xf32, #tpu.memory_space<vmem_shared>>
      tpu.wait_indirect_dma semaphore(%arg19 : memref<!tpu.dma_semaphore, #tpu.memory_space<semaphore_mem>>) src(%arg10 : memref<64x128xf32, #tpu.memory_space<vmem>>) dst(%dma_wait3A_227 : memref<10240x128xf32, #tpu.memory_space<vmem_shared>>)
      %add3A_228 = arith.constant 1 : i32
      %add3A_229 = arith.addi %add3A_142, %add3A_228 : i32
      %add3A_230 = arith.constant 4 : i32
      %add3A_231 = arith.addi %add3A_229, %add3A_230 : i32
      %lt3A_232 = arith.constant 40 : i32
      %lt3A_233 = arith.cmpi slt, %add3A_231, %lt3A_232 : i32
      %convert_element_type3A_234 = arith.extui %lt3A_233 : i1 to i32
      %cond3A_235 = arith.constant 0 : i32
      %cond3A_236 = arith.cmpi ne, %convert_element_type3A_234, %cond3A_235 : i32
      scf.if %cond3A_236 {
        %add3A_271 = arith.constant 1 : i32
        %add3A_272 = arith.addi %add3A_142, %add3A_271 : i32
        %add3A_273 = arith.constant 4 : i32
        %add3A_274 = arith.addi %add3A_272, %add3A_273 : i32
        %dma_start3A_275 = arith.constant 0 : i32
        %dma_start3A_276 = tpu.memref_slice %arg7[%add3A_274, %dma_start3A_275] : memref<40x64xi32, #tpu.memory_space<vmem>> -> memref<1x64xi32, #tpu.memory_space<vmem>>
        %dma_start3A_277 = tpu.memref_squeeze %dma_start3A_276 : memref<1x64xi32, #tpu.memory_space<vmem>> -> memref<64xi32, #tpu.memory_space<vmem>>
        %dma_start3A_278 = arith.constant 0 : i32
        %dma_start3A_279 = arith.constant 0 : i32
        %dma_start3A_280 = tpu.memref_slice %arg2[%dma_start3A_278, %dma_start3A_279] : memref<10240x128xf32, #tpu.memory_space<hbm>> -> memref<10240x128xf32, #tpu.memory_space<hbm>>
        tpu.enqueue_indirect_dma source(%dma_start3A_280 : memref<10240x128xf32, #tpu.memory_space<hbm>>) target(%arg10 : memref<64x128xf32, #tpu.memory_space<vmem>>) offsets(%dma_start3A_277 : memref<64xi32, #tpu.memory_space<vmem>>) semaphore(%arg15 : memref<!tpu.dma_semaphore, #tpu.memory_space<semaphore_mem>>)
      } else {
      }
      %add3A_237 = arith.constant 2 : i32
      %add3A_238 = arith.addi %add3A_142, %add3A_237 : i32
      %dma_wait3A_239 = arith.constant 0 : i32
      %dma_wait3A_240 = tpu.memref_slice %arg8[%add3A_238, %dma_wait3A_239] : memref<40x64xi32, #tpu.memory_space<vmem>> -> memref<1x64xi32, #tpu.memory_space<vmem>>
      %dma_wait3A_241 = tpu.memref_squeeze %dma_wait3A_240 : memref<1x64xi32, #tpu.memory_space<vmem>> -> memref<64xi32, #tpu.memory_space<vmem>>
      %dma_wait3A_242 = arith.constant 0 : i32
      %dma_wait3A_243 = arith.constant 0 : i32
      %dma_wait3A_244 = tpu.memref_slice %arg13[%dma_wait3A_242, %dma_wait3A_243] : memref<10240x128xf32, #tpu.memory_space<vmem_shared>> -> memref<10240x128xf32, #tpu.memory_space<vmem_shared>>
      tpu.wait_indirect_dma semaphore(%arg20 : memref<!tpu.dma_semaphore, #tpu.memory_space<semaphore_mem>>) src(%arg11 : memref<64x128xf32, #tpu.memory_space<vmem>>) dst(%dma_wait3A_244 : memref<10240x128xf32, #tpu.memory_space<vmem_shared>>)
      %add3A_245 = arith.constant 2 : i32
      %add3A_246 = arith.addi %add3A_142, %add3A_245 : i32
      %add3A_247 = arith.constant 4 : i32
      %add3A_248 = arith.addi %add3A_246, %add3A_247 : i32
      %lt3A_249 = arith.constant 40 : i32
      %lt3A_250 = arith.cmpi slt, %add3A_248, %lt3A_249 : i32
      %convert_element_type3A_251 = arith.extui %lt3A_250 : i1 to i32
      %cond3A_252 = arith.constant 0 : i32
      %cond3A_253 = arith.cmpi ne, %convert_element_type3A_251, %cond3A_252 : i32
      scf.if %cond3A_253 {
        %add3A_271 = arith.constant 2 : i32
        %add3A_272 = arith.addi %add3A_142, %add3A_271 : i32
        %add3A_273 = arith.constant 4 : i32
        %add3A_274 = arith.addi %add3A_272, %add3A_273 : i32
        %dma_start3A_275 = arith.constant 0 : i32
        %dma_start3A_276 = tpu.memref_slice %arg7[%add3A_274, %dma_start3A_275] : memref<40x64xi32, #tpu.memory_space<vmem>> -> memref<1x64xi32, #tpu.memory_space<vmem>>
        %dma_start3A_277 = tpu.memref_squeeze %dma_start3A_276 : memref<1x64xi32, #tpu.memory_space<vmem>> -> memref<64xi32, #tpu.memory_space<vmem>>
        %dma_start3A_278 = arith.constant 0 : i32
        %dma_start3A_279 = arith.constant 0 : i32
        %dma_start3A_280 = tpu.memref_slice %arg2[%dma_start3A_278, %dma_start3A_279] : memref<10240x128xf32, #tpu.memory_space<hbm>> -> memref<10240x128xf32, #tpu.memory_space<hbm>>
        tpu.enqueue_indirect_dma source(%dma_start3A_280 : memref<10240x128xf32, #tpu.memory_space<hbm>>) target(%arg11 : memref<64x128xf32, #tpu.memory_space<vmem>>) offsets(%dma_start3A_277 : memref<64xi32, #tpu.memory_space<vmem>>) semaphore(%arg16 : memref<!tpu.dma_semaphore, #tpu.memory_space<semaphore_mem>>)
      } else {
      }
      %add3A_254 = arith.constant 3 : i32
      %add3A_255 = arith.addi %add3A_142, %add3A_254 : i32
      %dma_wait3A_256 = arith.constant 0 : i32
      %dma_wait3A_257 = tpu.memref_slice %arg8[%add3A_255, %dma_wait3A_256] : memref<40x64xi32, #tpu.memory_space<vmem>> -> memref<1x64xi32, #tpu.memory_space<vmem>>
      %dma_wait3A_258 = tpu.memref_squeeze %dma_wait3A_257 : memref<1x64xi32, #tpu.memory_space<vmem>> -> memref<64xi32, #tpu.memory_space<vmem>>
      %dma_wait3A_259 = arith.constant 0 : i32
      %dma_wait3A_260 = arith.constant 0 : i32
      %dma_wait3A_261 = tpu.memref_slice %arg13[%dma_wait3A_259, %dma_wait3A_260] : memref<10240x128xf32, #tpu.memory_space<vmem_shared>> -> memref<10240x128xf32, #tpu.memory_space<vmem_shared>>
      tpu.wait_indirect_dma semaphore(%arg21 : memref<!tpu.dma_semaphore, #tpu.memory_space<semaphore_mem>>) src(%arg12 : memref<64x128xf32, #tpu.memory_space<vmem>>) dst(%dma_wait3A_261 : memref<10240x128xf32, #tpu.memory_space<vmem_shared>>)
      %add3A_262 = arith.constant 3 : i32
      %add3A_263 = arith.addi %add3A_142, %add3A_262 : i32
      %add3A_264 = arith.constant 4 : i32
      %add3A_265 = arith.addi %add3A_263, %add3A_264 : i32
      %lt3A_266 = arith.constant 40 : i32
      %lt3A_267 = arith.cmpi slt, %add3A_265, %lt3A_266 : i32
      %convert_element_type3A_268 = arith.extui %lt3A_267 : i1 to i32
      %cond3A_269 = arith.constant 0 : i32
      %cond3A_270 = arith.cmpi ne, %convert_element_type3A_268, %cond3A_269 : i32
      scf.if %cond3A_270 {
        %add3A_271 = arith.constant 3 : i32
        %add3A_272 = arith.addi %add3A_142, %add3A_271 : i32
        %add3A_273 = arith.constant 4 : i32
        %add3A_274 = arith.addi %add3A_272, %add3A_273 : i32
        %dma_start3A_275 = arith.constant 0 : i32
        %dma_start3A_276 = tpu.memref_slice %arg7[%add3A_274, %dma_start3A_275] : memref<40x64xi32, #tpu.memory_space<vmem>> -> memref<1x64xi32, #tpu.memory_space<vmem>>
        %dma_start3A_277 = tpu.memref_squeeze %dma_start3A_276 : memref<1x64xi32, #tpu.memory_space<vmem>> -> memref<64xi32, #tpu.memory_space<vmem>>
        %dma_start3A_278 = arith.constant 0 : i32
        %dma_start3A_279 = arith.constant 0 : i32
        %dma_start3A_280 = tpu.memref_slice %arg2[%dma_start3A_278, %dma_start3A_279] : memref<10240x128xf32, #tpu.memory_space<hbm>> -> memref<10240x128xf32, #tpu.memory_space<hbm>>
        tpu.enqueue_indirect_dma source(%dma_start3A_280 : memref<10240x128xf32, #tpu.memory_space<hbm>>) target(%arg12 : memref<64x128xf32, #tpu.memory_space<vmem>>) offsets(%dma_start3A_277 : memref<64xi32, #tpu.memory_space<vmem>>) semaphore(%arg17 : memref<!tpu.dma_semaphore, #tpu.memory_space<semaphore_mem>>)
      } else {
      }
    }
    %scan3A_33 = arith.constant 10 : i32
    "tpu.region"() ({
      %run_scoped3A = tpu.sem_alloc : memref<!tpu.dma_semaphore, #tpu.memory_space<semaphore_mem>>
      %dma_start3A_138 = arith.constant 40 : i32
      %dma_start3A_139 = arith.constant 0 : i32
      %dma_start3A_140 = tpu.memref_slice %arg3[%add3A, %dma_start3A_138, %dma_start3A_139] : memref<32x160x64xi32, #tpu.memory_space<hbm>> -> memref<1x40x64xi32, #tpu.memory_space<hbm>>
      %dma_start3A_141 = tpu.memref_squeeze %dma_start3A_140 : memref<1x40x64xi32, #tpu.memory_space<hbm>> -> memref<40x64xi32, #tpu.memory_space<hbm>>
      %dma_start3A_142 = arith.constant 40 : i32
      %dma_start3A_143 = arith.constant 0 : i32
      %dma_start3A_144 = tpu.memref_slice %arg3[%add3A, %dma_start3A_142, %dma_start3A_143] : memref<32x160x64xi32, #tpu.memory_space<hbm>> -> memref<1x40x64xi32, #tpu.memory_space<hbm>>
      %dma_start3A_145 = tpu.memref_squeeze %dma_start3A_144 : memref<1x40x64xi32, #tpu.memory_space<hbm>> -> memref<40x64xi32, #tpu.memory_space<hbm>>
      tpu.enqueue_dma source(%dma_start3A_145 : memref<40x64xi32, #tpu.memory_space<hbm>>) target(%arg7 : memref<40x64xi32, #tpu.memory_space<vmem>>) target_semaphore(%run_scoped3A : memref<!tpu.dma_semaphore, #tpu.memory_space<semaphore_mem>>)
      %dma_wait3A = arith.constant 40 : i32
      %dma_wait3A_146 = arith.constant 0 : i32
      %dma_wait3A_147 = tpu.memref_slice %arg3[%add3A, %dma_wait3A, %dma_wait3A_146] : memref<32x160x64xi32, #tpu.memory_space<hbm>> -> memref<1x40x64xi32, #tpu.memory_space<hbm>>
      %dma_wait3A_148 = tpu.memref_squeeze %dma_wait3A_147 : memref<1x40x64xi32, #tpu.memory_space<hbm>> -> memref<40x64xi32, #tpu.memory_space<hbm>>
      %dma_wait3A_149 = arith.constant 40 : i32
      %dma_wait3A_150 = arith.constant 0 : i32
      %dma_wait3A_151 = tpu.memref_slice %arg3[%add3A, %dma_wait3A_149, %dma_wait3A_150] : memref<32x160x64xi32, #tpu.memory_space<hbm>> -> memref<1x40x64xi32, #tpu.memory_space<hbm>>
      %dma_wait3A_152 = tpu.memref_squeeze %dma_wait3A_151 : memref<1x40x64xi32, #tpu.memory_space<hbm>> -> memref<40x64xi32, #tpu.memory_space<hbm>>
      tpu.wait_dma2 semaphore(%run_scoped3A : memref<!tpu.dma_semaphore, #tpu.memory_space<semaphore_mem>>) src(%dma_wait3A_152 : memref<40x64xi32, #tpu.memory_space<hbm>>) dst(%arg7 : memref<40x64xi32, #tpu.memory_space<vmem>>)
      tpu.yield
    }) : () -> ()
    "tpu.region"() ({
      %run_scoped3A = tpu.sem_alloc : memref<!tpu.dma_semaphore, #tpu.memory_space<semaphore_mem>>
      %dma_start3A_138 = arith.constant 40 : i32
      %dma_start3A_139 = arith.constant 0 : i32
      %dma_start3A_140 = tpu.memref_slice %arg4[%add3A, %dma_start3A_138, %dma_start3A_139] : memref<32x160x64xi32, #tpu.memory_space<hbm>> -> memref<1x40x64xi32, #tpu.memory_space<hbm>>
      %dma_start3A_141 = tpu.memref_squeeze %dma_start3A_140 : memref<1x40x64xi32, #tpu.memory_space<hbm>> -> memref<40x64xi32, #tpu.memory_space<hbm>>
      %dma_start3A_142 = arith.constant 40 : i32
      %dma_start3A_143 = arith.constant 0 : i32
      %dma_start3A_144 = tpu.memref_slice %arg4[%add3A, %dma_start3A_142, %dma_start3A_143] : memref<32x160x64xi32, #tpu.memory_space<hbm>> -> memref<1x40x64xi32, #tpu.memory_space<hbm>>
      %dma_start3A_145 = tpu.memref_squeeze %dma_start3A_144 : memref<1x40x64xi32, #tpu.memory_space<hbm>> -> memref<40x64xi32, #tpu.memory_space<hbm>>
      tpu.enqueue_dma source(%dma_start3A_145 : memref<40x64xi32, #tpu.memory_space<hbm>>) target(%arg8 : memref<40x64xi32, #tpu.memory_space<vmem>>) target_semaphore(%run_scoped3A : memref<!tpu.dma_semaphore, #tpu.memory_space<semaphore_mem>>)
      %dma_wait3A = arith.constant 40 : i32
      %dma_wait3A_146 = arith.constant 0 : i32
      %dma_wait3A_147 = tpu.memref_slice %arg4[%add3A, %dma_wait3A, %dma_wait3A_146] : memref<32x160x64xi32, #tpu.memory_space<hbm>> -> memref<1x40x64xi32, #tpu.memory_space<hbm>>
      %dma_wait3A_148 = tpu.memref_squeeze %dma_wait3A_147 : memref<1x40x64xi32, #tpu.memory_space<hbm>> -> memref<40x64xi32, #tpu.memory_space<hbm>>
      %dma_wait3A_149 = arith.constant 40 : i32
      %dma_wait3A_150 = arith.constant 0 : i32
      %dma_wait3A_151 = tpu.memref_slice %arg4[%add3A, %dma_wait3A_149, %dma_wait3A_150] : memref<32x160x64xi32, #tpu.memory_space<hbm>> -> memref<1x40x64xi32, #tpu.memory_space<hbm>>
      %dma_wait3A_152 = tpu.memref_squeeze %dma_wait3A_151 : memref<1x40x64xi32, #tpu.memory_space<hbm>> -> memref<40x64xi32, #tpu.memory_space<hbm>>
      tpu.wait_dma2 semaphore(%run_scoped3A : memref<!tpu.dma_semaphore, #tpu.memory_space<semaphore_mem>>) src(%dma_wait3A_152 : memref<40x64xi32, #tpu.memory_space<hbm>>) dst(%arg8 : memref<40x64xi32, #tpu.memory_space<vmem>>)
      tpu.yield
    }) : () -> ()
    %dma_start3A_34 = arith.constant 0 : i32
    %dma_start3A_35 = arith.constant 0 : i32
    %dma_start3A_36 = tpu.memref_slice %arg7[%dma_start3A_34, %dma_start3A_35] : memref<40x64xi32, #tpu.memory_space<vmem>> -> memref<1x64xi32, #tpu.memory_space<vmem>>
    %dma_start3A_37 = tpu.memref_squeeze %dma_start3A_36 : memref<1x64xi32, #tpu.memory_space<vmem>> -> memref<64xi32, #tpu.memory_space<vmem>>
    %dma_start3A_38 = arith.constant 0 : i32
    %dma_start3A_39 = arith.constant 0 : i32
    %dma_start3A_40 = tpu.memref_slice %arg2[%dma_start3A_38, %dma_start3A_39] : memref<10240x128xf32, #tpu.memory_space<hbm>> -> memref<10240x128xf32, #tpu.memory_space<hbm>>
    tpu.enqueue_indirect_dma source(%dma_start3A_40 : memref<10240x128xf32, #tpu.memory_space<hbm>>) target(%arg9 : memref<64x128xf32, #tpu.memory_space<vmem>>) offsets(%dma_start3A_37 : memref<64xi32, #tpu.memory_space<vmem>>) semaphore(%arg14 : memref<!tpu.dma_semaphore, #tpu.memory_space<semaphore_mem>>)
    %dma_start3A_41 = arith.constant 1 : i32
    %dma_start3A_42 = arith.constant 0 : i32
    %dma_start3A_43 = tpu.memref_slice %arg7[%dma_start3A_41, %dma_start3A_42] : memref<40x64xi32, #tpu.memory_space<vmem>> -> memref<1x64xi32, #tpu.memory_space<vmem>>
    %dma_start3A_44 = tpu.memref_squeeze %dma_start3A_43 : memref<1x64xi32, #tpu.memory_space<vmem>> -> memref<64xi32, #tpu.memory_space<vmem>>
    %dma_start3A_45 = arith.constant 0 : i32
    %dma_start3A_46 = arith.constant 0 : i32
    %dma_start3A_47 = tpu.memref_slice %arg2[%dma_start3A_45, %dma_start3A_46] : memref<10240x128xf32, #tpu.memory_space<hbm>> -> memref<10240x128xf32, #tpu.memory_space<hbm>>
    tpu.enqueue_indirect_dma source(%dma_start3A_47 : memref<10240x128xf32, #tpu.memory_space<hbm>>) target(%arg10 : memref<64x128xf32, #tpu.memory_space<vmem>>) offsets(%dma_start3A_44 : memref<64xi32, #tpu.memory_space<vmem>>) semaphore(%arg15 : memref<!tpu.dma_semaphore, #tpu.memory_space<semaphore_mem>>)
    %dma_start3A_48 = arith.constant 2 : i32
    %dma_start3A_49 = arith.constant 0 : i32
    %dma_start3A_50 = tpu.memref_slice %arg7[%dma_start3A_48, %dma_start3A_49] : memref<40x64xi32, #tpu.memory_space<vmem>> -> memref<1x64xi32, #tpu.memory_space<vmem>>
    %dma_start3A_51 = tpu.memref_squeeze %dma_start3A_50 : memref<1x64xi32, #tpu.memory_space<vmem>> -> memref<64xi32, #tpu.memory_space<vmem>>
    %dma_start3A_52 = arith.constant 0 : i32
    %dma_start3A_53 = arith.constant 0 : i32
    %dma_start3A_54 = tpu.memref_slice %arg2[%dma_start3A_52, %dma_start3A_53] : memref<10240x128xf32, #tpu.memory_space<hbm>> -> memref<10240x128xf32, #tpu.memory_space<hbm>>
    tpu.enqueue_indirect_dma source(%dma_start3A_54 : memref<10240x128xf32, #tpu.memory_space<hbm>>) target(%arg11 : memref<64x128xf32, #tpu.memory_space<vmem>>) offsets(%dma_start3A_51 : memref<64xi32, #tpu.memory_space<vmem>>) semaphore(%arg16 : memref<!tpu.dma_semaphore, #tpu.memory_space<semaphore_mem>>)
    %dma_start3A_55 = arith.constant 3 : i32
    %dma_start3A_56 = arith.constant 0 : i32
    %dma_start3A_57 = tpu.memref_slice %arg7[%dma_start3A_55, %dma_start3A_56] : memref<40x64xi32, #tpu.memory_space<vmem>> -> memref<1x64xi32, #tpu.memory_space<vmem>>
    %dma_start3A_58 = tpu.memref_squeeze %dma_start3A_57 : memref<1x64xi32, #tpu.memory_space<vmem>> -> memref<64xi32, #tpu.memory_space<vmem>>
    %dma_start3A_59 = arith.constant 0 : i32
    %dma_start3A_60 = arith.constant 0 : i32
    %dma_start3A_61 = tpu.memref_slice %arg2[%dma_start3A_59, %dma_start3A_60] : memref<10240x128xf32, #tpu.memory_space<hbm>> -> memref<10240x128xf32, #tpu.memory_space<hbm>>
    tpu.enqueue_indirect_dma source(%dma_start3A_61 : memref<10240x128xf32, #tpu.memory_space<hbm>>) target(%arg12 : memref<64x128xf32, #tpu.memory_space<vmem>>) offsets(%dma_start3A_58 : memref<64xi32, #tpu.memory_space<vmem>>) semaphore(%arg17 : memref<!tpu.dma_semaphore, #tpu.memory_space<semaphore_mem>>)
    %scan3A_62 = arith.constant 0 : i32
    %scan3A_63 = arith.constant 10 : i32
    %scan3A_64 = arith.addi %scan3A_62, %scan3A_63 : i32
    %scan3A_65 = arith.constant 1 : i32
    scf.for %scan3A_138 = %scan3A_62 to %scan3A_64 step %scan3A_65  : i32 {
      %mul3A_139 = arith.constant 4 : i32
      %mul3A_140 = arith.muli %scan3A_138, %mul3A_139 : i32
      %add3A_141 = arith.constant 0 : i32
      %add3A_142 = arith.addi %add3A_141, %mul3A_140 : i32
      %add3A_143 = arith.constant 0 : i32
      %add3A_144 = arith.addi %add3A_142, %add3A_143 : i32
      %dma_wait3A = arith.constant 0 : i32
      %dma_wait3A_145 = tpu.memref_slice %arg7[%add3A_144, %dma_wait3A] : memref<40x64xi32, #tpu.memory_space<vmem>> -> memref<1x64xi32, #tpu.memory_space<vmem>>
      %dma_wait3A_146 = tpu.memref_squeeze %dma_wait3A_145 : memref<1x64xi32, #tpu.memory_space<vmem>> -> memref<64xi32, #tpu.memory_space<vmem>>
      %dma_wait3A_147 = arith.constant 0 : i32
      %dma_wait3A_148 = arith.constant 0 : i32
      %dma_wait3A_149 = tpu.memref_slice %arg2[%dma_wait3A_147, %dma_wait3A_148] : memref<10240x128xf32, #tpu.memory_space<hbm>> -> memref<10240x128xf32, #tpu.memory_space<hbm>>
      tpu.wait_indirect_dma semaphore(%arg14 : memref<!tpu.dma_semaphore, #tpu.memory_space<semaphore_mem>>) src(%dma_wait3A_149 : memref<10240x128xf32, #tpu.memory_space<hbm>>) dst(%arg9 : memref<64x128xf32, #tpu.memory_space<vmem>>)
      %add3A_150 = arith.constant 0 : i32
      %add3A_151 = arith.addi %add3A_142, %add3A_150 : i32
      %dma_start3A_152 = arith.constant 0 : i32
      %dma_start3A_153 = tpu.memref_slice %arg8[%add3A_151, %dma_start3A_152] : memref<40x64xi32, #tpu.memory_space<vmem>> -> memref<1x64xi32, #tpu.memory_space<vmem>>
      %dma_start3A_154 = tpu.memref_squeeze %dma_start3A_153 : memref<1x64xi32, #tpu.memory_space<vmem>> -> memref<64xi32, #tpu.memory_space<vmem>>
      %dma_start3A_155 = arith.constant 0 : i32
      %dma_start3A_156 = arith.constant 0 : i32
      %dma_start3A_157 = tpu.memref_slice %arg13[%dma_start3A_155, %dma_start3A_156] : memref<10240x128xf32, #tpu.memory_space<vmem_shared>> -> memref<10240x128xf32, #tpu.memory_space<vmem_shared>>
      tpu.enqueue_indirect_dma source(%arg9 : memref<64x128xf32, #tpu.memory_space<vmem>>) target(%dma_start3A_157 : memref<10240x128xf32, #tpu.memory_space<vmem_shared>>) offsets(%dma_start3A_154 : memref<64xi32, #tpu.memory_space<vmem>>) semaphore(%arg18 : memref<!tpu.dma_semaphore, #tpu.memory_space<semaphore_mem>>) {add = true}
      %add3A_158 = arith.constant 1 : i32
      %add3A_159 = arith.addi %add3A_142, %add3A_158 : i32
      %dma_wait3A_160 = arith.constant 0 : i32
      %dma_wait3A_161 = tpu.memref_slice %arg7[%add3A_159, %dma_wait3A_160] : memref<40x64xi32, #tpu.memory_space<vmem>> -> memref<1x64xi32, #tpu.memory_space<vmem>>
      %dma_wait3A_162 = tpu.memref_squeeze %dma_wait3A_161 : memref<1x64xi32, #tpu.memory_space<vmem>> -> memref<64xi32, #tpu.memory_space<vmem>>
      %dma_wait3A_163 = arith.constant 0 : i32
      %dma_wait3A_164 = arith.constant 0 : i32
      %dma_wait3A_165 = tpu.memref_slice %arg2[%dma_wait3A_163, %dma_wait3A_164] : memref<10240x128xf32, #tpu.memory_space<hbm>> -> memref<10240x128xf32, #tpu.memory_space<hbm>>
      tpu.wait_indirect_dma semaphore(%arg15 : memref<!tpu.dma_semaphore, #tpu.memory_space<semaphore_mem>>) src(%dma_wait3A_165 : memref<10240x128xf32, #tpu.memory_space<hbm>>) dst(%arg10 : memref<64x128xf32, #tpu.memory_space<vmem>>)
      %add3A_166 = arith.constant 1 : i32
      %add3A_167 = arith.addi %add3A_142, %add3A_166 : i32
      %dma_start3A_168 = arith.constant 0 : i32
      %dma_start3A_169 = tpu.memref_slice %arg8[%add3A_167, %dma_start3A_168] : memref<40x64xi32, #tpu.memory_space<vmem>> -> memref<1x64xi32, #tpu.memory_space<vmem>>
      %dma_start3A_170 = tpu.memref_squeeze %dma_start3A_169 : memref<1x64xi32, #tpu.memory_space<vmem>> -> memref<64xi32, #tpu.memory_space<vmem>>
      %dma_start3A_171 = arith.constant 0 : i32
      %dma_start3A_172 = arith.constant 0 : i32
      %dma_start3A_173 = tpu.memref_slice %arg13[%dma_start3A_171, %dma_start3A_172] : memref<10240x128xf32, #tpu.memory_space<vmem_shared>> -> memref<10240x128xf32, #tpu.memory_space<vmem_shared>>
      tpu.enqueue_indirect_dma source(%arg10 : memref<64x128xf32, #tpu.memory_space<vmem>>) target(%dma_start3A_173 : memref<10240x128xf32, #tpu.memory_space<vmem_shared>>) offsets(%dma_start3A_170 : memref<64xi32, #tpu.memory_space<vmem>>) semaphore(%arg19 : memref<!tpu.dma_semaphore, #tpu.memory_space<semaphore_mem>>) {add = true}
      %add3A_174 = arith.constant 2 : i32
      %add3A_175 = arith.addi %add3A_142, %add3A_174 : i32
      %dma_wait3A_176 = arith.constant 0 : i32
      %dma_wait3A_177 = tpu.memref_slice %arg7[%add3A_175, %dma_wait3A_176] : memref<40x64xi32, #tpu.memory_space<vmem>> -> memref<1x64xi32, #tpu.memory_space<vmem>>
      %dma_wait3A_178 = tpu.memref_squeeze %dma_wait3A_177 : memref<1x64xi32, #tpu.memory_space<vmem>> -> memref<64xi32, #tpu.memory_space<vmem>>
      %dma_wait3A_179 = arith.constant 0 : i32
      %dma_wait3A_180 = arith.constant 0 : i32
      %dma_wait3A_181 = tpu.memref_slice %arg2[%dma_wait3A_179, %dma_wait3A_180] : memref<10240x128xf32, #tpu.memory_space<hbm>> -> memref<10240x128xf32, #tpu.memory_space<hbm>>
      tpu.wait_indirect_dma semaphore(%arg16 : memref<!tpu.dma_semaphore, #tpu.memory_space<semaphore_mem>>) src(%dma_wait3A_181 : memref<10240x128xf32, #tpu.memory_space<hbm>>) dst(%arg11 : memref<64x128xf32, #tpu.memory_space<vmem>>)
      %add3A_182 = arith.constant 2 : i32
      %add3A_183 = arith.addi %add3A_142, %add3A_182 : i32
      %dma_start3A_184 = arith.constant 0 : i32
      %dma_start3A_185 = tpu.memref_slice %arg8[%add3A_183, %dma_start3A_184] : memref<40x64xi32, #tpu.memory_space<vmem>> -> memref<1x64xi32, #tpu.memory_space<vmem>>
      %dma_start3A_186 = tpu.memref_squeeze %dma_start3A_185 : memref<1x64xi32, #tpu.memory_space<vmem>> -> memref<64xi32, #tpu.memory_space<vmem>>
      %dma_start3A_187 = arith.constant 0 : i32
      %dma_start3A_188 = arith.constant 0 : i32
      %dma_start3A_189 = tpu.memref_slice %arg13[%dma_start3A_187, %dma_start3A_188] : memref<10240x128xf32, #tpu.memory_space<vmem_shared>> -> memref<10240x128xf32, #tpu.memory_space<vmem_shared>>
      tpu.enqueue_indirect_dma source(%arg11 : memref<64x128xf32, #tpu.memory_space<vmem>>) target(%dma_start3A_189 : memref<10240x128xf32, #tpu.memory_space<vmem_shared>>) offsets(%dma_start3A_186 : memref<64xi32, #tpu.memory_space<vmem>>) semaphore(%arg20 : memref<!tpu.dma_semaphore, #tpu.memory_space<semaphore_mem>>) {add = true}
      %add3A_190 = arith.constant 3 : i32
      %add3A_191 = arith.addi %add3A_142, %add3A_190 : i32
      %dma_wait3A_192 = arith.constant 0 : i32
      %dma_wait3A_193 = tpu.memref_slice %arg7[%add3A_191, %dma_wait3A_192] : memref<40x64xi32, #tpu.memory_space<vmem>> -> memref<1x64xi32, #tpu.memory_space<vmem>>
      %dma_wait3A_194 = tpu.memref_squeeze %dma_wait3A_193 : memref<1x64xi32, #tpu.memory_space<vmem>> -> memref<64xi32, #tpu.memory_space<vmem>>
      %dma_wait3A_195 = arith.constant 0 : i32
      %dma_wait3A_196 = arith.constant 0 : i32
      %dma_wait3A_197 = tpu.memref_slice %arg2[%dma_wait3A_195, %dma_wait3A_196] : memref<10240x128xf32, #tpu.memory_space<hbm>> -> memref<10240x128xf32, #tpu.memory_space<hbm>>
      tpu.wait_indirect_dma semaphore(%arg17 : memref<!tpu.dma_semaphore, #tpu.memory_space<semaphore_mem>>) src(%dma_wait3A_197 : memref<10240x128xf32, #tpu.memory_space<hbm>>) dst(%arg12 : memref<64x128xf32, #tpu.memory_space<vmem>>)
      %add3A_198 = arith.constant 3 : i32
      %add3A_199 = arith.addi %add3A_142, %add3A_198 : i32
      %dma_start3A_200 = arith.constant 0 : i32
      %dma_start3A_201 = tpu.memref_slice %arg8[%add3A_199, %dma_start3A_200] : memref<40x64xi32, #tpu.memory_space<vmem>> -> memref<1x64xi32, #tpu.memory_space<vmem>>
      %dma_start3A_202 = tpu.memref_squeeze %dma_start3A_201 : memref<1x64xi32, #tpu.memory_space<vmem>> -> memref<64xi32, #tpu.memory_space<vmem>>
      %dma_start3A_203 = arith.constant 0 : i32
      %dma_start3A_204 = arith.constant 0 : i32
      %dma_start3A_205 = tpu.memref_slice %arg13[%dma_start3A_203, %dma_start3A_204] : memref<10240x128xf32, #tpu.memory_space<vmem_shared>> -> memref<10240x128xf32, #tpu.memory_space<vmem_shared>>
      tpu.enqueue_indirect_dma source(%arg12 : memref<64x128xf32, #tpu.memory_space<vmem>>) target(%dma_start3A_205 : memref<10240x128xf32, #tpu.memory_space<vmem_shared>>) offsets(%dma_start3A_202 : memref<64xi32, #tpu.memory_space<vmem>>) semaphore(%arg21 : memref<!tpu.dma_semaphore, #tpu.memory_space<semaphore_mem>>) {add = true}
      %add3A_206 = arith.constant 0 : i32
      %add3A_207 = arith.addi %add3A_142, %add3A_206 : i32
      %dma_wait3A_208 = arith.constant 0 : i32
      %dma_wait3A_209 = tpu.memref_slice %arg8[%add3A_207, %dma_wait3A_208] : memref<40x64xi32, #tpu.memory_space<vmem>> -> memref<1x64xi32, #tpu.memory_space<vmem>>
      %dma_wait3A_210 = tpu.memref_squeeze %dma_wait3A_209 : memref<1x64xi32, #tpu.memory_space<vmem>> -> memref<64xi32, #tpu.memory_space<vmem>>
      %dma_wait3A_211 = arith.constant 0 : i32
      %dma_wait3A_212 = arith.constant 0 : i32
      %dma_wait3A_213 = tpu.memref_slice %arg13[%dma_wait3A_211, %dma_wait3A_212] : memref<10240x128xf32, #tpu.memory_space<vmem_shared>> -> memref<10240x128xf32, #tpu.memory_space<vmem_shared>>
      tpu.wait_indirect_dma semaphore(%arg18 : memref<!tpu.dma_semaphore, #tpu.memory_space<semaphore_mem>>) src(%arg9 : memref<64x128xf32, #tpu.memory_space<vmem>>) dst(%dma_wait3A_213 : memref<10240x128xf32, #tpu.memory_space<vmem_shared>>)
      %add3A_214 = arith.constant 0 : i32
      %add3A_215 = arith.addi %add3A_142, %add3A_214 : i32
      %add3A_216 = arith.constant 4 : i32
      %add3A_217 = arith.addi %add3A_215, %add3A_216 : i32
      %lt3A = arith.constant 40 : i32
      %lt3A_218 = arith.cmpi slt, %add3A_217, %lt3A : i32
      %convert_element_type3A = arith.extui %lt3A_218 : i1 to i32
      %cond3A = arith.constant 0 : i32
      %cond3A_219 = arith.cmpi ne, %convert_element_type3A, %cond3A : i32
      scf.if %cond3A_219 {
        %add3A_271 = arith.constant 0 : i32
        %add3A_272 = arith.addi %add3A_142, %add3A_271 : i32
        %add3A_273 = arith.constant 4 : i32
        %add3A_274 = arith.addi %add3A_272, %add3A_273 : i32
        %dma_start3A_275 = arith.constant 0 : i32
        %dma_start3A_276 = tpu.memref_slice %arg7[%add3A_274, %dma_start3A_275] : memref<40x64xi32, #tpu.memory_space<vmem>> -> memref<1x64xi32, #tpu.memory_space<vmem>>
        %dma_start3A_277 = tpu.memref_squeeze %dma_start3A_276 : memref<1x64xi32, #tpu.memory_space<vmem>> -> memref<64xi32, #tpu.memory_space<vmem>>
        %dma_start3A_278 = arith.constant 0 : i32
        %dma_start3A_279 = arith.constant 0 : i32
        %dma_start3A_280 = tpu.memref_slice %arg2[%dma_start3A_278, %dma_start3A_279] : memref<10240x128xf32, #tpu.memory_space<hbm>> -> memref<10240x128xf32, #tpu.memory_space<hbm>>
        tpu.enqueue_indirect_dma source(%dma_start3A_280 : memref<10240x128xf32, #tpu.memory_space<hbm>>) target(%arg9 : memref<64x128xf32, #tpu.memory_space<vmem>>) offsets(%dma_start3A_277 : memref<64xi32, #tpu.memory_space<vmem>>) semaphore(%arg14 : memref<!tpu.dma_semaphore, #tpu.memory_space<semaphore_mem>>)
      } else {
      }
      %add3A_220 = arith.constant 1 : i32
      %add3A_221 = arith.addi %add3A_142, %add3A_220 : i32
      %dma_wait3A_222 = arith.constant 0 : i32
      %dma_wait3A_223 = tpu.memref_slice %arg8[%add3A_221, %dma_wait3A_222] : memref<40x64xi32, #tpu.memory_space<vmem>> -> memref<1x64xi32, #tpu.memory_space<vmem>>
      %dma_wait3A_224 = tpu.memref_squeeze %dma_wait3A_223 : memref<1x64xi32, #tpu.memory_space<vmem>> -> memref<64xi32, #tpu.memory_space<vmem>>
      %dma_wait3A_225 = arith.constant 0 : i32
      %dma_wait3A_226 = arith.constant 0 : i32
      %dma_wait3A_227 = tpu.memref_slice %arg13[%dma_wait3A_225, %dma_wait3A_226] : memref<10240x128xf32, #tpu.memory_space<vmem_shared>> -> memref<10240x128xf32, #tpu.memory_space<vmem_shared>>
      tpu.wait_indirect_dma semaphore(%arg19 : memref<!tpu.dma_semaphore, #tpu.memory_space<semaphore_mem>>) src(%arg10 : memref<64x128xf32, #tpu.memory_space<vmem>>) dst(%dma_wait3A_227 : memref<10240x128xf32, #tpu.memory_space<vmem_shared>>)
      %add3A_228 = arith.constant 1 : i32
      %add3A_229 = arith.addi %add3A_142, %add3A_228 : i32
      %add3A_230 = arith.constant 4 : i32
      %add3A_231 = arith.addi %add3A_229, %add3A_230 : i32
      %lt3A_232 = arith.constant 40 : i32
      %lt3A_233 = arith.cmpi slt, %add3A_231, %lt3A_232 : i32
      %convert_element_type3A_234 = arith.extui %lt3A_233 : i1 to i32
      %cond3A_235 = arith.constant 0 : i32
      %cond3A_236 = arith.cmpi ne, %convert_element_type3A_234, %cond3A_235 : i32
      scf.if %cond3A_236 {
        %add3A_271 = arith.constant 1 : i32
        %add3A_272 = arith.addi %add3A_142, %add3A_271 : i32
        %add3A_273 = arith.constant 4 : i32
        %add3A_274 = arith.addi %add3A_272, %add3A_273 : i32
        %dma_start3A_275 = arith.constant 0 : i32
        %dma_start3A_276 = tpu.memref_slice %arg7[%add3A_274, %dma_start3A_275] : memref<40x64xi32, #tpu.memory_space<vmem>> -> memref<1x64xi32, #tpu.memory_space<vmem>>
        %dma_start3A_277 = tpu.memref_squeeze %dma_start3A_276 : memref<1x64xi32, #tpu.memory_space<vmem>> -> memref<64xi32, #tpu.memory_space<vmem>>
        %dma_start3A_278 = arith.constant 0 : i32
        %dma_start3A_279 = arith.constant 0 : i32
        %dma_start3A_280 = tpu.memref_slice %arg2[%dma_start3A_278, %dma_start3A_279] : memref<10240x128xf32, #tpu.memory_space<hbm>> -> memref<10240x128xf32, #tpu.memory_space<hbm>>
        tpu.enqueue_indirect_dma source(%dma_start3A_280 : memref<10240x128xf32, #tpu.memory_space<hbm>>) target(%arg10 : memref<64x128xf32, #tpu.memory_space<vmem>>) offsets(%dma_start3A_277 : memref<64xi32, #tpu.memory_space<vmem>>) semaphore(%arg15 : memref<!tpu.dma_semaphore, #tpu.memory_space<semaphore_mem>>)
      } else {
      }
      %add3A_237 = arith.constant 2 : i32
      %add3A_238 = arith.addi %add3A_142, %add3A_237 : i32
      %dma_wait3A_239 = arith.constant 0 : i32
      %dma_wait3A_240 = tpu.memref_slice %arg8[%add3A_238, %dma_wait3A_239] : memref<40x64xi32, #tpu.memory_space<vmem>> -> memref<1x64xi32, #tpu.memory_space<vmem>>
      %dma_wait3A_241 = tpu.memref_squeeze %dma_wait3A_240 : memref<1x64xi32, #tpu.memory_space<vmem>> -> memref<64xi32, #tpu.memory_space<vmem>>
      %dma_wait3A_242 = arith.constant 0 : i32
      %dma_wait3A_243 = arith.constant 0 : i32
      %dma_wait3A_244 = tpu.memref_slice %arg13[%dma_wait3A_242, %dma_wait3A_243] : memref<10240x128xf32, #tpu.memory_space<vmem_shared>> -> memref<10240x128xf32, #tpu.memory_space<vmem_shared>>
      tpu.wait_indirect_dma semaphore(%arg20 : memref<!tpu.dma_semaphore, #tpu.memory_space<semaphore_mem>>) src(%arg11 : memref<64x128xf32, #tpu.memory_space<vmem>>) dst(%dma_wait3A_244 : memref<10240x128xf32, #tpu.memory_space<vmem_shared>>)
      %add3A_245 = arith.constant 2 : i32
      %add3A_246 = arith.addi %add3A_142, %add3A_245 : i32
      %add3A_247 = arith.constant 4 : i32
      %add3A_248 = arith.addi %add3A_246, %add3A_247 : i32
      %lt3A_249 = arith.constant 40 : i32
      %lt3A_250 = arith.cmpi slt, %add3A_248, %lt3A_249 : i32
      %convert_element_type3A_251 = arith.extui %lt3A_250 : i1 to i32
      %cond3A_252 = arith.constant 0 : i32
      %cond3A_253 = arith.cmpi ne, %convert_element_type3A_251, %cond3A_252 : i32
      scf.if %cond3A_253 {
        %add3A_271 = arith.constant 2 : i32
        %add3A_272 = arith.addi %add3A_142, %add3A_271 : i32
        %add3A_273 = arith.constant 4 : i32
        %add3A_274 = arith.addi %add3A_272, %add3A_273 : i32
        %dma_start3A_275 = arith.constant 0 : i32
        %dma_start3A_276 = tpu.memref_slice %arg7[%add3A_274, %dma_start3A_275] : memref<40x64xi32, #tpu.memory_space<vmem>> -> memref<1x64xi32, #tpu.memory_space<vmem>>
        %dma_start3A_277 = tpu.memref_squeeze %dma_start3A_276 : memref<1x64xi32, #tpu.memory_space<vmem>> -> memref<64xi32, #tpu.memory_space<vmem>>
        %dma_start3A_278 = arith.constant 0 : i32
        %dma_start3A_279 = arith.constant 0 : i32
        %dma_start3A_280 = tpu.memref_slice %arg2[%dma_start3A_278, %dma_start3A_279] : memref<10240x128xf32, #tpu.memory_space<hbm>> -> memref<10240x128xf32, #tpu.memory_space<hbm>>
        tpu.enqueue_indirect_dma source(%dma_start3A_280 : memref<10240x128xf32, #tpu.memory_space<hbm>>) target(%arg11 : memref<64x128xf32, #tpu.memory_space<vmem>>) offsets(%dma_start3A_277 : memref<64xi32, #tpu.memory_space<vmem>>) semaphore(%arg16 : memref<!tpu.dma_semaphore, #tpu.memory_space<semaphore_mem>>)
      } else {
      }
      %add3A_254 = arith.constant 3 : i32
      %add3A_255 = arith.addi %add3A_142, %add3A_254 : i32
      %dma_wait3A_256 = arith.constant 0 : i32
      %dma_wait3A_257 = tpu.memref_slice %arg8[%add3A_255, %dma_wait3A_256] : memref<40x64xi32, #tpu.memory_space<vmem>> -> memref<1x64xi32, #tpu.memory_space<vmem>>
      %dma_wait3A_258 = tpu.memref_squeeze %dma_wait3A_257 : memref<1x64xi32, #tpu.memory_space<vmem>> -> memref<64xi32, #tpu.memory_space<vmem>>
      %dma_wait3A_259 = arith.constant 0 : i32
      %dma_wait3A_260 = arith.constant 0 : i32
      %dma_wait3A_261 = tpu.memref_slice %arg13[%dma_wait3A_259, %dma_wait3A_260] : memref<10240x128xf32, #tpu.memory_space<vmem_shared>> -> memref<10240x128xf32, #tpu.memory_space<vmem_shared>>
      tpu.wait_indirect_dma semaphore(%arg21 : memref<!tpu.dma_semaphore, #tpu.memory_space<semaphore_mem>>) src(%arg12 : memref<64x128xf32, #tpu.memory_space<vmem>>) dst(%dma_wait3A_261 : memref<10240x128xf32, #tpu.memory_space<vmem_shared>>)
      %add3A_262 = arith.constant 3 : i32
      %add3A_263 = arith.addi %add3A_142, %add3A_262 : i32
      %add3A_264 = arith.constant 4 : i32
      %add3A_265 = arith.addi %add3A_263, %add3A_264 : i32
      %lt3A_266 = arith.constant 40 : i32
      %lt3A_267 = arith.cmpi slt, %add3A_265, %lt3A_266 : i32
      %convert_element_type3A_268 = arith.extui %lt3A_267 : i1 to i32
      %cond3A_269 = arith.constant 0 : i32
      %cond3A_270 = arith.cmpi ne, %convert_element_type3A_268, %cond3A_269 : i32
      scf.if %cond3A_270 {
        %add3A_271 = arith.constant 3 : i32
        %add3A_272 = arith.addi %add3A_142, %add3A_271 : i32
        %add3A_273 = arith.constant 4 : i32
        %add3A_274 = arith.addi %add3A_272, %add3A_273 : i32
        %dma_start3A_275 = arith.constant 0 : i32
        %dma_start3A_276 = tpu.memref_slice %arg7[%add3A_274, %dma_start3A_275] : memref<40x64xi32, #tpu.memory_space<vmem>> -> memref<1x64xi32, #tpu.memory_space<vmem>>
        %dma_start3A_277 = tpu.memref_squeeze %dma_start3A_276 : memref<1x64xi32, #tpu.memory_space<vmem>> -> memref<64xi32, #tpu.memory_space<vmem>>
        %dma_start3A_278 = arith.constant 0 : i32
        %dma_start3A_279 = arith.constant 0 : i32
        %dma_start3A_280 = tpu.memref_slice %arg2[%dma_start3A_278, %dma_start3A_279] : memref<10240x128xf32, #tpu.memory_space<hbm>> -> memref<10240x128xf32, #tpu.memory_space<hbm>>
        tpu.enqueue_indirect_dma source(%dma_start3A_280 : memref<10240x128xf32, #tpu.memory_space<hbm>>) target(%arg12 : memref<64x128xf32, #tpu.memory_space<vmem>>) offsets(%dma_start3A_277 : memref<64xi32, #tpu.memory_space<vmem>>) semaphore(%arg17 : memref<!tpu.dma_semaphore, #tpu.memory_space<semaphore_mem>>)
      } else {
      }
    }
    %scan3A_66 = arith.constant 10 : i32
    "tpu.region"() ({
      %run_scoped3A = tpu.sem_alloc : memref<!tpu.dma_semaphore, #tpu.memory_space<semaphore_mem>>
      %dma_start3A_138 = arith.constant 80 : i32
      %dma_start3A_139 = arith.constant 0 : i32
      %dma_start3A_140 = tpu.memref_slice %arg3[%add3A, %dma_start3A_138, %dma_start3A_139] : memref<32x160x64xi32, #tpu.memory_space<hbm>> -> memref<1x40x64xi32, #tpu.memory_space<hbm>>
      %dma_start3A_141 = tpu.memref_squeeze %dma_start3A_140 : memref<1x40x64xi32, #tpu.memory_space<hbm>> -> memref<40x64xi32, #tpu.memory_space<hbm>>
      %dma_start3A_142 = arith.constant 80 : i32
      %dma_start3A_143 = arith.constant 0 : i32
      %dma_start3A_144 = tpu.memref_slice %arg3[%add3A, %dma_start3A_142, %dma_start3A_143] : memref<32x160x64xi32, #tpu.memory_space<hbm>> -> memref<1x40x64xi32, #tpu.memory_space<hbm>>
      %dma_start3A_145 = tpu.memref_squeeze %dma_start3A_144 : memref<1x40x64xi32, #tpu.memory_space<hbm>> -> memref<40x64xi32, #tpu.memory_space<hbm>>
      tpu.enqueue_dma source(%dma_start3A_145 : memref<40x64xi32, #tpu.memory_space<hbm>>) target(%arg7 : memref<40x64xi32, #tpu.memory_space<vmem>>) target_semaphore(%run_scoped3A : memref<!tpu.dma_semaphore, #tpu.memory_space<semaphore_mem>>)
      %dma_wait3A = arith.constant 80 : i32
      %dma_wait3A_146 = arith.constant 0 : i32
      %dma_wait3A_147 = tpu.memref_slice %arg3[%add3A, %dma_wait3A, %dma_wait3A_146] : memref<32x160x64xi32, #tpu.memory_space<hbm>> -> memref<1x40x64xi32, #tpu.memory_space<hbm>>
      %dma_wait3A_148 = tpu.memref_squeeze %dma_wait3A_147 : memref<1x40x64xi32, #tpu.memory_space<hbm>> -> memref<40x64xi32, #tpu.memory_space<hbm>>
      %dma_wait3A_149 = arith.constant 80 : i32
      %dma_wait3A_150 = arith.constant 0 : i32
      %dma_wait3A_151 = tpu.memref_slice %arg3[%add3A, %dma_wait3A_149, %dma_wait3A_150] : memref<32x160x64xi32, #tpu.memory_space<hbm>> -> memref<1x40x64xi32, #tpu.memory_space<hbm>>
      %dma_wait3A_152 = tpu.memref_squeeze %dma_wait3A_151 : memref<1x40x64xi32, #tpu.memory_space<hbm>> -> memref<40x64xi32, #tpu.memory_space<hbm>>
      tpu.wait_dma2 semaphore(%run_scoped3A : memref<!tpu.dma_semaphore, #tpu.memory_space<semaphore_mem>>) src(%dma_wait3A_152 : memref<40x64xi32, #tpu.memory_space<hbm>>) dst(%arg7 : memref<40x64xi32, #tpu.memory_space<vmem>>)
      tpu.yield
    }) : () -> ()
    "tpu.region"() ({
      %run_scoped3A = tpu.sem_alloc : memref<!tpu.dma_semaphore, #tpu.memory_space<semaphore_mem>>
      %dma_start3A_138 = arith.constant 80 : i32
      %dma_start3A_139 = arith.constant 0 : i32
      %dma_start3A_140 = tpu.memref_slice %arg4[%add3A, %dma_start3A_138, %dma_start3A_139] : memref<32x160x64xi32, #tpu.memory_space<hbm>> -> memref<1x40x64xi32, #tpu.memory_space<hbm>>
      %dma_start3A_141 = tpu.memref_squeeze %dma_start3A_140 : memref<1x40x64xi32, #tpu.memory_space<hbm>> -> memref<40x64xi32, #tpu.memory_space<hbm>>
      %dma_start3A_142 = arith.constant 80 : i32
      %dma_start3A_143 = arith.constant 0 : i32
      %dma_start3A_144 = tpu.memref_slice %arg4[%add3A, %dma_start3A_142, %dma_start3A_143] : memref<32x160x64xi32, #tpu.memory_space<hbm>> -> memref<1x40x64xi32, #tpu.memory_space<hbm>>
      %dma_start3A_145 = tpu.memref_squeeze %dma_start3A_144 : memref<1x40x64xi32, #tpu.memory_space<hbm>> -> memref<40x64xi32, #tpu.memory_space<hbm>>
      tpu.enqueue_dma source(%dma_start3A_145 : memref<40x64xi32, #tpu.memory_space<hbm>>) target(%arg8 : memref<40x64xi32, #tpu.memory_space<vmem>>) target_semaphore(%run_scoped3A : memref<!tpu.dma_semaphore, #tpu.memory_space<semaphore_mem>>)
      %dma_wait3A = arith.constant 80 : i32
      %dma_wait3A_146 = arith.constant 0 : i32
      %dma_wait3A_147 = tpu.memref_slice %arg4[%add3A, %dma_wait3A, %dma_wait3A_146] : memref<32x160x64xi32, #tpu.memory_space<hbm>> -> memref<1x40x64xi32, #tpu.memory_space<hbm>>
      %dma_wait3A_148 = tpu.memref_squeeze %dma_wait3A_147 : memref<1x40x64xi32, #tpu.memory_space<hbm>> -> memref<40x64xi32, #tpu.memory_space<hbm>>
      %dma_wait3A_149 = arith.constant 80 : i32
      %dma_wait3A_150 = arith.constant 0 : i32
      %dma_wait3A_151 = tpu.memref_slice %arg4[%add3A, %dma_wait3A_149, %dma_wait3A_150] : memref<32x160x64xi32, #tpu.memory_space<hbm>> -> memref<1x40x64xi32, #tpu.memory_space<hbm>>
      %dma_wait3A_152 = tpu.memref_squeeze %dma_wait3A_151 : memref<1x40x64xi32, #tpu.memory_space<hbm>> -> memref<40x64xi32, #tpu.memory_space<hbm>>
      tpu.wait_dma2 semaphore(%run_scoped3A : memref<!tpu.dma_semaphore, #tpu.memory_space<semaphore_mem>>) src(%dma_wait3A_152 : memref<40x64xi32, #tpu.memory_space<hbm>>) dst(%arg8 : memref<40x64xi32, #tpu.memory_space<vmem>>)
      tpu.yield
    }) : () -> ()
    %dma_start3A_67 = arith.constant 0 : i32
    %dma_start3A_68 = arith.constant 0 : i32
    %dma_start3A_69 = tpu.memref_slice %arg7[%dma_start3A_67, %dma_start3A_68] : memref<40x64xi32, #tpu.memory_space<vmem>> -> memref<1x64xi32, #tpu.memory_space<vmem>>
    %dma_start3A_70 = tpu.memref_squeeze %dma_start3A_69 : memref<1x64xi32, #tpu.memory_space<vmem>> -> memref<64xi32, #tpu.memory_space<vmem>>
    %dma_start3A_71 = arith.constant 0 : i32
    %dma_start3A_72 = arith.constant 0 : i32
    %dma_start3A_73 = tpu.memref_slice %arg2[%dma_start3A_71, %dma_start3A_72] : memref<10240x128xf32, #tpu.memory_space<hbm>> -> memref<10240x128xf32, #tpu.memory_space<hbm>>
    tpu.enqueue_indirect_dma source(%dma_start3A_73 : memref<10240x128xf32, #tpu.memory_space<hbm>>) target(%arg9 : memref<64x128xf32, #tpu.memory_space<vmem>>) offsets(%dma_start3A_70 : memref<64xi32, #tpu.memory_space<vmem>>) semaphore(%arg14 : memref<!tpu.dma_semaphore, #tpu.memory_space<semaphore_mem>>)
    %dma_start3A_74 = arith.constant 1 : i32
    %dma_start3A_75 = arith.constant 0 : i32
    %dma_start3A_76 = tpu.memref_slice %arg7[%dma_start3A_74, %dma_start3A_75] : memref<40x64xi32, #tpu.memory_space<vmem>> -> memref<1x64xi32, #tpu.memory_space<vmem>>
    %dma_start3A_77 = tpu.memref_squeeze %dma_start3A_76 : memref<1x64xi32, #tpu.memory_space<vmem>> -> memref<64xi32, #tpu.memory_space<vmem>>
    %dma_start3A_78 = arith.constant 0 : i32
    %dma_start3A_79 = arith.constant 0 : i32
    %dma_start3A_80 = tpu.memref_slice %arg2[%dma_start3A_78, %dma_start3A_79] : memref<10240x128xf32, #tpu.memory_space<hbm>> -> memref<10240x128xf32, #tpu.memory_space<hbm>>
    tpu.enqueue_indirect_dma source(%dma_start3A_80 : memref<10240x128xf32, #tpu.memory_space<hbm>>) target(%arg10 : memref<64x128xf32, #tpu.memory_space<vmem>>) offsets(%dma_start3A_77 : memref<64xi32, #tpu.memory_space<vmem>>) semaphore(%arg15 : memref<!tpu.dma_semaphore, #tpu.memory_space<semaphore_mem>>)
    %dma_start3A_81 = arith.constant 2 : i32
    %dma_start3A_82 = arith.constant 0 : i32
    %dma_start3A_83 = tpu.memref_slice %arg7[%dma_start3A_81, %dma_start3A_82] : memref<40x64xi32, #tpu.memory_space<vmem>> -> memref<1x64xi32, #tpu.memory_space<vmem>>
    %dma_start3A_84 = tpu.memref_squeeze %dma_start3A_83 : memref<1x64xi32, #tpu.memory_space<vmem>> -> memref<64xi32, #tpu.memory_space<vmem>>
    %dma_start3A_85 = arith.constant 0 : i32
    %dma_start3A_86 = arith.constant 0 : i32
    %dma_start3A_87 = tpu.memref_slice %arg2[%dma_start3A_85, %dma_start3A_86] : memref<10240x128xf32, #tpu.memory_space<hbm>> -> memref<10240x128xf32, #tpu.memory_space<hbm>>
    tpu.enqueue_indirect_dma source(%dma_start3A_87 : memref<10240x128xf32, #tpu.memory_space<hbm>>) target(%arg11 : memref<64x128xf32, #tpu.memory_space<vmem>>) offsets(%dma_start3A_84 : memref<64xi32, #tpu.memory_space<vmem>>) semaphore(%arg16 : memref<!tpu.dma_semaphore, #tpu.memory_space<semaphore_mem>>)
    %dma_start3A_88 = arith.constant 3 : i32
    %dma_start3A_89 = arith.constant 0 : i32
    %dma_start3A_90 = tpu.memref_slice %arg7[%dma_start3A_88, %dma_start3A_89] : memref<40x64xi32, #tpu.memory_space<vmem>> -> memref<1x64xi32, #tpu.memory_space<vmem>>
    %dma_start3A_91 = tpu.memref_squeeze %dma_start3A_90 : memref<1x64xi32, #tpu.memory_space<vmem>> -> memref<64xi32, #tpu.memory_space<vmem>>
    %dma_start3A_92 = arith.constant 0 : i32
    %dma_start3A_93 = arith.constant 0 : i32
    %dma_start3A_94 = tpu.memref_slice %arg2[%dma_start3A_92, %dma_start3A_93] : memref<10240x128xf32, #tpu.memory_space<hbm>> -> memref<10240x128xf32, #tpu.memory_space<hbm>>
    tpu.enqueue_indirect_dma source(%dma_start3A_94 : memref<10240x128xf32, #tpu.memory_space<hbm>>) target(%arg12 : memref<64x128xf32, #tpu.memory_space<vmem>>) offsets(%dma_start3A_91 : memref<64xi32, #tpu.memory_space<vmem>>) semaphore(%arg17 : memref<!tpu.dma_semaphore, #tpu.memory_space<semaphore_mem>>)
    %scan3A_95 = arith.constant 0 : i32
    %scan3A_96 = arith.constant 10 : i32
    %scan3A_97 = arith.addi %scan3A_95, %scan3A_96 : i32
    %scan3A_98 = arith.constant 1 : i32
    scf.for %scan3A_138 = %scan3A_95 to %scan3A_97 step %scan3A_98  : i32 {
      %mul3A_139 = arith.constant 4 : i32
      %mul3A_140 = arith.muli %scan3A_138, %mul3A_139 : i32
      %add3A_141 = arith.constant 0 : i32
      %add3A_142 = arith.addi %add3A_141, %mul3A_140 : i32
      %add3A_143 = arith.constant 0 : i32
      %add3A_144 = arith.addi %add3A_142, %add3A_143 : i32
      %dma_wait3A = arith.constant 0 : i32
      %dma_wait3A_145 = tpu.memref_slice %arg7[%add3A_144, %dma_wait3A] : memref<40x64xi32, #tpu.memory_space<vmem>> -> memref<1x64xi32, #tpu.memory_space<vmem>>
      %dma_wait3A_146 = tpu.memref_squeeze %dma_wait3A_145 : memref<1x64xi32, #tpu.memory_space<vmem>> -> memref<64xi32, #tpu.memory_space<vmem>>
      %dma_wait3A_147 = arith.constant 0 : i32
      %dma_wait3A_148 = arith.constant 0 : i32
      %dma_wait3A_149 = tpu.memref_slice %arg2[%dma_wait3A_147, %dma_wait3A_148] : memref<10240x128xf32, #tpu.memory_space<hbm>> -> memref<10240x128xf32, #tpu.memory_space<hbm>>
      tpu.wait_indirect_dma semaphore(%arg14 : memref<!tpu.dma_semaphore, #tpu.memory_space<semaphore_mem>>) src(%dma_wait3A_149 : memref<10240x128xf32, #tpu.memory_space<hbm>>) dst(%arg9 : memref<64x128xf32, #tpu.memory_space<vmem>>)
      %add3A_150 = arith.constant 0 : i32
      %add3A_151 = arith.addi %add3A_142, %add3A_150 : i32
      %dma_start3A_152 = arith.constant 0 : i32
      %dma_start3A_153 = tpu.memref_slice %arg8[%add3A_151, %dma_start3A_152] : memref<40x64xi32, #tpu.memory_space<vmem>> -> memref<1x64xi32, #tpu.memory_space<vmem>>
      %dma_start3A_154 = tpu.memref_squeeze %dma_start3A_153 : memref<1x64xi32, #tpu.memory_space<vmem>> -> memref<64xi32, #tpu.memory_space<vmem>>
      %dma_start3A_155 = arith.constant 0 : i32
      %dma_start3A_156 = arith.constant 0 : i32
      %dma_start3A_157 = tpu.memref_slice %arg13[%dma_start3A_155, %dma_start3A_156] : memref<10240x128xf32, #tpu.memory_space<vmem_shared>> -> memref<10240x128xf32, #tpu.memory_space<vmem_shared>>
      tpu.enqueue_indirect_dma source(%arg9 : memref<64x128xf32, #tpu.memory_space<vmem>>) target(%dma_start3A_157 : memref<10240x128xf32, #tpu.memory_space<vmem_shared>>) offsets(%dma_start3A_154 : memref<64xi32, #tpu.memory_space<vmem>>) semaphore(%arg18 : memref<!tpu.dma_semaphore, #tpu.memory_space<semaphore_mem>>) {add = true}
      %add3A_158 = arith.constant 1 : i32
      %add3A_159 = arith.addi %add3A_142, %add3A_158 : i32
      %dma_wait3A_160 = arith.constant 0 : i32
      %dma_wait3A_161 = tpu.memref_slice %arg7[%add3A_159, %dma_wait3A_160] : memref<40x64xi32, #tpu.memory_space<vmem>> -> memref<1x64xi32, #tpu.memory_space<vmem>>
      %dma_wait3A_162 = tpu.memref_squeeze %dma_wait3A_161 : memref<1x64xi32, #tpu.memory_space<vmem>> -> memref<64xi32, #tpu.memory_space<vmem>>
      %dma_wait3A_163 = arith.constant 0 : i32
      %dma_wait3A_164 = arith.constant 0 : i32
      %dma_wait3A_165 = tpu.memref_slice %arg2[%dma_wait3A_163, %dma_wait3A_164] : memref<10240x128xf32, #tpu.memory_space<hbm>> -> memref<10240x128xf32, #tpu.memory_space<hbm>>
      tpu.wait_indirect_dma semaphore(%arg15 : memref<!tpu.dma_semaphore, #tpu.memory_space<semaphore_mem>>) src(%dma_wait3A_165 : memref<10240x128xf32, #tpu.memory_space<hbm>>) dst(%arg10 : memref<64x128xf32, #tpu.memory_space<vmem>>)
      %add3A_166 = arith.constant 1 : i32
      %add3A_167 = arith.addi %add3A_142, %add3A_166 : i32
      %dma_start3A_168 = arith.constant 0 : i32
      %dma_start3A_169 = tpu.memref_slice %arg8[%add3A_167, %dma_start3A_168] : memref<40x64xi32, #tpu.memory_space<vmem>> -> memref<1x64xi32, #tpu.memory_space<vmem>>
      %dma_start3A_170 = tpu.memref_squeeze %dma_start3A_169 : memref<1x64xi32, #tpu.memory_space<vmem>> -> memref<64xi32, #tpu.memory_space<vmem>>
      %dma_start3A_171 = arith.constant 0 : i32
      %dma_start3A_172 = arith.constant 0 : i32
      %dma_start3A_173 = tpu.memref_slice %arg13[%dma_start3A_171, %dma_start3A_172] : memref<10240x128xf32, #tpu.memory_space<vmem_shared>> -> memref<10240x128xf32, #tpu.memory_space<vmem_shared>>
      tpu.enqueue_indirect_dma source(%arg10 : memref<64x128xf32, #tpu.memory_space<vmem>>) target(%dma_start3A_173 : memref<10240x128xf32, #tpu.memory_space<vmem_shared>>) offsets(%dma_start3A_170 : memref<64xi32, #tpu.memory_space<vmem>>) semaphore(%arg19 : memref<!tpu.dma_semaphore, #tpu.memory_space<semaphore_mem>>) {add = true}
      %add3A_174 = arith.constant 2 : i32
      %add3A_175 = arith.addi %add3A_142, %add3A_174 : i32
      %dma_wait3A_176 = arith.constant 0 : i32
      %dma_wait3A_177 = tpu.memref_slice %arg7[%add3A_175, %dma_wait3A_176] : memref<40x64xi32, #tpu.memory_space<vmem>> -> memref<1x64xi32, #tpu.memory_space<vmem>>
      %dma_wait3A_178 = tpu.memref_squeeze %dma_wait3A_177 : memref<1x64xi32, #tpu.memory_space<vmem>> -> memref<64xi32, #tpu.memory_space<vmem>>
      %dma_wait3A_179 = arith.constant 0 : i32
      %dma_wait3A_180 = arith.constant 0 : i32
      %dma_wait3A_181 = tpu.memref_slice %arg2[%dma_wait3A_179, %dma_wait3A_180] : memref<10240x128xf32, #tpu.memory_space<hbm>> -> memref<10240x128xf32, #tpu.memory_space<hbm>>
      tpu.wait_indirect_dma semaphore(%arg16 : memref<!tpu.dma_semaphore, #tpu.memory_space<semaphore_mem>>) src(%dma_wait3A_181 : memref<10240x128xf32, #tpu.memory_space<hbm>>) dst(%arg11 : memref<64x128xf32, #tpu.memory_space<vmem>>)
      %add3A_182 = arith.constant 2 : i32
      %add3A_183 = arith.addi %add3A_142, %add3A_182 : i32
      %dma_start3A_184 = arith.constant 0 : i32
      %dma_start3A_185 = tpu.memref_slice %arg8[%add3A_183, %dma_start3A_184] : memref<40x64xi32, #tpu.memory_space<vmem>> -> memref<1x64xi32, #tpu.memory_space<vmem>>
      %dma_start3A_186 = tpu.memref_squeeze %dma_start3A_185 : memref<1x64xi32, #tpu.memory_space<vmem>> -> memref<64xi32, #tpu.memory_space<vmem>>
      %dma_start3A_187 = arith.constant 0 : i32
      %dma_start3A_188 = arith.constant 0 : i32
      %dma_start3A_189 = tpu.memref_slice %arg13[%dma_start3A_187, %dma_start3A_188] : memref<10240x128xf32, #tpu.memory_space<vmem_shared>> -> memref<10240x128xf32, #tpu.memory_space<vmem_shared>>
      tpu.enqueue_indirect_dma source(%arg11 : memref<64x128xf32, #tpu.memory_space<vmem>>) target(%dma_start3A_189 : memref<10240x128xf32, #tpu.memory_space<vmem_shared>>) offsets(%dma_start3A_186 : memref<64xi32, #tpu.memory_space<vmem>>) semaphore(%arg20 : memref<!tpu.dma_semaphore, #tpu.memory_space<semaphore_mem>>) {add = true}
      %add3A_190 = arith.constant 3 : i32
      %add3A_191 = arith.addi %add3A_142, %add3A_190 : i32
      %dma_wait3A_192 = arith.constant 0 : i32
      %dma_wait3A_193 = tpu.memref_slice %arg7[%add3A_191, %dma_wait3A_192] : memref<40x64xi32, #tpu.memory_space<vmem>> -> memref<1x64xi32, #tpu.memory_space<vmem>>
      %dma_wait3A_194 = tpu.memref_squeeze %dma_wait3A_193 : memref<1x64xi32, #tpu.memory_space<vmem>> -> memref<64xi32, #tpu.memory_space<vmem>>
      %dma_wait3A_195 = arith.constant 0 : i32
      %dma_wait3A_196 = arith.constant 0 : i32
      %dma_wait3A_197 = tpu.memref_slice %arg2[%dma_wait3A_195, %dma_wait3A_196] : memref<10240x128xf32, #tpu.memory_space<hbm>> -> memref<10240x128xf32, #tpu.memory_space<hbm>>
      tpu.wait_indirect_dma semaphore(%arg17 : memref<!tpu.dma_semaphore, #tpu.memory_space<semaphore_mem>>) src(%dma_wait3A_197 : memref<10240x128xf32, #tpu.memory_space<hbm>>) dst(%arg12 : memref<64x128xf32, #tpu.memory_space<vmem>>)
      %add3A_198 = arith.constant 3 : i32
      %add3A_199 = arith.addi %add3A_142, %add3A_198 : i32
      %dma_start3A_200 = arith.constant 0 : i32
      %dma_start3A_201 = tpu.memref_slice %arg8[%add3A_199, %dma_start3A_200] : memref<40x64xi32, #tpu.memory_space<vmem>> -> memref<1x64xi32, #tpu.memory_space<vmem>>
      %dma_start3A_202 = tpu.memref_squeeze %dma_start3A_201 : memref<1x64xi32, #tpu.memory_space<vmem>> -> memref<64xi32, #tpu.memory_space<vmem>>
      %dma_start3A_203 = arith.constant 0 : i32
      %dma_start3A_204 = arith.constant 0 : i32
      %dma_start3A_205 = tpu.memref_slice %arg13[%dma_start3A_203, %dma_start3A_204] : memref<10240x128xf32, #tpu.memory_space<vmem_shared>> -> memref<10240x128xf32, #tpu.memory_space<vmem_shared>>
      tpu.enqueue_indirect_dma source(%arg12 : memref<64x128xf32, #tpu.memory_space<vmem>>) target(%dma_start3A_205 : memref<10240x128xf32, #tpu.memory_space<vmem_shared>>) offsets(%dma_start3A_202 : memref<64xi32, #tpu.memory_space<vmem>>) semaphore(%arg21 : memref<!tpu.dma_semaphore, #tpu.memory_space<semaphore_mem>>) {add = true}
      %add3A_206 = arith.constant 0 : i32
      %add3A_207 = arith.addi %add3A_142, %add3A_206 : i32
      %dma_wait3A_208 = arith.constant 0 : i32
      %dma_wait3A_209 = tpu.memref_slice %arg8[%add3A_207, %dma_wait3A_208] : memref<40x64xi32, #tpu.memory_space<vmem>> -> memref<1x64xi32, #tpu.memory_space<vmem>>
      %dma_wait3A_210 = tpu.memref_squeeze %dma_wait3A_209 : memref<1x64xi32, #tpu.memory_space<vmem>> -> memref<64xi32, #tpu.memory_space<vmem>>
      %dma_wait3A_211 = arith.constant 0 : i32
      %dma_wait3A_212 = arith.constant 0 : i32
      %dma_wait3A_213 = tpu.memref_slice %arg13[%dma_wait3A_211, %dma_wait3A_212] : memref<10240x128xf32, #tpu.memory_space<vmem_shared>> -> memref<10240x128xf32, #tpu.memory_space<vmem_shared>>
      tpu.wait_indirect_dma semaphore(%arg18 : memref<!tpu.dma_semaphore, #tpu.memory_space<semaphore_mem>>) src(%arg9 : memref<64x128xf32, #tpu.memory_space<vmem>>) dst(%dma_wait3A_213 : memref<10240x128xf32, #tpu.memory_space<vmem_shared>>)
      %add3A_214 = arith.constant 0 : i32
      %add3A_215 = arith.addi %add3A_142, %add3A_214 : i32
      %add3A_216 = arith.constant 4 : i32
      %add3A_217 = arith.addi %add3A_215, %add3A_216 : i32
      %lt3A = arith.constant 40 : i32
      %lt3A_218 = arith.cmpi slt, %add3A_217, %lt3A : i32
      %convert_element_type3A = arith.extui %lt3A_218 : i1 to i32
      %cond3A = arith.constant 0 : i32
      %cond3A_219 = arith.cmpi ne, %convert_element_type3A, %cond3A : i32
      scf.if %cond3A_219 {
        %add3A_271 = arith.constant 0 : i32
        %add3A_272 = arith.addi %add3A_142, %add3A_271 : i32
        %add3A_273 = arith.constant 4 : i32
        %add3A_274 = arith.addi %add3A_272, %add3A_273 : i32
        %dma_start3A_275 = arith.constant 0 : i32
        %dma_start3A_276 = tpu.memref_slice %arg7[%add3A_274, %dma_start3A_275] : memref<40x64xi32, #tpu.memory_space<vmem>> -> memref<1x64xi32, #tpu.memory_space<vmem>>
        %dma_start3A_277 = tpu.memref_squeeze %dma_start3A_276 : memref<1x64xi32, #tpu.memory_space<vmem>> -> memref<64xi32, #tpu.memory_space<vmem>>
        %dma_start3A_278 = arith.constant 0 : i32
        %dma_start3A_279 = arith.constant 0 : i32
        %dma_start3A_280 = tpu.memref_slice %arg2[%dma_start3A_278, %dma_start3A_279] : memref<10240x128xf32, #tpu.memory_space<hbm>> -> memref<10240x128xf32, #tpu.memory_space<hbm>>
        tpu.enqueue_indirect_dma source(%dma_start3A_280 : memref<10240x128xf32, #tpu.memory_space<hbm>>) target(%arg9 : memref<64x128xf32, #tpu.memory_space<vmem>>) offsets(%dma_start3A_277 : memref<64xi32, #tpu.memory_space<vmem>>) semaphore(%arg14 : memref<!tpu.dma_semaphore, #tpu.memory_space<semaphore_mem>>)
      } else {
      }
      %add3A_220 = arith.constant 1 : i32
      %add3A_221 = arith.addi %add3A_142, %add3A_220 : i32
      %dma_wait3A_222 = arith.constant 0 : i32
      %dma_wait3A_223 = tpu.memref_slice %arg8[%add3A_221, %dma_wait3A_222] : memref<40x64xi32, #tpu.memory_space<vmem>> -> memref<1x64xi32, #tpu.memory_space<vmem>>
      %dma_wait3A_224 = tpu.memref_squeeze %dma_wait3A_223 : memref<1x64xi32, #tpu.memory_space<vmem>> -> memref<64xi32, #tpu.memory_space<vmem>>
      %dma_wait3A_225 = arith.constant 0 : i32
      %dma_wait3A_226 = arith.constant 0 : i32
      %dma_wait3A_227 = tpu.memref_slice %arg13[%dma_wait3A_225, %dma_wait3A_226] : memref<10240x128xf32, #tpu.memory_space<vmem_shared>> -> memref<10240x128xf32, #tpu.memory_space<vmem_shared>>
      tpu.wait_indirect_dma semaphore(%arg19 : memref<!tpu.dma_semaphore, #tpu.memory_space<semaphore_mem>>) src(%arg10 : memref<64x128xf32, #tpu.memory_space<vmem>>) dst(%dma_wait3A_227 : memref<10240x128xf32, #tpu.memory_space<vmem_shared>>)
      %add3A_228 = arith.constant 1 : i32
      %add3A_229 = arith.addi %add3A_142, %add3A_228 : i32
      %add3A_230 = arith.constant 4 : i32
      %add3A_231 = arith.addi %add3A_229, %add3A_230 : i32
      %lt3A_232 = arith.constant 40 : i32
      %lt3A_233 = arith.cmpi slt, %add3A_231, %lt3A_232 : i32
      %convert_element_type3A_234 = arith.extui %lt3A_233 : i1 to i32
      %cond3A_235 = arith.constant 0 : i32
      %cond3A_236 = arith.cmpi ne, %convert_element_type3A_234, %cond3A_235 : i32
      scf.if %cond3A_236 {
        %add3A_271 = arith.constant 1 : i32
        %add3A_272 = arith.addi %add3A_142, %add3A_271 : i32
        %add3A_273 = arith.constant 4 : i32
        %add3A_274 = arith.addi %add3A_272, %add3A_273 : i32
        %dma_start3A_275 = arith.constant 0 : i32
        %dma_start3A_276 = tpu.memref_slice %arg7[%add3A_274, %dma_start3A_275] : memref<40x64xi32, #tpu.memory_space<vmem>> -> memref<1x64xi32, #tpu.memory_space<vmem>>
        %dma_start3A_277 = tpu.memref_squeeze %dma_start3A_276 : memref<1x64xi32, #tpu.memory_space<vmem>> -> memref<64xi32, #tpu.memory_space<vmem>>
        %dma_start3A_278 = arith.constant 0 : i32
        %dma_start3A_279 = arith.constant 0 : i32
        %dma_start3A_280 = tpu.memref_slice %arg2[%dma_start3A_278, %dma_start3A_279] : memref<10240x128xf32, #tpu.memory_space<hbm>> -> memref<10240x128xf32, #tpu.memory_space<hbm>>
        tpu.enqueue_indirect_dma source(%dma_start3A_280 : memref<10240x128xf32, #tpu.memory_space<hbm>>) target(%arg10 : memref<64x128xf32, #tpu.memory_space<vmem>>) offsets(%dma_start3A_277 : memref<64xi32, #tpu.memory_space<vmem>>) semaphore(%arg15 : memref<!tpu.dma_semaphore, #tpu.memory_space<semaphore_mem>>)
      } else {
      }
      %add3A_237 = arith.constant 2 : i32
      %add3A_238 = arith.addi %add3A_142, %add3A_237 : i32
      %dma_wait3A_239 = arith.constant 0 : i32
      %dma_wait3A_240 = tpu.memref_slice %arg8[%add3A_238, %dma_wait3A_239] : memref<40x64xi32, #tpu.memory_space<vmem>> -> memref<1x64xi32, #tpu.memory_space<vmem>>
      %dma_wait3A_241 = tpu.memref_squeeze %dma_wait3A_240 : memref<1x64xi32, #tpu.memory_space<vmem>> -> memref<64xi32, #tpu.memory_space<vmem>>
      %dma_wait3A_242 = arith.constant 0 : i32
      %dma_wait3A_243 = arith.constant 0 : i32
      %dma_wait3A_244 = tpu.memref_slice %arg13[%dma_wait3A_242, %dma_wait3A_243] : memref<10240x128xf32, #tpu.memory_space<vmem_shared>> -> memref<10240x128xf32, #tpu.memory_space<vmem_shared>>
      tpu.wait_indirect_dma semaphore(%arg20 : memref<!tpu.dma_semaphore, #tpu.memory_space<semaphore_mem>>) src(%arg11 : memref<64x128xf32, #tpu.memory_space<vmem>>) dst(%dma_wait3A_244 : memref<10240x128xf32, #tpu.memory_space<vmem_shared>>)
      %add3A_245 = arith.constant 2 : i32
      %add3A_246 = arith.addi %add3A_142, %add3A_245 : i32
      %add3A_247 = arith.constant 4 : i32
      %add3A_248 = arith.addi %add3A_246, %add3A_247 : i32
      %lt3A_249 = arith.constant 40 : i32
      %lt3A_250 = arith.cmpi slt, %add3A_248, %lt3A_249 : i32
      %convert_element_type3A_251 = arith.extui %lt3A_250 : i1 to i32
      %cond3A_252 = arith.constant 0 : i32
      %cond3A_253 = arith.cmpi ne, %convert_element_type3A_251, %cond3A_252 : i32
      scf.if %cond3A_253 {
        %add3A_271 = arith.constant 2 : i32
        %add3A_272 = arith.addi %add3A_142, %add3A_271 : i32
        %add3A_273 = arith.constant 4 : i32
        %add3A_274 = arith.addi %add3A_272, %add3A_273 : i32
        %dma_start3A_275 = arith.constant 0 : i32
        %dma_start3A_276 = tpu.memref_slice %arg7[%add3A_274, %dma_start3A_275] : memref<40x64xi32, #tpu.memory_space<vmem>> -> memref<1x64xi32, #tpu.memory_space<vmem>>
        %dma_start3A_277 = tpu.memref_squeeze %dma_start3A_276 : memref<1x64xi32, #tpu.memory_space<vmem>> -> memref<64xi32, #tpu.memory_space<vmem>>
        %dma_start3A_278 = arith.constant 0 : i32
        %dma_start3A_279 = arith.constant 0 : i32
        %dma_start3A_280 = tpu.memref_slice %arg2[%dma_start3A_278, %dma_start3A_279] : memref<10240x128xf32, #tpu.memory_space<hbm>> -> memref<10240x128xf32, #tpu.memory_space<hbm>>
        tpu.enqueue_indirect_dma source(%dma_start3A_280 : memref<10240x128xf32, #tpu.memory_space<hbm>>) target(%arg11 : memref<64x128xf32, #tpu.memory_space<vmem>>) offsets(%dma_start3A_277 : memref<64xi32, #tpu.memory_space<vmem>>) semaphore(%arg16 : memref<!tpu.dma_semaphore, #tpu.memory_space<semaphore_mem>>)
      } else {
      }
      %add3A_254 = arith.constant 3 : i32
      %add3A_255 = arith.addi %add3A_142, %add3A_254 : i32
      %dma_wait3A_256 = arith.constant 0 : i32
      %dma_wait3A_257 = tpu.memref_slice %arg8[%add3A_255, %dma_wait3A_256] : memref<40x64xi32, #tpu.memory_space<vmem>> -> memref<1x64xi32, #tpu.memory_space<vmem>>
      %dma_wait3A_258 = tpu.memref_squeeze %dma_wait3A_257 : memref<1x64xi32, #tpu.memory_space<vmem>> -> memref<64xi32, #tpu.memory_space<vmem>>
      %dma_wait3A_259 = arith.constant 0 : i32
      %dma_wait3A_260 = arith.constant 0 : i32
      %dma_wait3A_261 = tpu.memref_slice %arg13[%dma_wait3A_259, %dma_wait3A_260] : memref<10240x128xf32, #tpu.memory_space<vmem_shared>> -> memref<10240x128xf32, #tpu.memory_space<vmem_shared>>
      tpu.wait_indirect_dma semaphore(%arg21 : memref<!tpu.dma_semaphore, #tpu.memory_space<semaphore_mem>>) src(%arg12 : memref<64x128xf32, #tpu.memory_space<vmem>>) dst(%dma_wait3A_261 : memref<10240x128xf32, #tpu.memory_space<vmem_shared>>)
      %add3A_262 = arith.constant 3 : i32
      %add3A_263 = arith.addi %add3A_142, %add3A_262 : i32
      %add3A_264 = arith.constant 4 : i32
      %add3A_265 = arith.addi %add3A_263, %add3A_264 : i32
      %lt3A_266 = arith.constant 40 : i32
      %lt3A_267 = arith.cmpi slt, %add3A_265, %lt3A_266 : i32
      %convert_element_type3A_268 = arith.extui %lt3A_267 : i1 to i32
      %cond3A_269 = arith.constant 0 : i32
      %cond3A_270 = arith.cmpi ne, %convert_element_type3A_268, %cond3A_269 : i32
      scf.if %cond3A_270 {
        %add3A_271 = arith.constant 3 : i32
        %add3A_272 = arith.addi %add3A_142, %add3A_271 : i32
        %add3A_273 = arith.constant 4 : i32
        %add3A_274 = arith.addi %add3A_272, %add3A_273 : i32
        %dma_start3A_275 = arith.constant 0 : i32
        %dma_start3A_276 = tpu.memref_slice %arg7[%add3A_274, %dma_start3A_275] : memref<40x64xi32, #tpu.memory_space<vmem>> -> memref<1x64xi32, #tpu.memory_space<vmem>>
        %dma_start3A_277 = tpu.memref_squeeze %dma_start3A_276 : memref<1x64xi32, #tpu.memory_space<vmem>> -> memref<64xi32, #tpu.memory_space<vmem>>
        %dma_start3A_278 = arith.constant 0 : i32
        %dma_start3A_279 = arith.constant 0 : i32
        %dma_start3A_280 = tpu.memref_slice %arg2[%dma_start3A_278, %dma_start3A_279] : memref<10240x128xf32, #tpu.memory_space<hbm>> -> memref<10240x128xf32, #tpu.memory_space<hbm>>
        tpu.enqueue_indirect_dma source(%dma_start3A_280 : memref<10240x128xf32, #tpu.memory_space<hbm>>) target(%arg12 : memref<64x128xf32, #tpu.memory_space<vmem>>) offsets(%dma_start3A_277 : memref<64xi32, #tpu.memory_space<vmem>>) semaphore(%arg17 : memref<!tpu.dma_semaphore, #tpu.memory_space<semaphore_mem>>)
      } else {
      }
    }
    %scan3A_99 = arith.constant 10 : i32
    "tpu.region"() ({
      %run_scoped3A = tpu.sem_alloc : memref<!tpu.dma_semaphore, #tpu.memory_space<semaphore_mem>>
      %dma_start3A_138 = arith.constant 120 : i32
      %dma_start3A_139 = arith.constant 0 : i32
      %dma_start3A_140 = tpu.memref_slice %arg3[%add3A, %dma_start3A_138, %dma_start3A_139] : memref<32x160x64xi32, #tpu.memory_space<hbm>> -> memref<1x40x64xi32, #tpu.memory_space<hbm>>
      %dma_start3A_141 = tpu.memref_squeeze %dma_start3A_140 : memref<1x40x64xi32, #tpu.memory_space<hbm>> -> memref<40x64xi32, #tpu.memory_space<hbm>>
      %dma_start3A_142 = arith.constant 120 : i32
      %dma_start3A_143 = arith.constant 0 : i32
      %dma_start3A_144 = tpu.memref_slice %arg3[%add3A, %dma_start3A_142, %dma_start3A_143] : memref<32x160x64xi32, #tpu.memory_space<hbm>> -> memref<1x40x64xi32, #tpu.memory_space<hbm>>
      %dma_start3A_145 = tpu.memref_squeeze %dma_start3A_144 : memref<1x40x64xi32, #tpu.memory_space<hbm>> -> memref<40x64xi32, #tpu.memory_space<hbm>>
      tpu.enqueue_dma source(%dma_start3A_145 : memref<40x64xi32, #tpu.memory_space<hbm>>) target(%arg7 : memref<40x64xi32, #tpu.memory_space<vmem>>) target_semaphore(%run_scoped3A : memref<!tpu.dma_semaphore, #tpu.memory_space<semaphore_mem>>)
      %dma_wait3A = arith.constant 120 : i32
      %dma_wait3A_146 = arith.constant 0 : i32
      %dma_wait3A_147 = tpu.memref_slice %arg3[%add3A, %dma_wait3A, %dma_wait3A_146] : memref<32x160x64xi32, #tpu.memory_space<hbm>> -> memref<1x40x64xi32, #tpu.memory_space<hbm>>
      %dma_wait3A_148 = tpu.memref_squeeze %dma_wait3A_147 : memref<1x40x64xi32, #tpu.memory_space<hbm>> -> memref<40x64xi32, #tpu.memory_space<hbm>>
      %dma_wait3A_149 = arith.constant 120 : i32
      %dma_wait3A_150 = arith.constant 0 : i32
      %dma_wait3A_151 = tpu.memref_slice %arg3[%add3A, %dma_wait3A_149, %dma_wait3A_150] : memref<32x160x64xi32, #tpu.memory_space<hbm>> -> memref<1x40x64xi32, #tpu.memory_space<hbm>>
      %dma_wait3A_152 = tpu.memref_squeeze %dma_wait3A_151 : memref<1x40x64xi32, #tpu.memory_space<hbm>> -> memref<40x64xi32, #tpu.memory_space<hbm>>
      tpu.wait_dma2 semaphore(%run_scoped3A : memref<!tpu.dma_semaphore, #tpu.memory_space<semaphore_mem>>) src(%dma_wait3A_152 : memref<40x64xi32, #tpu.memory_space<hbm>>) dst(%arg7 : memref<40x64xi32, #tpu.memory_space<vmem>>)
      tpu.yield
    }) : () -> ()
    "tpu.region"() ({
      %run_scoped3A = tpu.sem_alloc : memref<!tpu.dma_semaphore, #tpu.memory_space<semaphore_mem>>
      %dma_start3A_138 = arith.constant 120 : i32
      %dma_start3A_139 = arith.constant 0 : i32
      %dma_start3A_140 = tpu.memref_slice %arg4[%add3A, %dma_start3A_138, %dma_start3A_139] : memref<32x160x64xi32, #tpu.memory_space<hbm>> -> memref<1x40x64xi32, #tpu.memory_space<hbm>>
      %dma_start3A_141 = tpu.memref_squeeze %dma_start3A_140 : memref<1x40x64xi32, #tpu.memory_space<hbm>> -> memref<40x64xi32, #tpu.memory_space<hbm>>
      %dma_start3A_142 = arith.constant 120 : i32
      %dma_start3A_143 = arith.constant 0 : i32
      %dma_start3A_144 = tpu.memref_slice %arg4[%add3A, %dma_start3A_142, %dma_start3A_143] : memref<32x160x64xi32, #tpu.memory_space<hbm>> -> memref<1x40x64xi32, #tpu.memory_space<hbm>>
      %dma_start3A_145 = tpu.memref_squeeze %dma_start3A_144 : memref<1x40x64xi32, #tpu.memory_space<hbm>> -> memref<40x64xi32, #tpu.memory_space<hbm>>
      tpu.enqueue_dma source(%dma_start3A_145 : memref<40x64xi32, #tpu.memory_space<hbm>>) target(%arg8 : memref<40x64xi32, #tpu.memory_space<vmem>>) target_semaphore(%run_scoped3A : memref<!tpu.dma_semaphore, #tpu.memory_space<semaphore_mem>>)
      %dma_wait3A = arith.constant 120 : i32
      %dma_wait3A_146 = arith.constant 0 : i32
      %dma_wait3A_147 = tpu.memref_slice %arg4[%add3A, %dma_wait3A, %dma_wait3A_146] : memref<32x160x64xi32, #tpu.memory_space<hbm>> -> memref<1x40x64xi32, #tpu.memory_space<hbm>>
      %dma_wait3A_148 = tpu.memref_squeeze %dma_wait3A_147 : memref<1x40x64xi32, #tpu.memory_space<hbm>> -> memref<40x64xi32, #tpu.memory_space<hbm>>
      %dma_wait3A_149 = arith.constant 120 : i32
      %dma_wait3A_150 = arith.constant 0 : i32
      %dma_wait3A_151 = tpu.memref_slice %arg4[%add3A, %dma_wait3A_149, %dma_wait3A_150] : memref<32x160x64xi32, #tpu.memory_space<hbm>> -> memref<1x40x64xi32, #tpu.memory_space<hbm>>
      %dma_wait3A_152 = tpu.memref_squeeze %dma_wait3A_151 : memref<1x40x64xi32, #tpu.memory_space<hbm>> -> memref<40x64xi32, #tpu.memory_space<hbm>>
      tpu.wait_dma2 semaphore(%run_scoped3A : memref<!tpu.dma_semaphore, #tpu.memory_space<semaphore_mem>>) src(%dma_wait3A_152 : memref<40x64xi32, #tpu.memory_space<hbm>>) dst(%arg8 : memref<40x64xi32, #tpu.memory_space<vmem>>)
      tpu.yield
    }) : () -> ()
    %dma_start3A_100 = arith.constant 0 : i32
    %dma_start3A_101 = arith.constant 0 : i32
    %dma_start3A_102 = tpu.memref_slice %arg7[%dma_start3A_100, %dma_start3A_101] : memref<40x64xi32, #tpu.memory_space<vmem>> -> memref<1x64xi32, #tpu.memory_space<vmem>>
    %dma_start3A_103 = tpu.memref_squeeze %dma_start3A_102 : memref<1x64xi32, #tpu.memory_space<vmem>> -> memref<64xi32, #tpu.memory_space<vmem>>
    %dma_start3A_104 = arith.constant 0 : i32
    %dma_start3A_105 = arith.constant 0 : i32
    %dma_start3A_106 = tpu.memref_slice %arg2[%dma_start3A_104, %dma_start3A_105] : memref<10240x128xf32, #tpu.memory_space<hbm>> -> memref<10240x128xf32, #tpu.memory_space<hbm>>
    tpu.enqueue_indirect_dma source(%dma_start3A_106 : memref<10240x128xf32, #tpu.memory_space<hbm>>) target(%arg9 : memref<64x128xf32, #tpu.memory_space<vmem>>) offsets(%dma_start3A_103 : memref<64xi32, #tpu.memory_space<vmem>>) semaphore(%arg14 : memref<!tpu.dma_semaphore, #tpu.memory_space<semaphore_mem>>)
    %dma_start3A_107 = arith.constant 1 : i32
    %dma_start3A_108 = arith.constant 0 : i32
    %dma_start3A_109 = tpu.memref_slice %arg7[%dma_start3A_107, %dma_start3A_108] : memref<40x64xi32, #tpu.memory_space<vmem>> -> memref<1x64xi32, #tpu.memory_space<vmem>>
    %dma_start3A_110 = tpu.memref_squeeze %dma_start3A_109 : memref<1x64xi32, #tpu.memory_space<vmem>> -> memref<64xi32, #tpu.memory_space<vmem>>
    %dma_start3A_111 = arith.constant 0 : i32
    %dma_start3A_112 = arith.constant 0 : i32
    %dma_start3A_113 = tpu.memref_slice %arg2[%dma_start3A_111, %dma_start3A_112] : memref<10240x128xf32, #tpu.memory_space<hbm>> -> memref<10240x128xf32, #tpu.memory_space<hbm>>
    tpu.enqueue_indirect_dma source(%dma_start3A_113 : memref<10240x128xf32, #tpu.memory_space<hbm>>) target(%arg10 : memref<64x128xf32, #tpu.memory_space<vmem>>) offsets(%dma_start3A_110 : memref<64xi32, #tpu.memory_space<vmem>>) semaphore(%arg15 : memref<!tpu.dma_semaphore, #tpu.memory_space<semaphore_mem>>)
    %dma_start3A_114 = arith.constant 2 : i32
    %dma_start3A_115 = arith.constant 0 : i32
    %dma_start3A_116 = tpu.memref_slice %arg7[%dma_start3A_114, %dma_start3A_115] : memref<40x64xi32, #tpu.memory_space<vmem>> -> memref<1x64xi32, #tpu.memory_space<vmem>>
    %dma_start3A_117 = tpu.memref_squeeze %dma_start3A_116 : memref<1x64xi32, #tpu.memory_space<vmem>> -> memref<64xi32, #tpu.memory_space<vmem>>
    %dma_start3A_118 = arith.constant 0 : i32
    %dma_start3A_119 = arith.constant 0 : i32
    %dma_start3A_120 = tpu.memref_slice %arg2[%dma_start3A_118, %dma_start3A_119] : memref<10240x128xf32, #tpu.memory_space<hbm>> -> memref<10240x128xf32, #tpu.memory_space<hbm>>
    tpu.enqueue_indirect_dma source(%dma_start3A_120 : memref<10240x128xf32, #tpu.memory_space<hbm>>) target(%arg11 : memref<64x128xf32, #tpu.memory_space<vmem>>) offsets(%dma_start3A_117 : memref<64xi32, #tpu.memory_space<vmem>>) semaphore(%arg16 : memref<!tpu.dma_semaphore, #tpu.memory_space<semaphore_mem>>)
    %dma_start3A_121 = arith.constant 3 : i32
    %dma_start3A_122 = arith.constant 0 : i32
    %dma_start3A_123 = tpu.memref_slice %arg7[%dma_start3A_121, %dma_start3A_122] : memref<40x64xi32, #tpu.memory_space<vmem>> -> memref<1x64xi32, #tpu.memory_space<vmem>>
    %dma_start3A_124 = tpu.memref_squeeze %dma_start3A_123 : memref<1x64xi32, #tpu.memory_space<vmem>> -> memref<64xi32, #tpu.memory_space<vmem>>
    %dma_start3A_125 = arith.constant 0 : i32
    %dma_start3A_126 = arith.constant 0 : i32
    %dma_start3A_127 = tpu.memref_slice %arg2[%dma_start3A_125, %dma_start3A_126] : memref<10240x128xf32, #tpu.memory_space<hbm>> -> memref<10240x128xf32, #tpu.memory_space<hbm>>
    tpu.enqueue_indirect_dma source(%dma_start3A_127 : memref<10240x128xf32, #tpu.memory_space<hbm>>) target(%arg12 : memref<64x128xf32, #tpu.memory_space<vmem>>) offsets(%dma_start3A_124 : memref<64xi32, #tpu.memory_space<vmem>>) semaphore(%arg17 : memref<!tpu.dma_semaphore, #tpu.memory_space<semaphore_mem>>)
    %scan3A_128 = arith.constant 0 : i32
    %scan3A_129 = arith.constant 10 : i32
    %scan3A_130 = arith.addi %scan3A_128, %scan3A_129 : i32
    %scan3A_131 = arith.constant 1 : i32
    scf.for %scan3A_138 = %scan3A_128 to %scan3A_130 step %scan3A_131  : i32 {
      %mul3A_139 = arith.constant 4 : i32
      %mul3A_140 = arith.muli %scan3A_138, %mul3A_139 : i32
      %add3A_141 = arith.constant 0 : i32
      %add3A_142 = arith.addi %add3A_141, %mul3A_140 : i32
      %add3A_143 = arith.constant 0 : i32
      %add3A_144 = arith.addi %add3A_142, %add3A_143 : i32
      %dma_wait3A = arith.constant 0 : i32
      %dma_wait3A_145 = tpu.memref_slice %arg7[%add3A_144, %dma_wait3A] : memref<40x64xi32, #tpu.memory_space<vmem>> -> memref<1x64xi32, #tpu.memory_space<vmem>>
      %dma_wait3A_146 = tpu.memref_squeeze %dma_wait3A_145 : memref<1x64xi32, #tpu.memory_space<vmem>> -> memref<64xi32, #tpu.memory_space<vmem>>
      %dma_wait3A_147 = arith.constant 0 : i32
      %dma_wait3A_148 = arith.constant 0 : i32
      %dma_wait3A_149 = tpu.memref_slice %arg2[%dma_wait3A_147, %dma_wait3A_148] : memref<10240x128xf32, #tpu.memory_space<hbm>> -> memref<10240x128xf32, #tpu.memory_space<hbm>>
      tpu.wait_indirect_dma semaphore(%arg14 : memref<!tpu.dma_semaphore, #tpu.memory_space<semaphore_mem>>) src(%dma_wait3A_149 : memref<10240x128xf32, #tpu.memory_space<hbm>>) dst(%arg9 : memref<64x128xf32, #tpu.memory_space<vmem>>)
      %add3A_150 = arith.constant 0 : i32
      %add3A_151 = arith.addi %add3A_142, %add3A_150 : i32
      %dma_start3A_152 = arith.constant 0 : i32
      %dma_start3A_153 = tpu.memref_slice %arg8[%add3A_151, %dma_start3A_152] : memref<40x64xi32, #tpu.memory_space<vmem>> -> memref<1x64xi32, #tpu.memory_space<vmem>>
      %dma_start3A_154 = tpu.memref_squeeze %dma_start3A_153 : memref<1x64xi32, #tpu.memory_space<vmem>> -> memref<64xi32, #tpu.memory_space<vmem>>
      %dma_start3A_155 = arith.constant 0 : i32
      %dma_start3A_156 = arith.constant 0 : i32
      %dma_start3A_157 = tpu.memref_slice %arg13[%dma_start3A_155, %dma_start3A_156] : memref<10240x128xf32, #tpu.memory_space<vmem_shared>> -> memref<10240x128xf32, #tpu.memory_space<vmem_shared>>
      tpu.enqueue_indirect_dma source(%arg9 : memref<64x128xf32, #tpu.memory_space<vmem>>) target(%dma_start3A_157 : memref<10240x128xf32, #tpu.memory_space<vmem_shared>>) offsets(%dma_start3A_154 : memref<64xi32, #tpu.memory_space<vmem>>) semaphore(%arg18 : memref<!tpu.dma_semaphore, #tpu.memory_space<semaphore_mem>>) {add = true}
      %add3A_158 = arith.constant 1 : i32
      %add3A_159 = arith.addi %add3A_142, %add3A_158 : i32
      %dma_wait3A_160 = arith.constant 0 : i32
      %dma_wait3A_161 = tpu.memref_slice %arg7[%add3A_159, %dma_wait3A_160] : memref<40x64xi32, #tpu.memory_space<vmem>> -> memref<1x64xi32, #tpu.memory_space<vmem>>
      %dma_wait3A_162 = tpu.memref_squeeze %dma_wait3A_161 : memref<1x64xi32, #tpu.memory_space<vmem>> -> memref<64xi32, #tpu.memory_space<vmem>>
      %dma_wait3A_163 = arith.constant 0 : i32
      %dma_wait3A_164 = arith.constant 0 : i32
      %dma_wait3A_165 = tpu.memref_slice %arg2[%dma_wait3A_163, %dma_wait3A_164] : memref<10240x128xf32, #tpu.memory_space<hbm>> -> memref<10240x128xf32, #tpu.memory_space<hbm>>
      tpu.wait_indirect_dma semaphore(%arg15 : memref<!tpu.dma_semaphore, #tpu.memory_space<semaphore_mem>>) src(%dma_wait3A_165 : memref<10240x128xf32, #tpu.memory_space<hbm>>) dst(%arg10 : memref<64x128xf32, #tpu.memory_space<vmem>>)
      %add3A_166 = arith.constant 1 : i32
      %add3A_167 = arith.addi %add3A_142, %add3A_166 : i32
      %dma_start3A_168 = arith.constant 0 : i32
      %dma_start3A_169 = tpu.memref_slice %arg8[%add3A_167, %dma_start3A_168] : memref<40x64xi32, #tpu.memory_space<vmem>> -> memref<1x64xi32, #tpu.memory_space<vmem>>
      %dma_start3A_170 = tpu.memref_squeeze %dma_start3A_169 : memref<1x64xi32, #tpu.memory_space<vmem>> -> memref<64xi32, #tpu.memory_space<vmem>>
      %dma_start3A_171 = arith.constant 0 : i32
      %dma_start3A_172 = arith.constant 0 : i32
      %dma_start3A_173 = tpu.memref_slice %arg13[%dma_start3A_171, %dma_start3A_172] : memref<10240x128xf32, #tpu.memory_space<vmem_shared>> -> memref<10240x128xf32, #tpu.memory_space<vmem_shared>>
      tpu.enqueue_indirect_dma source(%arg10 : memref<64x128xf32, #tpu.memory_space<vmem>>) target(%dma_start3A_173 : memref<10240x128xf32, #tpu.memory_space<vmem_shared>>) offsets(%dma_start3A_170 : memref<64xi32, #tpu.memory_space<vmem>>) semaphore(%arg19 : memref<!tpu.dma_semaphore, #tpu.memory_space<semaphore_mem>>) {add = true}
      %add3A_174 = arith.constant 2 : i32
      %add3A_175 = arith.addi %add3A_142, %add3A_174 : i32
      %dma_wait3A_176 = arith.constant 0 : i32
      %dma_wait3A_177 = tpu.memref_slice %arg7[%add3A_175, %dma_wait3A_176] : memref<40x64xi32, #tpu.memory_space<vmem>> -> memref<1x64xi32, #tpu.memory_space<vmem>>
      %dma_wait3A_178 = tpu.memref_squeeze %dma_wait3A_177 : memref<1x64xi32, #tpu.memory_space<vmem>> -> memref<64xi32, #tpu.memory_space<vmem>>
      %dma_wait3A_179 = arith.constant 0 : i32
      %dma_wait3A_180 = arith.constant 0 : i32
      %dma_wait3A_181 = tpu.memref_slice %arg2[%dma_wait3A_179, %dma_wait3A_180] : memref<10240x128xf32, #tpu.memory_space<hbm>> -> memref<10240x128xf32, #tpu.memory_space<hbm>>
      tpu.wait_indirect_dma semaphore(%arg16 : memref<!tpu.dma_semaphore, #tpu.memory_space<semaphore_mem>>) src(%dma_wait3A_181 : memref<10240x128xf32, #tpu.memory_space<hbm>>) dst(%arg11 : memref<64x128xf32, #tpu.memory_space<vmem>>)
      %add3A_182 = arith.constant 2 : i32
      %add3A_183 = arith.addi %add3A_142, %add3A_182 : i32
      %dma_start3A_184 = arith.constant 0 : i32
      %dma_start3A_185 = tpu.memref_slice %arg8[%add3A_183, %dma_start3A_184] : memref<40x64xi32, #tpu.memory_space<vmem>> -> memref<1x64xi32, #tpu.memory_space<vmem>>
      %dma_start3A_186 = tpu.memref_squeeze %dma_start3A_185 : memref<1x64xi32, #tpu.memory_space<vmem>> -> memref<64xi32, #tpu.memory_space<vmem>>
      %dma_start3A_187 = arith.constant 0 : i32
      %dma_start3A_188 = arith.constant 0 : i32
      %dma_start3A_189 = tpu.memref_slice %arg13[%dma_start3A_187, %dma_start3A_188] : memref<10240x128xf32, #tpu.memory_space<vmem_shared>> -> memref<10240x128xf32, #tpu.memory_space<vmem_shared>>
      tpu.enqueue_indirect_dma source(%arg11 : memref<64x128xf32, #tpu.memory_space<vmem>>) target(%dma_start3A_189 : memref<10240x128xf32, #tpu.memory_space<vmem_shared>>) offsets(%dma_start3A_186 : memref<64xi32, #tpu.memory_space<vmem>>) semaphore(%arg20 : memref<!tpu.dma_semaphore, #tpu.memory_space<semaphore_mem>>) {add = true}
      %add3A_190 = arith.constant 3 : i32
      %add3A_191 = arith.addi %add3A_142, %add3A_190 : i32
      %dma_wait3A_192 = arith.constant 0 : i32
      %dma_wait3A_193 = tpu.memref_slice %arg7[%add3A_191, %dma_wait3A_192] : memref<40x64xi32, #tpu.memory_space<vmem>> -> memref<1x64xi32, #tpu.memory_space<vmem>>
      %dma_wait3A_194 = tpu.memref_squeeze %dma_wait3A_193 : memref<1x64xi32, #tpu.memory_space<vmem>> -> memref<64xi32, #tpu.memory_space<vmem>>
      %dma_wait3A_195 = arith.constant 0 : i32
      %dma_wait3A_196 = arith.constant 0 : i32
      %dma_wait3A_197 = tpu.memref_slice %arg2[%dma_wait3A_195, %dma_wait3A_196] : memref<10240x128xf32, #tpu.memory_space<hbm>> -> memref<10240x128xf32, #tpu.memory_space<hbm>>
      tpu.wait_indirect_dma semaphore(%arg17 : memref<!tpu.dma_semaphore, #tpu.memory_space<semaphore_mem>>) src(%dma_wait3A_197 : memref<10240x128xf32, #tpu.memory_space<hbm>>) dst(%arg12 : memref<64x128xf32, #tpu.memory_space<vmem>>)
      %add3A_198 = arith.constant 3 : i32
      %add3A_199 = arith.addi %add3A_142, %add3A_198 : i32
      %dma_start3A_200 = arith.constant 0 : i32
      %dma_start3A_201 = tpu.memref_slice %arg8[%add3A_199, %dma_start3A_200] : memref<40x64xi32, #tpu.memory_space<vmem>> -> memref<1x64xi32, #tpu.memory_space<vmem>>
      %dma_start3A_202 = tpu.memref_squeeze %dma_start3A_201 : memref<1x64xi32, #tpu.memory_space<vmem>> -> memref<64xi32, #tpu.memory_space<vmem>>
      %dma_start3A_203 = arith.constant 0 : i32
      %dma_start3A_204 = arith.constant 0 : i32
      %dma_start3A_205 = tpu.memref_slice %arg13[%dma_start3A_203, %dma_start3A_204] : memref<10240x128xf32, #tpu.memory_space<vmem_shared>> -> memref<10240x128xf32, #tpu.memory_space<vmem_shared>>
      tpu.enqueue_indirect_dma source(%arg12 : memref<64x128xf32, #tpu.memory_space<vmem>>) target(%dma_start3A_205 : memref<10240x128xf32, #tpu.memory_space<vmem_shared>>) offsets(%dma_start3A_202 : memref<64xi32, #tpu.memory_space<vmem>>) semaphore(%arg21 : memref<!tpu.dma_semaphore, #tpu.memory_space<semaphore_mem>>) {add = true}
      %add3A_206 = arith.constant 0 : i32
      %add3A_207 = arith.addi %add3A_142, %add3A_206 : i32
      %dma_wait3A_208 = arith.constant 0 : i32
      %dma_wait3A_209 = tpu.memref_slice %arg8[%add3A_207, %dma_wait3A_208] : memref<40x64xi32, #tpu.memory_space<vmem>> -> memref<1x64xi32, #tpu.memory_space<vmem>>
      %dma_wait3A_210 = tpu.memref_squeeze %dma_wait3A_209 : memref<1x64xi32, #tpu.memory_space<vmem>> -> memref<64xi32, #tpu.memory_space<vmem>>
      %dma_wait3A_211 = arith.constant 0 : i32
      %dma_wait3A_212 = arith.constant 0 : i32
      %dma_wait3A_213 = tpu.memref_slice %arg13[%dma_wait3A_211, %dma_wait3A_212] : memref<10240x128xf32, #tpu.memory_space<vmem_shared>> -> memref<10240x128xf32, #tpu.memory_space<vmem_shared>>
      tpu.wait_indirect_dma semaphore(%arg18 : memref<!tpu.dma_semaphore, #tpu.memory_space<semaphore_mem>>) src(%arg9 : memref<64x128xf32, #tpu.memory_space<vmem>>) dst(%dma_wait3A_213 : memref<10240x128xf32, #tpu.memory_space<vmem_shared>>)
      %add3A_214 = arith.constant 0 : i32
      %add3A_215 = arith.addi %add3A_142, %add3A_214 : i32
      %add3A_216 = arith.constant 4 : i32
      %add3A_217 = arith.addi %add3A_215, %add3A_216 : i32
      %lt3A = arith.constant 40 : i32
      %lt3A_218 = arith.cmpi slt, %add3A_217, %lt3A : i32
      %convert_element_type3A = arith.extui %lt3A_218 : i1 to i32
      %cond3A = arith.constant 0 : i32
      %cond3A_219 = arith.cmpi ne, %convert_element_type3A, %cond3A : i32
      scf.if %cond3A_219 {
        %add3A_271 = arith.constant 0 : i32
        %add3A_272 = arith.addi %add3A_142, %add3A_271 : i32
        %add3A_273 = arith.constant 4 : i32
        %add3A_274 = arith.addi %add3A_272, %add3A_273 : i32
        %dma_start3A_275 = arith.constant 0 : i32
        %dma_start3A_276 = tpu.memref_slice %arg7[%add3A_274, %dma_start3A_275] : memref<40x64xi32, #tpu.memory_space<vmem>> -> memref<1x64xi32, #tpu.memory_space<vmem>>
        %dma_start3A_277 = tpu.memref_squeeze %dma_start3A_276 : memref<1x64xi32, #tpu.memory_space<vmem>> -> memref<64xi32, #tpu.memory_space<vmem>>
        %dma_start3A_278 = arith.constant 0 : i32
        %dma_start3A_279 = arith.constant 0 : i32
        %dma_start3A_280 = tpu.memref_slice %arg2[%dma_start3A_278, %dma_start3A_279] : memref<10240x128xf32, #tpu.memory_space<hbm>> -> memref<10240x128xf32, #tpu.memory_space<hbm>>
        tpu.enqueue_indirect_dma source(%dma_start3A_280 : memref<10240x128xf32, #tpu.memory_space<hbm>>) target(%arg9 : memref<64x128xf32, #tpu.memory_space<vmem>>) offsets(%dma_start3A_277 : memref<64xi32, #tpu.memory_space<vmem>>) semaphore(%arg14 : memref<!tpu.dma_semaphore, #tpu.memory_space<semaphore_mem>>)
      } else {
      }
      %add3A_220 = arith.constant 1 : i32
      %add3A_221 = arith.addi %add3A_142, %add3A_220 : i32
      %dma_wait3A_222 = arith.constant 0 : i32
      %dma_wait3A_223 = tpu.memref_slice %arg8[%add3A_221, %dma_wait3A_222] : memref<40x64xi32, #tpu.memory_space<vmem>> -> memref<1x64xi32, #tpu.memory_space<vmem>>
      %dma_wait3A_224 = tpu.memref_squeeze %dma_wait3A_223 : memref<1x64xi32, #tpu.memory_space<vmem>> -> memref<64xi32, #tpu.memory_space<vmem>>
      %dma_wait3A_225 = arith.constant 0 : i32
      %dma_wait3A_226 = arith.constant 0 : i32
      %dma_wait3A_227 = tpu.memref_slice %arg13[%dma_wait3A_225, %dma_wait3A_226] : memref<10240x128xf32, #tpu.memory_space<vmem_shared>> -> memref<10240x128xf32, #tpu.memory_space<vmem_shared>>
      tpu.wait_indirect_dma semaphore(%arg19 : memref<!tpu.dma_semaphore, #tpu.memory_space<semaphore_mem>>) src(%arg10 : memref<64x128xf32, #tpu.memory_space<vmem>>) dst(%dma_wait3A_227 : memref<10240x128xf32, #tpu.memory_space<vmem_shared>>)
      %add3A_228 = arith.constant 1 : i32
      %add3A_229 = arith.addi %add3A_142, %add3A_228 : i32
      %add3A_230 = arith.constant 4 : i32
      %add3A_231 = arith.addi %add3A_229, %add3A_230 : i32
      %lt3A_232 = arith.constant 40 : i32
      %lt3A_233 = arith.cmpi slt, %add3A_231, %lt3A_232 : i32
      %convert_element_type3A_234 = arith.extui %lt3A_233 : i1 to i32
      %cond3A_235 = arith.constant 0 : i32
      %cond3A_236 = arith.cmpi ne, %convert_element_type3A_234, %cond3A_235 : i32
      scf.if %cond3A_236 {
        %add3A_271 = arith.constant 1 : i32
        %add3A_272 = arith.addi %add3A_142, %add3A_271 : i32
        %add3A_273 = arith.constant 4 : i32
        %add3A_274 = arith.addi %add3A_272, %add3A_273 : i32
        %dma_start3A_275 = arith.constant 0 : i32
        %dma_start3A_276 = tpu.memref_slice %arg7[%add3A_274, %dma_start3A_275] : memref<40x64xi32, #tpu.memory_space<vmem>> -> memref<1x64xi32, #tpu.memory_space<vmem>>
        %dma_start3A_277 = tpu.memref_squeeze %dma_start3A_276 : memref<1x64xi32, #tpu.memory_space<vmem>> -> memref<64xi32, #tpu.memory_space<vmem>>
        %dma_start3A_278 = arith.constant 0 : i32
        %dma_start3A_279 = arith.constant 0 : i32
        %dma_start3A_280 = tpu.memref_slice %arg2[%dma_start3A_278, %dma_start3A_279] : memref<10240x128xf32, #tpu.memory_space<hbm>> -> memref<10240x128xf32, #tpu.memory_space<hbm>>
        tpu.enqueue_indirect_dma source(%dma_start3A_280 : memref<10240x128xf32, #tpu.memory_space<hbm>>) target(%arg10 : memref<64x128xf32, #tpu.memory_space<vmem>>) offsets(%dma_start3A_277 : memref<64xi32, #tpu.memory_space<vmem>>) semaphore(%arg15 : memref<!tpu.dma_semaphore, #tpu.memory_space<semaphore_mem>>)
      } else {
      }
      %add3A_237 = arith.constant 2 : i32
      %add3A_238 = arith.addi %add3A_142, %add3A_237 : i32
      %dma_wait3A_239 = arith.constant 0 : i32
      %dma_wait3A_240 = tpu.memref_slice %arg8[%add3A_238, %dma_wait3A_239] : memref<40x64xi32, #tpu.memory_space<vmem>> -> memref<1x64xi32, #tpu.memory_space<vmem>>
      %dma_wait3A_241 = tpu.memref_squeeze %dma_wait3A_240 : memref<1x64xi32, #tpu.memory_space<vmem>> -> memref<64xi32, #tpu.memory_space<vmem>>
      %dma_wait3A_242 = arith.constant 0 : i32
      %dma_wait3A_243 = arith.constant 0 : i32
      %dma_wait3A_244 = tpu.memref_slice %arg13[%dma_wait3A_242, %dma_wait3A_243] : memref<10240x128xf32, #tpu.memory_space<vmem_shared>> -> memref<10240x128xf32, #tpu.memory_space<vmem_shared>>
      tpu.wait_indirect_dma semaphore(%arg20 : memref<!tpu.dma_semaphore, #tpu.memory_space<semaphore_mem>>) src(%arg11 : memref<64x128xf32, #tpu.memory_space<vmem>>) dst(%dma_wait3A_244 : memref<10240x128xf32, #tpu.memory_space<vmem_shared>>)
      %add3A_245 = arith.constant 2 : i32
      %add3A_246 = arith.addi %add3A_142, %add3A_245 : i32
      %add3A_247 = arith.constant 4 : i32
      %add3A_248 = arith.addi %add3A_246, %add3A_247 : i32
      %lt3A_249 = arith.constant 40 : i32
      %lt3A_250 = arith.cmpi slt, %add3A_248, %lt3A_249 : i32
      %convert_element_type3A_251 = arith.extui %lt3A_250 : i1 to i32
      %cond3A_252 = arith.constant 0 : i32
      %cond3A_253 = arith.cmpi ne, %convert_element_type3A_251, %cond3A_252 : i32
      scf.if %cond3A_253 {
        %add3A_271 = arith.constant 2 : i32
        %add3A_272 = arith.addi %add3A_142, %add3A_271 : i32
        %add3A_273 = arith.constant 4 : i32
        %add3A_274 = arith.addi %add3A_272, %add3A_273 : i32
        %dma_start3A_275 = arith.constant 0 : i32
        %dma_start3A_276 = tpu.memref_slice %arg7[%add3A_274, %dma_start3A_275] : memref<40x64xi32, #tpu.memory_space<vmem>> -> memref<1x64xi32, #tpu.memory_space<vmem>>
        %dma_start3A_277 = tpu.memref_squeeze %dma_start3A_276 : memref<1x64xi32, #tpu.memory_space<vmem>> -> memref<64xi32, #tpu.memory_space<vmem>>
        %dma_start3A_278 = arith.constant 0 : i32
        %dma_start3A_279 = arith.constant 0 : i32
        %dma_start3A_280 = tpu.memref_slice %arg2[%dma_start3A_278, %dma_start3A_279] : memref<10240x128xf32, #tpu.memory_space<hbm>> -> memref<10240x128xf32, #tpu.memory_space<hbm>>
        tpu.enqueue_indirect_dma source(%dma_start3A_280 : memref<10240x128xf32, #tpu.memory_space<hbm>>) target(%arg11 : memref<64x128xf32, #tpu.memory_space<vmem>>) offsets(%dma_start3A_277 : memref<64xi32, #tpu.memory_space<vmem>>) semaphore(%arg16 : memref<!tpu.dma_semaphore, #tpu.memory_space<semaphore_mem>>)
      } else {
      }
      %add3A_254 = arith.constant 3 : i32
      %add3A_255 = arith.addi %add3A_142, %add3A_254 : i32
      %dma_wait3A_256 = arith.constant 0 : i32
      %dma_wait3A_257 = tpu.memref_slice %arg8[%add3A_255, %dma_wait3A_256] : memref<40x64xi32, #tpu.memory_space<vmem>> -> memref<1x64xi32, #tpu.memory_space<vmem>>
      %dma_wait3A_258 = tpu.memref_squeeze %dma_wait3A_257 : memref<1x64xi32, #tpu.memory_space<vmem>> -> memref<64xi32, #tpu.memory_space<vmem>>
      %dma_wait3A_259 = arith.constant 0 : i32
      %dma_wait3A_260 = arith.constant 0 : i32
      %dma_wait3A_261 = tpu.memref_slice %arg13[%dma_wait3A_259, %dma_wait3A_260] : memref<10240x128xf32, #tpu.memory_space<vmem_shared>> -> memref<10240x128xf32, #tpu.memory_space<vmem_shared>>
      tpu.wait_indirect_dma semaphore(%arg21 : memref<!tpu.dma_semaphore, #tpu.memory_space<semaphore_mem>>) src(%arg12 : memref<64x128xf32, #tpu.memory_space<vmem>>) dst(%dma_wait3A_261 : memref<10240x128xf32, #tpu.memory_space<vmem_shared>>)
      %add3A_262 = arith.constant 3 : i32
      %add3A_263 = arith.addi %add3A_142, %add3A_262 : i32
      %add3A_264 = arith.constant 4 : i32
      %add3A_265 = arith.addi %add3A_263, %add3A_264 : i32
      %lt3A_266 = arith.constant 40 : i32
      %lt3A_267 = arith.cmpi slt, %add3A_265, %lt3A_266 : i32
      %convert_element_type3A_268 = arith.extui %lt3A_267 : i1 to i32
      %cond3A_269 = arith.constant 0 : i32
      %cond3A_270 = arith.cmpi ne, %convert_element_type3A_268, %cond3A_269 : i32
      scf.if %cond3A_270 {
        %add3A_271 = arith.constant 3 : i32
        %add3A_272 = arith.addi %add3A_142, %add3A_271 : i32
        %add3A_273 = arith.constant 4 : i32
        %add3A_274 = arith.addi %add3A_272, %add3A_273 : i32
        %dma_start3A_275 = arith.constant 0 : i32
        %dma_start3A_276 = tpu.memref_slice %arg7[%add3A_274, %dma_start3A_275] : memref<40x64xi32, #tpu.memory_space<vmem>> -> memref<1x64xi32, #tpu.memory_space<vmem>>
        %dma_start3A_277 = tpu.memref_squeeze %dma_start3A_276 : memref<1x64xi32, #tpu.memory_space<vmem>> -> memref<64xi32, #tpu.memory_space<vmem>>
        %dma_start3A_278 = arith.constant 0 : i32
        %dma_start3A_279 = arith.constant 0 : i32
        %dma_start3A_280 = tpu.memref_slice %arg2[%dma_start3A_278, %dma_start3A_279] : memref<10240x128xf32, #tpu.memory_space<hbm>> -> memref<10240x128xf32, #tpu.memory_space<hbm>>
        tpu.enqueue_indirect_dma source(%dma_start3A_280 : memref<10240x128xf32, #tpu.memory_space<hbm>>) target(%arg12 : memref<64x128xf32, #tpu.memory_space<vmem>>) offsets(%dma_start3A_277 : memref<64xi32, #tpu.memory_space<vmem>>) semaphore(%arg17 : memref<!tpu.dma_semaphore, #tpu.memory_space<semaphore_mem>>)
      } else {
      }
    }
    %scan3A_132 = arith.constant 10 : i32
    %barrier3A_133 = arith.constant 0 : index
    tpu.barrier barrier_id(%barrier3A_133)
    %mul3A_134 = arith.constant 640 : i32
    %mul3A_135 = arith.muli %arg1, %mul3A_134 : i32
    %mul3A_136 = arith.constant 640 : i32
    %mul3A_137 = arith.muli %arg1, %mul3A_136 : i32
    "tpu.region"() ({
      %run_scoped3A = tpu.sem_alloc : memref<!tpu.dma_semaphore, #tpu.memory_space<semaphore_mem>>
      %dma_start3A_138 = arith.constant 0 : i32
      %dma_start3A_139 = tpu.memref_slice %arg6[%arg0, %mul3A_137, %dma_start3A_138] : memref<2x10240x128xf32, #tpu.memory_space<hbm>> -> memref<1x640x128xf32, #tpu.memory_space<hbm>>
      %dma_start3A_140 = tpu.memref_squeeze %dma_start3A_139 : memref<1x640x128xf32, #tpu.memory_space<hbm>> -> memref<640x128xf32, #tpu.memory_space<hbm>>
      %dma_start3A_141 = arith.constant 0 : i32
      %dma_start3A_142 = tpu.memref_slice %arg13[%mul3A_135, %dma_start3A_141] : memref<10240x128xf32, #tpu.memory_space<vmem_shared>> -> memref<640x128xf32, #tpu.memory_space<vmem_shared>>
      tpu.enqueue_dma source(%dma_start3A_142 : memref<640x128xf32, #tpu.memory_space<vmem_shared>>) target(%dma_start3A_140 : memref<640x128xf32, #tpu.memory_space<hbm>>) target_semaphore(%run_scoped3A : memref<!tpu.dma_semaphore, #tpu.memory_space<semaphore_mem>>)
      %dma_wait3A = arith.constant 0 : i32
      %dma_wait3A_143 = tpu.memref_slice %arg6[%arg0, %mul3A_137, %dma_wait3A] : memref<2x10240x128xf32, #tpu.memory_space<hbm>> -> memref<1x640x128xf32, #tpu.memory_space<hbm>>
      %dma_wait3A_144 = tpu.memref_squeeze %dma_wait3A_143 : memref<1x640x128xf32, #tpu.memory_space<hbm>> -> memref<640x128xf32, #tpu.memory_space<hbm>>
      %dma_wait3A_145 = arith.constant 0 : i32
      %dma_wait3A_146 = tpu.memref_slice %arg13[%mul3A_135, %dma_wait3A_145] : memref<10240x128xf32, #tpu.memory_space<vmem_shared>> -> memref<640x128xf32, #tpu.memory_space<vmem_shared>>
      tpu.wait_dma2 semaphore(%run_scoped3A : memref<!tpu.dma_semaphore, #tpu.memory_space<semaphore_mem>>) src(%dma_wait3A_146 : memref<640x128xf32, #tpu.memory_space<vmem_shared>>) dst(%dma_wait3A_144 : memref<640x128xf32, #tpu.memory_space<hbm>>)
      tpu.yield
    }) : () -> ()
    return
  }
}

#map = affine_map<(d0, d1) -> (0, 0)>
#map1 = affine_map<(d0, d1) -> (0, 0, 0)>
module attributes {stable_mosaic.version = 14 : i64} {
  func.func @segsum_kernel(%arg0: i32, %arg1: i32, %arg2: memref<10240x128xf32, #tpu.memory_space<hbm>>, %arg3: memref<32x160x64xi32, #tpu.memory_space<hbm>>, %arg4: memref<32x160x64xi32, #tpu.memory_space<hbm>>, %arg5: memref<640x128xf32, #tpu.memory_space<hbm>>, %arg6: memref<2x10240x128xf32, #tpu.memory_space<hbm>>, %arg7: memref<40x64xi32, #tpu.memory_space<vmem>>, %arg8: memref<40x64xi32, #tpu.memory_space<vmem>>, %arg9: memref<64x128xf32, #tpu.memory_space<vmem>>, %arg10: memref<64x128xf32, #tpu.memory_space<vmem>>, %arg11: memref<64x128xf32, #tpu.memory_space<vmem>>, %arg12: memref<64x128xf32, #tpu.memory_space<vmem>>, %arg13: memref<10240x128xf32, #tpu.memory_space<vmem_shared>>, %arg14: memref<!tpu.dma_semaphore, #tpu.memory_space<semaphore_mem>>, %arg15: memref<!tpu.dma_semaphore, #tpu.memory_space<semaphore_mem>>, %arg16: memref<!tpu.dma_semaphore, #tpu.memory_space<semaphore_mem>>, %arg17: memref<!tpu.dma_semaphore, #tpu.memory_space<semaphore_mem>>, %arg18: memref<!tpu.dma_semaphore, #tpu.memory_space<semaphore_mem>>, %arg19: memref<!tpu.dma_semaphore, #tpu.memory_space<semaphore_mem>>, %arg20: memref<!tpu.dma_semaphore, #tpu.memory_space<semaphore_mem>>, %arg21: memref<!tpu.dma_semaphore, #tpu.memory_space<semaphore_mem>>) attributes {dimension_semantics = [#tpu.dimension_semantics<core_parallel>, #tpu.dimension_semantics<subcore_parallel>], iteration_bounds = array<i64: 2, 16>, scalar_prefetch = 0 : i64, scratch_operands = 15 : i64, tpu.core_type = #tpu.core_type<sc_vector_subcore>, window_params = [{transform_indices = #map}, {transform_indices = #map1}, {transform_indices = #map1}, {transform_indices = #map}, {transform_indices = #map1}]} {
    %mul3A = arith.constant 2 : i32
    %mul3A_0 = arith.muli %arg1, %mul3A : i32
    %add3A = arith.addi %mul3A_0, %arg0 : i32
    %mul3A_1 = arith.constant 640 : i32
    %mul3A_2 = arith.muli %arg1, %mul3A_1 : i32
    "tpu.region"() ({
      %run_scoped3A = tpu.sem_alloc : memref<!tpu.dma_semaphore, #tpu.memory_space<semaphore_mem>>
      %dma_start3A_138 = arith.constant 0 : i32
      %dma_start3A_139 = tpu.memref_slice %arg13[%mul3A_2, %dma_start3A_138] : memref<10240x128xf32, #tpu.memory_space<vmem_shared>> -> memref<640x128xf32, #tpu.memory_space<vmem_shared>>
      tpu.enqueue_dma source(%arg5 : memref<640x128xf32, #tpu.memory_space<hbm>>) target(%dma_start3A_139 : memref<640x128xf32, #tpu.memory_space<vmem_shared>>) target_semaphore(%run_scoped3A : memref<!tpu.dma_semaphore, #tpu.memory_space<semaphore_mem>>)
      %dma_wait3A = arith.constant 0 : i32
      %dma_wait3A_140 = tpu.memref_slice %arg13[%mul3A_2, %dma_wait3A] : memref<10240x128xf32, #tpu.memory_space<vmem_shared>> -> memref<640x128xf32, #tpu.memory_space<vmem_shared>>
      tpu.wait_dma2 semaphore(%run_scoped3A : memref<!tpu.dma_semaphore, #tpu.memory_space<semaphore_mem>>) src(%arg5 : memref<640x128xf32, #tpu.memory_space<hbm>>) dst(%dma_wait3A_140 : memref<640x128xf32, #tpu.memory_space<vmem_shared>>)
      tpu.yield
    }) : () -> ()
    %barrier3A = arith.constant 0 : index
    tpu.barrier barrier_id(%barrier3A)
    "tpu.region"() ({
      %run_scoped3A = tpu.sem_alloc : memref<!tpu.dma_semaphore, #tpu.memory_space<semaphore_mem>>
      %dma_start3A_138 = arith.constant 0 : i32
      %dma_start3A_139 = arith.constant 0 : i32
      %dma_start3A_140 = tpu.memref_slice %arg3[%add3A, %dma_start3A_138, %dma_start3A_139] : memref<32x160x64xi32, #tpu.memory_space<hbm>> -> memref<1x40x64xi32, #tpu.memory_space<hbm>>
      %dma_start3A_141 = tpu.memref_squeeze %dma_start3A_140 : memref<1x40x64xi32, #tpu.memory_space<hbm>> -> memref<40x64xi32, #tpu.memory_space<hbm>>
      %dma_start3A_142 = arith.constant 0 : i32
      %dma_start3A_143 = arith.constant 0 : i32
      %dma_start3A_144 = tpu.memref_slice %arg3[%add3A, %dma_start3A_142, %dma_start3A_143] : memref<32x160x64xi32, #tpu.memory_space<hbm>> -> memref<1x40x64xi32, #tpu.memory_space<hbm>>
      %dma_start3A_145 = tpu.memref_squeeze %dma_start3A_144 : memref<1x40x64xi32, #tpu.memory_space<hbm>> -> memref<40x64xi32, #tpu.memory_space<hbm>>
      tpu.enqueue_dma source(%dma_start3A_145 : memref<40x64xi32, #tpu.memory_space<hbm>>) target(%arg7 : memref<40x64xi32, #tpu.memory_space<vmem>>) target_semaphore(%run_scoped3A : memref<!tpu.dma_semaphore, #tpu.memory_space<semaphore_mem>>)
      %dma_wait3A = arith.constant 0 : i32
      %dma_wait3A_146 = arith.constant 0 : i32
      %dma_wait3A_147 = tpu.memref_slice %arg3[%add3A, %dma_wait3A, %dma_wait3A_146] : memref<32x160x64xi32, #tpu.memory_space<hbm>> -> memref<1x40x64xi32, #tpu.memory_space<hbm>>
      %dma_wait3A_148 = tpu.memref_squeeze %dma_wait3A_147 : memref<1x40x64xi32, #tpu.memory_space<hbm>> -> memref<40x64xi32, #tpu.memory_space<hbm>>
      %dma_wait3A_149 = arith.constant 0 : i32
      %dma_wait3A_150 = arith.constant 0 : i32
      %dma_wait3A_151 = tpu.memref_slice %arg3[%add3A, %dma_wait3A_149, %dma_wait3A_150] : memref<32x160x64xi32, #tpu.memory_space<hbm>> -> memref<1x40x64xi32, #tpu.memory_space<hbm>>
      %dma_wait3A_152 = tpu.memref_squeeze %dma_wait3A_151 : memref<1x40x64xi32, #tpu.memory_space<hbm>> -> memref<40x64xi32, #tpu.memory_space<hbm>>
      tpu.wait_dma2 semaphore(%run_scoped3A : memref<!tpu.dma_semaphore, #tpu.memory_space<semaphore_mem>>) src(%dma_wait3A_152 : memref<40x64xi32, #tpu.memory_space<hbm>>) dst(%arg7 : memref<40x64xi32, #tpu.memory_space<vmem>>)
      tpu.yield
    }) : () -> ()
    "tpu.region"() ({
      %run_scoped3A = tpu.sem_alloc : memref<!tpu.dma_semaphore, #tpu.memory_space<semaphore_mem>>
      %dma_start3A_138 = arith.constant 0 : i32
      %dma_start3A_139 = arith.constant 0 : i32
      %dma_start3A_140 = tpu.memref_slice %arg4[%add3A, %dma_start3A_138, %dma_start3A_139] : memref<32x160x64xi32, #tpu.memory_space<hbm>> -> memref<1x40x64xi32, #tpu.memory_space<hbm>>
      %dma_start3A_141 = tpu.memref_squeeze %dma_start3A_140 : memref<1x40x64xi32, #tpu.memory_space<hbm>> -> memref<40x64xi32, #tpu.memory_space<hbm>>
      %dma_start3A_142 = arith.constant 0 : i32
      %dma_start3A_143 = arith.constant 0 : i32
      %dma_start3A_144 = tpu.memref_slice %arg4[%add3A, %dma_start3A_142, %dma_start3A_143] : memref<32x160x64xi32, #tpu.memory_space<hbm>> -> memref<1x40x64xi32, #tpu.memory_space<hbm>>
      %dma_start3A_145 = tpu.memref_squeeze %dma_start3A_144 : memref<1x40x64xi32, #tpu.memory_space<hbm>> -> memref<40x64xi32, #tpu.memory_space<hbm>>
      tpu.enqueue_dma source(%dma_start3A_145 : memref<40x64xi32, #tpu.memory_space<hbm>>) target(%arg8 : memref<40x64xi32, #tpu.memory_space<vmem>>) target_semaphore(%run_scoped3A : memref<!tpu.dma_semaphore, #tpu.memory_space<semaphore_mem>>)
      %dma_wait3A = arith.constant 0 : i32
      %dma_wait3A_146 = arith.constant 0 : i32
      %dma_wait3A_147 = tpu.memref_slice %arg4[%add3A, %dma_wait3A, %dma_wait3A_146] : memref<32x160x64xi32, #tpu.memory_space<hbm>> -> memref<1x40x64xi32, #tpu.memory_space<hbm>>
      %dma_wait3A_148 = tpu.memref_squeeze %dma_wait3A_147 : memref<1x40x64xi32, #tpu.memory_space<hbm>> -> memref<40x64xi32, #tpu.memory_space<hbm>>
      %dma_wait3A_149 = arith.constant 0 : i32
      %dma_wait3A_150 = arith.constant 0 : i32
      %dma_wait3A_151 = tpu.memref_slice %arg4[%add3A, %dma_wait3A_149, %dma_wait3A_150] : memref<32x160x64xi32, #tpu.memory_space<hbm>> -> memref<1x40x64xi32, #tpu.memory_space<hbm>>
      %dma_wait3A_152 = tpu.memref_squeeze %dma_wait3A_151 : memref<1x40x64xi32, #tpu.memory_space<hbm>> -> memref<40x64xi32, #tpu.memory_space<hbm>>
      tpu.wait_dma2 semaphore(%run_scoped3A : memref<!tpu.dma_semaphore, #tpu.memory_space<semaphore_mem>>) src(%dma_wait3A_152 : memref<40x64xi32, #tpu.memory_space<hbm>>) dst(%arg8 : memref<40x64xi32, #tpu.memory_space<vmem>>)
      tpu.yield
    }) : () -> ()
    %dma_start3A = arith.constant 0 : i32
    %dma_start3A_3 = arith.constant 0 : i32
    %dma_start3A_4 = tpu.memref_slice %arg7[%dma_start3A, %dma_start3A_3] : memref<40x64xi32, #tpu.memory_space<vmem>> -> memref<1x64xi32, #tpu.memory_space<vmem>>
    %dma_start3A_5 = tpu.memref_squeeze %dma_start3A_4 : memref<1x64xi32, #tpu.memory_space<vmem>> -> memref<64xi32, #tpu.memory_space<vmem>>
    %dma_start3A_6 = arith.constant 0 : i32
    %dma_start3A_7 = arith.constant 0 : i32
    %dma_start3A_8 = tpu.memref_slice %arg2[%dma_start3A_6, %dma_start3A_7] : memref<10240x128xf32, #tpu.memory_space<hbm>> -> memref<10240x128xf32, #tpu.memory_space<hbm>>
    tpu.enqueue_indirect_dma source(%dma_start3A_8 : memref<10240x128xf32, #tpu.memory_space<hbm>>) target(%arg9 : memref<64x128xf32, #tpu.memory_space<vmem>>) offsets(%dma_start3A_5 : memref<64xi32, #tpu.memory_space<vmem>>) semaphore(%arg14 : memref<!tpu.dma_semaphore, #tpu.memory_space<semaphore_mem>>)
    %dma_start3A_9 = arith.constant 1 : i32
    %dma_start3A_10 = arith.constant 0 : i32
    %dma_start3A_11 = tpu.memref_slice %arg7[%dma_start3A_9, %dma_start3A_10] : memref<40x64xi32, #tpu.memory_space<vmem>> -> memref<1x64xi32, #tpu.memory_space<vmem>>
    %dma_start3A_12 = tpu.memref_squeeze %dma_start3A_11 : memref<1x64xi32, #tpu.memory_space<vmem>> -> memref<64xi32, #tpu.memory_space<vmem>>
    %dma_start3A_13 = arith.constant 0 : i32
    %dma_start3A_14 = arith.constant 0 : i32
    %dma_start3A_15 = tpu.memref_slice %arg2[%dma_start3A_13, %dma_start3A_14] : memref<10240x128xf32, #tpu.memory_space<hbm>> -> memref<10240x128xf32, #tpu.memory_space<hbm>>
    tpu.enqueue_indirect_dma source(%dma_start3A_15 : memref<10240x128xf32, #tpu.memory_space<hbm>>) target(%arg10 : memref<64x128xf32, #tpu.memory_space<vmem>>) offsets(%dma_start3A_12 : memref<64xi32, #tpu.memory_space<vmem>>) semaphore(%arg15 : memref<!tpu.dma_semaphore, #tpu.memory_space<semaphore_mem>>)
    %dma_start3A_16 = arith.constant 2 : i32
    %dma_start3A_17 = arith.constant 0 : i32
    %dma_start3A_18 = tpu.memref_slice %arg7[%dma_start3A_16, %dma_start3A_17] : memref<40x64xi32, #tpu.memory_space<vmem>> -> memref<1x64xi32, #tpu.memory_space<vmem>>
    %dma_start3A_19 = tpu.memref_squeeze %dma_start3A_18 : memref<1x64xi32, #tpu.memory_space<vmem>> -> memref<64xi32, #tpu.memory_space<vmem>>
    %dma_start3A_20 = arith.constant 0 : i32
    %dma_start3A_21 = arith.constant 0 : i32
    %dma_start3A_22 = tpu.memref_slice %arg2[%dma_start3A_20, %dma_start3A_21] : memref<10240x128xf32, #tpu.memory_space<hbm>> -> memref<10240x128xf32, #tpu.memory_space<hbm>>
    tpu.enqueue_indirect_dma source(%dma_start3A_22 : memref<10240x128xf32, #tpu.memory_space<hbm>>) target(%arg11 : memref<64x128xf32, #tpu.memory_space<vmem>>) offsets(%dma_start3A_19 : memref<64xi32, #tpu.memory_space<vmem>>) semaphore(%arg16 : memref<!tpu.dma_semaphore, #tpu.memory_space<semaphore_mem>>)
    %dma_start3A_23 = arith.constant 3 : i32
    %dma_start3A_24 = arith.constant 0 : i32
    %dma_start3A_25 = tpu.memref_slice %arg7[%dma_start3A_23, %dma_start3A_24] : memref<40x64xi32, #tpu.memory_space<vmem>> -> memref<1x64xi32, #tpu.memory_space<vmem>>
    %dma_start3A_26 = tpu.memref_squeeze %dma_start3A_25 : memref<1x64xi32, #tpu.memory_space<vmem>> -> memref<64xi32, #tpu.memory_space<vmem>>
    %dma_start3A_27 = arith.constant 0 : i32
    %dma_start3A_28 = arith.constant 0 : i32
    %dma_start3A_29 = tpu.memref_slice %arg2[%dma_start3A_27, %dma_start3A_28] : memref<10240x128xf32, #tpu.memory_space<hbm>> -> memref<10240x128xf32, #tpu.memory_space<hbm>>
    tpu.enqueue_indirect_dma source(%dma_start3A_29 : memref<10240x128xf32, #tpu.memory_space<hbm>>) target(%arg12 : memref<64x128xf32, #tpu.memory_space<vmem>>) offsets(%dma_start3A_26 : memref<64xi32, #tpu.memory_space<vmem>>) semaphore(%arg17 : memref<!tpu.dma_semaphore, #tpu.memory_space<semaphore_mem>>)
    %scan3A = arith.constant 0 : i32
    %scan3A_30 = arith.constant 10 : i32
    %scan3A_31 = arith.addi %scan3A, %scan3A_30 : i32
    %scan3A_32 = arith.constant 1 : i32
    scf.for %scan3A_138 = %scan3A to %scan3A_31 step %scan3A_32  : i32 {
      %mul3A_139 = arith.constant 4 : i32
      %mul3A_140 = arith.muli %scan3A_138, %mul3A_139 : i32
      %add3A_141 = arith.constant 0 : i32
      %add3A_142 = arith.addi %add3A_141, %mul3A_140 : i32
      %add3A_143 = arith.constant 0 : i32
      %add3A_144 = arith.addi %add3A_142, %add3A_143 : i32
      %dma_wait3A = arith.constant 0 : i32
      %dma_wait3A_145 = tpu.memref_slice %arg7[%add3A_144, %dma_wait3A] : memref<40x64xi32, #tpu.memory_space<vmem>> -> memref<1x64xi32, #tpu.memory_space<vmem>>
      %dma_wait3A_146 = tpu.memref_squeeze %dma_wait3A_145 : memref<1x64xi32, #tpu.memory_space<vmem>> -> memref<64xi32, #tpu.memory_space<vmem>>
      %dma_wait3A_147 = arith.constant 0 : i32
      %dma_wait3A_148 = arith.constant 0 : i32
      %dma_wait3A_149 = tpu.memref_slice %arg2[%dma_wait3A_147, %dma_wait3A_148] : memref<10240x128xf32, #tpu.memory_space<hbm>> -> memref<10240x128xf32, #tpu.memory_space<hbm>>
      tpu.wait_indirect_dma semaphore(%arg14 : memref<!tpu.dma_semaphore, #tpu.memory_space<semaphore_mem>>) src(%dma_wait3A_149 : memref<10240x128xf32, #tpu.memory_space<hbm>>) dst(%arg9 : memref<64x128xf32, #tpu.memory_space<vmem>>)
      %add3A_150 = arith.constant 0 : i32
      %add3A_151 = arith.addi %add3A_142, %add3A_150 : i32
      %dma_start3A_152 = arith.constant 0 : i32
      %dma_start3A_153 = tpu.memref_slice %arg8[%add3A_151, %dma_start3A_152] : memref<40x64xi32, #tpu.memory_space<vmem>> -> memref<1x64xi32, #tpu.memory_space<vmem>>
      %dma_start3A_154 = tpu.memref_squeeze %dma_start3A_153 : memref<1x64xi32, #tpu.memory_space<vmem>> -> memref<64xi32, #tpu.memory_space<vmem>>
      %dma_start3A_155 = arith.constant 0 : i32
      %dma_start3A_156 = arith.constant 0 : i32
      %dma_start3A_157 = tpu.memref_slice %arg13[%dma_start3A_155, %dma_start3A_156] : memref<10240x128xf32, #tpu.memory_space<vmem_shared>> -> memref<10240x128xf32, #tpu.memory_space<vmem_shared>>
      tpu.enqueue_indirect_dma source(%arg9 : memref<64x128xf32, #tpu.memory_space<vmem>>) target(%dma_start3A_157 : memref<10240x128xf32, #tpu.memory_space<vmem_shared>>) offsets(%dma_start3A_154 : memref<64xi32, #tpu.memory_space<vmem>>) semaphore(%arg18 : memref<!tpu.dma_semaphore, #tpu.memory_space<semaphore_mem>>) {add = true}
      %add3A_158 = arith.constant 1 : i32
      %add3A_159 = arith.addi %add3A_142, %add3A_158 : i32
      %dma_wait3A_160 = arith.constant 0 : i32
      %dma_wait3A_161 = tpu.memref_slice %arg7[%add3A_159, %dma_wait3A_160] : memref<40x64xi32, #tpu.memory_space<vmem>> -> memref<1x64xi32, #tpu.memory_space<vmem>>
      %dma_wait3A_162 = tpu.memref_squeeze %dma_wait3A_161 : memref<1x64xi32, #tpu.memory_space<vmem>> -> memref<64xi32, #tpu.memory_space<vmem>>
      %dma_wait3A_163 = arith.constant 0 : i32
      %dma_wait3A_164 = arith.constant 0 : i32
      %dma_wait3A_165 = tpu.memref_slice %arg2[%dma_wait3A_163, %dma_wait3A_164] : memref<10240x128xf32, #tpu.memory_space<hbm>> -> memref<10240x128xf32, #tpu.memory_space<hbm>>
      tpu.wait_indirect_dma semaphore(%arg15 : memref<!tpu.dma_semaphore, #tpu.memory_space<semaphore_mem>>) src(%dma_wait3A_165 : memref<10240x128xf32, #tpu.memory_space<hbm>>) dst(%arg10 : memref<64x128xf32, #tpu.memory_space<vmem>>)
      %add3A_166 = arith.constant 1 : i32
      %add3A_167 = arith.addi %add3A_142, %add3A_166 : i32
      %dma_start3A_168 = arith.constant 0 : i32
      %dma_start3A_169 = tpu.memref_slice %arg8[%add3A_167, %dma_start3A_168] : memref<40x64xi32, #tpu.memory_space<vmem>> -> memref<1x64xi32, #tpu.memory_space<vmem>>
      %dma_start3A_170 = tpu.memref_squeeze %dma_start3A_169 : memref<1x64xi32, #tpu.memory_space<vmem>> -> memref<64xi32, #tpu.memory_space<vmem>>
      %dma_start3A_171 = arith.constant 0 : i32
      %dma_start3A_172 = arith.constant 0 : i32
      %dma_start3A_173 = tpu.memref_slice %arg13[%dma_start3A_171, %dma_start3A_172] : memref<10240x128xf32, #tpu.memory_space<vmem_shared>> -> memref<10240x128xf32, #tpu.memory_space<vmem_shared>>
      tpu.enqueue_indirect_dma source(%arg10 : memref<64x128xf32, #tpu.memory_space<vmem>>) target(%dma_start3A_173 : memref<10240x128xf32, #tpu.memory_space<vmem_shared>>) offsets(%dma_start3A_170 : memref<64xi32, #tpu.memory_space<vmem>>) semaphore(%arg19 : memref<!tpu.dma_semaphore, #tpu.memory_space<semaphore_mem>>) {add = true}
      %add3A_174 = arith.constant 2 : i32
      %add3A_175 = arith.addi %add3A_142, %add3A_174 : i32
      %dma_wait3A_176 = arith.constant 0 : i32
      %dma_wait3A_177 = tpu.memref_slice %arg7[%add3A_175, %dma_wait3A_176] : memref<40x64xi32, #tpu.memory_space<vmem>> -> memref<1x64xi32, #tpu.memory_space<vmem>>
      %dma_wait3A_178 = tpu.memref_squeeze %dma_wait3A_177 : memref<1x64xi32, #tpu.memory_space<vmem>> -> memref<64xi32, #tpu.memory_space<vmem>>
      %dma_wait3A_179 = arith.constant 0 : i32
      %dma_wait3A_180 = arith.constant 0 : i32
      %dma_wait3A_181 = tpu.memref_slice %arg2[%dma_wait3A_179, %dma_wait3A_180] : memref<10240x128xf32, #tpu.memory_space<hbm>> -> memref<10240x128xf32, #tpu.memory_space<hbm>>
      tpu.wait_indirect_dma semaphore(%arg16 : memref<!tpu.dma_semaphore, #tpu.memory_space<semaphore_mem>>) src(%dma_wait3A_181 : memref<10240x128xf32, #tpu.memory_space<hbm>>) dst(%arg11 : memref<64x128xf32, #tpu.memory_space<vmem>>)
      %add3A_182 = arith.constant 2 : i32
      %add3A_183 = arith.addi %add3A_142, %add3A_182 : i32
      %dma_start3A_184 = arith.constant 0 : i32
      %dma_start3A_185 = tpu.memref_slice %arg8[%add3A_183, %dma_start3A_184] : memref<40x64xi32, #tpu.memory_space<vmem>> -> memref<1x64xi32, #tpu.memory_space<vmem>>
      %dma_start3A_186 = tpu.memref_squeeze %dma_start3A_185 : memref<1x64xi32, #tpu.memory_space<vmem>> -> memref<64xi32, #tpu.memory_space<vmem>>
      %dma_start3A_187 = arith.constant 0 : i32
      %dma_start3A_188 = arith.constant 0 : i32
      %dma_start3A_189 = tpu.memref_slice %arg13[%dma_start3A_187, %dma_start3A_188] : memref<10240x128xf32, #tpu.memory_space<vmem_shared>> -> memref<10240x128xf32, #tpu.memory_space<vmem_shared>>
      tpu.enqueue_indirect_dma source(%arg11 : memref<64x128xf32, #tpu.memory_space<vmem>>) target(%dma_start3A_189 : memref<10240x128xf32, #tpu.memory_space<vmem_shared>>) offsets(%dma_start3A_186 : memref<64xi32, #tpu.memory_space<vmem>>) semaphore(%arg20 : memref<!tpu.dma_semaphore, #tpu.memory_space<semaphore_mem>>) {add = true}
      %add3A_190 = arith.constant 3 : i32
      %add3A_191 = arith.addi %add3A_142, %add3A_190 : i32
      %dma_wait3A_192 = arith.constant 0 : i32
      %dma_wait3A_193 = tpu.memref_slice %arg7[%add3A_191, %dma_wait3A_192] : memref<40x64xi32, #tpu.memory_space<vmem>> -> memref<1x64xi32, #tpu.memory_space<vmem>>
      %dma_wait3A_194 = tpu.memref_squeeze %dma_wait3A_193 : memref<1x64xi32, #tpu.memory_space<vmem>> -> memref<64xi32, #tpu.memory_space<vmem>>
      %dma_wait3A_195 = arith.constant 0 : i32
      %dma_wait3A_196 = arith.constant 0 : i32
      %dma_wait3A_197 = tpu.memref_slice %arg2[%dma_wait3A_195, %dma_wait3A_196] : memref<10240x128xf32, #tpu.memory_space<hbm>> -> memref<10240x128xf32, #tpu.memory_space<hbm>>
      tpu.wait_indirect_dma semaphore(%arg17 : memref<!tpu.dma_semaphore, #tpu.memory_space<semaphore_mem>>) src(%dma_wait3A_197 : memref<10240x128xf32, #tpu.memory_space<hbm>>) dst(%arg12 : memref<64x128xf32, #tpu.memory_space<vmem>>)
      %add3A_198 = arith.constant 3 : i32
      %add3A_199 = arith.addi %add3A_142, %add3A_198 : i32
      %dma_start3A_200 = arith.constant 0 : i32
      %dma_start3A_201 = tpu.memref_slice %arg8[%add3A_199, %dma_start3A_200] : memref<40x64xi32, #tpu.memory_space<vmem>> -> memref<1x64xi32, #tpu.memory_space<vmem>>
      %dma_start3A_202 = tpu.memref_squeeze %dma_start3A_201 : memref<1x64xi32, #tpu.memory_space<vmem>> -> memref<64xi32, #tpu.memory_space<vmem>>
      %dma_start3A_203 = arith.constant 0 : i32
      %dma_start3A_204 = arith.constant 0 : i32
      %dma_start3A_205 = tpu.memref_slice %arg13[%dma_start3A_203, %dma_start3A_204] : memref<10240x128xf32, #tpu.memory_space<vmem_shared>> -> memref<10240x128xf32, #tpu.memory_space<vmem_shared>>
      tpu.enqueue_indirect_dma source(%arg12 : memref<64x128xf32, #tpu.memory_space<vmem>>) target(%dma_start3A_205 : memref<10240x128xf32, #tpu.memory_space<vmem_shared>>) offsets(%dma_start3A_202 : memref<64xi32, #tpu.memory_space<vmem>>) semaphore(%arg21 : memref<!tpu.dma_semaphore, #tpu.memory_space<semaphore_mem>>) {add = true}
      %add3A_206 = arith.constant 0 : i32
      %add3A_207 = arith.addi %add3A_142, %add3A_206 : i32
      %dma_wait3A_208 = arith.constant 0 : i32
      %dma_wait3A_209 = tpu.memref_slice %arg8[%add3A_207, %dma_wait3A_208] : memref<40x64xi32, #tpu.memory_space<vmem>> -> memref<1x64xi32, #tpu.memory_space<vmem>>
      %dma_wait3A_210 = tpu.memref_squeeze %dma_wait3A_209 : memref<1x64xi32, #tpu.memory_space<vmem>> -> memref<64xi32, #tpu.memory_space<vmem>>
      %dma_wait3A_211 = arith.constant 0 : i32
      %dma_wait3A_212 = arith.constant 0 : i32
      %dma_wait3A_213 = tpu.memref_slice %arg13[%dma_wait3A_211, %dma_wait3A_212] : memref<10240x128xf32, #tpu.memory_space<vmem_shared>> -> memref<10240x128xf32, #tpu.memory_space<vmem_shared>>
      tpu.wait_indirect_dma semaphore(%arg18 : memref<!tpu.dma_semaphore, #tpu.memory_space<semaphore_mem>>) src(%arg9 : memref<64x128xf32, #tpu.memory_space<vmem>>) dst(%dma_wait3A_213 : memref<10240x128xf32, #tpu.memory_space<vmem_shared>>)
      %add3A_214 = arith.constant 0 : i32
      %add3A_215 = arith.addi %add3A_142, %add3A_214 : i32
      %add3A_216 = arith.constant 4 : i32
      %add3A_217 = arith.addi %add3A_215, %add3A_216 : i32
      %lt3A = arith.constant 40 : i32
      %lt3A_218 = arith.cmpi slt, %add3A_217, %lt3A : i32
      %convert_element_type3A = arith.extui %lt3A_218 : i1 to i32
      %cond3A = arith.constant 0 : i32
      %cond3A_219 = arith.cmpi ne, %convert_element_type3A, %cond3A : i32
      scf.if %cond3A_219 {
        %add3A_271 = arith.constant 0 : i32
        %add3A_272 = arith.addi %add3A_142, %add3A_271 : i32
        %add3A_273 = arith.constant 4 : i32
        %add3A_274 = arith.addi %add3A_272, %add3A_273 : i32
        %dma_start3A_275 = arith.constant 0 : i32
        %dma_start3A_276 = tpu.memref_slice %arg7[%add3A_274, %dma_start3A_275] : memref<40x64xi32, #tpu.memory_space<vmem>> -> memref<1x64xi32, #tpu.memory_space<vmem>>
        %dma_start3A_277 = tpu.memref_squeeze %dma_start3A_276 : memref<1x64xi32, #tpu.memory_space<vmem>> -> memref<64xi32, #tpu.memory_space<vmem>>
        %dma_start3A_278 = arith.constant 0 : i32
        %dma_start3A_279 = arith.constant 0 : i32
        %dma_start3A_280 = tpu.memref_slice %arg2[%dma_start3A_278, %dma_start3A_279] : memref<10240x128xf32, #tpu.memory_space<hbm>> -> memref<10240x128xf32, #tpu.memory_space<hbm>>
        tpu.enqueue_indirect_dma source(%dma_start3A_280 : memref<10240x128xf32, #tpu.memory_space<hbm>>) target(%arg9 : memref<64x128xf32, #tpu.memory_space<vmem>>) offsets(%dma_start3A_277 : memref<64xi32, #tpu.memory_space<vmem>>) semaphore(%arg14 : memref<!tpu.dma_semaphore, #tpu.memory_space<semaphore_mem>>)
      } else {
      }
      %add3A_220 = arith.constant 1 : i32
      %add3A_221 = arith.addi %add3A_142, %add3A_220 : i32
      %dma_wait3A_222 = arith.constant 0 : i32
      %dma_wait3A_223 = tpu.memref_slice %arg8[%add3A_221, %dma_wait3A_222] : memref<40x64xi32, #tpu.memory_space<vmem>> -> memref<1x64xi32, #tpu.memory_space<vmem>>
      %dma_wait3A_224 = tpu.memref_squeeze %dma_wait3A_223 : memref<1x64xi32, #tpu.memory_space<vmem>> -> memref<64xi32, #tpu.memory_space<vmem>>
      %dma_wait3A_225 = arith.constant 0 : i32
      %dma_wait3A_226 = arith.constant 0 : i32
      %dma_wait3A_227 = tpu.memref_slice %arg13[%dma_wait3A_225, %dma_wait3A_226] : memref<10240x128xf32, #tpu.memory_space<vmem_shared>> -> memref<10240x128xf32, #tpu.memory_space<vmem_shared>>
      tpu.wait_indirect_dma semaphore(%arg19 : memref<!tpu.dma_semaphore, #tpu.memory_space<semaphore_mem>>) src(%arg10 : memref<64x128xf32, #tpu.memory_space<vmem>>) dst(%dma_wait3A_227 : memref<10240x128xf32, #tpu.memory_space<vmem_shared>>)
      %add3A_228 = arith.constant 1 : i32
      %add3A_229 = arith.addi %add3A_142, %add3A_228 : i32
      %add3A_230 = arith.constant 4 : i32
      %add3A_231 = arith.addi %add3A_229, %add3A_230 : i32
      %lt3A_232 = arith.constant 40 : i32
      %lt3A_233 = arith.cmpi slt, %add3A_231, %lt3A_232 : i32
      %convert_element_type3A_234 = arith.extui %lt3A_233 : i1 to i32
      %cond3A_235 = arith.constant 0 : i32
      %cond3A_236 = arith.cmpi ne, %convert_element_type3A_234, %cond3A_235 : i32
      scf.if %cond3A_236 {
        %add3A_271 = arith.constant 1 : i32
        %add3A_272 = arith.addi %add3A_142, %add3A_271 : i32
        %add3A_273 = arith.constant 4 : i32
        %add3A_274 = arith.addi %add3A_272, %add3A_273 : i32
        %dma_start3A_275 = arith.constant 0 : i32
        %dma_start3A_276 = tpu.memref_slice %arg7[%add3A_274, %dma_start3A_275] : memref<40x64xi32, #tpu.memory_space<vmem>> -> memref<1x64xi32, #tpu.memory_space<vmem>>
        %dma_start3A_277 = tpu.memref_squeeze %dma_start3A_276 : memref<1x64xi32, #tpu.memory_space<vmem>> -> memref<64xi32, #tpu.memory_space<vmem>>
        %dma_start3A_278 = arith.constant 0 : i32
        %dma_start3A_279 = arith.constant 0 : i32
        %dma_start3A_280 = tpu.memref_slice %arg2[%dma_start3A_278, %dma_start3A_279] : memref<10240x128xf32, #tpu.memory_space<hbm>> -> memref<10240x128xf32, #tpu.memory_space<hbm>>
        tpu.enqueue_indirect_dma source(%dma_start3A_280 : memref<10240x128xf32, #tpu.memory_space<hbm>>) target(%arg10 : memref<64x128xf32, #tpu.memory_space<vmem>>) offsets(%dma_start3A_277 : memref<64xi32, #tpu.memory_space<vmem>>) semaphore(%arg15 : memref<!tpu.dma_semaphore, #tpu.memory_space<semaphore_mem>>)
      } else {
      }
      %add3A_237 = arith.constant 2 : i32
      %add3A_238 = arith.addi %add3A_142, %add3A_237 : i32
      %dma_wait3A_239 = arith.constant 0 : i32
      %dma_wait3A_240 = tpu.memref_slice %arg8[%add3A_238, %dma_wait3A_239] : memref<40x64xi32, #tpu.memory_space<vmem>> -> memref<1x64xi32, #tpu.memory_space<vmem>>
      %dma_wait3A_241 = tpu.memref_squeeze %dma_wait3A_240 : memref<1x64xi32, #tpu.memory_space<vmem>> -> memref<64xi32, #tpu.memory_space<vmem>>
      %dma_wait3A_242 = arith.constant 0 : i32
      %dma_wait3A_243 = arith.constant 0 : i32
      %dma_wait3A_244 = tpu.memref_slice %arg13[%dma_wait3A_242, %dma_wait3A_243] : memref<10240x128xf32, #tpu.memory_space<vmem_shared>> -> memref<10240x128xf32, #tpu.memory_space<vmem_shared>>
      tpu.wait_indirect_dma semaphore(%arg20 : memref<!tpu.dma_semaphore, #tpu.memory_space<semaphore_mem>>) src(%arg11 : memref<64x128xf32, #tpu.memory_space<vmem>>) dst(%dma_wait3A_244 : memref<10240x128xf32, #tpu.memory_space<vmem_shared>>)
      %add3A_245 = arith.constant 2 : i32
      %add3A_246 = arith.addi %add3A_142, %add3A_245 : i32
      %add3A_247 = arith.constant 4 : i32
      %add3A_248 = arith.addi %add3A_246, %add3A_247 : i32
      %lt3A_249 = arith.constant 40 : i32
      %lt3A_250 = arith.cmpi slt, %add3A_248, %lt3A_249 : i32
      %convert_element_type3A_251 = arith.extui %lt3A_250 : i1 to i32
      %cond3A_252 = arith.constant 0 : i32
      %cond3A_253 = arith.cmpi ne, %convert_element_type3A_251, %cond3A_252 : i32
      scf.if %cond3A_253 {
        %add3A_271 = arith.constant 2 : i32
        %add3A_272 = arith.addi %add3A_142, %add3A_271 : i32
        %add3A_273 = arith.constant 4 : i32
        %add3A_274 = arith.addi %add3A_272, %add3A_273 : i32
        %dma_start3A_275 = arith.constant 0 : i32
        %dma_start3A_276 = tpu.memref_slice %arg7[%add3A_274, %dma_start3A_275] : memref<40x64xi32, #tpu.memory_space<vmem>> -> memref<1x64xi32, #tpu.memory_space<vmem>>
        %dma_start3A_277 = tpu.memref_squeeze %dma_start3A_276 : memref<1x64xi32, #tpu.memory_space<vmem>> -> memref<64xi32, #tpu.memory_space<vmem>>
        %dma_start3A_278 = arith.constant 0 : i32
        %dma_start3A_279 = arith.constant 0 : i32
        %dma_start3A_280 = tpu.memref_slice %arg2[%dma_start3A_278, %dma_start3A_279] : memref<10240x128xf32, #tpu.memory_space<hbm>> -> memref<10240x128xf32, #tpu.memory_space<hbm>>
        tpu.enqueue_indirect_dma source(%dma_start3A_280 : memref<10240x128xf32, #tpu.memory_space<hbm>>) target(%arg11 : memref<64x128xf32, #tpu.memory_space<vmem>>) offsets(%dma_start3A_277 : memref<64xi32, #tpu.memory_space<vmem>>) semaphore(%arg16 : memref<!tpu.dma_semaphore, #tpu.memory_space<semaphore_mem>>)
      } else {
      }
      %add3A_254 = arith.constant 3 : i32
      %add3A_255 = arith.addi %add3A_142, %add3A_254 : i32
      %dma_wait3A_256 = arith.constant 0 : i32
      %dma_wait3A_257 = tpu.memref_slice %arg8[%add3A_255, %dma_wait3A_256] : memref<40x64xi32, #tpu.memory_space<vmem>> -> memref<1x64xi32, #tpu.memory_space<vmem>>
      %dma_wait3A_258 = tpu.memref_squeeze %dma_wait3A_257 : memref<1x64xi32, #tpu.memory_space<vmem>> -> memref<64xi32, #tpu.memory_space<vmem>>
      %dma_wait3A_259 = arith.constant 0 : i32
      %dma_wait3A_260 = arith.constant 0 : i32
      %dma_wait3A_261 = tpu.memref_slice %arg13[%dma_wait3A_259, %dma_wait3A_260] : memref<10240x128xf32, #tpu.memory_space<vmem_shared>> -> memref<10240x128xf32, #tpu.memory_space<vmem_shared>>
      tpu.wait_indirect_dma semaphore(%arg21 : memref<!tpu.dma_semaphore, #tpu.memory_space<semaphore_mem>>) src(%arg12 : memref<64x128xf32, #tpu.memory_space<vmem>>) dst(%dma_wait3A_261 : memref<10240x128xf32, #tpu.memory_space<vmem_shared>>)
      %add3A_262 = arith.constant 3 : i32
      %add3A_263 = arith.addi %add3A_142, %add3A_262 : i32
      %add3A_264 = arith.constant 4 : i32
      %add3A_265 = arith.addi %add3A_263, %add3A_264 : i32
      %lt3A_266 = arith.constant 40 : i32
      %lt3A_267 = arith.cmpi slt, %add3A_265, %lt3A_266 : i32
      %convert_element_type3A_268 = arith.extui %lt3A_267 : i1 to i32
      %cond3A_269 = arith.constant 0 : i32
      %cond3A_270 = arith.cmpi ne, %convert_element_type3A_268, %cond3A_269 : i32
      scf.if %cond3A_270 {
        %add3A_271 = arith.constant 3 : i32
        %add3A_272 = arith.addi %add3A_142, %add3A_271 : i32
        %add3A_273 = arith.constant 4 : i32
        %add3A_274 = arith.addi %add3A_272, %add3A_273 : i32
        %dma_start3A_275 = arith.constant 0 : i32
        %dma_start3A_276 = tpu.memref_slice %arg7[%add3A_274, %dma_start3A_275] : memref<40x64xi32, #tpu.memory_space<vmem>> -> memref<1x64xi32, #tpu.memory_space<vmem>>
        %dma_start3A_277 = tpu.memref_squeeze %dma_start3A_276 : memref<1x64xi32, #tpu.memory_space<vmem>> -> memref<64xi32, #tpu.memory_space<vmem>>
        %dma_start3A_278 = arith.constant 0 : i32
        %dma_start3A_279 = arith.constant 0 : i32
        %dma_start3A_280 = tpu.memref_slice %arg2[%dma_start3A_278, %dma_start3A_279] : memref<10240x128xf32, #tpu.memory_space<hbm>> -> memref<10240x128xf32, #tpu.memory_space<hbm>>
        tpu.enqueue_indirect_dma source(%dma_start3A_280 : memref<10240x128xf32, #tpu.memory_space<hbm>>) target(%arg12 : memref<64x128xf32, #tpu.memory_space<vmem>>) offsets(%dma_start3A_277 : memref<64xi32, #tpu.memory_space<vmem>>) semaphore(%arg17 : memref<!tpu.dma_semaphore, #tpu.memory_space<semaphore_mem>>)
      } else {
      }
    }
    %scan3A_33 = arith.constant 10 : i32
    "tpu.region"() ({
      %run_scoped3A = tpu.sem_alloc : memref<!tpu.dma_semaphore, #tpu.memory_space<semaphore_mem>>
      %dma_start3A_138 = arith.constant 40 : i32
      %dma_start3A_139 = arith.constant 0 : i32
      %dma_start3A_140 = tpu.memref_slice %arg3[%add3A, %dma_start3A_138, %dma_start3A_139] : memref<32x160x64xi32, #tpu.memory_space<hbm>> -> memref<1x40x64xi32, #tpu.memory_space<hbm>>
      %dma_start3A_141 = tpu.memref_squeeze %dma_start3A_140 : memref<1x40x64xi32, #tpu.memory_space<hbm>> -> memref<40x64xi32, #tpu.memory_space<hbm>>
      %dma_start3A_142 = arith.constant 40 : i32
      %dma_start3A_143 = arith.constant 0 : i32
      %dma_start3A_144 = tpu.memref_slice %arg3[%add3A, %dma_start3A_142, %dma_start3A_143] : memref<32x160x64xi32, #tpu.memory_space<hbm>> -> memref<1x40x64xi32, #tpu.memory_space<hbm>>
      %dma_start3A_145 = tpu.memref_squeeze %dma_start3A_144 : memref<1x40x64xi32, #tpu.memory_space<hbm>> -> memref<40x64xi32, #tpu.memory_space<hbm>>
      tpu.enqueue_dma source(%dma_start3A_145 : memref<40x64xi32, #tpu.memory_space<hbm>>) target(%arg7 : memref<40x64xi32, #tpu.memory_space<vmem>>) target_semaphore(%run_scoped3A : memref<!tpu.dma_semaphore, #tpu.memory_space<semaphore_mem>>)
      %dma_wait3A = arith.constant 40 : i32
      %dma_wait3A_146 = arith.constant 0 : i32
      %dma_wait3A_147 = tpu.memref_slice %arg3[%add3A, %dma_wait3A, %dma_wait3A_146] : memref<32x160x64xi32, #tpu.memory_space<hbm>> -> memref<1x40x64xi32, #tpu.memory_space<hbm>>
      %dma_wait3A_148 = tpu.memref_squeeze %dma_wait3A_147 : memref<1x40x64xi32, #tpu.memory_space<hbm>> -> memref<40x64xi32, #tpu.memory_space<hbm>>
      %dma_wait3A_149 = arith.constant 40 : i32
      %dma_wait3A_150 = arith.constant 0 : i32
      %dma_wait3A_151 = tpu.memref_slice %arg3[%add3A, %dma_wait3A_149, %dma_wait3A_150] : memref<32x160x64xi32, #tpu.memory_space<hbm>> -> memref<1x40x64xi32, #tpu.memory_space<hbm>>
      %dma_wait3A_152 = tpu.memref_squeeze %dma_wait3A_151 : memref<1x40x64xi32, #tpu.memory_space<hbm>> -> memref<40x64xi32, #tpu.memory_space<hbm>>
      tpu.wait_dma2 semaphore(%run_scoped3A : memref<!tpu.dma_semaphore, #tpu.memory_space<semaphore_mem>>) src(%dma_wait3A_152 : memref<40x64xi32, #tpu.memory_space<hbm>>) dst(%arg7 : memref<40x64xi32, #tpu.memory_space<vmem>>)
      tpu.yield
    }) : () -> ()
    "tpu.region"() ({
      %run_scoped3A = tpu.sem_alloc : memref<!tpu.dma_semaphore, #tpu.memory_space<semaphore_mem>>
      %dma_start3A_138 = arith.constant 40 : i32
      %dma_start3A_139 = arith.constant 0 : i32
      %dma_start3A_140 = tpu.memref_slice %arg4[%add3A, %dma_start3A_138, %dma_start3A_139] : memref<32x160x64xi32, #tpu.memory_space<hbm>> -> memref<1x40x64xi32, #tpu.memory_space<hbm>>
      %dma_start3A_141 = tpu.memref_squeeze %dma_start3A_140 : memref<1x40x64xi32, #tpu.memory_space<hbm>> -> memref<40x64xi32, #tpu.memory_space<hbm>>
      %dma_start3A_142 = arith.constant 40 : i32
      %dma_start3A_143 = arith.constant 0 : i32
      %dma_start3A_144 = tpu.memref_slice %arg4[%add3A, %dma_start3A_142, %dma_start3A_143] : memref<32x160x64xi32, #tpu.memory_space<hbm>> -> memref<1x40x64xi32, #tpu.memory_space<hbm>>
      %dma_start3A_145 = tpu.memref_squeeze %dma_start3A_144 : memref<1x40x64xi32, #tpu.memory_space<hbm>> -> memref<40x64xi32, #tpu.memory_space<hbm>>
      tpu.enqueue_dma source(%dma_start3A_145 : memref<40x64xi32, #tpu.memory_space<hbm>>) target(%arg8 : memref<40x64xi32, #tpu.memory_space<vmem>>) target_semaphore(%run_scoped3A : memref<!tpu.dma_semaphore, #tpu.memory_space<semaphore_mem>>)
      %dma_wait3A = arith.constant 40 : i32
      %dma_wait3A_146 = arith.constant 0 : i32
      %dma_wait3A_147 = tpu.memref_slice %arg4[%add3A, %dma_wait3A, %dma_wait3A_146] : memref<32x160x64xi32, #tpu.memory_space<hbm>> -> memref<1x40x64xi32, #tpu.memory_space<hbm>>
      %dma_wait3A_148 = tpu.memref_squeeze %dma_wait3A_147 : memref<1x40x64xi32, #tpu.memory_space<hbm>> -> memref<40x64xi32, #tpu.memory_space<hbm>>
      %dma_wait3A_149 = arith.constant 40 : i32
      %dma_wait3A_150 = arith.constant 0 : i32
      %dma_wait3A_151 = tpu.memref_slice %arg4[%add3A, %dma_wait3A_149, %dma_wait3A_150] : memref<32x160x64xi32, #tpu.memory_space<hbm>> -> memref<1x40x64xi32, #tpu.memory_space<hbm>>
      %dma_wait3A_152 = tpu.memref_squeeze %dma_wait3A_151 : memref<1x40x64xi32, #tpu.memory_space<hbm>> -> memref<40x64xi32, #tpu.memory_space<hbm>>
      tpu.wait_dma2 semaphore(%run_scoped3A : memref<!tpu.dma_semaphore, #tpu.memory_space<semaphore_mem>>) src(%dma_wait3A_152 : memref<40x64xi32, #tpu.memory_space<hbm>>) dst(%arg8 : memref<40x64xi32, #tpu.memory_space<vmem>>)
      tpu.yield
    }) : () -> ()
    %dma_start3A_34 = arith.constant 0 : i32
    %dma_start3A_35 = arith.constant 0 : i32
    %dma_start3A_36 = tpu.memref_slice %arg7[%dma_start3A_34, %dma_start3A_35] : memref<40x64xi32, #tpu.memory_space<vmem>> -> memref<1x64xi32, #tpu.memory_space<vmem>>
    %dma_start3A_37 = tpu.memref_squeeze %dma_start3A_36 : memref<1x64xi32, #tpu.memory_space<vmem>> -> memref<64xi32, #tpu.memory_space<vmem>>
    %dma_start3A_38 = arith.constant 0 : i32
    %dma_start3A_39 = arith.constant 0 : i32
    %dma_start3A_40 = tpu.memref_slice %arg2[%dma_start3A_38, %dma_start3A_39] : memref<10240x128xf32, #tpu.memory_space<hbm>> -> memref<10240x128xf32, #tpu.memory_space<hbm>>
    tpu.enqueue_indirect_dma source(%dma_start3A_40 : memref<10240x128xf32, #tpu.memory_space<hbm>>) target(%arg9 : memref<64x128xf32, #tpu.memory_space<vmem>>) offsets(%dma_start3A_37 : memref<64xi32, #tpu.memory_space<vmem>>) semaphore(%arg14 : memref<!tpu.dma_semaphore, #tpu.memory_space<semaphore_mem>>)
    %dma_start3A_41 = arith.constant 1 : i32
    %dma_start3A_42 = arith.constant 0 : i32
    %dma_start3A_43 = tpu.memref_slice %arg7[%dma_start3A_41, %dma_start3A_42] : memref<40x64xi32, #tpu.memory_space<vmem>> -> memref<1x64xi32, #tpu.memory_space<vmem>>
    %dma_start3A_44 = tpu.memref_squeeze %dma_start3A_43 : memref<1x64xi32, #tpu.memory_space<vmem>> -> memref<64xi32, #tpu.memory_space<vmem>>
    %dma_start3A_45 = arith.constant 0 : i32
    %dma_start3A_46 = arith.constant 0 : i32
    %dma_start3A_47 = tpu.memref_slice %arg2[%dma_start3A_45, %dma_start3A_46] : memref<10240x128xf32, #tpu.memory_space<hbm>> -> memref<10240x128xf32, #tpu.memory_space<hbm>>
    tpu.enqueue_indirect_dma source(%dma_start3A_47 : memref<10240x128xf32, #tpu.memory_space<hbm>>) target(%arg10 : memref<64x128xf32, #tpu.memory_space<vmem>>) offsets(%dma_start3A_44 : memref<64xi32, #tpu.memory_space<vmem>>) semaphore(%arg15 : memref<!tpu.dma_semaphore, #tpu.memory_space<semaphore_mem>>)
    %dma_start3A_48 = arith.constant 2 : i32
    %dma_start3A_49 = arith.constant 0 : i32
    %dma_start3A_50 = tpu.memref_slice %arg7[%dma_start3A_48, %dma_start3A_49] : memref<40x64xi32, #tpu.memory_space<vmem>> -> memref<1x64xi32, #tpu.memory_space<vmem>>
    %dma_start3A_51 = tpu.memref_squeeze %dma_start3A_50 : memref<1x64xi32, #tpu.memory_space<vmem>> -> memref<64xi32, #tpu.memory_space<vmem>>
    %dma_start3A_52 = arith.constant 0 : i32
    %dma_start3A_53 = arith.constant 0 : i32
    %dma_start3A_54 = tpu.memref_slice %arg2[%dma_start3A_52, %dma_start3A_53] : memref<10240x128xf32, #tpu.memory_space<hbm>> -> memref<10240x128xf32, #tpu.memory_space<hbm>>
    tpu.enqueue_indirect_dma source(%dma_start3A_54 : memref<10240x128xf32, #tpu.memory_space<hbm>>) target(%arg11 : memref<64x128xf32, #tpu.memory_space<vmem>>) offsets(%dma_start3A_51 : memref<64xi32, #tpu.memory_space<vmem>>) semaphore(%arg16 : memref<!tpu.dma_semaphore, #tpu.memory_space<semaphore_mem>>)
    %dma_start3A_55 = arith.constant 3 : i32
    %dma_start3A_56 = arith.constant 0 : i32
    %dma_start3A_57 = tpu.memref_slice %arg7[%dma_start3A_55, %dma_start3A_56] : memref<40x64xi32, #tpu.memory_space<vmem>> -> memref<1x64xi32, #tpu.memory_space<vmem>>
    %dma_start3A_58 = tpu.memref_squeeze %dma_start3A_57 : memref<1x64xi32, #tpu.memory_space<vmem>> -> memref<64xi32, #tpu.memory_space<vmem>>
    %dma_start3A_59 = arith.constant 0 : i32
    %dma_start3A_60 = arith.constant 0 : i32
    %dma_start3A_61 = tpu.memref_slice %arg2[%dma_start3A_59, %dma_start3A_60] : memref<10240x128xf32, #tpu.memory_space<hbm>> -> memref<10240x128xf32, #tpu.memory_space<hbm>>
    tpu.enqueue_indirect_dma source(%dma_start3A_61 : memref<10240x128xf32, #tpu.memory_space<hbm>>) target(%arg12 : memref<64x128xf32, #tpu.memory_space<vmem>>) offsets(%dma_start3A_58 : memref<64xi32, #tpu.memory_space<vmem>>) semaphore(%arg17 : memref<!tpu.dma_semaphore, #tpu.memory_space<semaphore_mem>>)
    %scan3A_62 = arith.constant 0 : i32
    %scan3A_63 = arith.constant 10 : i32
    %scan3A_64 = arith.addi %scan3A_62, %scan3A_63 : i32
    %scan3A_65 = arith.constant 1 : i32
    scf.for %scan3A_138 = %scan3A_62 to %scan3A_64 step %scan3A_65  : i32 {
      %mul3A_139 = arith.constant 4 : i32
      %mul3A_140 = arith.muli %scan3A_138, %mul3A_139 : i32
      %add3A_141 = arith.constant 0 : i32
      %add3A_142 = arith.addi %add3A_141, %mul3A_140 : i32
      %add3A_143 = arith.constant 0 : i32
      %add3A_144 = arith.addi %add3A_142, %add3A_143 : i32
      %dma_wait3A = arith.constant 0 : i32
      %dma_wait3A_145 = tpu.memref_slice %arg7[%add3A_144, %dma_wait3A] : memref<40x64xi32, #tpu.memory_space<vmem>> -> memref<1x64xi32, #tpu.memory_space<vmem>>
      %dma_wait3A_146 = tpu.memref_squeeze %dma_wait3A_145 : memref<1x64xi32, #tpu.memory_space<vmem>> -> memref<64xi32, #tpu.memory_space<vmem>>
      %dma_wait3A_147 = arith.constant 0 : i32
      %dma_wait3A_148 = arith.constant 0 : i32
      %dma_wait3A_149 = tpu.memref_slice %arg2[%dma_wait3A_147, %dma_wait3A_148] : memref<10240x128xf32, #tpu.memory_space<hbm>> -> memref<10240x128xf32, #tpu.memory_space<hbm>>
      tpu.wait_indirect_dma semaphore(%arg14 : memref<!tpu.dma_semaphore, #tpu.memory_space<semaphore_mem>>) src(%dma_wait3A_149 : memref<10240x128xf32, #tpu.memory_space<hbm>>) dst(%arg9 : memref<64x128xf32, #tpu.memory_space<vmem>>)
      %add3A_150 = arith.constant 0 : i32
      %add3A_151 = arith.addi %add3A_142, %add3A_150 : i32
      %dma_start3A_152 = arith.constant 0 : i32
      %dma_start3A_153 = tpu.memref_slice %arg8[%add3A_151, %dma_start3A_152] : memref<40x64xi32, #tpu.memory_space<vmem>> -> memref<1x64xi32, #tpu.memory_space<vmem>>
      %dma_start3A_154 = tpu.memref_squeeze %dma_start3A_153 : memref<1x64xi32, #tpu.memory_space<vmem>> -> memref<64xi32, #tpu.memory_space<vmem>>
      %dma_start3A_155 = arith.constant 0 : i32
      %dma_start3A_156 = arith.constant 0 : i32
      %dma_start3A_157 = tpu.memref_slice %arg13[%dma_start3A_155, %dma_start3A_156] : memref<10240x128xf32, #tpu.memory_space<vmem_shared>> -> memref<10240x128xf32, #tpu.memory_space<vmem_shared>>
      tpu.enqueue_indirect_dma source(%arg9 : memref<64x128xf32, #tpu.memory_space<vmem>>) target(%dma_start3A_157 : memref<10240x128xf32, #tpu.memory_space<vmem_shared>>) offsets(%dma_start3A_154 : memref<64xi32, #tpu.memory_space<vmem>>) semaphore(%arg18 : memref<!tpu.dma_semaphore, #tpu.memory_space<semaphore_mem>>) {add = true}
      %add3A_158 = arith.constant 1 : i32
      %add3A_159 = arith.addi %add3A_142, %add3A_158 : i32
      %dma_wait3A_160 = arith.constant 0 : i32
      %dma_wait3A_161 = tpu.memref_slice %arg7[%add3A_159, %dma_wait3A_160] : memref<40x64xi32, #tpu.memory_space<vmem>> -> memref<1x64xi32, #tpu.memory_space<vmem>>
      %dma_wait3A_162 = tpu.memref_squeeze %dma_wait3A_161 : memref<1x64xi32, #tpu.memory_space<vmem>> -> memref<64xi32, #tpu.memory_space<vmem>>
      %dma_wait3A_163 = arith.constant 0 : i32
      %dma_wait3A_164 = arith.constant 0 : i32
      %dma_wait3A_165 = tpu.memref_slice %arg2[%dma_wait3A_163, %dma_wait3A_164] : memref<10240x128xf32, #tpu.memory_space<hbm>> -> memref<10240x128xf32, #tpu.memory_space<hbm>>
      tpu.wait_indirect_dma semaphore(%arg15 : memref<!tpu.dma_semaphore, #tpu.memory_space<semaphore_mem>>) src(%dma_wait3A_165 : memref<10240x128xf32, #tpu.memory_space<hbm>>) dst(%arg10 : memref<64x128xf32, #tpu.memory_space<vmem>>)
      %add3A_166 = arith.constant 1 : i32
      %add3A_167 = arith.addi %add3A_142, %add3A_166 : i32
      %dma_start3A_168 = arith.constant 0 : i32
      %dma_start3A_169 = tpu.memref_slice %arg8[%add3A_167, %dma_start3A_168] : memref<40x64xi32, #tpu.memory_space<vmem>> -> memref<1x64xi32, #tpu.memory_space<vmem>>
      %dma_start3A_170 = tpu.memref_squeeze %dma_start3A_169 : memref<1x64xi32, #tpu.memory_space<vmem>> -> memref<64xi32, #tpu.memory_space<vmem>>
      %dma_start3A_171 = arith.constant 0 : i32
      %dma_start3A_172 = arith.constant 0 : i32
      %dma_start3A_173 = tpu.memref_slice %arg13[%dma_start3A_171, %dma_start3A_172] : memref<10240x128xf32, #tpu.memory_space<vmem_shared>> -> memref<10240x128xf32, #tpu.memory_space<vmem_shared>>
      tpu.enqueue_indirect_dma source(%arg10 : memref<64x128xf32, #tpu.memory_space<vmem>>) target(%dma_start3A_173 : memref<10240x128xf32, #tpu.memory_space<vmem_shared>>) offsets(%dma_start3A_170 : memref<64xi32, #tpu.memory_space<vmem>>) semaphore(%arg19 : memref<!tpu.dma_semaphore, #tpu.memory_space<semaphore_mem>>) {add = true}
      %add3A_174 = arith.constant 2 : i32
      %add3A_175 = arith.addi %add3A_142, %add3A_174 : i32
      %dma_wait3A_176 = arith.constant 0 : i32
      %dma_wait3A_177 = tpu.memref_slice %arg7[%add3A_175, %dma_wait3A_176] : memref<40x64xi32, #tpu.memory_space<vmem>> -> memref<1x64xi32, #tpu.memory_space<vmem>>
      %dma_wait3A_178 = tpu.memref_squeeze %dma_wait3A_177 : memref<1x64xi32, #tpu.memory_space<vmem>> -> memref<64xi32, #tpu.memory_space<vmem>>
      %dma_wait3A_179 = arith.constant 0 : i32
      %dma_wait3A_180 = arith.constant 0 : i32
      %dma_wait3A_181 = tpu.memref_slice %arg2[%dma_wait3A_179, %dma_wait3A_180] : memref<10240x128xf32, #tpu.memory_space<hbm>> -> memref<10240x128xf32, #tpu.memory_space<hbm>>
      tpu.wait_indirect_dma semaphore(%arg16 : memref<!tpu.dma_semaphore, #tpu.memory_space<semaphore_mem>>) src(%dma_wait3A_181 : memref<10240x128xf32, #tpu.memory_space<hbm>>) dst(%arg11 : memref<64x128xf32, #tpu.memory_space<vmem>>)
      %add3A_182 = arith.constant 2 : i32
      %add3A_183 = arith.addi %add3A_142, %add3A_182 : i32
      %dma_start3A_184 = arith.constant 0 : i32
      %dma_start3A_185 = tpu.memref_slice %arg8[%add3A_183, %dma_start3A_184] : memref<40x64xi32, #tpu.memory_space<vmem>> -> memref<1x64xi32, #tpu.memory_space<vmem>>
      %dma_start3A_186 = tpu.memref_squeeze %dma_start3A_185 : memref<1x64xi32, #tpu.memory_space<vmem>> -> memref<64xi32, #tpu.memory_space<vmem>>
      %dma_start3A_187 = arith.constant 0 : i32
      %dma_start3A_188 = arith.constant 0 : i32
      %dma_start3A_189 = tpu.memref_slice %arg13[%dma_start3A_187, %dma_start3A_188] : memref<10240x128xf32, #tpu.memory_space<vmem_shared>> -> memref<10240x128xf32, #tpu.memory_space<vmem_shared>>
      tpu.enqueue_indirect_dma source(%arg11 : memref<64x128xf32, #tpu.memory_space<vmem>>) target(%dma_start3A_189 : memref<10240x128xf32, #tpu.memory_space<vmem_shared>>) offsets(%dma_start3A_186 : memref<64xi32, #tpu.memory_space<vmem>>) semaphore(%arg20 : memref<!tpu.dma_semaphore, #tpu.memory_space<semaphore_mem>>) {add = true}
      %add3A_190 = arith.constant 3 : i32
      %add3A_191 = arith.addi %add3A_142, %add3A_190 : i32
      %dma_wait3A_192 = arith.constant 0 : i32
      %dma_wait3A_193 = tpu.memref_slice %arg7[%add3A_191, %dma_wait3A_192] : memref<40x64xi32, #tpu.memory_space<vmem>> -> memref<1x64xi32, #tpu.memory_space<vmem>>
      %dma_wait3A_194 = tpu.memref_squeeze %dma_wait3A_193 : memref<1x64xi32, #tpu.memory_space<vmem>> -> memref<64xi32, #tpu.memory_space<vmem>>
      %dma_wait3A_195 = arith.constant 0 : i32
      %dma_wait3A_196 = arith.constant 0 : i32
      %dma_wait3A_197 = tpu.memref_slice %arg2[%dma_wait3A_195, %dma_wait3A_196] : memref<10240x128xf32, #tpu.memory_space<hbm>> -> memref<10240x128xf32, #tpu.memory_space<hbm>>
      tpu.wait_indirect_dma semaphore(%arg17 : memref<!tpu.dma_semaphore, #tpu.memory_space<semaphore_mem>>) src(%dma_wait3A_197 : memref<10240x128xf32, #tpu.memory_space<hbm>>) dst(%arg12 : memref<64x128xf32, #tpu.memory_space<vmem>>)
      %add3A_198 = arith.constant 3 : i32
      %add3A_199 = arith.addi %add3A_142, %add3A_198 : i32
      %dma_start3A_200 = arith.constant 0 : i32
      %dma_start3A_201 = tpu.memref_slice %arg8[%add3A_199, %dma_start3A_200] : memref<40x64xi32, #tpu.memory_space<vmem>> -> memref<1x64xi32, #tpu.memory_space<vmem>>
      %dma_start3A_202 = tpu.memref_squeeze %dma_start3A_201 : memref<1x64xi32, #tpu.memory_space<vmem>> -> memref<64xi32, #tpu.memory_space<vmem>>
      %dma_start3A_203 = arith.constant 0 : i32
      %dma_start3A_204 = arith.constant 0 : i32
      %dma_start3A_205 = tpu.memref_slice %arg13[%dma_start3A_203, %dma_start3A_204] : memref<10240x128xf32, #tpu.memory_space<vmem_shared>> -> memref<10240x128xf32, #tpu.memory_space<vmem_shared>>
      tpu.enqueue_indirect_dma source(%arg12 : memref<64x128xf32, #tpu.memory_space<vmem>>) target(%dma_start3A_205 : memref<10240x128xf32, #tpu.memory_space<vmem_shared>>) offsets(%dma_start3A_202 : memref<64xi32, #tpu.memory_space<vmem>>) semaphore(%arg21 : memref<!tpu.dma_semaphore, #tpu.memory_space<semaphore_mem>>) {add = true}
      %add3A_206 = arith.constant 0 : i32
      %add3A_207 = arith.addi %add3A_142, %add3A_206 : i32
      %dma_wait3A_208 = arith.constant 0 : i32
      %dma_wait3A_209 = tpu.memref_slice %arg8[%add3A_207, %dma_wait3A_208] : memref<40x64xi32, #tpu.memory_space<vmem>> -> memref<1x64xi32, #tpu.memory_space<vmem>>
      %dma_wait3A_210 = tpu.memref_squeeze %dma_wait3A_209 : memref<1x64xi32, #tpu.memory_space<vmem>> -> memref<64xi32, #tpu.memory_space<vmem>>
      %dma_wait3A_211 = arith.constant 0 : i32
      %dma_wait3A_212 = arith.constant 0 : i32
      %dma_wait3A_213 = tpu.memref_slice %arg13[%dma_wait3A_211, %dma_wait3A_212] : memref<10240x128xf32, #tpu.memory_space<vmem_shared>> -> memref<10240x128xf32, #tpu.memory_space<vmem_shared>>
      tpu.wait_indirect_dma semaphore(%arg18 : memref<!tpu.dma_semaphore, #tpu.memory_space<semaphore_mem>>) src(%arg9 : memref<64x128xf32, #tpu.memory_space<vmem>>) dst(%dma_wait3A_213 : memref<10240x128xf32, #tpu.memory_space<vmem_shared>>)
      %add3A_214 = arith.constant 0 : i32
      %add3A_215 = arith.addi %add3A_142, %add3A_214 : i32
      %add3A_216 = arith.constant 4 : i32
      %add3A_217 = arith.addi %add3A_215, %add3A_216 : i32
      %lt3A = arith.constant 40 : i32
      %lt3A_218 = arith.cmpi slt, %add3A_217, %lt3A : i32
      %convert_element_type3A = arith.extui %lt3A_218 : i1 to i32
      %cond3A = arith.constant 0 : i32
      %cond3A_219 = arith.cmpi ne, %convert_element_type3A, %cond3A : i32
      scf.if %cond3A_219 {
        %add3A_271 = arith.constant 0 : i32
        %add3A_272 = arith.addi %add3A_142, %add3A_271 : i32
        %add3A_273 = arith.constant 4 : i32
        %add3A_274 = arith.addi %add3A_272, %add3A_273 : i32
        %dma_start3A_275 = arith.constant 0 : i32
        %dma_start3A_276 = tpu.memref_slice %arg7[%add3A_274, %dma_start3A_275] : memref<40x64xi32, #tpu.memory_space<vmem>> -> memref<1x64xi32, #tpu.memory_space<vmem>>
        %dma_start3A_277 = tpu.memref_squeeze %dma_start3A_276 : memref<1x64xi32, #tpu.memory_space<vmem>> -> memref<64xi32, #tpu.memory_space<vmem>>
        %dma_start3A_278 = arith.constant 0 : i32
        %dma_start3A_279 = arith.constant 0 : i32
        %dma_start3A_280 = tpu.memref_slice %arg2[%dma_start3A_278, %dma_start3A_279] : memref<10240x128xf32, #tpu.memory_space<hbm>> -> memref<10240x128xf32, #tpu.memory_space<hbm>>
        tpu.enqueue_indirect_dma source(%dma_start3A_280 : memref<10240x128xf32, #tpu.memory_space<hbm>>) target(%arg9 : memref<64x128xf32, #tpu.memory_space<vmem>>) offsets(%dma_start3A_277 : memref<64xi32, #tpu.memory_space<vmem>>) semaphore(%arg14 : memref<!tpu.dma_semaphore, #tpu.memory_space<semaphore_mem>>)
      } else {
      }
      %add3A_220 = arith.constant 1 : i32
      %add3A_221 = arith.addi %add3A_142, %add3A_220 : i32
      %dma_wait3A_222 = arith.constant 0 : i32
      %dma_wait3A_223 = tpu.memref_slice %arg8[%add3A_221, %dma_wait3A_222] : memref<40x64xi32, #tpu.memory_space<vmem>> -> memref<1x64xi32, #tpu.memory_space<vmem>>
      %dma_wait3A_224 = tpu.memref_squeeze %dma_wait3A_223 : memref<1x64xi32, #tpu.memory_space<vmem>> -> memref<64xi32, #tpu.memory_space<vmem>>
      %dma_wait3A_225 = arith.constant 0 : i32
      %dma_wait3A_226 = arith.constant 0 : i32
      %dma_wait3A_227 = tpu.memref_slice %arg13[%dma_wait3A_225, %dma_wait3A_226] : memref<10240x128xf32, #tpu.memory_space<vmem_shared>> -> memref<10240x128xf32, #tpu.memory_space<vmem_shared>>
      tpu.wait_indirect_dma semaphore(%arg19 : memref<!tpu.dma_semaphore, #tpu.memory_space<semaphore_mem>>) src(%arg10 : memref<64x128xf32, #tpu.memory_space<vmem>>) dst(%dma_wait3A_227 : memref<10240x128xf32, #tpu.memory_space<vmem_shared>>)
      %add3A_228 = arith.constant 1 : i32
      %add3A_229 = arith.addi %add3A_142, %add3A_228 : i32
      %add3A_230 = arith.constant 4 : i32
      %add3A_231 = arith.addi %add3A_229, %add3A_230 : i32
      %lt3A_232 = arith.constant 40 : i32
      %lt3A_233 = arith.cmpi slt, %add3A_231, %lt3A_232 : i32
      %convert_element_type3A_234 = arith.extui %lt3A_233 : i1 to i32
      %cond3A_235 = arith.constant 0 : i32
      %cond3A_236 = arith.cmpi ne, %convert_element_type3A_234, %cond3A_235 : i32
      scf.if %cond3A_236 {
        %add3A_271 = arith.constant 1 : i32
        %add3A_272 = arith.addi %add3A_142, %add3A_271 : i32
        %add3A_273 = arith.constant 4 : i32
        %add3A_274 = arith.addi %add3A_272, %add3A_273 : i32
        %dma_start3A_275 = arith.constant 0 : i32
        %dma_start3A_276 = tpu.memref_slice %arg7[%add3A_274, %dma_start3A_275] : memref<40x64xi32, #tpu.memory_space<vmem>> -> memref<1x64xi32, #tpu.memory_space<vmem>>
        %dma_start3A_277 = tpu.memref_squeeze %dma_start3A_276 : memref<1x64xi32, #tpu.memory_space<vmem>> -> memref<64xi32, #tpu.memory_space<vmem>>
        %dma_start3A_278 = arith.constant 0 : i32
        %dma_start3A_279 = arith.constant 0 : i32
        %dma_start3A_280 = tpu.memref_slice %arg2[%dma_start3A_278, %dma_start3A_279] : memref<10240x128xf32, #tpu.memory_space<hbm>> -> memref<10240x128xf32, #tpu.memory_space<hbm>>
        tpu.enqueue_indirect_dma source(%dma_start3A_280 : memref<10240x128xf32, #tpu.memory_space<hbm>>) target(%arg10 : memref<64x128xf32, #tpu.memory_space<vmem>>) offsets(%dma_start3A_277 : memref<64xi32, #tpu.memory_space<vmem>>) semaphore(%arg15 : memref<!tpu.dma_semaphore, #tpu.memory_space<semaphore_mem>>)
      } else {
      }
      %add3A_237 = arith.constant 2 : i32
      %add3A_238 = arith.addi %add3A_142, %add3A_237 : i32
      %dma_wait3A_239 = arith.constant 0 : i32
      %dma_wait3A_240 = tpu.memref_slice %arg8[%add3A_238, %dma_wait3A_239] : memref<40x64xi32, #tpu.memory_space<vmem>> -> memref<1x64xi32, #tpu.memory_space<vmem>>
      %dma_wait3A_241 = tpu.memref_squeeze %dma_wait3A_240 : memref<1x64xi32, #tpu.memory_space<vmem>> -> memref<64xi32, #tpu.memory_space<vmem>>
      %dma_wait3A_242 = arith.constant 0 : i32
      %dma_wait3A_243 = arith.constant 0 : i32
      %dma_wait3A_244 = tpu.memref_slice %arg13[%dma_wait3A_242, %dma_wait3A_243] : memref<10240x128xf32, #tpu.memory_space<vmem_shared>> -> memref<10240x128xf32, #tpu.memory_space<vmem_shared>>
      tpu.wait_indirect_dma semaphore(%arg20 : memref<!tpu.dma_semaphore, #tpu.memory_space<semaphore_mem>>) src(%arg11 : memref<64x128xf32, #tpu.memory_space<vmem>>) dst(%dma_wait3A_244 : memref<10240x128xf32, #tpu.memory_space<vmem_shared>>)
      %add3A_245 = arith.constant 2 : i32
      %add3A_246 = arith.addi %add3A_142, %add3A_245 : i32
      %add3A_247 = arith.constant 4 : i32
      %add3A_248 = arith.addi %add3A_246, %add3A_247 : i32
      %lt3A_249 = arith.constant 40 : i32
      %lt3A_250 = arith.cmpi slt, %add3A_248, %lt3A_249 : i32
      %convert_element_type3A_251 = arith.extui %lt3A_250 : i1 to i32
      %cond3A_252 = arith.constant 0 : i32
      %cond3A_253 = arith.cmpi ne, %convert_element_type3A_251, %cond3A_252 : i32
      scf.if %cond3A_253 {
        %add3A_271 = arith.constant 2 : i32
        %add3A_272 = arith.addi %add3A_142, %add3A_271 : i32
        %add3A_273 = arith.constant 4 : i32
        %add3A_274 = arith.addi %add3A_272, %add3A_273 : i32
        %dma_start3A_275 = arith.constant 0 : i32
        %dma_start3A_276 = tpu.memref_slice %arg7[%add3A_274, %dma_start3A_275] : memref<40x64xi32, #tpu.memory_space<vmem>> -> memref<1x64xi32, #tpu.memory_space<vmem>>
        %dma_start3A_277 = tpu.memref_squeeze %dma_start3A_276 : memref<1x64xi32, #tpu.memory_space<vmem>> -> memref<64xi32, #tpu.memory_space<vmem>>
        %dma_start3A_278 = arith.constant 0 : i32
        %dma_start3A_279 = arith.constant 0 : i32
        %dma_start3A_280 = tpu.memref_slice %arg2[%dma_start3A_278, %dma_start3A_279] : memref<10240x128xf32, #tpu.memory_space<hbm>> -> memref<10240x128xf32, #tpu.memory_space<hbm>>
        tpu.enqueue_indirect_dma source(%dma_start3A_280 : memref<10240x128xf32, #tpu.memory_space<hbm>>) target(%arg11 : memref<64x128xf32, #tpu.memory_space<vmem>>) offsets(%dma_start3A_277 : memref<64xi32, #tpu.memory_space<vmem>>) semaphore(%arg16 : memref<!tpu.dma_semaphore, #tpu.memory_space<semaphore_mem>>)
      } else {
      }
      %add3A_254 = arith.constant 3 : i32
      %add3A_255 = arith.addi %add3A_142, %add3A_254 : i32
      %dma_wait3A_256 = arith.constant 0 : i32
      %dma_wait3A_257 = tpu.memref_slice %arg8[%add3A_255, %dma_wait3A_256] : memref<40x64xi32, #tpu.memory_space<vmem>> -> memref<1x64xi32, #tpu.memory_space<vmem>>
      %dma_wait3A_258 = tpu.memref_squeeze %dma_wait3A_257 : memref<1x64xi32, #tpu.memory_space<vmem>> -> memref<64xi32, #tpu.memory_space<vmem>>
      %dma_wait3A_259 = arith.constant 0 : i32
      %dma_wait3A_260 = arith.constant 0 : i32
      %dma_wait3A_261 = tpu.memref_slice %arg13[%dma_wait3A_259, %dma_wait3A_260] : memref<10240x128xf32, #tpu.memory_space<vmem_shared>> -> memref<10240x128xf32, #tpu.memory_space<vmem_shared>>
      tpu.wait_indirect_dma semaphore(%arg21 : memref<!tpu.dma_semaphore, #tpu.memory_space<semaphore_mem>>) src(%arg12 : memref<64x128xf32, #tpu.memory_space<vmem>>) dst(%dma_wait3A_261 : memref<10240x128xf32, #tpu.memory_space<vmem_shared>>)
      %add3A_262 = arith.constant 3 : i32
      %add3A_263 = arith.addi %add3A_142, %add3A_262 : i32
      %add3A_264 = arith.constant 4 : i32
      %add3A_265 = arith.addi %add3A_263, %add3A_264 : i32
      %lt3A_266 = arith.constant 40 : i32
      %lt3A_267 = arith.cmpi slt, %add3A_265, %lt3A_266 : i32
      %convert_element_type3A_268 = arith.extui %lt3A_267 : i1 to i32
      %cond3A_269 = arith.constant 0 : i32
      %cond3A_270 = arith.cmpi ne, %convert_element_type3A_268, %cond3A_269 : i32
      scf.if %cond3A_270 {
        %add3A_271 = arith.constant 3 : i32
        %add3A_272 = arith.addi %add3A_142, %add3A_271 : i32
        %add3A_273 = arith.constant 4 : i32
        %add3A_274 = arith.addi %add3A_272, %add3A_273 : i32
        %dma_start3A_275 = arith.constant 0 : i32
        %dma_start3A_276 = tpu.memref_slice %arg7[%add3A_274, %dma_start3A_275] : memref<40x64xi32, #tpu.memory_space<vmem>> -> memref<1x64xi32, #tpu.memory_space<vmem>>
        %dma_start3A_277 = tpu.memref_squeeze %dma_start3A_276 : memref<1x64xi32, #tpu.memory_space<vmem>> -> memref<64xi32, #tpu.memory_space<vmem>>
        %dma_start3A_278 = arith.constant 0 : i32
        %dma_start3A_279 = arith.constant 0 : i32
        %dma_start3A_280 = tpu.memref_slice %arg2[%dma_start3A_278, %dma_start3A_279] : memref<10240x128xf32, #tpu.memory_space<hbm>> -> memref<10240x128xf32, #tpu.memory_space<hbm>>
        tpu.enqueue_indirect_dma source(%dma_start3A_280 : memref<10240x128xf32, #tpu.memory_space<hbm>>) target(%arg12 : memref<64x128xf32, #tpu.memory_space<vmem>>) offsets(%dma_start3A_277 : memref<64xi32, #tpu.memory_space<vmem>>) semaphore(%arg17 : memref<!tpu.dma_semaphore, #tpu.memory_space<semaphore_mem>>)
      } else {
      }
    }
    %scan3A_66 = arith.constant 10 : i32
    "tpu.region"() ({
      %run_scoped3A = tpu.sem_alloc : memref<!tpu.dma_semaphore, #tpu.memory_space<semaphore_mem>>
      %dma_start3A_138 = arith.constant 80 : i32
      %dma_start3A_139 = arith.constant 0 : i32
      %dma_start3A_140 = tpu.memref_slice %arg3[%add3A, %dma_start3A_138, %dma_start3A_139] : memref<32x160x64xi32, #tpu.memory_space<hbm>> -> memref<1x40x64xi32, #tpu.memory_space<hbm>>
      %dma_start3A_141 = tpu.memref_squeeze %dma_start3A_140 : memref<1x40x64xi32, #tpu.memory_space<hbm>> -> memref<40x64xi32, #tpu.memory_space<hbm>>
      %dma_start3A_142 = arith.constant 80 : i32
      %dma_start3A_143 = arith.constant 0 : i32
      %dma_start3A_144 = tpu.memref_slice %arg3[%add3A, %dma_start3A_142, %dma_start3A_143] : memref<32x160x64xi32, #tpu.memory_space<hbm>> -> memref<1x40x64xi32, #tpu.memory_space<hbm>>
      %dma_start3A_145 = tpu.memref_squeeze %dma_start3A_144 : memref<1x40x64xi32, #tpu.memory_space<hbm>> -> memref<40x64xi32, #tpu.memory_space<hbm>>
      tpu.enqueue_dma source(%dma_start3A_145 : memref<40x64xi32, #tpu.memory_space<hbm>>) target(%arg7 : memref<40x64xi32, #tpu.memory_space<vmem>>) target_semaphore(%run_scoped3A : memref<!tpu.dma_semaphore, #tpu.memory_space<semaphore_mem>>)
      %dma_wait3A = arith.constant 80 : i32
      %dma_wait3A_146 = arith.constant 0 : i32
      %dma_wait3A_147 = tpu.memref_slice %arg3[%add3A, %dma_wait3A, %dma_wait3A_146] : memref<32x160x64xi32, #tpu.memory_space<hbm>> -> memref<1x40x64xi32, #tpu.memory_space<hbm>>
      %dma_wait3A_148 = tpu.memref_squeeze %dma_wait3A_147 : memref<1x40x64xi32, #tpu.memory_space<hbm>> -> memref<40x64xi32, #tpu.memory_space<hbm>>
      %dma_wait3A_149 = arith.constant 80 : i32
      %dma_wait3A_150 = arith.constant 0 : i32
      %dma_wait3A_151 = tpu.memref_slice %arg3[%add3A, %dma_wait3A_149, %dma_wait3A_150] : memref<32x160x64xi32, #tpu.memory_space<hbm>> -> memref<1x40x64xi32, #tpu.memory_space<hbm>>
      %dma_wait3A_152 = tpu.memref_squeeze %dma_wait3A_151 : memref<1x40x64xi32, #tpu.memory_space<hbm>> -> memref<40x64xi32, #tpu.memory_space<hbm>>
      tpu.wait_dma2 semaphore(%run_scoped3A : memref<!tpu.dma_semaphore, #tpu.memory_space<semaphore_mem>>) src(%dma_wait3A_152 : memref<40x64xi32, #tpu.memory_space<hbm>>) dst(%arg7 : memref<40x64xi32, #tpu.memory_space<vmem>>)
      tpu.yield
    }) : () -> ()
    "tpu.region"() ({
      %run_scoped3A = tpu.sem_alloc : memref<!tpu.dma_semaphore, #tpu.memory_space<semaphore_mem>>
      %dma_start3A_138 = arith.constant 80 : i32
      %dma_start3A_139 = arith.constant 0 : i32
      %dma_start3A_140 = tpu.memref_slice %arg4[%add3A, %dma_start3A_138, %dma_start3A_139] : memref<32x160x64xi32, #tpu.memory_space<hbm>> -> memref<1x40x64xi32, #tpu.memory_space<hbm>>
      %dma_start3A_141 = tpu.memref_squeeze %dma_start3A_140 : memref<1x40x64xi32, #tpu.memory_space<hbm>> -> memref<40x64xi32, #tpu.memory_space<hbm>>
      %dma_start3A_142 = arith.constant 80 : i32
      %dma_start3A_143 = arith.constant 0 : i32
      %dma_start3A_144 = tpu.memref_slice %arg4[%add3A, %dma_start3A_142, %dma_start3A_143] : memref<32x160x64xi32, #tpu.memory_space<hbm>> -> memref<1x40x64xi32, #tpu.memory_space<hbm>>
      %dma_start3A_145 = tpu.memref_squeeze %dma_start3A_144 : memref<1x40x64xi32, #tpu.memory_space<hbm>> -> memref<40x64xi32, #tpu.memory_space<hbm>>
      tpu.enqueue_dma source(%dma_start3A_145 : memref<40x64xi32, #tpu.memory_space<hbm>>) target(%arg8 : memref<40x64xi32, #tpu.memory_space<vmem>>) target_semaphore(%run_scoped3A : memref<!tpu.dma_semaphore, #tpu.memory_space<semaphore_mem>>)
      %dma_wait3A = arith.constant 80 : i32
      %dma_wait3A_146 = arith.constant 0 : i32
      %dma_wait3A_147 = tpu.memref_slice %arg4[%add3A, %dma_wait3A, %dma_wait3A_146] : memref<32x160x64xi32, #tpu.memory_space<hbm>> -> memref<1x40x64xi32, #tpu.memory_space<hbm>>
      %dma_wait3A_148 = tpu.memref_squeeze %dma_wait3A_147 : memref<1x40x64xi32, #tpu.memory_space<hbm>> -> memref<40x64xi32, #tpu.memory_space<hbm>>
      %dma_wait3A_149 = arith.constant 80 : i32
      %dma_wait3A_150 = arith.constant 0 : i32
      %dma_wait3A_151 = tpu.memref_slice %arg4[%add3A, %dma_wait3A_149, %dma_wait3A_150] : memref<32x160x64xi32, #tpu.memory_space<hbm>> -> memref<1x40x64xi32, #tpu.memory_space<hbm>>
      %dma_wait3A_152 = tpu.memref_squeeze %dma_wait3A_151 : memref<1x40x64xi32, #tpu.memory_space<hbm>> -> memref<40x64xi32, #tpu.memory_space<hbm>>
      tpu.wait_dma2 semaphore(%run_scoped3A : memref<!tpu.dma_semaphore, #tpu.memory_space<semaphore_mem>>) src(%dma_wait3A_152 : memref<40x64xi32, #tpu.memory_space<hbm>>) dst(%arg8 : memref<40x64xi32, #tpu.memory_space<vmem>>)
      tpu.yield
    }) : () -> ()
    %dma_start3A_67 = arith.constant 0 : i32
    %dma_start3A_68 = arith.constant 0 : i32
    %dma_start3A_69 = tpu.memref_slice %arg7[%dma_start3A_67, %dma_start3A_68] : memref<40x64xi32, #tpu.memory_space<vmem>> -> memref<1x64xi32, #tpu.memory_space<vmem>>
    %dma_start3A_70 = tpu.memref_squeeze %dma_start3A_69 : memref<1x64xi32, #tpu.memory_space<vmem>> -> memref<64xi32, #tpu.memory_space<vmem>>
    %dma_start3A_71 = arith.constant 0 : i32
    %dma_start3A_72 = arith.constant 0 : i32
    %dma_start3A_73 = tpu.memref_slice %arg2[%dma_start3A_71, %dma_start3A_72] : memref<10240x128xf32, #tpu.memory_space<hbm>> -> memref<10240x128xf32, #tpu.memory_space<hbm>>
    tpu.enqueue_indirect_dma source(%dma_start3A_73 : memref<10240x128xf32, #tpu.memory_space<hbm>>) target(%arg9 : memref<64x128xf32, #tpu.memory_space<vmem>>) offsets(%dma_start3A_70 : memref<64xi32, #tpu.memory_space<vmem>>) semaphore(%arg14 : memref<!tpu.dma_semaphore, #tpu.memory_space<semaphore_mem>>)
    %dma_start3A_74 = arith.constant 1 : i32
    %dma_start3A_75 = arith.constant 0 : i32
    %dma_start3A_76 = tpu.memref_slice %arg7[%dma_start3A_74, %dma_start3A_75] : memref<40x64xi32, #tpu.memory_space<vmem>> -> memref<1x64xi32, #tpu.memory_space<vmem>>
    %dma_start3A_77 = tpu.memref_squeeze %dma_start3A_76 : memref<1x64xi32, #tpu.memory_space<vmem>> -> memref<64xi32, #tpu.memory_space<vmem>>
    %dma_start3A_78 = arith.constant 0 : i32
    %dma_start3A_79 = arith.constant 0 : i32
    %dma_start3A_80 = tpu.memref_slice %arg2[%dma_start3A_78, %dma_start3A_79] : memref<10240x128xf32, #tpu.memory_space<hbm>> -> memref<10240x128xf32, #tpu.memory_space<hbm>>
    tpu.enqueue_indirect_dma source(%dma_start3A_80 : memref<10240x128xf32, #tpu.memory_space<hbm>>) target(%arg10 : memref<64x128xf32, #tpu.memory_space<vmem>>) offsets(%dma_start3A_77 : memref<64xi32, #tpu.memory_space<vmem>>) semaphore(%arg15 : memref<!tpu.dma_semaphore, #tpu.memory_space<semaphore_mem>>)
    %dma_start3A_81 = arith.constant 2 : i32
    %dma_start3A_82 = arith.constant 0 : i32
    %dma_start3A_83 = tpu.memref_slice %arg7[%dma_start3A_81, %dma_start3A_82] : memref<40x64xi32, #tpu.memory_space<vmem>> -> memref<1x64xi32, #tpu.memory_space<vmem>>
    %dma_start3A_84 = tpu.memref_squeeze %dma_start3A_83 : memref<1x64xi32, #tpu.memory_space<vmem>> -> memref<64xi32, #tpu.memory_space<vmem>>
    %dma_start3A_85 = arith.constant 0 : i32
    %dma_start3A_86 = arith.constant 0 : i32
    %dma_start3A_87 = tpu.memref_slice %arg2[%dma_start3A_85, %dma_start3A_86] : memref<10240x128xf32, #tpu.memory_space<hbm>> -> memref<10240x128xf32, #tpu.memory_space<hbm>>
    tpu.enqueue_indirect_dma source(%dma_start3A_87 : memref<10240x128xf32, #tpu.memory_space<hbm>>) target(%arg11 : memref<64x128xf32, #tpu.memory_space<vmem>>) offsets(%dma_start3A_84 : memref<64xi32, #tpu.memory_space<vmem>>) semaphore(%arg16 : memref<!tpu.dma_semaphore, #tpu.memory_space<semaphore_mem>>)
    %dma_start3A_88 = arith.constant 3 : i32
    %dma_start3A_89 = arith.constant 0 : i32
    %dma_start3A_90 = tpu.memref_slice %arg7[%dma_start3A_88, %dma_start3A_89] : memref<40x64xi32, #tpu.memory_space<vmem>> -> memref<1x64xi32, #tpu.memory_space<vmem>>
    %dma_start3A_91 = tpu.memref_squeeze %dma_start3A_90 : memref<1x64xi32, #tpu.memory_space<vmem>> -> memref<64xi32, #tpu.memory_space<vmem>>
    %dma_start3A_92 = arith.constant 0 : i32
    %dma_start3A_93 = arith.constant 0 : i32
    %dma_start3A_94 = tpu.memref_slice %arg2[%dma_start3A_92, %dma_start3A_93] : memref<10240x128xf32, #tpu.memory_space<hbm>> -> memref<10240x128xf32, #tpu.memory_space<hbm>>
    tpu.enqueue_indirect_dma source(%dma_start3A_94 : memref<10240x128xf32, #tpu.memory_space<hbm>>) target(%arg12 : memref<64x128xf32, #tpu.memory_space<vmem>>) offsets(%dma_start3A_91 : memref<64xi32, #tpu.memory_space<vmem>>) semaphore(%arg17 : memref<!tpu.dma_semaphore, #tpu.memory_space<semaphore_mem>>)
    %scan3A_95 = arith.constant 0 : i32
    %scan3A_96 = arith.constant 10 : i32
    %scan3A_97 = arith.addi %scan3A_95, %scan3A_96 : i32
    %scan3A_98 = arith.constant 1 : i32
    scf.for %scan3A_138 = %scan3A_95 to %scan3A_97 step %scan3A_98  : i32 {
      %mul3A_139 = arith.constant 4 : i32
      %mul3A_140 = arith.muli %scan3A_138, %mul3A_139 : i32
      %add3A_141 = arith.constant 0 : i32
      %add3A_142 = arith.addi %add3A_141, %mul3A_140 : i32
      %add3A_143 = arith.constant 0 : i32
      %add3A_144 = arith.addi %add3A_142, %add3A_143 : i32
      %dma_wait3A = arith.constant 0 : i32
      %dma_wait3A_145 = tpu.memref_slice %arg7[%add3A_144, %dma_wait3A] : memref<40x64xi32, #tpu.memory_space<vmem>> -> memref<1x64xi32, #tpu.memory_space<vmem>>
      %dma_wait3A_146 = tpu.memref_squeeze %dma_wait3A_145 : memref<1x64xi32, #tpu.memory_space<vmem>> -> memref<64xi32, #tpu.memory_space<vmem>>
      %dma_wait3A_147 = arith.constant 0 : i32
      %dma_wait3A_148 = arith.constant 0 : i32
      %dma_wait3A_149 = tpu.memref_slice %arg2[%dma_wait3A_147, %dma_wait3A_148] : memref<10240x128xf32, #tpu.memory_space<hbm>> -> memref<10240x128xf32, #tpu.memory_space<hbm>>
      tpu.wait_indirect_dma semaphore(%arg14 : memref<!tpu.dma_semaphore, #tpu.memory_space<semaphore_mem>>) src(%dma_wait3A_149 : memref<10240x128xf32, #tpu.memory_space<hbm>>) dst(%arg9 : memref<64x128xf32, #tpu.memory_space<vmem>>)
      %add3A_150 = arith.constant 0 : i32
      %add3A_151 = arith.addi %add3A_142, %add3A_150 : i32
      %dma_start3A_152 = arith.constant 0 : i32
      %dma_start3A_153 = tpu.memref_slice %arg8[%add3A_151, %dma_start3A_152] : memref<40x64xi32, #tpu.memory_space<vmem>> -> memref<1x64xi32, #tpu.memory_space<vmem>>
      %dma_start3A_154 = tpu.memref_squeeze %dma_start3A_153 : memref<1x64xi32, #tpu.memory_space<vmem>> -> memref<64xi32, #tpu.memory_space<vmem>>
      %dma_start3A_155 = arith.constant 0 : i32
      %dma_start3A_156 = arith.constant 0 : i32
      %dma_start3A_157 = tpu.memref_slice %arg13[%dma_start3A_155, %dma_start3A_156] : memref<10240x128xf32, #tpu.memory_space<vmem_shared>> -> memref<10240x128xf32, #tpu.memory_space<vmem_shared>>
      tpu.enqueue_indirect_dma source(%arg9 : memref<64x128xf32, #tpu.memory_space<vmem>>) target(%dma_start3A_157 : memref<10240x128xf32, #tpu.memory_space<vmem_shared>>) offsets(%dma_start3A_154 : memref<64xi32, #tpu.memory_space<vmem>>) semaphore(%arg18 : memref<!tpu.dma_semaphore, #tpu.memory_space<semaphore_mem>>) {add = true}
      %add3A_158 = arith.constant 1 : i32
      %add3A_159 = arith.addi %add3A_142, %add3A_158 : i32
      %dma_wait3A_160 = arith.constant 0 : i32
      %dma_wait3A_161 = tpu.memref_slice %arg7[%add3A_159, %dma_wait3A_160] : memref<40x64xi32, #tpu.memory_space<vmem>> -> memref<1x64xi32, #tpu.memory_space<vmem>>
      %dma_wait3A_162 = tpu.memref_squeeze %dma_wait3A_161 : memref<1x64xi32, #tpu.memory_space<vmem>> -> memref<64xi32, #tpu.memory_space<vmem>>
      %dma_wait3A_163 = arith.constant 0 : i32
      %dma_wait3A_164 = arith.constant 0 : i32
      %dma_wait3A_165 = tpu.memref_slice %arg2[%dma_wait3A_163, %dma_wait3A_164] : memref<10240x128xf32, #tpu.memory_space<hbm>> -> memref<10240x128xf32, #tpu.memory_space<hbm>>
      tpu.wait_indirect_dma semaphore(%arg15 : memref<!tpu.dma_semaphore, #tpu.memory_space<semaphore_mem>>) src(%dma_wait3A_165 : memref<10240x128xf32, #tpu.memory_space<hbm>>) dst(%arg10 : memref<64x128xf32, #tpu.memory_space<vmem>>)
      %add3A_166 = arith.constant 1 : i32
      %add3A_167 = arith.addi %add3A_142, %add3A_166 : i32
      %dma_start3A_168 = arith.constant 0 : i32
      %dma_start3A_169 = tpu.memref_slice %arg8[%add3A_167, %dma_start3A_168] : memref<40x64xi32, #tpu.memory_space<vmem>> -> memref<1x64xi32, #tpu.memory_space<vmem>>
      %dma_start3A_170 = tpu.memref_squeeze %dma_start3A_169 : memref<1x64xi32, #tpu.memory_space<vmem>> -> memref<64xi32, #tpu.memory_space<vmem>>
      %dma_start3A_171 = arith.constant 0 : i32
      %dma_start3A_172 = arith.constant 0 : i32
      %dma_start3A_173 = tpu.memref_slice %arg13[%dma_start3A_171, %dma_start3A_172] : memref<10240x128xf32, #tpu.memory_space<vmem_shared>> -> memref<10240x128xf32, #tpu.memory_space<vmem_shared>>
      tpu.enqueue_indirect_dma source(%arg10 : memref<64x128xf32, #tpu.memory_space<vmem>>) target(%dma_start3A_173 : memref<10240x128xf32, #tpu.memory_space<vmem_shared>>) offsets(%dma_start3A_170 : memref<64xi32, #tpu.memory_space<vmem>>) semaphore(%arg19 : memref<!tpu.dma_semaphore, #tpu.memory_space<semaphore_mem>>) {add = true}
      %add3A_174 = arith.constant 2 : i32
      %add3A_175 = arith.addi %add3A_142, %add3A_174 : i32
      %dma_wait3A_176 = arith.constant 0 : i32
      %dma_wait3A_177 = tpu.memref_slice %arg7[%add3A_175, %dma_wait3A_176] : memref<40x64xi32, #tpu.memory_space<vmem>> -> memref<1x64xi32, #tpu.memory_space<vmem>>
      %dma_wait3A_178 = tpu.memref_squeeze %dma_wait3A_177 : memref<1x64xi32, #tpu.memory_space<vmem>> -> memref<64xi32, #tpu.memory_space<vmem>>
      %dma_wait3A_179 = arith.constant 0 : i32
      %dma_wait3A_180 = arith.constant 0 : i32
      %dma_wait3A_181 = tpu.memref_slice %arg2[%dma_wait3A_179, %dma_wait3A_180] : memref<10240x128xf32, #tpu.memory_space<hbm>> -> memref<10240x128xf32, #tpu.memory_space<hbm>>
      tpu.wait_indirect_dma semaphore(%arg16 : memref<!tpu.dma_semaphore, #tpu.memory_space<semaphore_mem>>) src(%dma_wait3A_181 : memref<10240x128xf32, #tpu.memory_space<hbm>>) dst(%arg11 : memref<64x128xf32, #tpu.memory_space<vmem>>)
      %add3A_182 = arith.constant 2 : i32
      %add3A_183 = arith.addi %add3A_142, %add3A_182 : i32
      %dma_start3A_184 = arith.constant 0 : i32
      %dma_start3A_185 = tpu.memref_slice %arg8[%add3A_183, %dma_start3A_184] : memref<40x64xi32, #tpu.memory_space<vmem>> -> memref<1x64xi32, #tpu.memory_space<vmem>>
      %dma_start3A_186 = tpu.memref_squeeze %dma_start3A_185 : memref<1x64xi32, #tpu.memory_space<vmem>> -> memref<64xi32, #tpu.memory_space<vmem>>
      %dma_start3A_187 = arith.constant 0 : i32
      %dma_start3A_188 = arith.constant 0 : i32
      %dma_start3A_189 = tpu.memref_slice %arg13[%dma_start3A_187, %dma_start3A_188] : memref<10240x128xf32, #tpu.memory_space<vmem_shared>> -> memref<10240x128xf32, #tpu.memory_space<vmem_shared>>
      tpu.enqueue_indirect_dma source(%arg11 : memref<64x128xf32, #tpu.memory_space<vmem>>) target(%dma_start3A_189 : memref<10240x128xf32, #tpu.memory_space<vmem_shared>>) offsets(%dma_start3A_186 : memref<64xi32, #tpu.memory_space<vmem>>) semaphore(%arg20 : memref<!tpu.dma_semaphore, #tpu.memory_space<semaphore_mem>>) {add = true}
      %add3A_190 = arith.constant 3 : i32
      %add3A_191 = arith.addi %add3A_142, %add3A_190 : i32
      %dma_wait3A_192 = arith.constant 0 : i32
      %dma_wait3A_193 = tpu.memref_slice %arg7[%add3A_191, %dma_wait3A_192] : memref<40x64xi32, #tpu.memory_space<vmem>> -> memref<1x64xi32, #tpu.memory_space<vmem>>
      %dma_wait3A_194 = tpu.memref_squeeze %dma_wait3A_193 : memref<1x64xi32, #tpu.memory_space<vmem>> -> memref<64xi32, #tpu.memory_space<vmem>>
      %dma_wait3A_195 = arith.constant 0 : i32
      %dma_wait3A_196 = arith.constant 0 : i32
      %dma_wait3A_197 = tpu.memref_slice %arg2[%dma_wait3A_195, %dma_wait3A_196] : memref<10240x128xf32, #tpu.memory_space<hbm>> -> memref<10240x128xf32, #tpu.memory_space<hbm>>
      tpu.wait_indirect_dma semaphore(%arg17 : memref<!tpu.dma_semaphore, #tpu.memory_space<semaphore_mem>>) src(%dma_wait3A_197 : memref<10240x128xf32, #tpu.memory_space<hbm>>) dst(%arg12 : memref<64x128xf32, #tpu.memory_space<vmem>>)
      %add3A_198 = arith.constant 3 : i32
      %add3A_199 = arith.addi %add3A_142, %add3A_198 : i32
      %dma_start3A_200 = arith.constant 0 : i32
      %dma_start3A_201 = tpu.memref_slice %arg8[%add3A_199, %dma_start3A_200] : memref<40x64xi32, #tpu.memory_space<vmem>> -> memref<1x64xi32, #tpu.memory_space<vmem>>
      %dma_start3A_202 = tpu.memref_squeeze %dma_start3A_201 : memref<1x64xi32, #tpu.memory_space<vmem>> -> memref<64xi32, #tpu.memory_space<vmem>>
      %dma_start3A_203 = arith.constant 0 : i32
      %dma_start3A_204 = arith.constant 0 : i32
      %dma_start3A_205 = tpu.memref_slice %arg13[%dma_start3A_203, %dma_start3A_204] : memref<10240x128xf32, #tpu.memory_space<vmem_shared>> -> memref<10240x128xf32, #tpu.memory_space<vmem_shared>>
      tpu.enqueue_indirect_dma source(%arg12 : memref<64x128xf32, #tpu.memory_space<vmem>>) target(%dma_start3A_205 : memref<10240x128xf32, #tpu.memory_space<vmem_shared>>) offsets(%dma_start3A_202 : memref<64xi32, #tpu.memory_space<vmem>>) semaphore(%arg21 : memref<!tpu.dma_semaphore, #tpu.memory_space<semaphore_mem>>) {add = true}
      %add3A_206 = arith.constant 0 : i32
      %add3A_207 = arith.addi %add3A_142, %add3A_206 : i32
      %dma_wait3A_208 = arith.constant 0 : i32
      %dma_wait3A_209 = tpu.memref_slice %arg8[%add3A_207, %dma_wait3A_208] : memref<40x64xi32, #tpu.memory_space<vmem>> -> memref<1x64xi32, #tpu.memory_space<vmem>>
      %dma_wait3A_210 = tpu.memref_squeeze %dma_wait3A_209 : memref<1x64xi32, #tpu.memory_space<vmem>> -> memref<64xi32, #tpu.memory_space<vmem>>
      %dma_wait3A_211 = arith.constant 0 : i32
      %dma_wait3A_212 = arith.constant 0 : i32
      %dma_wait3A_213 = tpu.memref_slice %arg13[%dma_wait3A_211, %dma_wait3A_212] : memref<10240x128xf32, #tpu.memory_space<vmem_shared>> -> memref<10240x128xf32, #tpu.memory_space<vmem_shared>>
      tpu.wait_indirect_dma semaphore(%arg18 : memref<!tpu.dma_semaphore, #tpu.memory_space<semaphore_mem>>) src(%arg9 : memref<64x128xf32, #tpu.memory_space<vmem>>) dst(%dma_wait3A_213 : memref<10240x128xf32, #tpu.memory_space<vmem_shared>>)
      %add3A_214 = arith.constant 0 : i32
      %add3A_215 = arith.addi %add3A_142, %add3A_214 : i32
      %add3A_216 = arith.constant 4 : i32
      %add3A_217 = arith.addi %add3A_215, %add3A_216 : i32
      %lt3A = arith.constant 40 : i32
      %lt3A_218 = arith.cmpi slt, %add3A_217, %lt3A : i32
      %convert_element_type3A = arith.extui %lt3A_218 : i1 to i32
      %cond3A = arith.constant 0 : i32
      %cond3A_219 = arith.cmpi ne, %convert_element_type3A, %cond3A : i32
      scf.if %cond3A_219 {
        %add3A_271 = arith.constant 0 : i32
        %add3A_272 = arith.addi %add3A_142, %add3A_271 : i32
        %add3A_273 = arith.constant 4 : i32
        %add3A_274 = arith.addi %add3A_272, %add3A_273 : i32
        %dma_start3A_275 = arith.constant 0 : i32
        %dma_start3A_276 = tpu.memref_slice %arg7[%add3A_274, %dma_start3A_275] : memref<40x64xi32, #tpu.memory_space<vmem>> -> memref<1x64xi32, #tpu.memory_space<vmem>>
        %dma_start3A_277 = tpu.memref_squeeze %dma_start3A_276 : memref<1x64xi32, #tpu.memory_space<vmem>> -> memref<64xi32, #tpu.memory_space<vmem>>
        %dma_start3A_278 = arith.constant 0 : i32
        %dma_start3A_279 = arith.constant 0 : i32
        %dma_start3A_280 = tpu.memref_slice %arg2[%dma_start3A_278, %dma_start3A_279] : memref<10240x128xf32, #tpu.memory_space<hbm>> -> memref<10240x128xf32, #tpu.memory_space<hbm>>
        tpu.enqueue_indirect_dma source(%dma_start3A_280 : memref<10240x128xf32, #tpu.memory_space<hbm>>) target(%arg9 : memref<64x128xf32, #tpu.memory_space<vmem>>) offsets(%dma_start3A_277 : memref<64xi32, #tpu.memory_space<vmem>>) semaphore(%arg14 : memref<!tpu.dma_semaphore, #tpu.memory_space<semaphore_mem>>)
      } else {
      }
      %add3A_220 = arith.constant 1 : i32
      %add3A_221 = arith.addi %add3A_142, %add3A_220 : i32
      %dma_wait3A_222 = arith.constant 0 : i32
      %dma_wait3A_223 = tpu.memref_slice %arg8[%add3A_221, %dma_wait3A_222] : memref<40x64xi32, #tpu.memory_space<vmem>> -> memref<1x64xi32, #tpu.memory_space<vmem>>
      %dma_wait3A_224 = tpu.memref_squeeze %dma_wait3A_223 : memref<1x64xi32, #tpu.memory_space<vmem>> -> memref<64xi32, #tpu.memory_space<vmem>>
      %dma_wait3A_225 = arith.constant 0 : i32
      %dma_wait3A_226 = arith.constant 0 : i32
      %dma_wait3A_227 = tpu.memref_slice %arg13[%dma_wait3A_225, %dma_wait3A_226] : memref<10240x128xf32, #tpu.memory_space<vmem_shared>> -> memref<10240x128xf32, #tpu.memory_space<vmem_shared>>
      tpu.wait_indirect_dma semaphore(%arg19 : memref<!tpu.dma_semaphore, #tpu.memory_space<semaphore_mem>>) src(%arg10 : memref<64x128xf32, #tpu.memory_space<vmem>>) dst(%dma_wait3A_227 : memref<10240x128xf32, #tpu.memory_space<vmem_shared>>)
      %add3A_228 = arith.constant 1 : i32
      %add3A_229 = arith.addi %add3A_142, %add3A_228 : i32
      %add3A_230 = arith.constant 4 : i32
      %add3A_231 = arith.addi %add3A_229, %add3A_230 : i32
      %lt3A_232 = arith.constant 40 : i32
      %lt3A_233 = arith.cmpi slt, %add3A_231, %lt3A_232 : i32
      %convert_element_type3A_234 = arith.extui %lt3A_233 : i1 to i32
      %cond3A_235 = arith.constant 0 : i32
      %cond3A_236 = arith.cmpi ne, %convert_element_type3A_234, %cond3A_235 : i32
      scf.if %cond3A_236 {
        %add3A_271 = arith.constant 1 : i32
        %add3A_272 = arith.addi %add3A_142, %add3A_271 : i32
        %add3A_273 = arith.constant 4 : i32
        %add3A_274 = arith.addi %add3A_272, %add3A_273 : i32
        %dma_start3A_275 = arith.constant 0 : i32
        %dma_start3A_276 = tpu.memref_slice %arg7[%add3A_274, %dma_start3A_275] : memref<40x64xi32, #tpu.memory_space<vmem>> -> memref<1x64xi32, #tpu.memory_space<vmem>>
        %dma_start3A_277 = tpu.memref_squeeze %dma_start3A_276 : memref<1x64xi32, #tpu.memory_space<vmem>> -> memref<64xi32, #tpu.memory_space<vmem>>
        %dma_start3A_278 = arith.constant 0 : i32
        %dma_start3A_279 = arith.constant 0 : i32
        %dma_start3A_280 = tpu.memref_slice %arg2[%dma_start3A_278, %dma_start3A_279] : memref<10240x128xf32, #tpu.memory_space<hbm>> -> memref<10240x128xf32, #tpu.memory_space<hbm>>
        tpu.enqueue_indirect_dma source(%dma_start3A_280 : memref<10240x128xf32, #tpu.memory_space<hbm>>) target(%arg10 : memref<64x128xf32, #tpu.memory_space<vmem>>) offsets(%dma_start3A_277 : memref<64xi32, #tpu.memory_space<vmem>>) semaphore(%arg15 : memref<!tpu.dma_semaphore, #tpu.memory_space<semaphore_mem>>)
      } else {
      }
      %add3A_237 = arith.constant 2 : i32
      %add3A_238 = arith.addi %add3A_142, %add3A_237 : i32
      %dma_wait3A_239 = arith.constant 0 : i32
      %dma_wait3A_240 = tpu.memref_slice %arg8[%add3A_238, %dma_wait3A_239] : memref<40x64xi32, #tpu.memory_space<vmem>> -> memref<1x64xi32, #tpu.memory_space<vmem>>
      %dma_wait3A_241 = tpu.memref_squeeze %dma_wait3A_240 : memref<1x64xi32, #tpu.memory_space<vmem>> -> memref<64xi32, #tpu.memory_space<vmem>>
      %dma_wait3A_242 = arith.constant 0 : i32
      %dma_wait3A_243 = arith.constant 0 : i32
      %dma_wait3A_244 = tpu.memref_slice %arg13[%dma_wait3A_242, %dma_wait3A_243] : memref<10240x128xf32, #tpu.memory_space<vmem_shared>> -> memref<10240x128xf32, #tpu.memory_space<vmem_shared>>
      tpu.wait_indirect_dma semaphore(%arg20 : memref<!tpu.dma_semaphore, #tpu.memory_space<semaphore_mem>>) src(%arg11 : memref<64x128xf32, #tpu.memory_space<vmem>>) dst(%dma_wait3A_244 : memref<10240x128xf32, #tpu.memory_space<vmem_shared>>)
      %add3A_245 = arith.constant 2 : i32
      %add3A_246 = arith.addi %add3A_142, %add3A_245 : i32
      %add3A_247 = arith.constant 4 : i32
      %add3A_248 = arith.addi %add3A_246, %add3A_247 : i32
      %lt3A_249 = arith.constant 40 : i32
      %lt3A_250 = arith.cmpi slt, %add3A_248, %lt3A_249 : i32
      %convert_element_type3A_251 = arith.extui %lt3A_250 : i1 to i32
      %cond3A_252 = arith.constant 0 : i32
      %cond3A_253 = arith.cmpi ne, %convert_element_type3A_251, %cond3A_252 : i32
      scf.if %cond3A_253 {
        %add3A_271 = arith.constant 2 : i32
        %add3A_272 = arith.addi %add3A_142, %add3A_271 : i32
        %add3A_273 = arith.constant 4 : i32
        %add3A_274 = arith.addi %add3A_272, %add3A_273 : i32
        %dma_start3A_275 = arith.constant 0 : i32
        %dma_start3A_276 = tpu.memref_slice %arg7[%add3A_274, %dma_start3A_275] : memref<40x64xi32, #tpu.memory_space<vmem>> -> memref<1x64xi32, #tpu.memory_space<vmem>>
        %dma_start3A_277 = tpu.memref_squeeze %dma_start3A_276 : memref<1x64xi32, #tpu.memory_space<vmem>> -> memref<64xi32, #tpu.memory_space<vmem>>
        %dma_start3A_278 = arith.constant 0 : i32
        %dma_start3A_279 = arith.constant 0 : i32
        %dma_start3A_280 = tpu.memref_slice %arg2[%dma_start3A_278, %dma_start3A_279] : memref<10240x128xf32, #tpu.memory_space<hbm>> -> memref<10240x128xf32, #tpu.memory_space<hbm>>
        tpu.enqueue_indirect_dma source(%dma_start3A_280 : memref<10240x128xf32, #tpu.memory_space<hbm>>) target(%arg11 : memref<64x128xf32, #tpu.memory_space<vmem>>) offsets(%dma_start3A_277 : memref<64xi32, #tpu.memory_space<vmem>>) semaphore(%arg16 : memref<!tpu.dma_semaphore, #tpu.memory_space<semaphore_mem>>)
      } else {
      }
      %add3A_254 = arith.constant 3 : i32
      %add3A_255 = arith.addi %add3A_142, %add3A_254 : i32
      %dma_wait3A_256 = arith.constant 0 : i32
      %dma_wait3A_257 = tpu.memref_slice %arg8[%add3A_255, %dma_wait3A_256] : memref<40x64xi32, #tpu.memory_space<vmem>> -> memref<1x64xi32, #tpu.memory_space<vmem>>
      %dma_wait3A_258 = tpu.memref_squeeze %dma_wait3A_257 : memref<1x64xi32, #tpu.memory_space<vmem>> -> memref<64xi32, #tpu.memory_space<vmem>>
      %dma_wait3A_259 = arith.constant 0 : i32
      %dma_wait3A_260 = arith.constant 0 : i32
      %dma_wait3A_261 = tpu.memref_slice %arg13[%dma_wait3A_259, %dma_wait3A_260] : memref<10240x128xf32, #tpu.memory_space<vmem_shared>> -> memref<10240x128xf32, #tpu.memory_space<vmem_shared>>
      tpu.wait_indirect_dma semaphore(%arg21 : memref<!tpu.dma_semaphore, #tpu.memory_space<semaphore_mem>>) src(%arg12 : memref<64x128xf32, #tpu.memory_space<vmem>>) dst(%dma_wait3A_261 : memref<10240x128xf32, #tpu.memory_space<vmem_shared>>)
      %add3A_262 = arith.constant 3 : i32
      %add3A_263 = arith.addi %add3A_142, %add3A_262 : i32
      %add3A_264 = arith.constant 4 : i32
      %add3A_265 = arith.addi %add3A_263, %add3A_264 : i32
      %lt3A_266 = arith.constant 40 : i32
      %lt3A_267 = arith.cmpi slt, %add3A_265, %lt3A_266 : i32
      %convert_element_type3A_268 = arith.extui %lt3A_267 : i1 to i32
      %cond3A_269 = arith.constant 0 : i32
      %cond3A_270 = arith.cmpi ne, %convert_element_type3A_268, %cond3A_269 : i32
      scf.if %cond3A_270 {
        %add3A_271 = arith.constant 3 : i32
        %add3A_272 = arith.addi %add3A_142, %add3A_271 : i32
        %add3A_273 = arith.constant 4 : i32
        %add3A_274 = arith.addi %add3A_272, %add3A_273 : i32
        %dma_start3A_275 = arith.constant 0 : i32
        %dma_start3A_276 = tpu.memref_slice %arg7[%add3A_274, %dma_start3A_275] : memref<40x64xi32, #tpu.memory_space<vmem>> -> memref<1x64xi32, #tpu.memory_space<vmem>>
        %dma_start3A_277 = tpu.memref_squeeze %dma_start3A_276 : memref<1x64xi32, #tpu.memory_space<vmem>> -> memref<64xi32, #tpu.memory_space<vmem>>
        %dma_start3A_278 = arith.constant 0 : i32
        %dma_start3A_279 = arith.constant 0 : i32
        %dma_start3A_280 = tpu.memref_slice %arg2[%dma_start3A_278, %dma_start3A_279] : memref<10240x128xf32, #tpu.memory_space<hbm>> -> memref<10240x128xf32, #tpu.memory_space<hbm>>
        tpu.enqueue_indirect_dma source(%dma_start3A_280 : memref<10240x128xf32, #tpu.memory_space<hbm>>) target(%arg12 : memref<64x128xf32, #tpu.memory_space<vmem>>) offsets(%dma_start3A_277 : memref<64xi32, #tpu.memory_space<vmem>>) semaphore(%arg17 : memref<!tpu.dma_semaphore, #tpu.memory_space<semaphore_mem>>)
      } else {
      }
    }
    %scan3A_99 = arith.constant 10 : i32
    "tpu.region"() ({
      %run_scoped3A = tpu.sem_alloc : memref<!tpu.dma_semaphore, #tpu.memory_space<semaphore_mem>>
      %dma_start3A_138 = arith.constant 120 : i32
      %dma_start3A_139 = arith.constant 0 : i32
      %dma_start3A_140 = tpu.memref_slice %arg3[%add3A, %dma_start3A_138, %dma_start3A_139] : memref<32x160x64xi32, #tpu.memory_space<hbm>> -> memref<1x40x64xi32, #tpu.memory_space<hbm>>
      %dma_start3A_141 = tpu.memref_squeeze %dma_start3A_140 : memref<1x40x64xi32, #tpu.memory_space<hbm>> -> memref<40x64xi32, #tpu.memory_space<hbm>>
      %dma_start3A_142 = arith.constant 120 : i32
      %dma_start3A_143 = arith.constant 0 : i32
      %dma_start3A_144 = tpu.memref_slice %arg3[%add3A, %dma_start3A_142, %dma_start3A_143] : memref<32x160x64xi32, #tpu.memory_space<hbm>> -> memref<1x40x64xi32, #tpu.memory_space<hbm>>
      %dma_start3A_145 = tpu.memref_squeeze %dma_start3A_144 : memref<1x40x64xi32, #tpu.memory_space<hbm>> -> memref<40x64xi32, #tpu.memory_space<hbm>>
      tpu.enqueue_dma source(%dma_start3A_145 : memref<40x64xi32, #tpu.memory_space<hbm>>) target(%arg7 : memref<40x64xi32, #tpu.memory_space<vmem>>) target_semaphore(%run_scoped3A : memref<!tpu.dma_semaphore, #tpu.memory_space<semaphore_mem>>)
      %dma_wait3A = arith.constant 120 : i32
      %dma_wait3A_146 = arith.constant 0 : i32
      %dma_wait3A_147 = tpu.memref_slice %arg3[%add3A, %dma_wait3A, %dma_wait3A_146] : memref<32x160x64xi32, #tpu.memory_space<hbm>> -> memref<1x40x64xi32, #tpu.memory_space<hbm>>
      %dma_wait3A_148 = tpu.memref_squeeze %dma_wait3A_147 : memref<1x40x64xi32, #tpu.memory_space<hbm>> -> memref<40x64xi32, #tpu.memory_space<hbm>>
      %dma_wait3A_149 = arith.constant 120 : i32
      %dma_wait3A_150 = arith.constant 0 : i32
      %dma_wait3A_151 = tpu.memref_slice %arg3[%add3A, %dma_wait3A_149, %dma_wait3A_150] : memref<32x160x64xi32, #tpu.memory_space<hbm>> -> memref<1x40x64xi32, #tpu.memory_space<hbm>>
      %dma_wait3A_152 = tpu.memref_squeeze %dma_wait3A_151 : memref<1x40x64xi32, #tpu.memory_space<hbm>> -> memref<40x64xi32, #tpu.memory_space<hbm>>
      tpu.wait_dma2 semaphore(%run_scoped3A : memref<!tpu.dma_semaphore, #tpu.memory_space<semaphore_mem>>) src(%dma_wait3A_152 : memref<40x64xi32, #tpu.memory_space<hbm>>) dst(%arg7 : memref<40x64xi32, #tpu.memory_space<vmem>>)
      tpu.yield
    }) : () -> ()
    "tpu.region"() ({
      %run_scoped3A = tpu.sem_alloc : memref<!tpu.dma_semaphore, #tpu.memory_space<semaphore_mem>>
      %dma_start3A_138 = arith.constant 120 : i32
      %dma_start3A_139 = arith.constant 0 : i32
      %dma_start3A_140 = tpu.memref_slice %arg4[%add3A, %dma_start3A_138, %dma_start3A_139] : memref<32x160x64xi32, #tpu.memory_space<hbm>> -> memref<1x40x64xi32, #tpu.memory_space<hbm>>
      %dma_start3A_141 = tpu.memref_squeeze %dma_start3A_140 : memref<1x40x64xi32, #tpu.memory_space<hbm>> -> memref<40x64xi32, #tpu.memory_space<hbm>>
      %dma_start3A_142 = arith.constant 120 : i32
      %dma_start3A_143 = arith.constant 0 : i32
      %dma_start3A_144 = tpu.memref_slice %arg4[%add3A, %dma_start3A_142, %dma_start3A_143] : memref<32x160x64xi32, #tpu.memory_space<hbm>> -> memref<1x40x64xi32, #tpu.memory_space<hbm>>
      %dma_start3A_145 = tpu.memref_squeeze %dma_start3A_144 : memref<1x40x64xi32, #tpu.memory_space<hbm>> -> memref<40x64xi32, #tpu.memory_space<hbm>>
      tpu.enqueue_dma source(%dma_start3A_145 : memref<40x64xi32, #tpu.memory_space<hbm>>) target(%arg8 : memref<40x64xi32, #tpu.memory_space<vmem>>) target_semaphore(%run_scoped3A : memref<!tpu.dma_semaphore, #tpu.memory_space<semaphore_mem>>)
      %dma_wait3A = arith.constant 120 : i32
      %dma_wait3A_146 = arith.constant 0 : i32
      %dma_wait3A_147 = tpu.memref_slice %arg4[%add3A, %dma_wait3A, %dma_wait3A_146] : memref<32x160x64xi32, #tpu.memory_space<hbm>> -> memref<1x40x64xi32, #tpu.memory_space<hbm>>
      %dma_wait3A_148 = tpu.memref_squeeze %dma_wait3A_147 : memref<1x40x64xi32, #tpu.memory_space<hbm>> -> memref<40x64xi32, #tpu.memory_space<hbm>>
      %dma_wait3A_149 = arith.constant 120 : i32
      %dma_wait3A_150 = arith.constant 0 : i32
      %dma_wait3A_151 = tpu.memref_slice %arg4[%add3A, %dma_wait3A_149, %dma_wait3A_150] : memref<32x160x64xi32, #tpu.memory_space<hbm>> -> memref<1x40x64xi32, #tpu.memory_space<hbm>>
      %dma_wait3A_152 = tpu.memref_squeeze %dma_wait3A_151 : memref<1x40x64xi32, #tpu.memory_space<hbm>> -> memref<40x64xi32, #tpu.memory_space<hbm>>
      tpu.wait_dma2 semaphore(%run_scoped3A : memref<!tpu.dma_semaphore, #tpu.memory_space<semaphore_mem>>) src(%dma_wait3A_152 : memref<40x64xi32, #tpu.memory_space<hbm>>) dst(%arg8 : memref<40x64xi32, #tpu.memory_space<vmem>>)
      tpu.yield
    }) : () -> ()
    %dma_start3A_100 = arith.constant 0 : i32
    %dma_start3A_101 = arith.constant 0 : i32
    %dma_start3A_102 = tpu.memref_slice %arg7[%dma_start3A_100, %dma_start3A_101] : memref<40x64xi32, #tpu.memory_space<vmem>> -> memref<1x64xi32, #tpu.memory_space<vmem>>
    %dma_start3A_103 = tpu.memref_squeeze %dma_start3A_102 : memref<1x64xi32, #tpu.memory_space<vmem>> -> memref<64xi32, #tpu.memory_space<vmem>>
    %dma_start3A_104 = arith.constant 0 : i32
    %dma_start3A_105 = arith.constant 0 : i32
    %dma_start3A_106 = tpu.memref_slice %arg2[%dma_start3A_104, %dma_start3A_105] : memref<10240x128xf32, #tpu.memory_space<hbm>> -> memref<10240x128xf32, #tpu.memory_space<hbm>>
    tpu.enqueue_indirect_dma source(%dma_start3A_106 : memref<10240x128xf32, #tpu.memory_space<hbm>>) target(%arg9 : memref<64x128xf32, #tpu.memory_space<vmem>>) offsets(%dma_start3A_103 : memref<64xi32, #tpu.memory_space<vmem>>) semaphore(%arg14 : memref<!tpu.dma_semaphore, #tpu.memory_space<semaphore_mem>>)
    %dma_start3A_107 = arith.constant 1 : i32
    %dma_start3A_108 = arith.constant 0 : i32
    %dma_start3A_109 = tpu.memref_slice %arg7[%dma_start3A_107, %dma_start3A_108] : memref<40x64xi32, #tpu.memory_space<vmem>> -> memref<1x64xi32, #tpu.memory_space<vmem>>
    %dma_start3A_110 = tpu.memref_squeeze %dma_start3A_109 : memref<1x64xi32, #tpu.memory_space<vmem>> -> memref<64xi32, #tpu.memory_space<vmem>>
    %dma_start3A_111 = arith.constant 0 : i32
    %dma_start3A_112 = arith.constant 0 : i32
    %dma_start3A_113 = tpu.memref_slice %arg2[%dma_start3A_111, %dma_start3A_112] : memref<10240x128xf32, #tpu.memory_space<hbm>> -> memref<10240x128xf32, #tpu.memory_space<hbm>>
    tpu.enqueue_indirect_dma source(%dma_start3A_113 : memref<10240x128xf32, #tpu.memory_space<hbm>>) target(%arg10 : memref<64x128xf32, #tpu.memory_space<vmem>>) offsets(%dma_start3A_110 : memref<64xi32, #tpu.memory_space<vmem>>) semaphore(%arg15 : memref<!tpu.dma_semaphore, #tpu.memory_space<semaphore_mem>>)
    %dma_start3A_114 = arith.constant 2 : i32
    %dma_start3A_115 = arith.constant 0 : i32
    %dma_start3A_116 = tpu.memref_slice %arg7[%dma_start3A_114, %dma_start3A_115] : memref<40x64xi32, #tpu.memory_space<vmem>> -> memref<1x64xi32, #tpu.memory_space<vmem>>
    %dma_start3A_117 = tpu.memref_squeeze %dma_start3A_116 : memref<1x64xi32, #tpu.memory_space<vmem>> -> memref<64xi32, #tpu.memory_space<vmem>>
    %dma_start3A_118 = arith.constant 0 : i32
    %dma_start3A_119 = arith.constant 0 : i32
    %dma_start3A_120 = tpu.memref_slice %arg2[%dma_start3A_118, %dma_start3A_119] : memref<10240x128xf32, #tpu.memory_space<hbm>> -> memref<10240x128xf32, #tpu.memory_space<hbm>>
    tpu.enqueue_indirect_dma source(%dma_start3A_120 : memref<10240x128xf32, #tpu.memory_space<hbm>>) target(%arg11 : memref<64x128xf32, #tpu.memory_space<vmem>>) offsets(%dma_start3A_117 : memref<64xi32, #tpu.memory_space<vmem>>) semaphore(%arg16 : memref<!tpu.dma_semaphore, #tpu.memory_space<semaphore_mem>>)
    %dma_start3A_121 = arith.constant 3 : i32
    %dma_start3A_122 = arith.constant 0 : i32
    %dma_start3A_123 = tpu.memref_slice %arg7[%dma_start3A_121, %dma_start3A_122] : memref<40x64xi32, #tpu.memory_space<vmem>> -> memref<1x64xi32, #tpu.memory_space<vmem>>
    %dma_start3A_124 = tpu.memref_squeeze %dma_start3A_123 : memref<1x64xi32, #tpu.memory_space<vmem>> -> memref<64xi32, #tpu.memory_space<vmem>>
    %dma_start3A_125 = arith.constant 0 : i32
    %dma_start3A_126 = arith.constant 0 : i32
    %dma_start3A_127 = tpu.memref_slice %arg2[%dma_start3A_125, %dma_start3A_126] : memref<10240x128xf32, #tpu.memory_space<hbm>> -> memref<10240x128xf32, #tpu.memory_space<hbm>>
    tpu.enqueue_indirect_dma source(%dma_start3A_127 : memref<10240x128xf32, #tpu.memory_space<hbm>>) target(%arg12 : memref<64x128xf32, #tpu.memory_space<vmem>>) offsets(%dma_start3A_124 : memref<64xi32, #tpu.memory_space<vmem>>) semaphore(%arg17 : memref<!tpu.dma_semaphore, #tpu.memory_space<semaphore_mem>>)
    %scan3A_128 = arith.constant 0 : i32
    %scan3A_129 = arith.constant 10 : i32
    %scan3A_130 = arith.addi %scan3A_128, %scan3A_129 : i32
    %scan3A_131 = arith.constant 1 : i32
    scf.for %scan3A_138 = %scan3A_128 to %scan3A_130 step %scan3A_131  : i32 {
      %mul3A_139 = arith.constant 4 : i32
      %mul3A_140 = arith.muli %scan3A_138, %mul3A_139 : i32
      %add3A_141 = arith.constant 0 : i32
      %add3A_142 = arith.addi %add3A_141, %mul3A_140 : i32
      %add3A_143 = arith.constant 0 : i32
      %add3A_144 = arith.addi %add3A_142, %add3A_143 : i32
      %dma_wait3A = arith.constant 0 : i32
      %dma_wait3A_145 = tpu.memref_slice %arg7[%add3A_144, %dma_wait3A] : memref<40x64xi32, #tpu.memory_space<vmem>> -> memref<1x64xi32, #tpu.memory_space<vmem>>
      %dma_wait3A_146 = tpu.memref_squeeze %dma_wait3A_145 : memref<1x64xi32, #tpu.memory_space<vmem>> -> memref<64xi32, #tpu.memory_space<vmem>>
      %dma_wait3A_147 = arith.constant 0 : i32
      %dma_wait3A_148 = arith.constant 0 : i32
      %dma_wait3A_149 = tpu.memref_slice %arg2[%dma_wait3A_147, %dma_wait3A_148] : memref<10240x128xf32, #tpu.memory_space<hbm>> -> memref<10240x128xf32, #tpu.memory_space<hbm>>
      tpu.wait_indirect_dma semaphore(%arg14 : memref<!tpu.dma_semaphore, #tpu.memory_space<semaphore_mem>>) src(%dma_wait3A_149 : memref<10240x128xf32, #tpu.memory_space<hbm>>) dst(%arg9 : memref<64x128xf32, #tpu.memory_space<vmem>>)
      %add3A_150 = arith.constant 0 : i32
      %add3A_151 = arith.addi %add3A_142, %add3A_150 : i32
      %dma_start3A_152 = arith.constant 0 : i32
      %dma_start3A_153 = tpu.memref_slice %arg8[%add3A_151, %dma_start3A_152] : memref<40x64xi32, #tpu.memory_space<vmem>> -> memref<1x64xi32, #tpu.memory_space<vmem>>
      %dma_start3A_154 = tpu.memref_squeeze %dma_start3A_153 : memref<1x64xi32, #tpu.memory_space<vmem>> -> memref<64xi32, #tpu.memory_space<vmem>>
      %dma_start3A_155 = arith.constant 0 : i32
      %dma_start3A_156 = arith.constant 0 : i32
      %dma_start3A_157 = tpu.memref_slice %arg13[%dma_start3A_155, %dma_start3A_156] : memref<10240x128xf32, #tpu.memory_space<vmem_shared>> -> memref<10240x128xf32, #tpu.memory_space<vmem_shared>>
      tpu.enqueue_indirect_dma source(%arg9 : memref<64x128xf32, #tpu.memory_space<vmem>>) target(%dma_start3A_157 : memref<10240x128xf32, #tpu.memory_space<vmem_shared>>) offsets(%dma_start3A_154 : memref<64xi32, #tpu.memory_space<vmem>>) semaphore(%arg18 : memref<!tpu.dma_semaphore, #tpu.memory_space<semaphore_mem>>) {add = true}
      %add3A_158 = arith.constant 1 : i32
      %add3A_159 = arith.addi %add3A_142, %add3A_158 : i32
      %dma_wait3A_160 = arith.constant 0 : i32
      %dma_wait3A_161 = tpu.memref_slice %arg7[%add3A_159, %dma_wait3A_160] : memref<40x64xi32, #tpu.memory_space<vmem>> -> memref<1x64xi32, #tpu.memory_space<vmem>>
      %dma_wait3A_162 = tpu.memref_squeeze %dma_wait3A_161 : memref<1x64xi32, #tpu.memory_space<vmem>> -> memref<64xi32, #tpu.memory_space<vmem>>
      %dma_wait3A_163 = arith.constant 0 : i32
      %dma_wait3A_164 = arith.constant 0 : i32
      %dma_wait3A_165 = tpu.memref_slice %arg2[%dma_wait3A_163, %dma_wait3A_164] : memref<10240x128xf32, #tpu.memory_space<hbm>> -> memref<10240x128xf32, #tpu.memory_space<hbm>>
      tpu.wait_indirect_dma semaphore(%arg15 : memref<!tpu.dma_semaphore, #tpu.memory_space<semaphore_mem>>) src(%dma_wait3A_165 : memref<10240x128xf32, #tpu.memory_space<hbm>>) dst(%arg10 : memref<64x128xf32, #tpu.memory_space<vmem>>)
      %add3A_166 = arith.constant 1 : i32
      %add3A_167 = arith.addi %add3A_142, %add3A_166 : i32
      %dma_start3A_168 = arith.constant 0 : i32
      %dma_start3A_169 = tpu.memref_slice %arg8[%add3A_167, %dma_start3A_168] : memref<40x64xi32, #tpu.memory_space<vmem>> -> memref<1x64xi32, #tpu.memory_space<vmem>>
      %dma_start3A_170 = tpu.memref_squeeze %dma_start3A_169 : memref<1x64xi32, #tpu.memory_space<vmem>> -> memref<64xi32, #tpu.memory_space<vmem>>
      %dma_start3A_171 = arith.constant 0 : i32
      %dma_start3A_172 = arith.constant 0 : i32
      %dma_start3A_173 = tpu.memref_slice %arg13[%dma_start3A_171, %dma_start3A_172] : memref<10240x128xf32, #tpu.memory_space<vmem_shared>> -> memref<10240x128xf32, #tpu.memory_space<vmem_shared>>
      tpu.enqueue_indirect_dma source(%arg10 : memref<64x128xf32, #tpu.memory_space<vmem>>) target(%dma_start3A_173 : memref<10240x128xf32, #tpu.memory_space<vmem_shared>>) offsets(%dma_start3A_170 : memref<64xi32, #tpu.memory_space<vmem>>) semaphore(%arg19 : memref<!tpu.dma_semaphore, #tpu.memory_space<semaphore_mem>>) {add = true}
      %add3A_174 = arith.constant 2 : i32
      %add3A_175 = arith.addi %add3A_142, %add3A_174 : i32
      %dma_wait3A_176 = arith.constant 0 : i32
      %dma_wait3A_177 = tpu.memref_slice %arg7[%add3A_175, %dma_wait3A_176] : memref<40x64xi32, #tpu.memory_space<vmem>> -> memref<1x64xi32, #tpu.memory_space<vmem>>
      %dma_wait3A_178 = tpu.memref_squeeze %dma_wait3A_177 : memref<1x64xi32, #tpu.memory_space<vmem>> -> memref<64xi32, #tpu.memory_space<vmem>>
      %dma_wait3A_179 = arith.constant 0 : i32
      %dma_wait3A_180 = arith.constant 0 : i32
      %dma_wait3A_181 = tpu.memref_slice %arg2[%dma_wait3A_179, %dma_wait3A_180] : memref<10240x128xf32, #tpu.memory_space<hbm>> -> memref<10240x128xf32, #tpu.memory_space<hbm>>
      tpu.wait_indirect_dma semaphore(%arg16 : memref<!tpu.dma_semaphore, #tpu.memory_space<semaphore_mem>>) src(%dma_wait3A_181 : memref<10240x128xf32, #tpu.memory_space<hbm>>) dst(%arg11 : memref<64x128xf32, #tpu.memory_space<vmem>>)
      %add3A_182 = arith.constant 2 : i32
      %add3A_183 = arith.addi %add3A_142, %add3A_182 : i32
      %dma_start3A_184 = arith.constant 0 : i32
      %dma_start3A_185 = tpu.memref_slice %arg8[%add3A_183, %dma_start3A_184] : memref<40x64xi32, #tpu.memory_space<vmem>> -> memref<1x64xi32, #tpu.memory_space<vmem>>
      %dma_start3A_186 = tpu.memref_squeeze %dma_start3A_185 : memref<1x64xi32, #tpu.memory_space<vmem>> -> memref<64xi32, #tpu.memory_space<vmem>>
      %dma_start3A_187 = arith.constant 0 : i32
      %dma_start3A_188 = arith.constant 0 : i32
      %dma_start3A_189 = tpu.memref_slice %arg13[%dma_start3A_187, %dma_start3A_188] : memref<10240x128xf32, #tpu.memory_space<vmem_shared>> -> memref<10240x128xf32, #tpu.memory_space<vmem_shared>>
      tpu.enqueue_indirect_dma source(%arg11 : memref<64x128xf32, #tpu.memory_space<vmem>>) target(%dma_start3A_189 : memref<10240x128xf32, #tpu.memory_space<vmem_shared>>) offsets(%dma_start3A_186 : memref<64xi32, #tpu.memory_space<vmem>>) semaphore(%arg20 : memref<!tpu.dma_semaphore, #tpu.memory_space<semaphore_mem>>) {add = true}
      %add3A_190 = arith.constant 3 : i32
      %add3A_191 = arith.addi %add3A_142, %add3A_190 : i32
      %dma_wait3A_192 = arith.constant 0 : i32
      %dma_wait3A_193 = tpu.memref_slice %arg7[%add3A_191, %dma_wait3A_192] : memref<40x64xi32, #tpu.memory_space<vmem>> -> memref<1x64xi32, #tpu.memory_space<vmem>>
      %dma_wait3A_194 = tpu.memref_squeeze %dma_wait3A_193 : memref<1x64xi32, #tpu.memory_space<vmem>> -> memref<64xi32, #tpu.memory_space<vmem>>
      %dma_wait3A_195 = arith.constant 0 : i32
      %dma_wait3A_196 = arith.constant 0 : i32
      %dma_wait3A_197 = tpu.memref_slice %arg2[%dma_wait3A_195, %dma_wait3A_196] : memref<10240x128xf32, #tpu.memory_space<hbm>> -> memref<10240x128xf32, #tpu.memory_space<hbm>>
      tpu.wait_indirect_dma semaphore(%arg17 : memref<!tpu.dma_semaphore, #tpu.memory_space<semaphore_mem>>) src(%dma_wait3A_197 : memref<10240x128xf32, #tpu.memory_space<hbm>>) dst(%arg12 : memref<64x128xf32, #tpu.memory_space<vmem>>)
      %add3A_198 = arith.constant 3 : i32
      %add3A_199 = arith.addi %add3A_142, %add3A_198 : i32
      %dma_start3A_200 = arith.constant 0 : i32
      %dma_start3A_201 = tpu.memref_slice %arg8[%add3A_199, %dma_start3A_200] : memref<40x64xi32, #tpu.memory_space<vmem>> -> memref<1x64xi32, #tpu.memory_space<vmem>>
      %dma_start3A_202 = tpu.memref_squeeze %dma_start3A_201 : memref<1x64xi32, #tpu.memory_space<vmem>> -> memref<64xi32, #tpu.memory_space<vmem>>
      %dma_start3A_203 = arith.constant 0 : i32
      %dma_start3A_204 = arith.constant 0 : i32
      %dma_start3A_205 = tpu.memref_slice %arg13[%dma_start3A_203, %dma_start3A_204] : memref<10240x128xf32, #tpu.memory_space<vmem_shared>> -> memref<10240x128xf32, #tpu.memory_space<vmem_shared>>
      tpu.enqueue_indirect_dma source(%arg12 : memref<64x128xf32, #tpu.memory_space<vmem>>) target(%dma_start3A_205 : memref<10240x128xf32, #tpu.memory_space<vmem_shared>>) offsets(%dma_start3A_202 : memref<64xi32, #tpu.memory_space<vmem>>) semaphore(%arg21 : memref<!tpu.dma_semaphore, #tpu.memory_space<semaphore_mem>>) {add = true}
      %add3A_206 = arith.constant 0 : i32
      %add3A_207 = arith.addi %add3A_142, %add3A_206 : i32
      %dma_wait3A_208 = arith.constant 0 : i32
      %dma_wait3A_209 = tpu.memref_slice %arg8[%add3A_207, %dma_wait3A_208] : memref<40x64xi32, #tpu.memory_space<vmem>> -> memref<1x64xi32, #tpu.memory_space<vmem>>
      %dma_wait3A_210 = tpu.memref_squeeze %dma_wait3A_209 : memref<1x64xi32, #tpu.memory_space<vmem>> -> memref<64xi32, #tpu.memory_space<vmem>>
      %dma_wait3A_211 = arith.constant 0 : i32
      %dma_wait3A_212 = arith.constant 0 : i32
      %dma_wait3A_213 = tpu.memref_slice %arg13[%dma_wait3A_211, %dma_wait3A_212] : memref<10240x128xf32, #tpu.memory_space<vmem_shared>> -> memref<10240x128xf32, #tpu.memory_space<vmem_shared>>
      tpu.wait_indirect_dma semaphore(%arg18 : memref<!tpu.dma_semaphore, #tpu.memory_space<semaphore_mem>>) src(%arg9 : memref<64x128xf32, #tpu.memory_space<vmem>>) dst(%dma_wait3A_213 : memref<10240x128xf32, #tpu.memory_space<vmem_shared>>)
      %add3A_214 = arith.constant 0 : i32
      %add3A_215 = arith.addi %add3A_142, %add3A_214 : i32
      %add3A_216 = arith.constant 4 : i32
      %add3A_217 = arith.addi %add3A_215, %add3A_216 : i32
      %lt3A = arith.constant 40 : i32
      %lt3A_218 = arith.cmpi slt, %add3A_217, %lt3A : i32
      %convert_element_type3A = arith.extui %lt3A_218 : i1 to i32
      %cond3A = arith.constant 0 : i32
      %cond3A_219 = arith.cmpi ne, %convert_element_type3A, %cond3A : i32
      scf.if %cond3A_219 {
        %add3A_271 = arith.constant 0 : i32
        %add3A_272 = arith.addi %add3A_142, %add3A_271 : i32
        %add3A_273 = arith.constant 4 : i32
        %add3A_274 = arith.addi %add3A_272, %add3A_273 : i32
        %dma_start3A_275 = arith.constant 0 : i32
        %dma_start3A_276 = tpu.memref_slice %arg7[%add3A_274, %dma_start3A_275] : memref<40x64xi32, #tpu.memory_space<vmem>> -> memref<1x64xi32, #tpu.memory_space<vmem>>
        %dma_start3A_277 = tpu.memref_squeeze %dma_start3A_276 : memref<1x64xi32, #tpu.memory_space<vmem>> -> memref<64xi32, #tpu.memory_space<vmem>>
        %dma_start3A_278 = arith.constant 0 : i32
        %dma_start3A_279 = arith.constant 0 : i32
        %dma_start3A_280 = tpu.memref_slice %arg2[%dma_start3A_278, %dma_start3A_279] : memref<10240x128xf32, #tpu.memory_space<hbm>> -> memref<10240x128xf32, #tpu.memory_space<hbm>>
        tpu.enqueue_indirect_dma source(%dma_start3A_280 : memref<10240x128xf32, #tpu.memory_space<hbm>>) target(%arg9 : memref<64x128xf32, #tpu.memory_space<vmem>>) offsets(%dma_start3A_277 : memref<64xi32, #tpu.memory_space<vmem>>) semaphore(%arg14 : memref<!tpu.dma_semaphore, #tpu.memory_space<semaphore_mem>>)
      } else {
      }
      %add3A_220 = arith.constant 1 : i32
      %add3A_221 = arith.addi %add3A_142, %add3A_220 : i32
      %dma_wait3A_222 = arith.constant 0 : i32
      %dma_wait3A_223 = tpu.memref_slice %arg8[%add3A_221, %dma_wait3A_222] : memref<40x64xi32, #tpu.memory_space<vmem>> -> memref<1x64xi32, #tpu.memory_space<vmem>>
      %dma_wait3A_224 = tpu.memref_squeeze %dma_wait3A_223 : memref<1x64xi32, #tpu.memory_space<vmem>> -> memref<64xi32, #tpu.memory_space<vmem>>
      %dma_wait3A_225 = arith.constant 0 : i32
      %dma_wait3A_226 = arith.constant 0 : i32
      %dma_wait3A_227 = tpu.memref_slice %arg13[%dma_wait3A_225, %dma_wait3A_226] : memref<10240x128xf32, #tpu.memory_space<vmem_shared>> -> memref<10240x128xf32, #tpu.memory_space<vmem_shared>>
      tpu.wait_indirect_dma semaphore(%arg19 : memref<!tpu.dma_semaphore, #tpu.memory_space<semaphore_mem>>) src(%arg10 : memref<64x128xf32, #tpu.memory_space<vmem>>) dst(%dma_wait3A_227 : memref<10240x128xf32, #tpu.memory_space<vmem_shared>>)
      %add3A_228 = arith.constant 1 : i32
      %add3A_229 = arith.addi %add3A_142, %add3A_228 : i32
      %add3A_230 = arith.constant 4 : i32
      %add3A_231 = arith.addi %add3A_229, %add3A_230 : i32
      %lt3A_232 = arith.constant 40 : i32
      %lt3A_233 = arith.cmpi slt, %add3A_231, %lt3A_232 : i32
      %convert_element_type3A_234 = arith.extui %lt3A_233 : i1 to i32
      %cond3A_235 = arith.constant 0 : i32
      %cond3A_236 = arith.cmpi ne, %convert_element_type3A_234, %cond3A_235 : i32
      scf.if %cond3A_236 {
        %add3A_271 = arith.constant 1 : i32
        %add3A_272 = arith.addi %add3A_142, %add3A_271 : i32
        %add3A_273 = arith.constant 4 : i32
        %add3A_274 = arith.addi %add3A_272, %add3A_273 : i32
        %dma_start3A_275 = arith.constant 0 : i32
        %dma_start3A_276 = tpu.memref_slice %arg7[%add3A_274, %dma_start3A_275] : memref<40x64xi32, #tpu.memory_space<vmem>> -> memref<1x64xi32, #tpu.memory_space<vmem>>
        %dma_start3A_277 = tpu.memref_squeeze %dma_start3A_276 : memref<1x64xi32, #tpu.memory_space<vmem>> -> memref<64xi32, #tpu.memory_space<vmem>>
        %dma_start3A_278 = arith.constant 0 : i32
        %dma_start3A_279 = arith.constant 0 : i32
        %dma_start3A_280 = tpu.memref_slice %arg2[%dma_start3A_278, %dma_start3A_279] : memref<10240x128xf32, #tpu.memory_space<hbm>> -> memref<10240x128xf32, #tpu.memory_space<hbm>>
        tpu.enqueue_indirect_dma source(%dma_start3A_280 : memref<10240x128xf32, #tpu.memory_space<hbm>>) target(%arg10 : memref<64x128xf32, #tpu.memory_space<vmem>>) offsets(%dma_start3A_277 : memref<64xi32, #tpu.memory_space<vmem>>) semaphore(%arg15 : memref<!tpu.dma_semaphore, #tpu.memory_space<semaphore_mem>>)
      } else {
      }
      %add3A_237 = arith.constant 2 : i32
      %add3A_238 = arith.addi %add3A_142, %add3A_237 : i32
      %dma_wait3A_239 = arith.constant 0 : i32
      %dma_wait3A_240 = tpu.memref_slice %arg8[%add3A_238, %dma_wait3A_239] : memref<40x64xi32, #tpu.memory_space<vmem>> -> memref<1x64xi32, #tpu.memory_space<vmem>>
      %dma_wait3A_241 = tpu.memref_squeeze %dma_wait3A_240 : memref<1x64xi32, #tpu.memory_space<vmem>> -> memref<64xi32, #tpu.memory_space<vmem>>
      %dma_wait3A_242 = arith.constant 0 : i32
      %dma_wait3A_243 = arith.constant 0 : i32
      %dma_wait3A_244 = tpu.memref_slice %arg13[%dma_wait3A_242, %dma_wait3A_243] : memref<10240x128xf32, #tpu.memory_space<vmem_shared>> -> memref<10240x128xf32, #tpu.memory_space<vmem_shared>>
      tpu.wait_indirect_dma semaphore(%arg20 : memref<!tpu.dma_semaphore, #tpu.memory_space<semaphore_mem>>) src(%arg11 : memref<64x128xf32, #tpu.memory_space<vmem>>) dst(%dma_wait3A_244 : memref<10240x128xf32, #tpu.memory_space<vmem_shared>>)
      %add3A_245 = arith.constant 2 : i32
      %add3A_246 = arith.addi %add3A_142, %add3A_245 : i32
      %add3A_247 = arith.constant 4 : i32
      %add3A_248 = arith.addi %add3A_246, %add3A_247 : i32
      %lt3A_249 = arith.constant 40 : i32
      %lt3A_250 = arith.cmpi slt, %add3A_248, %lt3A_249 : i32
      %convert_element_type3A_251 = arith.extui %lt3A_250 : i1 to i32
      %cond3A_252 = arith.constant 0 : i32
      %cond3A_253 = arith.cmpi ne, %convert_element_type3A_251, %cond3A_252 : i32
      scf.if %cond3A_253 {
        %add3A_271 = arith.constant 2 : i32
        %add3A_272 = arith.addi %add3A_142, %add3A_271 : i32
        %add3A_273 = arith.constant 4 : i32
        %add3A_274 = arith.addi %add3A_272, %add3A_273 : i32
        %dma_start3A_275 = arith.constant 0 : i32
        %dma_start3A_276 = tpu.memref_slice %arg7[%add3A_274, %dma_start3A_275] : memref<40x64xi32, #tpu.memory_space<vmem>> -> memref<1x64xi32, #tpu.memory_space<vmem>>
        %dma_start3A_277 = tpu.memref_squeeze %dma_start3A_276 : memref<1x64xi32, #tpu.memory_space<vmem>> -> memref<64xi32, #tpu.memory_space<vmem>>
        %dma_start3A_278 = arith.constant 0 : i32
        %dma_start3A_279 = arith.constant 0 : i32
        %dma_start3A_280 = tpu.memref_slice %arg2[%dma_start3A_278, %dma_start3A_279] : memref<10240x128xf32, #tpu.memory_space<hbm>> -> memref<10240x128xf32, #tpu.memory_space<hbm>>
        tpu.enqueue_indirect_dma source(%dma_start3A_280 : memref<10240x128xf32, #tpu.memory_space<hbm>>) target(%arg11 : memref<64x128xf32, #tpu.memory_space<vmem>>) offsets(%dma_start3A_277 : memref<64xi32, #tpu.memory_space<vmem>>) semaphore(%arg16 : memref<!tpu.dma_semaphore, #tpu.memory_space<semaphore_mem>>)
      } else {
      }
      %add3A_254 = arith.constant 3 : i32
      %add3A_255 = arith.addi %add3A_142, %add3A_254 : i32
      %dma_wait3A_256 = arith.constant 0 : i32
      %dma_wait3A_257 = tpu.memref_slice %arg8[%add3A_255, %dma_wait3A_256] : memref<40x64xi32, #tpu.memory_space<vmem>> -> memref<1x64xi32, #tpu.memory_space<vmem>>
      %dma_wait3A_258 = tpu.memref_squeeze %dma_wait3A_257 : memref<1x64xi32, #tpu.memory_space<vmem>> -> memref<64xi32, #tpu.memory_space<vmem>>
      %dma_wait3A_259 = arith.constant 0 : i32
      %dma_wait3A_260 = arith.constant 0 : i32
      %dma_wait3A_261 = tpu.memref_slice %arg13[%dma_wait3A_259, %dma_wait3A_260] : memref<10240x128xf32, #tpu.memory_space<vmem_shared>> -> memref<10240x128xf32, #tpu.memory_space<vmem_shared>>
      tpu.wait_indirect_dma semaphore(%arg21 : memref<!tpu.dma_semaphore, #tpu.memory_space<semaphore_mem>>) src(%arg12 : memref<64x128xf32, #tpu.memory_space<vmem>>) dst(%dma_wait3A_261 : memref<10240x128xf32, #tpu.memory_space<vmem_shared>>)
      %add3A_262 = arith.constant 3 : i32
      %add3A_263 = arith.addi %add3A_142, %add3A_262 : i32
      %add3A_264 = arith.constant 4 : i32
      %add3A_265 = arith.addi %add3A_263, %add3A_264 : i32
      %lt3A_266 = arith.constant 40 : i32
      %lt3A_267 = arith.cmpi slt, %add3A_265, %lt3A_266 : i32
      %convert_element_type3A_268 = arith.extui %lt3A_267 : i1 to i32
      %cond3A_269 = arith.constant 0 : i32
      %cond3A_270 = arith.cmpi ne, %convert_element_type3A_268, %cond3A_269 : i32
      scf.if %cond3A_270 {
        %add3A_271 = arith.constant 3 : i32
        %add3A_272 = arith.addi %add3A_142, %add3A_271 : i32
        %add3A_273 = arith.constant 4 : i32
        %add3A_274 = arith.addi %add3A_272, %add3A_273 : i32
        %dma_start3A_275 = arith.constant 0 : i32
        %dma_start3A_276 = tpu.memref_slice %arg7[%add3A_274, %dma_start3A_275] : memref<40x64xi32, #tpu.memory_space<vmem>> -> memref<1x64xi32, #tpu.memory_space<vmem>>
        %dma_start3A_277 = tpu.memref_squeeze %dma_start3A_276 : memref<1x64xi32, #tpu.memory_space<vmem>> -> memref<64xi32, #tpu.memory_space<vmem>>
        %dma_start3A_278 = arith.constant 0 : i32
        %dma_start3A_279 = arith.constant 0 : i32
        %dma_start3A_280 = tpu.memref_slice %arg2[%dma_start3A_278, %dma_start3A_279] : memref<10240x128xf32, #tpu.memory_space<hbm>> -> memref<10240x128xf32, #tpu.memory_space<hbm>>
        tpu.enqueue_indirect_dma source(%dma_start3A_280 : memref<10240x128xf32, #tpu.memory_space<hbm>>) target(%arg12 : memref<64x128xf32, #tpu.memory_space<vmem>>) offsets(%dma_start3A_277 : memref<64xi32, #tpu.memory_space<vmem>>) semaphore(%arg17 : memref<!tpu.dma_semaphore, #tpu.memory_space<semaphore_mem>>)
      } else {
      }
    }
    %scan3A_132 = arith.constant 10 : i32
    %barrier3A_133 = arith.constant 0 : index
    tpu.barrier barrier_id(%barrier3A_133)
    %mul3A_134 = arith.constant 640 : i32
    %mul3A_135 = arith.muli %arg1, %mul3A_134 : i32
    %mul3A_136 = arith.constant 640 : i32
    %mul3A_137 = arith.muli %arg1, %mul3A_136 : i32
    "tpu.region"() ({
      %run_scoped3A = tpu.sem_alloc : memref<!tpu.dma_semaphore, #tpu.memory_space<semaphore_mem>>
      %dma_start3A_138 = arith.constant 0 : i32
      %dma_start3A_139 = tpu.memref_slice %arg6[%arg0, %mul3A_137, %dma_start3A_138] : memref<2x10240x128xf32, #tpu.memory_space<hbm>> -> memref<1x640x128xf32, #tpu.memory_space<hbm>>
      %dma_start3A_140 = tpu.memref_squeeze %dma_start3A_139 : memref<1x640x128xf32, #tpu.memory_space<hbm>> -> memref<640x128xf32, #tpu.memory_space<hbm>>
      %dma_start3A_141 = arith.constant 0 : i32
      %dma_start3A_142 = tpu.memref_slice %arg13[%mul3A_135, %dma_start3A_141] : memref<10240x128xf32, #tpu.memory_space<vmem_shared>> -> memref<640x128xf32, #tpu.memory_space<vmem_shared>>
      tpu.enqueue_dma source(%dma_start3A_142 : memref<640x128xf32, #tpu.memory_space<vmem_shared>>) target(%dma_start3A_140 : memref<640x128xf32, #tpu.memory_space<hbm>>) target_semaphore(%run_scoped3A : memref<!tpu.dma_semaphore, #tpu.memory_space<semaphore_mem>>)
      %dma_wait3A = arith.constant 0 : i32
      %dma_wait3A_143 = tpu.memref_slice %arg6[%arg0, %mul3A_137, %dma_wait3A] : memref<2x10240x128xf32, #tpu.memory_space<hbm>> -> memref<1x640x128xf32, #tpu.memory_space<hbm>>
      %dma_wait3A_144 = tpu.memref_squeeze %dma_wait3A_143 : memref<1x640x128xf32, #tpu.memory_space<hbm>> -> memref<640x128xf32, #tpu.memory_space<hbm>>
      %dma_wait3A_145 = arith.constant 0 : i32
      %dma_wait3A_146 = tpu.memref_slice %arg13[%mul3A_135, %dma_wait3A_145] : memref<10240x128xf32, #tpu.memory_space<vmem_shared>> -> memref<640x128xf32, #tpu.memory_space<vmem_shared>>
      tpu.wait_dma2 semaphore(%run_scoped3A : memref<!tpu.dma_semaphore, #tpu.memory_space<semaphore_mem>>) src(%dma_wait3A_146 : memref<640x128xf32, #tpu.memory_space<vmem_shared>>) dst(%dma_wait3A_144 : memref<640x128xf32, #tpu.memory_space<hbm>>)
      tpu.yield
    }) : () -> ()
    return
  }
}

module attributes {stable_mosaic.version = 14 : i64} {
  func.func @_mm_scale_body(%arg0: i32, %arg1: memref<512x128xf32, #tpu.memory_space<vmem>>, %arg2: memref<128x128xf32, #tpu.memory_space<vmem>>, %arg3: memref<2x512x1xf32, #tpu.memory_space<vmem>>, %arg4: memref<512x128xf32, #tpu.memory_space<vmem>>) attributes {dimension_semantics = [#tpu.dimension_semantics<arbitrary>], iteration_bounds = array<i64: 20>, scalar_prefetch = 0 : i64, scratch_operands = 0 : i64, tpu.core_type = #tpu.core_type<tc>, window_params = [{transform_indices = @transform_0, window_bounds = array<i64: 512, 128>}, {pipeline_mode = #tpu.pipeline_mode<synchronous>, transform_indices = @transform_1, window_bounds = array<i64: 128, 128>}, {transform_indices = @transform_2, window_bounds = array<i64: 2, 512, 1>}, {transform_indices = @transform_3, window_bounds = array<i64: 512, 128>}]} {
    %get3A = arith.constant 0 : index
    %get3A_0 = arith.constant 0 : index
    %get3A_1 = arith.constant 0 : index
    %get3A_2 = vector.load %arg3[%get3A, %get3A_0, %get3A_1] : memref<2x512x1xf32, #tpu.memory_space<vmem>>, vector<1x512x1xf32>
    %get3A_3 = vector.shape_cast %get3A_2 : vector<1x512x1xf32> to vector<512xf32>
    %get3A_4 = arith.constant 1 : index
    %get3A_5 = arith.constant 0 : index
    %get3A_6 = arith.constant 0 : index
    %get3A_7 = vector.load %arg3[%get3A_4, %get3A_5, %get3A_6] : memref<2x512x1xf32, #tpu.memory_space<vmem>>, vector<1x512x1xf32>
    %get3A_8 = vector.shape_cast %get3A_7 : vector<1x512x1xf32> to vector<512xf32>
    %add3A = arith.addf %get3A_3, %get3A_8 : vector<512xf32>
    %add3A_9 = arith.constant 1.000000e+00 : f32
    %add3A_10 = vector.broadcast %add3A_9 : f32 to vector<512xf32>
    %add3A_11 = arith.addf %add3A, %add3A_10 : vector<512xf32>
    %rsqrt3A = math.rsqrt %add3A_11 : vector<512xf32>
    %get3A_12 = arith.constant 0 : index
    %get3A_13 = arith.constant 0 : index
    %get3A_14 = vector.load %arg1[%get3A_12, %get3A_13] : memref<512x128xf32, #tpu.memory_space<vmem>>, vector<512x128xf32>
    %get3A_15 = arith.constant 0 : index
    %get3A_16 = arith.constant 0 : index
    %get3A_17 = vector.load %arg2[%get3A_15, %get3A_16] : memref<128x128xf32, #tpu.memory_space<vmem>>, vector<128x128xf32>
    %dot_general3A = arith.constant dense<0.000000e+00> : vector<512x128xf32>
    %dot_general3A_18 = tpu.matmul %get3A_14, %get3A_17, %dot_general3A {dimension_numbers = #tpu.dot_dimension_numbers<[1], [0], [0], [1], [0, 0, 1, 1], [], []>, precision = #tpu.contract_precision<fp32>, transpose_lhs_hint = false} : vector<512x128xf32>, vector<128x128xf32>, vector<512x128xf32> -> vector<512x128xf32>
    %broadcast_in_dim3A = vector.shape_cast %rsqrt3A : vector<512xf32> to vector<512x1xf32>
    %mul3A = vector.broadcast %broadcast_in_dim3A : vector<512x1xf32> to vector<512x128xf32>
    %mul3A_19 = arith.mulf %mul3A, %dot_general3A_18 : vector<512x128xf32>
    %swap3A = arith.constant 0 : index
    %swap3A_20 = arith.constant 0 : index
    %swap3A_21 = vector.load %arg4[%swap3A, %swap3A_20] : memref<512x128xf32, #tpu.memory_space<vmem>>, vector<512x128xf32>
    tpu.vector_store %arg4[%swap3A, %swap3A_20], %mul3A_19 {strides = array<i32>} : memref<512x128xf32, #tpu.memory_space<vmem>>, vector<512x128xf32>,
    return
  }
  func.func @transform_0(%arg0: i32) -> (i32, i32) {
    %c0_i32 = arith.constant 0 : i32
    %c0_i32_0 = arith.constant 0 : i32
    return %arg0, %c0_i32 : i32, i32
  }
  func.func @transform_1(%arg0: i32) -> (i32, i32) {
    %c0_i32 = arith.constant 0 : i32
    %c0_i32_0 = arith.constant 0 : i32
    %c0_i32_1 = arith.constant 0 : i32
    return %c0_i32, %c0_i32_0 : i32, i32
  }
  func.func @transform_2(%arg0: i32) -> (i32, i32, i32) {
    %c0_i32 = arith.constant 0 : i32
    %c0_i32_0 = arith.constant 0 : i32
    %c0_i32_1 = arith.constant 0 : i32
    return %c0_i32, %arg0, %c0_i32_0 : i32, i32, i32
  }
  func.func @transform_3(%arg0: i32) -> (i32, i32) {
    %c0_i32 = arith.constant 0 : i32
    %c0_i32_0 = arith.constant 0 : i32
    return %arg0, %c0_i32 : i32, i32
  }
}

module attributes {stable_mosaic.version = 14 : i64} {
  func.func @_epi_mm_body(%arg0: i32, %arg1: memref<2x512x128xf32, #tpu.memory_space<vmem>>, %arg2: memref<512x128xf32, #tpu.memory_space<vmem>>, %arg3: memref<2x512x1xf32, #tpu.memory_space<vmem>>, %arg4: memref<1x128xf32, #tpu.memory_space<vmem>>, %arg5: memref<128x128xf32, #tpu.memory_space<vmem>>, %arg6: memref<512x128xf32, #tpu.memory_space<vmem>>) attributes {dimension_semantics = [#tpu.dimension_semantics<arbitrary>], iteration_bounds = array<i64: 20>, scalar_prefetch = 0 : i64, scratch_operands = 0 : i64, tpu.core_type = #tpu.core_type<tc>, window_params = [{transform_indices = @transform_0, window_bounds = array<i64: 2, 512, 128>}, {transform_indices = @transform_1, window_bounds = array<i64: 512, 128>}, {transform_indices = @transform_2, window_bounds = array<i64: 2, 512, 1>}, {pipeline_mode = #tpu.pipeline_mode<synchronous>, transform_indices = @transform_3, window_bounds = array<i64: 1, 128>}, {pipeline_mode = #tpu.pipeline_mode<synchronous>, transform_indices = @transform_4, window_bounds = array<i64: 128, 128>}, {transform_indices = @transform_5, window_bounds = array<i64: 512, 128>}]} {
    %get3A = arith.constant 0 : index
    %get3A_0 = arith.constant 0 : index
    %get3A_1 = arith.constant 0 : index
    %get3A_2 = vector.load %arg3[%get3A, %get3A_0, %get3A_1] : memref<2x512x1xf32, #tpu.memory_space<vmem>>, vector<1x512x1xf32>
    %get3A_3 = vector.shape_cast %get3A_2 : vector<1x512x1xf32> to vector<512xf32>
    %get3A_4 = arith.constant 1 : index
    %get3A_5 = arith.constant 0 : index
    %get3A_6 = arith.constant 0 : index
    %get3A_7 = vector.load %arg3[%get3A_4, %get3A_5, %get3A_6] : memref<2x512x1xf32, #tpu.memory_space<vmem>>, vector<1x512x1xf32>
    %get3A_8 = vector.shape_cast %get3A_7 : vector<1x512x1xf32> to vector<512xf32>
    %add3A = arith.addf %get3A_3, %get3A_8 : vector<512xf32>
    %add3A_9 = arith.constant 1.000000e+00 : f32
    %add3A_10 = vector.broadcast %add3A_9 : f32 to vector<512xf32>
    %add3A_11 = arith.addf %add3A, %add3A_10 : vector<512xf32>
    %rsqrt3A = math.rsqrt %add3A_11 : vector<512xf32>
    %get3A_12 = arith.constant 0 : index
    %get3A_13 = arith.constant 0 : index
    %get3A_14 = arith.constant 0 : index
    %get3A_15 = vector.load %arg1[%get3A_12, %get3A_13, %get3A_14] : memref<2x512x128xf32, #tpu.memory_space<vmem>>, vector<1x512x128xf32>
    %get3A_16 = vector.shape_cast %get3A_15 : vector<1x512x128xf32> to vector<512x128xf32>
    %get3A_17 = arith.constant 1 : index
    %get3A_18 = arith.constant 0 : index
    %get3A_19 = arith.constant 0 : index
    %get3A_20 = vector.load %arg1[%get3A_17, %get3A_18, %get3A_19] : memref<2x512x128xf32, #tpu.memory_space<vmem>>, vector<1x512x128xf32>
    %get3A_21 = vector.shape_cast %get3A_20 : vector<1x512x128xf32> to vector<512x128xf32>
    %add3A_22 = arith.addf %get3A_16, %get3A_21 : vector<512x128xf32>
    %get3A_23 = arith.constant 0 : index
    %get3A_24 = arith.constant 0 : index
    %get3A_25 = vector.load %arg2[%get3A_23, %get3A_24] : memref<512x128xf32, #tpu.memory_space<vmem>>, vector<512x128xf32>
    %add3A_26 = arith.addf %add3A_22, %get3A_25 : vector<512x128xf32>
    %broadcast_in_dim3A = vector.shape_cast %rsqrt3A : vector<512xf32> to vector<512x1xf32>
    %mul3A = vector.broadcast %broadcast_in_dim3A : vector<512x1xf32> to vector<512x128xf32>
    %mul3A_27 = arith.mulf %mul3A, %add3A_26 : vector<512x128xf32>
    %get3A_28 = arith.constant 0 : index
    %get3A_29 = arith.constant 0 : index
    %get3A_30 = vector.load %arg4[%get3A_28, %get3A_29] : memref<1x128xf32, #tpu.memory_space<vmem>>, vector<1x128xf32>
    %get3A_31 = vector.shape_cast %get3A_30 : vector<1x128xf32> to vector<128xf32>
    %broadcast_in_dim3A_32 = vector.shape_cast %get3A_31 : vector<128xf32> to vector<1x128xf32>
    %add3A_33 = vector.broadcast %broadcast_in_dim3A_32 : vector<1x128xf32> to vector<512x128xf32>
    %add3A_34 = arith.addf %mul3A_27, %add3A_33 : vector<512x128xf32>
    %max3A = arith.constant 0.000000e+00 : f32
    %max3A_35 = vector.broadcast %max3A : f32 to vector<512x128xf32>
    %max3A_36 = arith.maximumf %add3A_34, %max3A_35 : vector<512x128xf32>
    %get3A_37 = arith.constant 0 : index
    %get3A_38 = arith.constant 0 : index
    %get3A_39 = vector.load %arg5[%get3A_37, %get3A_38] : memref<128x128xf32, #tpu.memory_space<vmem>>, vector<128x128xf32>
    %dot_general3A = arith.constant dense<0.000000e+00> : vector<512x128xf32>
    %dot_general3A_40 = tpu.matmul %max3A_36, %get3A_39, %dot_general3A {dimension_numbers = #tpu.dot_dimension_numbers<[1], [0], [0], [1], [0, 0, 1, 1], [], []>, precision = #tpu.contract_precision<fp32>, transpose_lhs_hint = false} : vector<512x128xf32>, vector<128x128xf32>, vector<512x128xf32> -> vector<512x128xf32>
    %broadcast_in_dim3A_41 = vector.shape_cast %rsqrt3A : vector<512xf32> to vector<512x1xf32>
    %mul3A_42 = vector.broadcast %broadcast_in_dim3A_41 : vector<512x1xf32> to vector<512x128xf32>
    %mul3A_43 = arith.mulf %mul3A_42, %dot_general3A_40 : vector<512x128xf32>
    %swap3A = arith.constant 0 : index
    %swap3A_44 = arith.constant 0 : index
    %swap3A_45 = vector.load %arg6[%swap3A, %swap3A_44] : memref<512x128xf32, #tpu.memory_space<vmem>>, vector<512x128xf32>
    tpu.vector_store %arg6[%swap3A, %swap3A_44], %mul3A_43 {strides = array<i32>} : memref<512x128xf32, #tpu.memory_space<vmem>>, vector<512x128xf32>,
    return
  }
  func.func @transform_0(%arg0: i32) -> (i32, i32, i32) {
    %c0_i32 = arith.constant 0 : i32
    %c0_i32_0 = arith.constant 0 : i32
    %c0_i32_1 = arith.constant 0 : i32
    return %c0_i32, %arg0, %c0_i32_0 : i32, i32, i32
  }
  func.func @transform_1(%arg0: i32) -> (i32, i32) {
    %c0_i32 = arith.constant 0 : i32
    %c0_i32_0 = arith.constant 0 : i32
    return %arg0, %c0_i32 : i32, i32
  }
  func.func @transform_2(%arg0: i32) -> (i32, i32, i32) {
    %c0_i32 = arith.constant 0 : i32
    %c0_i32_0 = arith.constant 0 : i32
    %c0_i32_1 = arith.constant 0 : i32
    return %c0_i32, %arg0, %c0_i32_0 : i32, i32, i32
  }
  func.func @transform_3(%arg0: i32) -> (i32, i32) {
    %c0_i32 = arith.constant 0 : i32
    %c0_i32_0 = arith.constant 0 : i32
    %c0_i32_1 = arith.constant 0 : i32
    return %c0_i32, %c0_i32_0 : i32, i32
  }
  func.func @transform_4(%arg0: i32) -> (i32, i32) {
    %c0_i32 = arith.constant 0 : i32
    %c0_i32_0 = arith.constant 0 : i32
    %c0_i32_1 = arith.constant 0 : i32
    return %c0_i32, %c0_i32_0 : i32, i32
  }
  func.func @transform_5(%arg0: i32) -> (i32, i32) {
    %c0_i32 = arith.constant 0 : i32
    %c0_i32_0 = arith.constant 0 : i32
    return %arg0, %c0_i32 : i32, i32
  }
}

module attributes {stable_mosaic.version = 14 : i64} {
  func.func @_epi_final_body(%arg0: i32, %arg1: memref<2x512x128xf32, #tpu.memory_space<vmem>>, %arg2: memref<512x128xf32, #tpu.memory_space<vmem>>, %arg3: memref<2x512x1xf32, #tpu.memory_space<vmem>>, %arg4: memref<1x128xf32, #tpu.memory_space<vmem>>, %arg5: memref<512x128xf32, #tpu.memory_space<vmem>>) attributes {dimension_semantics = [#tpu.dimension_semantics<arbitrary>], iteration_bounds = array<i64: 20>, scalar_prefetch = 0 : i64, scratch_operands = 0 : i64, tpu.core_type = #tpu.core_type<tc>, window_params = [{transform_indices = @transform_0, window_bounds = array<i64: 2, 512, 128>}, {transform_indices = @transform_1, window_bounds = array<i64: 512, 128>}, {transform_indices = @transform_2, window_bounds = array<i64: 2, 512, 1>}, {pipeline_mode = #tpu.pipeline_mode<synchronous>, transform_indices = @transform_3, window_bounds = array<i64: 1, 128>}, {transform_indices = @transform_4, window_bounds = array<i64: 512, 128>}]} {
    %get3A = arith.constant 0 : index
    %get3A_0 = arith.constant 0 : index
    %get3A_1 = arith.constant 0 : index
    %get3A_2 = vector.load %arg3[%get3A, %get3A_0, %get3A_1] : memref<2x512x1xf32, #tpu.memory_space<vmem>>, vector<1x512x1xf32>
    %get3A_3 = vector.shape_cast %get3A_2 : vector<1x512x1xf32> to vector<512xf32>
    %get3A_4 = arith.constant 1 : index
    %get3A_5 = arith.constant 0 : index
    %get3A_6 = arith.constant 0 : index
    %get3A_7 = vector.load %arg3[%get3A_4, %get3A_5, %get3A_6] : memref<2x512x1xf32, #tpu.memory_space<vmem>>, vector<1x512x1xf32>
    %get3A_8 = vector.shape_cast %get3A_7 : vector<1x512x1xf32> to vector<512xf32>
    %add3A = arith.addf %get3A_3, %get3A_8 : vector<512xf32>
    %add3A_9 = arith.constant 1.000000e+00 : f32
    %add3A_10 = vector.broadcast %add3A_9 : f32 to vector<512xf32>
    %add3A_11 = arith.addf %add3A, %add3A_10 : vector<512xf32>
    %rsqrt3A = math.rsqrt %add3A_11 : vector<512xf32>
    %get3A_12 = arith.constant 0 : index
    %get3A_13 = arith.constant 0 : index
    %get3A_14 = arith.constant 0 : index
    %get3A_15 = vector.load %arg1[%get3A_12, %get3A_13, %get3A_14] : memref<2x512x128xf32, #tpu.memory_space<vmem>>, vector<1x512x128xf32>
    %get3A_16 = vector.shape_cast %get3A_15 : vector<1x512x128xf32> to vector<512x128xf32>
    %get3A_17 = arith.constant 1 : index
    %get3A_18 = arith.constant 0 : index
    %get3A_19 = arith.constant 0 : index
    %get3A_20 = vector.load %arg1[%get3A_17, %get3A_18, %get3A_19] : memref<2x512x128xf32, #tpu.memory_space<vmem>>, vector<1x512x128xf32>
    %get3A_21 = vector.shape_cast %get3A_20 : vector<1x512x128xf32> to vector<512x128xf32>
    %add3A_22 = arith.addf %get3A_16, %get3A_21 : vector<512x128xf32>
    %get3A_23 = arith.constant 0 : index
    %get3A_24 = arith.constant 0 : index
    %get3A_25 = vector.load %arg2[%get3A_23, %get3A_24] : memref<512x128xf32, #tpu.memory_space<vmem>>, vector<512x128xf32>
    %add3A_26 = arith.addf %add3A_22, %get3A_25 : vector<512x128xf32>
    %broadcast_in_dim3A = vector.shape_cast %rsqrt3A : vector<512xf32> to vector<512x1xf32>
    %mul3A = vector.broadcast %broadcast_in_dim3A : vector<512x1xf32> to vector<512x128xf32>
    %mul3A_27 = arith.mulf %mul3A, %add3A_26 : vector<512x128xf32>
    %get3A_28 = arith.constant 0 : index
    %get3A_29 = arith.constant 0 : index
    %get3A_30 = vector.load %arg4[%get3A_28, %get3A_29] : memref<1x128xf32, #tpu.memory_space<vmem>>, vector<1x128xf32>
    %get3A_31 = vector.shape_cast %get3A_30 : vector<1x128xf32> to vector<128xf32>
    %broadcast_in_dim3A_32 = vector.shape_cast %get3A_31 : vector<128xf32> to vector<1x128xf32>
    %add3A_33 = vector.broadcast %broadcast_in_dim3A_32 : vector<1x128xf32> to vector<512x128xf32>
    %add3A_34 = arith.addf %mul3A_27, %add3A_33 : vector<512x128xf32>
    %max3A = arith.constant 0.000000e+00 : f32
    %max3A_35 = vector.broadcast %max3A : f32 to vector<512x128xf32>
    %max3A_36 = arith.maximumf %add3A_34, %max3A_35 : vector<512x128xf32>
    %swap3A = arith.constant 0 : index
    %swap3A_37 = arith.constant 0 : index
    %swap3A_38 = vector.load %arg5[%swap3A, %swap3A_37] : memref<512x128xf32, #tpu.memory_space<vmem>>, vector<512x128xf32>
    tpu.vector_store %arg5[%swap3A, %swap3A_37], %max3A_36 {strides = array<i32>} : memref<512x128xf32, #tpu.memory_space<vmem>>, vector<512x128xf32>,
    return
  }
  func.func @transform_0(%arg0: i32) -> (i32, i32, i32) {
    %c0_i32 = arith.constant 0 : i32
    %c0_i32_0 = arith.constant 0 : i32
    %c0_i32_1 = arith.constant 0 : i32
    return %c0_i32, %arg0, %c0_i32_0 : i32, i32, i32
  }
  func.func @transform_1(%arg0: i32) -> (i32, i32) {
    %c0_i32 = arith.constant 0 : i32
    %c0_i32_0 = arith.constant 0 : i32
    return %arg0, %c0_i32 : i32, i32
  }
  func.func @transform_2(%arg0: i32) -> (i32, i32, i32) {
    %c0_i32 = arith.constant 0 : i32
    %c0_i32_0 = arith.constant 0 : i32
    %c0_i32_1 = arith.constant 0 : i32
    return %c0_i32, %arg0, %c0_i32_0 : i32, i32, i32
  }
  func.func @transform_3(%arg0: i32) -> (i32, i32) {
    %c0_i32 = arith.constant 0 : i32
    %c0_i32_0 = arith.constant 0 : i32
    %c0_i32_1 = arith.constant 0 : i32
    return %c0_i32, %c0_i32_0 : i32, i32
  }
  func.func @transform_4(%arg0: i32) -> (i32, i32) {
    %c0_i32 = arith.constant 0 : i32
    %c0_i32_0 = arith.constant 0 : i32
    return %arg0, %c0_i32 : i32, i32
  }
}

</mosaic_0001>

<sc_bundles>
// kernel: kernel.11.cloned.1.call-start
scs
__scs_entry_jumppad:
0x0: {  	(pc) =	sbr.rel $0x88, $3  }
0x1: {  	(tag) =	ssettag $0x0;
	lr =	simm.s32 $0x1  }
0x2: {  	[smem:$0x3F9B] =	sst lr;
	_ =	strace $0xD0000000  }
0x3: {  	_ = 	snop  }
0x4: {  	_ = 	snop  }
0x5: {  	_ = 	snop  }
0x6: {  	_ = 	snop  }
0x7: {  	_ = 	snop  }
__scs_overlays_trampoline_lowered:
0x8: {  	[smem:$0x3FAA] =	sst s0  }
0x9: {  	[smem:$0x3FAB] =	sst s1  }
0xa: {  	[smem:$0x3FAC] =	sst s2  }
0xb: {  	[smem:$0x3FAD] =	sst s3  }
0xc: {  	[smem:$0x3FAE] =	sst s4  }
0xd: {  	[smem:$0x3FAF] =	sst s5  }
0xe: {  	[smem:$0x3FB0] =	sst s6  }
0xf: {  	[smem:$0x3FB1] =	sst s7  }
0x10: {  	[smem:$0x3FB2] =	sst s8  }
0x11: {  	[smem:$0x3FB3] =	sst s9;
	s0 =	simm.s32 @!p0 $0x0  }
0x12: {  	s1 =	sld [smem:$0x3F99];
	s0 =	simm.s32 @p0 $0x1  }
0x13: {  	[smem:$0x3FB4] =	sst s0;
	s0 =	simm.s32 @!p1 $0x0  }
0x14: {  	s2 =	sld [smem:$0x3F98];
	s0 =	simm.s32 @p1 $0x1  }
0x15: {  	[smem:$0x3FB5] =	sst s0;
	s0 =	simm.s32 @!p2 $0x0  }
0x16: {  	s3 =	sld [smem:$0x3FDB];
	s0 =	simm.s32 @p2 $0x1  }
0x17: {  	s4 =	simm.s32 $0x1BF5;
	[smem:$0x3FB7] =	sst s0  }
0x18: {  	s0 =	sld [smem:$0x3F9A];
	_ =	swait.ge [sflag:s4], $0x0  }
0x19: {  	s7 =	sld [smem:$0x3F9B]  }
0x1a: {  	s8 =	sadd.s32 $0xFFFFE003, lr  }
0x1b: {  	s9 =	sadd.s32 $0xFFFFFEF7, lr;
	s5 =	simm.s32 $0xFFFFFFFF;
	p2 =	slt.u32 s8, $0xFFFFF086  }
0x1c: {  	p1 =	slt.u32 s9, $0xF7A;
	s5 =	simm.s32 @!p2 $0x0  }
0x1d: {  	s5 =	simm.s32 @p1 $0x1;
	p0 =	seq.s32 s7, s2  }
0x1e: {  	s7 =	smul.u32 @!p0 $0xF7A, s2;
	p2 =	seq.s32 @!p0 s5, $0x0  }
0x1f: {  	s9 =	smul.u32 $0xF7A, s1;
	s8 =	simm.s32 @!p0 $0x1BF5;
	p2 =	por !p2, p0  }
0x20: {  	[sflag:s8] =	ssyncset.s32 @!p0 $0xFFFFF086;
	s6 =	sadd.s32 @!p0 s3, s7;
	s7 =	simm.s32 @!p0 $0x108  }
0x21: {  	s3 =	sadd.s32 s3, s9;
	s6 =	sadd.s32 @!p0 $0x88, s6;
	s7 =	simm.s32 @p2 $0x1082  }
0x22: {  	[simem:s7], [sflag:s8] =	dma.local @!p0 [hbm:s6], $0xF7A  }
0x23: {  	s9 =	sor.u32 $0xD0000000, s2;
	s6 =	simm.s32 $0x108;
	_ =	swait.ge @!p0 [sflag:s8], $0x0  }
0x24: {  	s3 =	sadd.s32 $0x88, s3;
	s6 =	simm.s32 @!p1 $0x1082;
	[sflag:s4] =	ssyncset.s32 $0xFFFFF086  }
0x25: {  	[simem:s6], [sflag:s4] =	dma.local [hbm:s3], $0xF7A  }
0x26: {  	[smem:$0x3F9B] =	sst s1;
	(tag) =	ssettag s2;
	_ =	strace s9  }
0x27: {  	s1 =	sld [smem:$0x3FAB]  }
0x28: {  	s2 =	sld [smem:$0x3FAC]  }
0x29: {  	s4 =	sld [smem:$0x3FAE]  }
0x2a: {  	p0 =	seq.s32 s5, $0x0;
	s5 =	sld [smem:$0x3FAF]  }
0x2b: {  	s6 =	sld [smem:$0x3FB0]  }
0x2c: {  	s7 =	sld [smem:$0x3FB1]  }
0x2d: {  	s3 =	simm.s32 $0x108;
	s8 =	sld [smem:$0x3FB2]  }
0x2e: {  	s3 =	simm.s32 @!p0 $0x1082;
	s9 =	sld [smem:$0x3FB3]  }
0x2f: {  	lr =	sadd.s32 s0, s3;
	s0 =	sld [smem:$0x3FAA]  }
0x30: {  	s3 =	sld [smem:$0x3FAD]  }
0x31: {  	[smem:$0x3FB6] =	sst s10  }
0x32: {  	s10 =	sld [smem:$0x3FB4];
	_ =	sdelay $0x3  }
0x33: {  	p0 =	seq.s32 s10, $0x1;
	s10 =	sld [smem:$0x3FB6];
	_ =	sdelay $0x3  }
0x34: {  	[smem:$0x3FB6] =	sst s10  }
0x35: {  	s10 =	sld [smem:$0x3FB5];
	_ =	sdelay $0x3  }
0x36: {  	p1 =	seq.s32 s10, $0x1;
	s10 =	sld [smem:$0x3FB6];
	_ =	sdelay $0x3  }
0x37: {  	[smem:$0x3FB6] =	sst s10  }
0x38: {  	s10 =	sld [smem:$0x3FB7]  }
0x39: {  	_ = 	snop;
	(pc) =	sbr.ind lr, $3  }
0x3a: {  	_ = 	snop  }
0x3b: {  	_ = 	snop  }
0x3c: {  	p2 =	seq.s32 s10, $0x1;
	s10 =	sld [smem:$0x3FB6]  }
0x3d: {  	_ =	shalt  }
0x3e: {  	_ =	shalt  }
0x3f: {  	_ =	shalt  }
0x40: {  	_ =	shalt  }
0x41: {  	_ =	shalt  }
0x42: {  	_ =	shalt  }
0x43: {  	_ =	shalt  }
0x44: {  	_ =	shalt  }
0x45: {  	_ =	shalt  }
0x46: {  	_ =	shalt  }
0x47: {  	_ =	shalt  }
0x48: {  	_ =	shalt  }
0x49: {  	_ =	shalt  }
0x4a: {  	_ =	shalt  }
0x4b: {  	_ =	shalt  }
0x4c: {  	_ =	shalt  }
0x4d: {  	_ =	shalt  }
0x4e: {  	_ =	shalt  }
0x4f: {  	_ =	shalt  }
0x50: {  	_ =	shalt  }
0x51: {  	_ =	shalt  }
0x52: {  	_ =	shalt  }
0x53: {  	_ =	shalt  }
0x54: {  	_ =	shalt  }
0x55: {  	_ =	shalt  }
0x56: {  	_ =	shalt  }
0x57: {  	_ =	shalt  }
0x58: {  	_ =	shalt  }
0x59: {  	_ =	shalt  }
0x5a: {  	_ =	shalt  }
0x5b: {  	_ =	shalt  }
0x5c: {  	_ =	shalt  }
0x5d: {  	_ =	shalt  }
0x5e: {  	_ =	shalt  }
0x5f: {  	_ =	shalt  }
0x60: {  	_ =	shalt  }
0x61: {  	_ =	shalt  }
0x62: {  	_ =	shalt  }
0x63: {  	_ =	shalt  }
0x64: {  	_ =	shalt  }
0x65: {  	_ =	shalt  }
0x66: {  	_ =	shalt  }
0x67: {  	_ =	shalt  }
0x68: {  	_ =	shalt  }
0x69: {  	_ =	shalt  }
0x6a: {  	_ =	shalt  }
0x6b: {  	_ =	shalt  }
0x6c: {  	_ =	shalt  }
0x6d: {  	_ =	shalt  }
0x6e: {  	_ =	shalt  }
0x6f: {  	_ =	shalt  }
0x70: {  	_ =	shalt  }
0x71: {  	_ =	shalt  }
0x72: {  	_ =	shalt  }
0x73: {  	_ =	shalt  }
0x74: {  	_ =	shalt  }
0x75: {  	_ =	shalt  }
0x76: {  	_ =	shalt  }
0x77: {  	_ =	shalt  }
0x78: {  	_ =	shalt  }
0x79: {  	_ =	shalt  }
0x7a: {  	_ =	shalt  }
0x7b: {  	_ =	shalt  }
0x7c: {  	_ =	shalt  }
0x7d: {  	_ =	shalt  }
0x7e: {  	_ =	shalt  }
0x7f: {  	_ =	shalt  }
0x80: {  	_ =	shalt  }
0x81: {  	_ =	shalt  }
0x82: {  	_ =	shalt  }
0x83: {  	_ =	shalt  }
0x84: {  	_ =	shalt  }
0x85: {  	_ =	shalt  }
0x86: {  	_ =	shalt  }
0x87: {  	_ =	shalt  }
.Lfunc_end0:
.L_simem_size_0:
called_computation.1_lowered:
.L_overlay_start_0:
0x88: {  	s2 =	sld [smem:$0x3FD9]  }
0x89: {  	s3 =	sld [smem:$0x3FFE];
	_ =	sdelay $0x1  }
0x8a: {  	s1 =	srdreg.scid  }
0x8b: {  	s0 =	sand.u32 $0x1, s1  }
0x8c: {  	s17 =	sshll.u32 s0, $0xA;
	s2 =	sadd.s32 s3, s2  }
0x8d: {  	s2 =	sadd.s32 s2, s17  }
0x8e: {  	[smem:$0x3FC2] =	sst s2  }
0x8f: {  	_ = 	snop  }
0x90: {  	s2 =	sld [smem:$0x3FD0];
	(tm) =	ssettm $0x1  }
0x91: {  	s18 =	sld [smem:$0x3FFB];
	_ =	sdelay $0x3  }
0x92: {  	_ =	strace s18  }
0x93: {  	s3 =	sld [smem:$0x3FFC];
	_ =	sdelay $0x3  }
0x94: {  	_ =	strace s3  }
0x95: {  	s3 =	sld [smem:$0x3FFD];
	_ =	sdelay $0x3  }
0x96: {  	_ =	strace s3  }
0x97: {  	_ =	strace $0x8FFFFFFF  }
0x98: {  	s19 =	sld [smem:$0x3FDB];
	_ =	sdelay $0x1  }
0x99: {  	s4 =	simm.s32 $_scs_section_size  }
0x9a: {  	s5 =	simm.s32 $_size__tile_overlayer_lowered;
	s6 =	simm.s32 $_tile_overlayer_lowered  }
0x9b: {  	s22 =	simm.s32 $0x1BFF;
	s21 =	sshll.u32 s6, $0x1;
	s3 =	sadd.s32 s4, s19  }
0x9c: {  	s7 =	simm.s32 $0x0;
	s20 =	sshll.u32 s5, $0x1;
	s5 =	sadd.s32 s21, s3  }
0x9d: {  	[timem:s7], [sflag:s22] =	dma.local [hbm:s5], s20  }
0x9e: {  	_ =	swait.ge [sflag:s22], s20  }
0x9f: {  	s4 =	ssub.s32 $0x0, s20;
	[sflag:s22] =	ssyncset.done $0x0  }
0xa0: {  	[sflag:s22] =	ssyncadd.s32 s4;
	_ =	sdelay $0x1  }
0xa1: {  	s23 =	simm.s32 $0x1B8B  }
0xa2: {  	_ =	swait.ge [sflag:s23], $0x1  }
0xa3: {  	[sflag:s23] =	ssyncset.done $0x0  }
0xa4: {  	s25 =	simm.s32 $0x1B8E;
	s24 =	sld [smem:$0x3FFE];
	[sflag:s23] =	ssyncadd.s32 $0xFFFFFFFF  }
0xa5: {  	s26 =	simm.s32 $execute0_lowered;
	[smem:$0x3FD2] =	sst s25  }
0xa6: {  	s5 =	sshll.u32 s26, $0x1;
	_ =	strace $0x80000049;
	[dreg:$0x1] =	wrdreg $0xFFFFFFFF  }
0xa7: {  	s28 =	simm.s32 $_size_execute0_lowered;
	s3 =	sadd.s32 s3, s5;
	[dreg:$0x0] =	wrdreg $0x0  }
0xa8: {  	s5 =	sshll.u32 s28, $0x1;
	[dreg:$0x2] =	wrdreg s3  }
0xa9: {  	[dreg:$0x3] =	wrdreg s5  }
0xaa: {  	[dreg:$0x4] =	wrdreg $0xC0  }
0xab: {  	_ =	task [dreg:s7], $0x5FFFF  }
0xac: {  	[dreg:$0x1] =	wrdreg $0xFFFFFFFF  }
0xad: {  	[dreg:$0x0] =	wrdreg $0x60  }
0xae: {  	[dreg:$0x2] =	wrdreg s24  }
0xaf: {  	[dreg:$0x3] =	wrdreg s2  }
0xb0: {  	[dreg:$0x4] =	wrdreg $0xA8000  }
0xb1: {  	[dreg:$0x5] =	wrdreg $0x9  }
0xb2: {  	_ =	task.clear_ibuf [dreg:s7], $0x6FFFF;
	_ =	strace $0x90000049  }
0xb3: {  	s29 =	simm.s32 $0x9;
	_ =	strace $0x8000004B  }
0xb4: {  	_ =	swait.ge [sflag:s29], $0x1  }
0xb5: {  	[sflag:s29] =	ssyncadd.s32 $0xFFFFFFFF  }
0xb6: {  	_ =	strace $0x9000004B  }
0xb7: {  	_ =	sfence  }
0xb8: {  	s30 =	sld [smem:$0x0];
	_ =	sdelay $0x2  }
0xb9: {  	s31 =	sshll.u32 s1, $0xD;
	s1 =	sshrl.u32 s1, $0x2  }
0xba: {  	s3 =	sand.u32 $0x4000, s31;
	s1 =	sadd.s32 s1, s30  }
0xbb: {  	s0 =	sor.u32 s3, s0;
	s1 =	sshll.u32 s1, $0x11  }
0xbc: {  	s0 =	sor.u32 s1, s0  }
0xbd: {  	s0 =	sadd.s32 $0x8F2B, s0  }
0xbe: {  	[sflag:s0] =	ssyncadd.remote.s32 $0x1  }
0xbf: {  	_ =	sfence.sel $0xFFFF  }
0xc0: {  	[dreg:$0x0] =	wrdreg $0xFFFFFFFF;
	(pc) =	sbr.abs _section_cstart, $3  }
0xc1: {  	[dreg:$0x1] =	wrdreg $0xFFFFFFFF  }
0xc2: {  	_ =	task.clear_ibuf [dreg:s7], $0x2FFFF;
	_ =	strace $0x9FFFFFFF  }
0xc3: {  	(tm) =	ssettm $0x7FFFFFFF  }
tec
execute0_lowered:
.L_overlay_start_1:
0x0: {  	(tag) =	ssettag $0x1  }
0x1: {  	s0 =	rddreg [dreg:$0x0]  }
0x2: {  	s2 =	rddreg [dreg:$0x1]  }
0x3: {  	s1 =	rddreg [dreg:$0x2]  }
0x4: {  	s3 =	srdreg.scid;
	s11 =	stileid.u32  }
0x5: {  	s28 =	simm.s32 $0x8800;
	s29 =	simm.s32 $0x1;
	s30 =	simm.s32 $0x2  }
0x6: {  	s31 =	simm.s32 $0x3;
	s13 =	simm.s32 $0x0;
	s5 =	sand.u32 $0x1, s3  }
0x7: {  	s3 =	simm.s32 $0x0;
	s7 =	smul.u32 $0x14000, s11;
	s4 =	sadd.s32 $0x71A00, s0  }
0x8: {  	s8 =	sadd.s32 $0xDA00, s0;
	s14 =	sshll.u32 s11, $0x1;
	s15 =	smul.u32 $0x50000, s11  }
0x9: {  	s12 =	sadd.s32 $0x2800, s0;
	s17 =	sshll.u32 s11, $0x6;
	s11 =	simm.s32 $0x2700  }
0xa: {  	s6 =	smul.u32 $0x140000, s5;
	[smem:$0x7FF] =	sst s3;
	s9 =	ssub.s32 $0x2, s5  }
0xb: {  	s5 =	sor.u32 s5, s14;
	_ =	strace $0x8000004A;
	s10 =	sshrl.u32 s9, $0x1  }
0xc: {  	s5 =	smul.u32 $0x5000, s5;
	[dreg:$0x4] =	wrdreg s12;
	s16 =	sshrl.u32 s15, $0x2  }
0xd: {  	s12 =	simm.s32 $0x2780;
	s6 =	sadd.s32 s7, s6;
	s9 =	ssub.s32 s9, s10  }
0xe: {  	s18 =	sadd.s32 s16, s1;
	s10 =	simm.s32 $0x2680;
	s6 =	sshrl.u32 s6, $0x3  }
0xf: {  	s5 =	sshrl.u32 s5, $0x3;
	s26 =	smax.u32 s9, $0x1;
	s9 =	simm.s32 $0x2600  }
0x10: {  	s0 =	sadd.s32 s6, s0;
	s6 =	sor.u32 $0x1C09, s17;
	s19 =	sadd.s32 $0x280, s5  }
0x11: {  	s20 =	sadd.s32 s2, s5;
	s21 =	sadd.s32 s8, s5;
	[dreg:$0xe] =	wrdreg s26  }
0x12: {  	s23 =	sadd.s32 $0x500, s5;
	s5 =	sadd.s32 $0x780, s5;
	[dreg:$0x5] =	wrdreg s20  }
0x13: {  	s17 =	sshrl.u32 s18, $0x3;
	[dreg:$0x6] =	wrdreg s21;
	s22 =	sadd.s32 s2, s19  }
0x14: {  	s18 =	simm.s32 $0x9;
	s7 =	sadd.s32 s8, s19;
	[dreg:$0x7] =	wrdreg s22  }
0x15: {  	s26 =	simm.s32 $0x180;
	s24 =	sadd.s32 s2, s23;
	[dreg:$0x8] =	wrdreg s7  }
0x16: {  	s2 =	sadd.s32 s2, s5;
	s25 =	sadd.s32 s8, s5;
	[dreg:$0x9] =	wrdreg s24  }
0x17: {  	s0 =	sadd.s32 $0x99A00, s0;
	s19 =	simm.s32 $0x1400;
	[dreg:$0xb] =	wrdreg s2  }
0x18: {  	s20 =	simm.s32 $0x40;
	s21 =	simm.s32 $0x2800;
	[dreg:$0xc] =	wrdreg s25  }
0x19: {  	s5 =	simm.s32 $0x6;
	s7 =	sadd.s32 s8, s23;
	[dreg:$0xd] =	wrdreg s0  }
0x1a: {  	s22 =	simm.s32 $0x80;
	s23 =	simm.s32 $0x4800;
	s24 =	simm.s32 $0x100  }
0x1b: {  	s25 =	simm.s32 $0x6800;
	s0 =	simm.s32 $0x4;
	s2 =	simm.s32 $0x5  }
0x1c: {  	s8 =	simm.s32 $0x8;
	[dreg:$0xa] =	wrdreg s7;
	s7 =	simm.s32 $0x7  }
.LBB2_1:
0x1d: {  	s14 =	rddreg [dreg:$0x4]  }
0x1e: {  	[spmem:s17], [sflag:s6] =	dma.local [hbm:s14], $0x2800  }
0x1f: {  	_ =	swait.ge [sflag:s18], $0x2800  }
0x20: {  	[sflag:s18] =	ssyncset.done $0x0  }
0x21: {  	[sflag:s18] =	ssyncadd.s32 $0xFFFFD800  }
0x22: {  	[bflag:$0x0] =	sbarrier.arrive $0xFFFF  }
0x23: {  	s16 =	rddreg [dreg:$0x5]  }
0x24: {  	[tilespmem:s3], [sflag:$0x9] =	stream.linear.gather [hbm4b:s16+s3], $0x1400, $0x38;
	[tilespmem:$0x1E800] =	vst v63  }
0x25: {  	_ =	swait.ge [sflag:s18], $0x1400  }
0x26: {  	[sflag:s18] =	ssyncset.done $0x0  }
0x27: {  	s15 =	rddreg [dreg:$0x6];
	[sflag:s18] =	ssyncadd.s32 $0xFFFFEC00  }
0x28: {  	[tilespmem:s19], [sflag:$0x9] =	stream.linear.gather [hbm4b:s15+s3], $0x1400, $0x38;
	[tilespmem:$0x1E800] =	vst v63  }
0x29: {  	_ =	swait.ge [sflag:s18], $0x1400  }
0x2a: {  	[sflag:s18] =	ssyncset.done $0x0  }
0x2b: {  	[sflag:s18] =	ssyncadd.s32 $0xFFFFEC00  }
0x2c: {  	[tilespmem:s21], [sflag:$0x1] =	stream.indirect.gather [hbm4b:s4+s20], $0x80, s3, s20, $0xb8;
	[tilespmem:$0x1E800] =	vst v63  }
0x2d: {  	_ = 	snop  }
0x2e: {  	[tilespmem:s23], [sflag:$0x2] =	stream.indirect.gather [hbm4b:s4+s20], $0x80, s22, s20, $0xb8;
	[tilespmem:$0x1E800] =	vst v63  }
0x2f: {  	_ = 	snop  }
0x30: {  	[tilespmem:s25], [sflag:$0x3] =	stream.indirect.gather [hbm4b:s4+s20], $0x80, s24, s20, $0xb8;
	[tilespmem:$0x1E800] =	vst v63  }
0x31: {  	_ = 	snop  }
0x32: {  	[tilespmem:s28], [sflag:$0x4] =	stream.indirect.gather [hbm4b:s4+s20], $0x80, s26, s20, $0xb8;
	[tilespmem:$0x1E800] =	vst v63  }
0x33: {  	_ =	swait.ge [sflag:s29], $0x2000  }
0x34: {  	[sflag:s29] =	ssyncset.done $0x0  }
0x35: {  	s16 =	simm.s32 $0x1400;
	[sflag:s29] =	ssyncadd.s32 $0xFFFFE000  }
0x36: {  	[spmem:s1] =	stream.indirect.scatter.add.f32 [tilespmem:s21], [sflag:$0x5], $0x80, s16, s20, $0xb8;
	[tilespmem:$0x1E800] =	vst v63  }
0x37: {  	_ =	swait.ge [sflag:s30], $0x2000  }
0x38: {  	[sflag:s30] =	ssyncset.done $0x0  }
0x39: {  	s15 =	simm.s32 $0x1480;
	[sflag:s30] =	ssyncadd.s32 $0xFFFFE000  }
0x3a: {  	[spmem:s1] =	stream.indirect.scatter.add.f32 [tilespmem:s23], [sflag:$0x6], $0x80, s15, s20, $0xb8;
	[tilespmem:$0x1E800] =	vst v63  }
0x3b: {  	_ =	swait.ge [sflag:s31], $0x2000  }
0x3c: {  	[sflag:s31] =	ssyncset.done $0x0  }
0x3d: {  	s16 =	simm.s32 $0x1500;
	[sflag:s31] =	ssyncadd.s32 $0xFFFFE000  }
0x3e: {  	[spmem:s1] =	stream.indirect.scatter.add.f32 [tilespmem:s25], [sflag:$0x7], $0x80, s16, s20, $0xb8;
	[tilespmem:$0x1E800] =	vst v63  }
0x3f: {  	_ =	swait.ge [sflag:s0], $0x2000  }
0x40: {  	[sflag:s0] =	ssyncset.done $0x0  }
0x41: {  	s15 =	simm.s32 $0x1580;
	[sflag:s0] =	ssyncadd.s32 $0xFFFFE000  }
0x42: {  	[spmem:s1] =	stream.indirect.scatter.add.f32 [tilespmem:s28], [sflag:$0x8], $0x80, s15, s20, $0xb8;
	[tilespmem:$0x1E800] =	vst v63  }
0x43: {  	_ =	swait.ge [sflag:s2], $0x2000  }
0x44: {  	[sflag:s2] =	ssyncset.done $0x0  }
0x45: {  	s16 =	simm.s32 $0x200;
	[sflag:s2] =	ssyncadd.s32 $0xFFFFE000  }
0x46: {  	[tilespmem:s21], [sflag:$0x1] =	stream.indirect.gather [hbm4b:s4+s20], $0x80, s16, s20, $0xb8;
	[tilespmem:$0x1E800] =	vst v63  }
0x47: {  	_ =	swait.ge [sflag:s5], $0x2000  }
0x48: {  	[sflag:s5] =	ssyncset.done $0x0  }
0x49: {  	s15 =	simm.s32 $0x280;
	[sflag:s5] =	ssyncadd.s32 $0xFFFFE000  }
0x4a: {  	[tilespmem:s23], [sflag:$0x2] =	stream.indirect.gather [hbm4b:s4+s20], $0x80, s15, s20, $0xb8;
	[tilespmem:$0x1E800] =	vst v63  }
0x4b: {  	_ =	swait.ge [sflag:s7], $0x2000  }
0x4c: {  	[sflag:s7] =	ssyncset.done $0x0  }
0x4d: {  	s16 =	simm.s32 $0x300;
	[sflag:s7] =	ssyncadd.s32 $0xFFFFE000  }
0x4e: {  	[tilespmem:s25], [sflag:$0x3] =	stream.indirect.gather [hbm4b:s4+s20], $0x80, s16, s20, $0xb8;
	[tilespmem:$0x1E800] =	vst v63  }
0x4f: {  	_ =	swait.ge [sflag:s8], $0x2000  }
0x50: {  	[sflag:s8] =	ssyncset.done $0x0  }
0x51: {  	s14 =	simm.s32 $0x800;
	s15 =	simm.s32 $0x380;
	[sflag:s8] =	ssyncadd.s32 $0xFFFFE000  }
.LBB2_2:
0x52: {  	[tilespmem:s28], [sflag:$0x4] =	stream.indirect.gather [hbm4b:s4+s20], $0x80, s15, s20, $0xb8;
	[tilespmem:$0x1E800] =	vst v63  }
0x53: {  	s15 =	smov.u32 s14  }
0x54: {  	p0 =	sne.s32 s14, $0x4000;
	s14 =	sadd.s32 $0x800, s14;
	_ =	swait.ge [sflag:s29], $0x2000  }
0x55: {  	s15 =	sshra.s32 s15, $0x2;
	[sflag:s29] =	ssyncset.done $0x0  }
0x56: {  	s16 =	sadd.s32 $0x1400, s15;
	[sflag:s29] =	ssyncadd.s32 $0xFFFFE000  }
0x57: {  	[spmem:s1] =	stream.indirect.scatter.add.f32 [tilespmem:s21], [sflag:$0x5], $0x80, s16, s20, $0xb8;
	[tilespmem:$0x1E800] =	vst v63  }
0x58: {  	_ =	swait.ge [sflag:s30], $0x2000  }
0x59: {  	[sflag:s30] =	ssyncset.done $0x0  }
0x5a: {  	s16 =	sadd.s32 $0x1480, s15;
	[sflag:s30] =	ssyncadd.s32 $0xFFFFE000  }
0x5b: {  	[spmem:s1] =	stream.indirect.scatter.add.f32 [tilespmem:s23], [sflag:$0x6], $0x80, s16, s20, $0xb8;
	[tilespmem:$0x1E800] =	vst v63  }
0x5c: {  	_ =	swait.ge [sflag:s31], $0x2000  }
0x5d: {  	[sflag:s31] =	ssyncset.done $0x0  }
0x5e: {  	s16 =	sadd.s32 $0x1500, s15;
	[sflag:s31] =	ssyncadd.s32 $0xFFFFE000  }
0x5f: {  	[spmem:s1] =	stream.indirect.scatter.add.f32 [tilespmem:s25], [sflag:$0x7], $0x80, s16, s20, $0xb8;
	[tilespmem:$0x1E800] =	vst v63  }
0x60: {  	_ =	swait.ge [sflag:s0], $0x2000  }
0x61: {  	[sflag:s0] =	ssyncset.done $0x0  }
0x62: {  	s16 =	sadd.s32 $0x1580, s15;
	[sflag:s0] =	ssyncadd.s32 $0xFFFFE000  }
0x63: {  	[spmem:s1] =	stream.indirect.scatter.add.f32 [tilespmem:s28], [sflag:$0x8], $0x80, s16, s20, $0xb8;
	[tilespmem:$0x1E800] =	vst v63  }
0x64: {  	_ =	swait.ge [sflag:s2], $0x2000  }
0x65: {  	[sflag:s2] =	ssyncset.done $0x0  }
0x66: {  	s16 =	sadd.s32 $0x200, s15;
	[sflag:s2] =	ssyncadd.s32 $0xFFFFE000  }
0x67: {  	[tilespmem:s21], [sflag:$0x1] =	stream.indirect.gather [hbm4b:s4+s20], $0x80, s16, s20, $0xb8;
	[tilespmem:$0x1E800] =	vst v63  }
0x68: {  	_ =	swait.ge [sflag:s5], $0x2000  }
0x69: {  	[sflag:s5] =	ssyncset.done $0x0  }
0x6a: {  	s16 =	sadd.s32 $0x280, s15;
	[sflag:s5] =	ssyncadd.s32 $0xFFFFE000  }
0x6b: {  	[tilespmem:s23], [sflag:$0x2] =	stream.indirect.gather [hbm4b:s4+s20], $0x80, s16, s20, $0xb8;
	[tilespmem:$0x1E800] =	vst v63  }
0x6c: {  	_ =	swait.ge [sflag:s7], $0x2000  }
0x6d: {  	[sflag:s7] =	ssyncset.done $0x0  }
.Ltmp0:
0x6e: {  	s16 =	sadd.s32 $0x300, s15;
	[sflag:s7] =	ssyncadd.s32 $0xFFFFE000;
	(pc) =	sbr.rel @p0 .LBB2_2-.Ltmp0, $4  }
0x6f: {  	[tilespmem:s25], [sflag:$0x3] =	stream.indirect.gather [hbm4b:s4+s20], $0x80, s16, s20, $0xb8;
	[tilespmem:$0x1E800] =	vst v63  }
0x70: {  	_ =	swait.ge [sflag:s8], $0x2000  }
0x71: {  	[sflag:s8] =	ssyncset.done $0x0  }
0x72: {  	s15 =	sadd.s32 $0x380, s15;
	[sflag:s8] =	ssyncadd.s32 $0xFFFFE000  }
0x73: {  	[tilespmem:s28], [sflag:$0x4] =	stream.indirect.gather [hbm4b:s4+s20], $0x80, s15, s20, $0xb8;
	[tilespmem:$0x1E800] =	vst v63  }
0x74: {  	_ =	swait.ge [sflag:s29], $0x2000  }
0x75: {  	[sflag:s29] =	ssyncset.done $0x0  }
0x76: {  	[sflag:s29] =	ssyncadd.s32 $0xFFFFE000  }
0x77: {  	[spmem:s1] =	stream.indirect.scatter.add.f32 [tilespmem:s21], [sflag:$0x5], $0x80, s9, s20, $0xb8;
	[tilespmem:$0x1E800] =	vst v63  }
0x78: {  	_ =	swait.ge [sflag:s30], $0x2000  }
0x79: {  	[sflag:s30] =	ssyncset.done $0x0  }
0x7a: {  	[sflag:s30] =	ssyncadd.s32 $0xFFFFE000  }
0x7b: {  	[spmem:s1] =	stream.indirect.scatter.add.f32 [tilespmem:s23], [sflag:$0x6], $0x80, s10, s20, $0xb8;
	[tilespmem:$0x1E800] =	vst v63  }
0x7c: {  	_ =	swait.ge [sflag:s31], $0x2000  }
0x7d: {  	[sflag:s31] =	ssyncset.done $0x0  }
0x7e: {  	[sflag:s31] =	ssyncadd.s32 $0xFFFFE000  }
0x7f: {  	[spmem:s1] =	stream.indirect.scatter.add.f32 [tilespmem:s25], [sflag:$0x7], $0x80, s11, s20, $0xb8;
	[tilespmem:$0x1E800] =	vst v63  }
0x80: {  	_ =	swait.ge [sflag:s0], $0x2000  }
0x81: {  	[sflag:s0] =	ssyncset.done $0x0  }
0x82: {  	[sflag:s0] =	ssyncadd.s32 $0xFFFFE000  }
0x83: {  	[spmem:s1] =	stream.indirect.scatter.add.f32 [tilespmem:s28], [sflag:$0x8], $0x80, s12, s20, $0xb8;
	[tilespmem:$0x1E800] =	vst v63  }
0x84: {  	_ =	swait.ge [sflag:s2], $0x2000  }
0x85: {  	[sflag:s2] =	ssyncset.done $0x0  }
0x86: {  	[sflag:s2] =	ssyncadd.s32 $0xFFFFE000  }
0x87: {  	_ =	swait.ge [sflag:s5], $0x2000  }
0x88: {  	[sflag:s5] =	ssyncset.done $0x0  }
0x89: {  	[sflag:s5] =	ssyncadd.s32 $0xFFFFE000  }
0x8a: {  	_ =	swait.ge [sflag:s7], $0x2000  }
0x8b: {  	[sflag:s7] =	ssyncset.done $0x0  }
0x8c: {  	[sflag:s7] =	ssyncadd.s32 $0xFFFFE000  }
0x8d: {  	_ =	swait.ge [sflag:s8], $0x2000  }
0x8e: {  	[sflag:s8] =	ssyncset.done $0x0  }
0x8f: {  	s14 =	simm.s32 $0x0;
	s16 =	rddreg [dreg:$0x7];
	[sflag:s8] =	ssyncadd.s32 $0xFFFFE000  }
0x90: {  	[tilespmem:s14], [sflag:$0x9] =	stream.linear.gather [hbm4b:s16+s14], $0x1400, $0x38;
	[tilespmem:$0x1E800] =	vst v63  }
0x91: {  	_ =	swait.ge [sflag:s18], $0x1400  }
0x92: {  	[sflag:s18] =	ssyncset.done $0x0  }
0x93: {  	s16 =	rddreg [dreg:$0x8];
	[sflag:s18] =	ssyncadd.s32 $0xFFFFEC00  }
0x94: {  	[tilespmem:s19], [sflag:$0x9] =	stream.linear.gather [hbm4b:s16+s14], $0x1400, $0x38;
	[tilespmem:$0x1E800] =	vst v63  }
0x95: {  	_ =	swait.ge [sflag:s18], $0x1400  }
0x96: {  	[sflag:s18] =	ssyncset.done $0x0  }
0x97: {  	[sflag:s18] =	ssyncadd.s32 $0xFFFFEC00  }
0x98: {  	[tilespmem:s21], [sflag:$0x1] =	stream.indirect.gather [hbm4b:s4+s20], $0x80, s14, s20, $0xb8;
	[tilespmem:$0x1E800] =	vst v63  }
0x99: {  	_ = 	snop  }
0x9a: {  	[tilespmem:s23], [sflag:$0x2] =	stream.indirect.gather [hbm4b:s4+s20], $0x80, s22, s20, $0xb8;
	[tilespmem:$0x1E800] =	vst v63  }
0x9b: {  	_ = 	snop  }
0x9c: {  	[tilespmem:s25], [sflag:$0x3] =	stream.indirect.gather [hbm4b:s4+s20], $0x80, s24, s20, $0xb8;
	[tilespmem:$0x1E800] =	vst v63  }
0x9d: {  	_ = 	snop  }
0x9e: {  	[tilespmem:s28], [sflag:$0x4] =	stream.indirect.gather [hbm4b:s4+s20], $0x80, s26, s20, $0xb8;
	[tilespmem:$0x1E800] =	vst v63  }
0x9f: {  	_ =	swait.ge [sflag:s29], $0x2000  }
0xa0: {  	[sflag:s29] =	ssyncset.done $0x0  }
0xa1: {  	s16 =	simm.s32 $0x1400;
	[sflag:s29] =	ssyncadd.s32 $0xFFFFE000  }
0xa2: {  	[spmem:s1] =	stream.indirect.scatter.add.f32 [tilespmem:s21], [sflag:$0x5], $0x80, s16, s20, $0xb8;
	[tilespmem:$0x1E800] =	vst v63  }
0xa3: {  	_ =	swait.ge [sflag:s30], $0x2000  }
0xa4: {  	[sflag:s30] =	ssyncset.done $0x0  }
0xa5: {  	s15 =	simm.s32 $0x1480;
	[sflag:s30] =	ssyncadd.s32 $0xFFFFE000  }
0xa6: {  	[spmem:s1] =	stream.indirect.scatter.add.f32 [tilespmem:s23], [sflag:$0x6], $0x80, s15, s20, $0xb8;
	[tilespmem:$0x1E800] =	vst v63  }
0xa7: {  	_ =	swait.ge [sflag:s31], $0x2000  }
0xa8: {  	[sflag:s31] =	ssyncset.done $0x0  }
0xa9: {  	s16 =	simm.s32 $0x1500;
	[sflag:s31] =	ssyncadd.s32 $0xFFFFE000  }
0xaa: {  	[spmem:s1] =	stream.indirect.scatter.add.f32 [tilespmem:s25], [sflag:$0x7], $0x80, s16, s20, $0xb8;
	[tilespmem:$0x1E800] =	vst v63  }
0xab: {  	_ =	swait.ge [sflag:s0], $0x2000  }
0xac: {  	[sflag:s0] =	ssyncset.done $0x0  }
0xad: {  	s15 =	simm.s32 $0x1580;
	[sflag:s0] =	ssyncadd.s32 $0xFFFFE000  }
0xae: {  	[spmem:s1] =	stream.indirect.scatter.add.f32 [tilespmem:s28], [sflag:$0x8], $0x80, s15, s20, $0xb8;
	[tilespmem:$0x1E800] =	vst v63  }
0xaf: {  	_ =	swait.ge [sflag:s2], $0x2000  }
0xb0: {  	[sflag:s2] =	ssyncset.done $0x0  }
0xb1: {  	s16 =	simm.s32 $0x200;
	[sflag:s2] =	ssyncadd.s32 $0xFFFFE000  }
0xb2: {  	[tilespmem:s21], [sflag:$0x1] =	stream.indirect.gather [hbm4b:s4+s20], $0x80, s16, s20, $0xb8;
	[tilespmem:$0x1E800] =	vst v63  }
0xb3: {  	_ =	swait.ge [sflag:s5], $0x2000  }
0xb4: {  	[sflag:s5] =	ssyncset.done $0x0  }
0xb5: {  	s15 =	simm.s32 $0x280;
	[sflag:s5] =	ssyncadd.s32 $0xFFFFE000  }
0xb6: {  	[tilespmem:s23], [sflag:$0x2] =	stream.indirect.gather [hbm4b:s4+s20], $0x80, s15, s20, $0xb8;
	[tilespmem:$0x1E800] =	vst v63  }
0xb7: {  	_ =	swait.ge [sflag:s7], $0x2000  }
0xb8: {  	[sflag:s7] =	ssyncset.done $0x0  }
0xb9: {  	s16 =	simm.s32 $0x300;
	[sflag:s7] =	ssyncadd.s32 $0xFFFFE000  }
0xba: {  	[tilespmem:s25], [sflag:$0x3] =	stream.indirect.gather [hbm4b:s4+s20], $0x80, s16, s20, $0xb8;
	[tilespmem:$0x1E800] =	vst v63  }
0xbb: {  	_ =	swait.ge [sflag:s8], $0x2000  }
0xbc: {  	[sflag:s8] =	ssyncset.done $0x0  }
0xbd: {  	s14 =	simm.s32 $0x800;
	s15 =	simm.s32 $0x380;
	[sflag:s8] =	ssyncadd.s32 $0xFFFFE000  }
.LBB2_4:
0xbe: {  	[tilespmem:s28], [sflag:$0x4] =	stream.indirect.gather [hbm4b:s4+s20], $0x80, s15, s20, $0xb8;
	[tilespmem:$0x1E800] =	vst v63  }
0xbf: {  	s15 =	smov.u32 s14  }
0xc0: {  	p0 =	sne.s32 s14, $0x4000;
	s14 =	sadd.s32 $0x800, s14;
	_ =	swait.ge [sflag:s29], $0x2000  }
0xc1: {  	s15 =	sshra.s32 s15, $0x2;
	[sflag:s29] =	ssyncset.done $0x0  }
0xc2: {  	s16 =	sadd.s32 $0x1400, s15;
	[sflag:s29] =	ssyncadd.s32 $0xFFFFE000  }
0xc3: {  	[spmem:s1] =	stream.indirect.scatter.add.f32 [tilespmem:s21], [sflag:$0x5], $0x80, s16, s20, $0xb8;
	[tilespmem:$0x1E800] =	vst v63  }
0xc4: {  	_ =	swait.ge [sflag:s30], $0x2000  }
0xc5: {  	[sflag:s30] =	ssyncset.done $0x0  }
0xc6: {  	s16 =	sadd.s32 $0x1480, s15;
	[sflag:s30] =	ssyncadd.s32 $0xFFFFE000  }
0xc7: {  	[spmem:s1] =	stream.indirect.scatter.add.f32 [tilespmem:s23], [sflag:$0x6], $0x80, s16, s20, $0xb8;
	[tilespmem:$0x1E800] =	vst v63  }
0xc8: {  	_ =	swait.ge [sflag:s31], $0x2000  }
0xc9: {  	[sflag:s31] =	ssyncset.done $0x0  }
0xca: {  	s16 =	sadd.s32 $0x1500, s15;
	[sflag:s31] =	ssyncadd.s32 $0xFFFFE000  }
0xcb: {  	[spmem:s1] =	stream.indirect.scatter.add.f32 [tilespmem:s25], [sflag:$0x7], $0x80, s16, s20, $0xb8;
	[tilespmem:$0x1E800] =	vst v63  }
0xcc: {  	_ =	swait.ge [sflag:s0], $0x2000  }
0xcd: {  	[sflag:s0] =	ssyncset.done $0x0  }
0xce: {  	s16 =	sadd.s32 $0x1580, s15;
	[sflag:s0] =	ssyncadd.s32 $0xFFFFE000  }
0xcf: {  	[spmem:s1] =	stream.indirect.scatter.add.f32 [tilespmem:s28], [sflag:$0x8], $0x80, s16, s20, $0xb8;
	[tilespmem:$0x1E800] =	vst v63  }
0xd0: {  	_ =	swait.ge [sflag:s2], $0x2000  }
0xd1: {  	[sflag:s2] =	ssyncset.done $0x0  }
0xd2: {  	s16 =	sadd.s32 $0x200, s15;
	[sflag:s2] =	ssyncadd.s32 $0xFFFFE000  }
0xd3: {  	[tilespmem:s21], [sflag:$0x1] =	stream.indirect.gather [hbm4b:s4+s20], $0x80, s16, s20, $0xb8;
	[tilespmem:$0x1E800] =	vst v63  }
0xd4: {  	_ =	swait.ge [sflag:s5], $0x2000  }
0xd5: {  	[sflag:s5] =	ssyncset.done $0x0  }
0xd6: {  	s16 =	sadd.s32 $0x280, s15;
	[sflag:s5] =	ssyncadd.s32 $0xFFFFE000  }
0xd7: {  	[tilespmem:s23], [sflag:$0x2] =	stream.indirect.gather [hbm4b:s4+s20], $0x80, s16, s20, $0xb8;
	[tilespmem:$0x1E800] =	vst v63  }
0xd8: {  	_ =	swait.ge [sflag:s7], $0x2000  }
0xd9: {  	[sflag:s7] =	ssyncset.done $0x0  }
.Ltmp1:
0xda: {  	s16 =	sadd.s32 $0x300, s15;
	[sflag:s7] =	ssyncadd.s32 $0xFFFFE000;
	(pc) =	sbr.rel @p0 .LBB2_4-.Ltmp1, $4  }
0xdb: {  	[tilespmem:s25], [sflag:$0x3] =	stream.indirect.gather [hbm4b:s4+s20], $0x80, s16, s20, $0xb8;
	[tilespmem:$0x1E800] =	vst v63  }
0xdc: {  	_ =	swait.ge [sflag:s8], $0x2000  }
0xdd: {  	[sflag:s8] =	ssyncset.done $0x0  }
0xde: {  	s15 =	sadd.s32 $0x380, s15;
	[sflag:s8] =	ssyncadd.s32 $0xFFFFE000  }
0xdf: {  	[tilespmem:s28], [sflag:$0x4] =	stream.indirect.gather [hbm4b:s4+s20], $0x80, s15, s20, $0xb8;
	[tilespmem:$0x1E800] =	vst v63  }
0xe0: {  	_ =	swait.ge [sflag:s29], $0x2000  }
0xe1: {  	[sflag:s29] =	ssyncset.done $0x0  }
0xe2: {  	[sflag:s29] =	ssyncadd.s32 $0xFFFFE000  }
0xe3: {  	[spmem:s1] =	stream.indirect.scatter.add.f32 [tilespmem:s21], [sflag:$0x5], $0x80, s9, s20, $0xb8;
	[tilespmem:$0x1E800] =	vst v63  }
0xe4: {  	_ =	swait.ge [sflag:s30], $0x2000  }
0xe5: {  	[sflag:s30] =	ssyncset.done $0x0  }
0xe6: {  	[sflag:s30] =	ssyncadd.s32 $0xFFFFE000  }
0xe7: {  	[spmem:s1] =	stream.indirect.scatter.add.f32 [tilespmem:s23], [sflag:$0x6], $0x80, s10, s20, $0xb8;
	[tilespmem:$0x1E800] =	vst v63  }
0xe8: {  	_ =	swait.ge [sflag:s31], $0x2000  }
0xe9: {  	[sflag:s31] =	ssyncset.done $0x0  }
0xea: {  	[sflag:s31] =	ssyncadd.s32 $0xFFFFE000  }
0xeb: {  	[spmem:s1] =	stream.indirect.scatter.add.f32 [tilespmem:s25], [sflag:$0x7], $0x80, s11, s20, $0xb8;
	[tilespmem:$0x1E800] =	vst v63  }
0xec: {  	_ =	swait.ge [sflag:s0], $0x2000  }
0xed: {  	[sflag:s0] =	ssyncset.done $0x0  }
0xee: {  	[sflag:s0] =	ssyncadd.s32 $0xFFFFE000  }
0xef: {  	[spmem:s1] =	stream.indirect.scatter.add.f32 [tilespmem:s28], [sflag:$0x8], $0x80, s12, s20, $0xb8;
	[tilespmem:$0x1E800] =	vst v63  }
0xf0: {  	_ =	swait.ge [sflag:s2], $0x2000  }
0xf1: {  	[sflag:s2] =	ssyncset.done $0x0  }
0xf2: {  	[sflag:s2] =	ssyncadd.s32 $0xFFFFE000  }
0xf3: {  	_ =	swait.ge [sflag:s5], $0x2000  }
0xf4: {  	[sflag:s5] =	ssyncset.done $0x0  }
0xf5: {  	[sflag:s5] =	ssyncadd.s32 $0xFFFFE000  }
0xf6: {  	_ =	swait.ge [sflag:s7], $0x2000  }
0xf7: {  	[sflag:s7] =	ssyncset.done $0x0  }
0xf8: {  	[sflag:s7] =	ssyncadd.s32 $0xFFFFE000  }
0xf9: {  	_ =	swait.ge [sflag:s8], $0x2000  }
0xfa: {  	[sflag:s8] =	ssyncset.done $0x0  }
0xfb: {  	s14 =	simm.s32 $0x0;
	s16 =	rddreg [dreg:$0x9];
	[sflag:s8] =	ssyncadd.s32 $0xFFFFE000  }
0xfc: {  	[tilespmem:s14], [sflag:$0x9] =	stream.linear.gather [hbm4b:s16+s14], $0x1400, $0x38;
	[tilespmem:$0x1E800] =	vst v63  }
0xfd: {  	_ =	swait.ge [sflag:s18], $0x1400  }
0xfe: {  	[sflag:s18] =	ssyncset.done $0x0  }
0xff: {  	s16 =	rddreg [dreg:$0xa];
	[sflag:s18] =	ssyncadd.s32 $0xFFFFEC00  }
0x100: {  	[tilespmem:s19], [sflag:$0x9] =	stream.linear.gather [hbm4b:s16+s14], $0x1400, $0x38;
	[tilespmem:$0x1E800] =	vst v63  }
0x101: {  	_ =	swait.ge [sflag:s18], $0x1400  }
0x102: {  	[sflag:s18] =	ssyncset.done $0x0  }
0x103: {  	[sflag:s18] =	ssyncadd.s32 $0xFFFFEC00  }
0x104: {  	[tilespmem:s21], [sflag:$0x1] =	stream.indirect.gather [hbm4b:s4+s20], $0x80, s14, s20, $0xb8;
	[tilespmem:$0x1E800] =	vst v63  }
0x105: {  	_ = 	snop  }
0x106: {  	[tilespmem:s23], [sflag:$0x2] =	stream.indirect.gather [hbm4b:s4+s20], $0x80, s22, s20, $0xb8;
	[tilespmem:$0x1E800] =	vst v63  }
0x107: {  	_ = 	snop  }
0x108: {  	[tilespmem:s25], [sflag:$0x3] =	stream.indirect.gather [hbm4b:s4+s20], $0x80, s24, s20, $0xb8;
	[tilespmem:$0x1E800] =	vst v63  }
0x109: {  	_ = 	snop  }
0x10a: {  	[tilespmem:s28], [sflag:$0x4] =	stream.indirect.gather [hbm4b:s4+s20], $0x80, s26, s20, $0xb8;
	[tilespmem:$0x1E800] =	vst v63  }
0x10b: {  	_ =	swait.ge [sflag:s29], $0x2000  }
0x10c: {  	[sflag:s29] =	ssyncset.done $0x0  }
0x10d: {  	s16 =	simm.s32 $0x1400;
	[sflag:s29] =	ssyncadd.s32 $0xFFFFE000  }
0x10e: {  	[spmem:s1] =	stream.indirect.scatter.add.f32 [tilespmem:s21], [sflag:$0x5], $0x80, s16, s20, $0xb8;
	[tilespmem:$0x1E800] =	vst v63  }
0x10f: {  	_ =	swait.ge [sflag:s30], $0x2000  }
0x110: {  	[sflag:s30] =	ssyncset.done $0x0  }
0x111: {  	s15 =	simm.s32 $0x1480;
	[sflag:s30] =	ssyncadd.s32 $0xFFFFE000  }
0x112: {  	[spmem:s1] =	stream.indirect.scatter.add.f32 [tilespmem:s23], [sflag:$0x6], $0x80, s15, s20, $0xb8;
	[tilespmem:$0x1E800] =	vst v63  }
0x113: {  	_ =	swait.ge [sflag:s31], $0x2000  }
0x114: {  	[sflag:s31] =	ssyncset.done $0x0  }
0x115: {  	s16 =	simm.s32 $0x1500;
	[sflag:s31] =	ssyncadd.s32 $0xFFFFE000  }
0x116: {  	[spmem:s1] =	stream.indirect.scatter.add.f32 [tilespmem:s25], [sflag:$0x7], $0x80, s16, s20, $0xb8;
	[tilespmem:$0x1E800] =	vst v63  }
0x117: {  	_ =	swait.ge [sflag:s0], $0x2000  }
0x118: {  	[sflag:s0] =	ssyncset.done $0x0  }
0x119: {  	s15 =	simm.s32 $0x1580;
	[sflag:s0] =	ssyncadd.s32 $0xFFFFE000  }
0x11a: {  	[spmem:s1] =	stream.indirect.scatter.add.f32 [tilespmem:s28], [sflag:$0x8], $0x80, s15, s20, $0xb8;
	[tilespmem:$0x1E800] =	vst v63  }
0x11b: {  	_ =	swait.ge [sflag:s2], $0x2000  }
0x11c: {  	[sflag:s2] =	ssyncset.done $0x0  }
0x11d: {  	s16 =	simm.s32 $0x200;
	[sflag:s2] =	ssyncadd.s32 $0xFFFFE000  }
0x11e: {  	[tilespmem:s21], [sflag:$0x1] =	stream.indirect.gather [hbm4b:s4+s20], $0x80, s16, s20, $0xb8;
	[tilespmem:$0x1E800] =	vst v63  }
0x11f: {  	_ =	swait.ge [sflag:s5], $0x2000  }
0x120: {  	[sflag:s5] =	ssyncset.done $0x0  }
0x121: {  	s15 =	simm.s32 $0x280;
	[sflag:s5] =	ssyncadd.s32 $0xFFFFE000  }
0x122: {  	[tilespmem:s23], [sflag:$0x2] =	stream.indirect.gather [hbm4b:s4+s20], $0x80, s15, s20, $0xb8;
	[tilespmem:$0x1E800] =	vst v63  }
0x123: {  	_ =	swait.ge [sflag:s7], $0x2000  }
0x124: {  	[sflag:s7] =	ssyncset.done $0x0  }
0x125: {  	s16 =	simm.s32 $0x300;
	[sflag:s7] =	ssyncadd.s32 $0xFFFFE000  }
0x126: {  	[tilespmem:s25], [sflag:$0x3] =	stream.indirect.gather [hbm4b:s4+s20], $0x80, s16, s20, $0xb8;
	[tilespmem:$0x1E800] =	vst v63  }
0x127: {  	_ =	swait.ge [sflag:s8], $0x2000  }
0x128: {  	[sflag:s8] =	ssyncset.done $0x0  }
0x129: {  	s14 =	simm.s32 $0x800;
	s15 =	simm.s32 $0x380;
	[sflag:s8] =	ssyncadd.s32 $0xFFFFE000  }
.LBB2_6:
0x12a: {  	[tilespmem:s28], [sflag:$0x4] =	stream.indirect.gather [hbm4b:s4+s20], $0x80, s15, s20, $0xb8;
	[tilespmem:$0x1E800] =	vst v63  }
0x12b: {  	s15 =	smov.u32 s14  }
0x12c: {  	p0 =	sne.s32 s14, $0x4000;
	s14 =	sadd.s32 $0x800, s14;
	_ =	swait.ge [sflag:s29], $0x2000  }
0x12d: {  	s15 =	sshra.s32 s15, $0x2;
	[sflag:s29] =	ssyncset.done $0x0  }
0x12e: {  	s16 =	sadd.s32 $0x1400, s15;
	[sflag:s29] =	ssyncadd.s32 $0xFFFFE000  }
0x12f: {  	[spmem:s1] =	stream.indirect.scatter.add.f32 [tilespmem:s21], [sflag:$0x5], $0x80, s16, s20, $0xb8;
	[tilespmem:$0x1E800] =	vst v63  }
0x130: {  	_ =	swait.ge [sflag:s30], $0x2000  }
0x131: {  	[sflag:s30] =	ssyncset.done $0x0  }
0x132: {  	s16 =	sadd.s32 $0x1480, s15;
	[sflag:s30] =	ssyncadd.s32 $0xFFFFE000  }
0x133: {  	[spmem:s1] =	stream.indirect.scatter.add.f32 [tilespmem:s23], [sflag:$0x6], $0x80, s16, s20, $0xb8;
	[tilespmem:$0x1E800] =	vst v63  }
0x134: {  	_ =	swait.ge [sflag:s31], $0x2000  }
0x135: {  	[sflag:s31] =	ssyncset.done $0x0  }
0x136: {  	s16 =	sadd.s32 $0x1500, s15;
	[sflag:s31] =	ssyncadd.s32 $0xFFFFE000  }
0x137: {  	[spmem:s1] =	stream.indirect.scatter.add.f32 [tilespmem:s25], [sflag:$0x7], $0x80, s16, s20, $0xb8;
	[tilespmem:$0x1E800] =	vst v63  }
0x138: {  	_ =	swait.ge [sflag:s0], $0x2000  }
0x139: {  	[sflag:s0] =	ssyncset.done $0x0  }
0x13a: {  	s16 =	sadd.s32 $0x1580, s15;
	[sflag:s0] =	ssyncadd.s32 $0xFFFFE000  }
0x13b: {  	[spmem:s1] =	stream.indirect.scatter.add.f32 [tilespmem:s28], [sflag:$0x8], $0x80, s16, s20, $0xb8;
	[tilespmem:$0x1E800] =	vst v63  }
0x13c: {  	_ =	swait.ge [sflag:s2], $0x2000  }
0x13d: {  	[sflag:s2] =	ssyncset.done $0x0  }
0x13e: {  	s16 =	sadd.s32 $0x200, s15;
	[sflag:s2] =	ssyncadd.s32 $0xFFFFE000  }
0x13f: {  	[tilespmem:s21], [sflag:$0x1] =	stream.indirect.gather [hbm4b:s4+s20], $0x80, s16, s20, $0xb8;
	[tilespmem:$0x1E800] =	vst v63  }
0x140: {  	_ =	swait.ge [sflag:s5], $0x2000  }
0x141: {  	[sflag:s5] =	ssyncset.done $0x0  }
0x142: {  	s16 =	sadd.s32 $0x280, s15;
	[sflag:s5] =	ssyncadd.s32 $0xFFFFE000  }
0x143: {  	[tilespmem:s23], [sflag:$0x2] =	stream.indirect.gather [hbm4b:s4+s20], $0x80, s16, s20, $0xb8;
	[tilespmem:$0x1E800] =	vst v63  }
0x144: {  	_ =	swait.ge [sflag:s7], $0x2000  }
0x145: {  	[sflag:s7] =	ssyncset.done $0x0  }
.Ltmp2:
0x146: {  	s16 =	sadd.s32 $0x300, s15;
	[sflag:s7] =	ssyncadd.s32 $0xFFFFE000;
	(pc) =	sbr.rel @p0 .LBB2_6-.Ltmp2, $4  }
0x147: {  	[tilespmem:s25], [sflag:$0x3] =	stream.indirect.gather [hbm4b:s4+s20], $0x80, s16, s20, $0xb8;
	[tilespmem:$0x1E800] =	vst v63  }
0x148: {  	_ =	swait.ge [sflag:s8], $0x2000  }
0x149: {  	[sflag:s8] =	ssyncset.done $0x0  }
0x14a: {  	s15 =	sadd.s32 $0x380, s15;
	[sflag:s8] =	ssyncadd.s32 $0xFFFFE000  }
0x14b: {  	[tilespmem:s28], [sflag:$0x4] =	stream.indirect.gather [hbm4b:s4+s20], $0x80, s15, s20, $0xb8;
	[tilespmem:$0x1E800] =	vst v63  }
0x14c: {  	_ =	swait.ge [sflag:s29], $0x2000  }
0x14d: {  	[sflag:s29] =	ssyncset.done $0x0  }
0x14e: {  	[sflag:s29] =	ssyncadd.s32 $0xFFFFE000  }
0x14f: {  	[spmem:s1] =	stream.indirect.scatter.add.f32 [tilespmem:s21], [sflag:$0x5], $0x80, s9, s20, $0xb8;
	[tilespmem:$0x1E800] =	vst v63  }
0x150: {  	_ =	swait.ge [sflag:s30], $0x2000  }
0x151: {  	[sflag:s30] =	ssyncset.done $0x0  }
0x152: {  	[sflag:s30] =	ssyncadd.s32 $0xFFFFE000  }
0x153: {  	[spmem:s1] =	stream.indirect.scatter.add.f32 [tilespmem:s23], [sflag:$0x6], $0x80, s10, s20, $0xb8;
	[tilespmem:$0x1E800] =	vst v63  }
0x154: {  	_ =	swait.ge [sflag:s31], $0x2000  }
0x155: {  	[sflag:s31] =	ssyncset.done $0x0  }
0x156: {  	[sflag:s31] =	ssyncadd.s32 $0xFFFFE000  }
0x157: {  	[spmem:s1] =	stream.indirect.scatter.add.f32 [tilespmem:s25], [sflag:$0x7], $0x80, s11, s20, $0xb8;
	[tilespmem:$0x1E800] =	vst v63  }
0x158: {  	_ =	swait.ge [sflag:s0], $0x2000  }
0x159: {  	[sflag:s0] =	ssyncset.done $0x0  }
0x15a: {  	[sflag:s0] =	ssyncadd.s32 $0xFFFFE000  }
0x15b: {  	[spmem:s1] =	stream.indirect.scatter.add.f32 [tilespmem:s28], [sflag:$0x8], $0x80, s12, s20, $0xb8;
	[tilespmem:$0x1E800] =	vst v63  }
0x15c: {  	_ =	swait.ge [sflag:s2], $0x2000  }
0x15d: {  	[sflag:s2] =	ssyncset.done $0x0  }
0x15e: {  	[sflag:s2] =	ssyncadd.s32 $0xFFFFE000  }
0x15f: {  	_ =	swait.ge [sflag:s5], $0x2000  }
0x160: {  	[sflag:s5] =	ssyncset.done $0x0  }
0x161: {  	[sflag:s5] =	ssyncadd.s32 $0xFFFFE000  }
0x162: {  	_ =	swait.ge [sflag:s7], $0x2000  }
0x163: {  	[sflag:s7] =	ssyncset.done $0x0  }
0x164: {  	[sflag:s7] =	ssyncadd.s32 $0xFFFFE000  }
0x165: {  	_ =	swait.ge [sflag:s8], $0x2000  }
0x166: {  	[sflag:s8] =	ssyncset.done $0x0  }
0x167: {  	s14 =	simm.s32 $0x0;
	s16 =	rddreg [dreg:$0xb];
	[sflag:s8] =	ssyncadd.s32 $0xFFFFE000  }
0x168: {  	[tilespmem:s14], [sflag:$0x9] =	stream.linear.gather [hbm4b:s16+s14], $0x1400, $0x38;
	[tilespmem:$0x1E800] =	vst v63  }
0x169: {  	_ =	swait.ge [sflag:s18], $0x1400  }
0x16a: {  	[sflag:s18] =	ssyncset.done $0x0  }
0x16b: {  	s16 =	rddreg [dreg:$0xc];
	[sflag:s18] =	ssyncadd.s32 $0xFFFFEC00  }
0x16c: {  	[tilespmem:s19], [sflag:$0x9] =	stream.linear.gather [hbm4b:s16+s14], $0x1400, $0x38;
	[tilespmem:$0x1E800] =	vst v63  }
0x16d: {  	_ =	swait.ge [sflag:s18], $0x1400  }
0x16e: {  	[sflag:s18] =	ssyncset.done $0x0  }
0x16f: {  	[sflag:s18] =	ssyncadd.s32 $0xFFFFEC00  }
0x170: {  	[tilespmem:s21], [sflag:$0x1] =	stream.indirect.gather [hbm4b:s4+s20], $0x80, s14, s20, $0xb8;
	[tilespmem:$0x1E800] =	vst v63  }
0x171: {  	_ = 	snop  }
0x172: {  	[tilespmem:s23], [sflag:$0x2] =	stream.indirect.gather [hbm4b:s4+s20], $0x80, s22, s20, $0xb8;
	[tilespmem:$0x1E800] =	vst v63  }
0x173: {  	_ = 	snop  }
0x174: {  	[tilespmem:s25], [sflag:$0x3] =	stream.indirect.gather [hbm4b:s4+s20], $0x80, s24, s20, $0xb8;
	[tilespmem:$0x1E800] =	vst v63  }
0x175: {  	_ = 	snop  }
0x176: {  	[tilespmem:s28], [sflag:$0x4] =	stream.indirect.gather [hbm4b:s4+s20], $0x80, s26, s20, $0xb8;
	[tilespmem:$0x1E800] =	vst v63  }
0x177: {  	_ =	swait.ge [sflag:s29], $0x2000  }
0x178: {  	[sflag:s29] =	ssyncset.done $0x0  }
0x179: {  	s16 =	simm.s32 $0x1400;
	[sflag:s29] =	ssyncadd.s32 $0xFFFFE000  }
0x17a: {  	[spmem:s1] =	stream.indirect.scatter.add.f32 [tilespmem:s21], [sflag:$0x5], $0x80, s16, s20, $0xb8;
	[tilespmem:$0x1E800] =	vst v63  }
0x17b: {  	_ =	swait.ge [sflag:s30], $0x2000  }
0x17c: {  	[sflag:s30] =	ssyncset.done $0x0  }
0x17d: {  	s15 =	simm.s32 $0x1480;
	[sflag:s30] =	ssyncadd.s32 $0xFFFFE000  }
0x17e: {  	[spmem:s1] =	stream.indirect.scatter.add.f32 [tilespmem:s23], [sflag:$0x6], $0x80, s15, s20, $0xb8;
	[tilespmem:$0x1E800] =	vst v63  }
0x17f: {  	_ =	swait.ge [sflag:s31], $0x2000  }
0x180: {  	[sflag:s31] =	ssyncset.done $0x0  }
0x181: {  	s16 =	simm.s32 $0x1500;
	[sflag:s31] =	ssyncadd.s32 $0xFFFFE000  }
0x182: {  	[spmem:s1] =	stream.indirect.scatter.add.f32 [tilespmem:s25], [sflag:$0x7], $0x80, s16, s20, $0xb8;
	[tilespmem:$0x1E800] =	vst v63  }
0x183: {  	_ =	swait.ge [sflag:s0], $0x2000  }
0x184: {  	[sflag:s0] =	ssyncset.done $0x0  }
0x185: {  	s15 =	simm.s32 $0x1580;
	[sflag:s0] =	ssyncadd.s32 $0xFFFFE000  }
0x186: {  	[spmem:s1] =	stream.indirect.scatter.add.f32 [tilespmem:s28], [sflag:$0x8], $0x80, s15, s20, $0xb8;
	[tilespmem:$0x1E800] =	vst v63  }
0x187: {  	_ =	swait.ge [sflag:s2], $0x2000  }
0x188: {  	[sflag:s2] =	ssyncset.done $0x0  }
0x189: {  	s16 =	simm.s32 $0x200;
	[sflag:s2] =	ssyncadd.s32 $0xFFFFE000  }
0x18a: {  	[tilespmem:s21], [sflag:$0x1] =	stream.indirect.gather [hbm4b:s4+s20], $0x80, s16, s20, $0xb8;
	[tilespmem:$0x1E800] =	vst v63  }
0x18b: {  	_ =	swait.ge [sflag:s5], $0x2000  }
0x18c: {  	[sflag:s5] =	ssyncset.done $0x0  }
0x18d: {  	s15 =	simm.s32 $0x280;
	[sflag:s5] =	ssyncadd.s32 $0xFFFFE000  }
0x18e: {  	[tilespmem:s23], [sflag:$0x2] =	stream.indirect.gather [hbm4b:s4+s20], $0x80, s15, s20, $0xb8;
	[tilespmem:$0x1E800] =	vst v63  }
0x18f: {  	_ =	swait.ge [sflag:s7], $0x2000  }
0x190: {  	[sflag:s7] =	ssyncset.done $0x0  }
0x191: {  	s16 =	simm.s32 $0x300;
	[sflag:s7] =	ssyncadd.s32 $0xFFFFE000  }
0x192: {  	[tilespmem:s25], [sflag:$0x3] =	stream.indirect.gather [hbm4b:s4+s20], $0x80, s16, s20, $0xb8;
	[tilespmem:$0x1E800] =	vst v63  }
0x193: {  	_ =	swait.ge [sflag:s8], $0x2000  }
0x194: {  	[sflag:s8] =	ssyncset.done $0x0  }
0x195: {  	s14 =	simm.s32 $0x800;
	s15 =	simm.s32 $0x380;
	[sflag:s8] =	ssyncadd.s32 $0xFFFFE000  }
.LBB2_8:
0x196: {  	[tilespmem:s28], [sflag:$0x4] =	stream.indirect.gather [hbm4b:s4+s20], $0x80, s15, s20, $0xb8;
	[tilespmem:$0x1E800] =	vst v63  }
0x197: {  	s15 =	smov.u32 s14  }
0x198: {  	p0 =	sne.s32 s14, $0x4000;
	s14 =	sadd.s32 $0x800, s14;
	_ =	swait.ge [sflag:s29], $0x2000  }
0x199: {  	s15 =	sshra.s32 s15, $0x2;
	[sflag:s29] =	ssyncset.done $0x0  }
0x19a: {  	s16 =	sadd.s32 $0x1400, s15;
	[sflag:s29] =	ssyncadd.s32 $0xFFFFE000  }
0x19b: {  	[spmem:s1] =	stream.indirect.scatter.add.f32 [tilespmem:s21], [sflag:$0x5], $0x80, s16, s20, $0xb8;
	[tilespmem:$0x1E800] =	vst v63  }
0x19c: {  	_ =	swait.ge [sflag:s30], $0x2000  }
0x19d: {  	[sflag:s30] =	ssyncset.done $0x0  }
0x19e: {  	s16 =	sadd.s32 $0x1480, s15;
	[sflag:s30] =	ssyncadd.s32 $0xFFFFE000  }
0x19f: {  	[spmem:s1] =	stream.indirect.scatter.add.f32 [tilespmem:s23], [sflag:$0x6], $0x80, s16, s20, $0xb8;
	[tilespmem:$0x1E800] =	vst v63  }
0x1a0: {  	_ =	swait.ge [sflag:s31], $0x2000  }
0x1a1: {  	[sflag:s31] =	ssyncset.done $0x0  }
0x1a2: {  	s16 =	sadd.s32 $0x1500, s15;
	[sflag:s31] =	ssyncadd.s32 $0xFFFFE000  }
0x1a3: {  	[spmem:s1] =	stream.indirect.scatter.add.f32 [tilespmem:s25], [sflag:$0x7], $0x80, s16, s20, $0xb8;
	[tilespmem:$0x1E800] =	vst v63  }
0x1a4: {  	_ =	swait.ge [sflag:s0], $0x2000  }
0x1a5: {  	[sflag:s0] =	ssyncset.done $0x0  }
0x1a6: {  	s16 =	sadd.s32 $0x1580, s15;
	[sflag:s0] =	ssyncadd.s32 $0xFFFFE000  }
0x1a7: {  	[spmem:s1] =	stream.indirect.scatter.add.f32 [tilespmem:s28], [sflag:$0x8], $0x80, s16, s20, $0xb8;
	[tilespmem:$0x1E800] =	vst v63  }
0x1a8: {  	_ =	swait.ge [sflag:s2], $0x2000  }
0x1a9: {  	[sflag:s2] =	ssyncset.done $0x0  }
0x1aa: {  	s16 =	sadd.s32 $0x200, s15;
	[sflag:s2] =	ssyncadd.s32 $0xFFFFE000  }
0x1ab: {  	[tilespmem:s21], [sflag:$0x1] =	stream.indirect.gather [hbm4b:s4+s20], $0x80, s16, s20, $0xb8;
	[tilespmem:$0x1E800] =	vst v63  }
0x1ac: {  	_ =	swait.ge [sflag:s5], $0x2000  }
0x1ad: {  	[sflag:s5] =	ssyncset.done $0x0  }
0x1ae: {  	s16 =	sadd.s32 $0x280, s15;
	[sflag:s5] =	ssyncadd.s32 $0xFFFFE000  }
0x1af: {  	[tilespmem:s23], [sflag:$0x2] =	stream.indirect.gather [hbm4b:s4+s20], $0x80, s16, s20, $0xb8;
	[tilespmem:$0x1E800] =	vst v63  }
0x1b0: {  	_ =	swait.ge [sflag:s7], $0x2000  }
0x1b1: {  	[sflag:s7] =	ssyncset.done $0x0  }
.Ltmp3:
0x1b2: {  	s16 =	sadd.s32 $0x300, s15;
	[sflag:s7] =	ssyncadd.s32 $0xFFFFE000;
	(pc) =	sbr.rel @p0 .LBB2_8-.Ltmp3, $4  }
0x1b3: {  	[tilespmem:s25], [sflag:$0x3] =	stream.indirect.gather [hbm4b:s4+s20], $0x80, s16, s20, $0xb8;
	[tilespmem:$0x1E800] =	vst v63  }
0x1b4: {  	_ =	swait.ge [sflag:s8], $0x2000  }
0x1b5: {  	[sflag:s8] =	ssyncset.done $0x0  }
0x1b6: {  	s15 =	sadd.s32 $0x380, s15;
	[sflag:s8] =	ssyncadd.s32 $0xFFFFE000  }
0x1b7: {  	[tilespmem:s28], [sflag:$0x4] =	stream.indirect.gather [hbm4b:s4+s20], $0x80, s15, s20, $0xb8;
	[tilespmem:$0x1E800] =	vst v63  }
0x1b8: {  	_ =	swait.ge [sflag:s29], $0x2000  }
0x1b9: {  	[sflag:s29] =	ssyncset.done $0x0  }
0x1ba: {  	[sflag:s29] =	ssyncadd.s32 $0xFFFFE000  }
0x1bb: {  	[spmem:s1] =	stream.indirect.scatter.add.f32 [tilespmem:s21], [sflag:$0x5], $0x80, s9, s20, $0xb8;
	[tilespmem:$0x1E800] =	vst v63  }
0x1bc: {  	_ =	swait.ge [sflag:s30], $0x2000  }
0x1bd: {  	[sflag:s30] =	ssyncset.done $0x0  }
0x1be: {  	[sflag:s30] =	ssyncadd.s32 $0xFFFFE000  }
0x1bf: {  	[spmem:s1] =	stream.indirect.scatter.add.f32 [tilespmem:s23], [sflag:$0x6], $0x80, s10, s20, $0xb8;
	[tilespmem:$0x1E800] =	vst v63  }
0x1c0: {  	_ =	swait.ge [sflag:s31], $0x2000  }
0x1c1: {  	[sflag:s31] =	ssyncset.done $0x0  }
0x1c2: {  	[sflag:s31] =	ssyncadd.s32 $0xFFFFE000  }
0x1c3: {  	[spmem:s1] =	stream.indirect.scatter.add.f32 [tilespmem:s25], [sflag:$0x7], $0x80, s11, s20, $0xb8;
	[tilespmem:$0x1E800] =	vst v63  }
0x1c4: {  	_ =	swait.ge [sflag:s0], $0x2000  }
0x1c5: {  	[sflag:s0] =	ssyncset.done $0x0  }
0x1c6: {  	[sflag:s0] =	ssyncadd.s32 $0xFFFFE000  }
0x1c7: {  	[spmem:s1] =	stream.indirect.scatter.add.f32 [tilespmem:s28], [sflag:$0x8], $0x80, s12, s20, $0xb8;
	[tilespmem:$0x1E800] =	vst v63  }
0x1c8: {  	_ =	swait.ge [sflag:s2], $0x2000  }
0x1c9: {  	[sflag:s2] =	ssyncset.done $0x0  }
0x1ca: {  	[sflag:s2] =	ssyncadd.s32 $0xFFFFE000  }
0x1cb: {  	_ =	swait.ge [sflag:s5], $0x2000  }
0x1cc: {  	[sflag:s5] =	ssyncset.done $0x0  }
0x1cd: {  	[sflag:s5] =	ssyncadd.s32 $0xFFFFE000  }
0x1ce: {  	_ =	swait.ge [sflag:s7], $0x2000  }
0x1cf: {  	[sflag:s7] =	ssyncset.done $0x0  }
0x1d0: {  	[sflag:s7] =	ssyncadd.s32 $0xFFFFE000  }
0x1d1: {  	_ =	swait.ge [sflag:s8], $0x2000  }
0x1d2: {  	[sflag:s8] =	ssyncset.done $0x0  }
0x1d3: {  	[sflag:s8] =	ssyncadd.s32 $0xFFFFE000  }
0x1d4: {  	[bflag:$0x0] =	sbarrier.arrive $0xFFFF  }
0x1d5: {  	s14 =	rddreg [dreg:$0xd]  }
0x1d6: {  	[hbm:s14], [sflag:s6] =	dma.local [spmem:s17], $0x2800  }
0x1d7: {  	_ =	swait.ge [sflag:s18], $0x2800  }
0x1d8: {  	s13 =	sadd.s32 $0x1, s13;
	s16 =	rddreg [dreg:$0xe]  }
0x1d9: {  	p0 =	sne.s32 s13, s16  }
.Ltmp4:
0x1da: {  	_ = 	snop;
	(pc) =	sbr.rel @p0 .LBB2_1-.Ltmp4, $3  }
0x1db: {  	_ =	sdelay $0x1  }
0x1dc: {  	[sflag:s18] =	ssyncset.done $0x0  }
0x1dd: {  	[sflag:s18] =	ssyncadd.s32 $0xFFFFD800  }
0x1de: {  	_ =	sfence.sel $0x180000  }
0x1df: {  	[bflag:$0x0] =	sbarrier.arrive $0xFFFF  }
0x1e0: {  	_ =	strace $0x9000004A  }
0x1e1: {  	s0 =	stileid.u32;
	[bflag:$0x2] =	sbarrier.arrive $0xFFFF  }
0x1e2: {  	p0 =	sne.s32 s0, $0x0;
	s0 =	rddreg [dreg:$0x3]  }
0x1e3: {  	s0 =	sadd.s32 @!p0 $0x100000, s0  }
0x1e4: {  	[sflag:s0] =	ssyncadd.tile.s32 @!p0 $0x1;
	_ =	shalt  }
.Lfunc_end2:
_tile_overlayer_lowered:
.L_overlay_start_2:
0x1e5: {  	(tag) =	ssettag $0x2  }
0x1e6: {  	s0 =	rddreg [dreg:$0x0];
	s2 =	stileid.u32  }
0x1e7: {  	s1 =	rddreg [dreg:$0x1];
	p0 =	sne.s32 s2, $0x0  }
0x1e8: {  	s3 =	rddreg [dreg:$0x2];
	[bflag:$0x3] =	sbarrier.arrive $0xFFFF;
	s2 =	simm.s32 @!p0 $0x1C09  }
0x1e9: {  	[timem:s3], [sflag:s2] =	dma.local @!p0 [hbm:s0], s1  }
0x1ea: {  	s0 =	simm.s32 @!p0 $0x9  }
0x1eb: {  	_ =	swait.ge @!p0 [sflag:s0], s1  }
0x1ec: {  	s1 =	ssub.s32 @!p0 $0x0, s1;
	[sflag:s0] =	ssyncset.done @!p0 $0x0  }
0x1ed: {  	[sflag:s0] =	ssyncadd.s32 @!p0 s1  }
0x1ee: {  	[bflag:$0x3] =	sbarrier.arrive $0xFFFF  }
0x1ef: {  	_ =	shalt  }

// kernel: kernel.14.cloned.1.call-start
scs
__scs_entry_jumppad:
0x0: {  	(pc) =	sbr.rel $0x88, $3  }
0x1: {  	(tag) =	ssettag $0x0;
	lr =	simm.s32 $0x1  }
0x2: {  	[smem:$0x3F9B] =	sst lr;
	_ =	strace $0xD0000000  }
0x3: {  	_ = 	snop  }
0x4: {  	_ = 	snop  }
0x5: {  	_ = 	snop  }
0x6: {  	_ = 	snop  }
0x7: {  	_ = 	snop  }
__scs_overlays_trampoline_lowered:
0x8: {  	[smem:$0x3FAA] =	sst s0  }
0x9: {  	[smem:$0x3FAB] =	sst s1  }
0xa: {  	[smem:$0x3FAC] =	sst s2  }
0xb: {  	[smem:$0x3FAD] =	sst s3  }
0xc: {  	[smem:$0x3FAE] =	sst s4  }
0xd: {  	[smem:$0x3FAF] =	sst s5  }
0xe: {  	[smem:$0x3FB0] =	sst s6  }
0xf: {  	[smem:$0x3FB1] =	sst s7  }
0x10: {  	[smem:$0x3FB2] =	sst s8  }
0x11: {  	[smem:$0x3FB3] =	sst s9;
	s0 =	simm.s32 @!p0 $0x0  }
0x12: {  	s1 =	sld [smem:$0x3F99];
	s0 =	simm.s32 @p0 $0x1  }
0x13: {  	[smem:$0x3FB4] =	sst s0;
	s0 =	simm.s32 @!p1 $0x0  }
0x14: {  	s2 =	sld [smem:$0x3F98];
	s0 =	simm.s32 @p1 $0x1  }
0x15: {  	[smem:$0x3FB5] =	sst s0;
	s0 =	simm.s32 @!p2 $0x0  }
0x16: {  	s3 =	sld [smem:$0x3FDB];
	s0 =	simm.s32 @p2 $0x1  }
0x17: {  	s4 =	simm.s32 $0x1BF5;
	[smem:$0x3FB7] =	sst s0  }
0x18: {  	s0 =	sld [smem:$0x3F9A];
	_ =	swait.ge [sflag:s4], $0x0  }
0x19: {  	s7 =	sld [smem:$0x3F9B]  }
0x1a: {  	s8 =	sadd.s32 $0xFFFFE003, lr  }
0x1b: {  	s9 =	sadd.s32 $0xFFFFFEF7, lr;
	s5 =	simm.s32 $0xFFFFFFFF;
	p2 =	slt.u32 s8, $0xFFFFF086  }
0x1c: {  	p1 =	slt.u32 s9, $0xF7A;
	s5 =	simm.s32 @!p2 $0x0  }
0x1d: {  	s5 =	simm.s32 @p1 $0x1;
	p0 =	seq.s32 s7, s2  }
0x1e: {  	s7 =	smul.u32 @!p0 $0xF7A, s2;
	p2 =	seq.s32 @!p0 s5, $0x0  }
0x1f: {  	s9 =	smul.u32 $0xF7A, s1;
	s8 =	simm.s32 @!p0 $0x1BF5;
	p2 =	por !p2, p0  }
0x20: {  	[sflag:s8] =	ssyncset.s32 @!p0 $0xFFFFF086;
	s6 =	sadd.s32 @!p0 s3, s7;
	s7 =	simm.s32 @!p0 $0x108  }
0x21: {  	s3 =	sadd.s32 s3, s9;
	s6 =	sadd.s32 @!p0 $0x88, s6;
	s7 =	simm.s32 @p2 $0x1082  }
0x22: {  	[simem:s7], [sflag:s8] =	dma.local @!p0 [hbm:s6], $0xF7A  }
0x23: {  	s9 =	sor.u32 $0xD0000000, s2;
	s6 =	simm.s32 $0x108;
	_ =	swait.ge @!p0 [sflag:s8], $0x0  }
0x24: {  	s3 =	sadd.s32 $0x88, s3;
	s6 =	simm.s32 @!p1 $0x1082;
	[sflag:s4] =	ssyncset.s32 $0xFFFFF086  }
0x25: {  	[simem:s6], [sflag:s4] =	dma.local [hbm:s3], $0xF7A  }
0x26: {  	[smem:$0x3F9B] =	sst s1;
	(tag) =	ssettag s2;
	_ =	strace s9  }
0x27: {  	s1 =	sld [smem:$0x3FAB]  }
0x28: {  	s2 =	sld [smem:$0x3FAC]  }
0x29: {  	s4 =	sld [smem:$0x3FAE]  }
0x2a: {  	p0 =	seq.s32 s5, $0x0;
	s5 =	sld [smem:$0x3FAF]  }
0x2b: {  	s6 =	sld [smem:$0x3FB0]  }
0x2c: {  	s7 =	sld [smem:$0x3FB1]  }
0x2d: {  	s3 =	simm.s32 $0x108;
	s8 =	sld [smem:$0x3FB2]  }
0x2e: {  	s3 =	simm.s32 @!p0 $0x1082;
	s9 =	sld [smem:$0x3FB3]  }
0x2f: {  	lr =	sadd.s32 s0, s3;
	s0 =	sld [smem:$0x3FAA]  }
0x30: {  	s3 =	sld [smem:$0x3FAD]  }
0x31: {  	[smem:$0x3FB6] =	sst s10  }
0x32: {  	s10 =	sld [smem:$0x3FB4];
	_ =	sdelay $0x3  }
0x33: {  	p0 =	seq.s32 s10, $0x1;
	s10 =	sld [smem:$0x3FB6];
	_ =	sdelay $0x3  }
0x34: {  	[smem:$0x3FB6] =	sst s10  }
0x35: {  	s10 =	sld [smem:$0x3FB5];
	_ =	sdelay $0x3  }
0x36: {  	p1 =	seq.s32 s10, $0x1;
	s10 =	sld [smem:$0x3FB6];
	_ =	sdelay $0x3  }
0x37: {  	[smem:$0x3FB6] =	sst s10  }
0x38: {  	s10 =	sld [smem:$0x3FB7]  }
0x39: {  	_ = 	snop;
	(pc) =	sbr.ind lr, $3  }
0x3a: {  	_ = 	snop  }
0x3b: {  	_ = 	snop  }
0x3c: {  	p2 =	seq.s32 s10, $0x1;
	s10 =	sld [smem:$0x3FB6]  }
0x3d: {  	_ =	shalt  }
0x3e: {  	_ =	shalt  }
0x3f: {  	_ =	shalt  }
0x40: {  	_ =	shalt  }
0x41: {  	_ =	shalt  }
0x42: {  	_ =	shalt  }
0x43: {  	_ =	shalt  }
0x44: {  	_ =	shalt  }
0x45: {  	_ =	shalt  }
0x46: {  	_ =	shalt  }
0x47: {  	_ =	shalt  }
0x48: {  	_ =	shalt  }
0x49: {  	_ =	shalt  }
0x4a: {  	_ =	shalt  }
0x4b: {  	_ =	shalt  }
0x4c: {  	_ =	shalt  }
0x4d: {  	_ =	shalt  }
0x4e: {  	_ =	shalt  }
0x4f: {  	_ =	shalt  }
0x50: {  	_ =	shalt  }
0x51: {  	_ =	shalt  }
0x52: {  	_ =	shalt  }
0x53: {  	_ =	shalt  }
0x54: {  	_ =	shalt  }
0x55: {  	_ =	shalt  }
0x56: {  	_ =	shalt  }
0x57: {  	_ =	shalt  }
0x58: {  	_ =	shalt  }
0x59: {  	_ =	shalt  }
0x5a: {  	_ =	shalt  }
0x5b: {  	_ =	shalt  }
0x5c: {  	_ =	shalt  }
0x5d: {  	_ =	shalt  }
0x5e: {  	_ =	shalt  }
0x5f: {  	_ =	shalt  }
0x60: {  	_ =	shalt  }
0x61: {  	_ =	shalt  }
0x62: {  	_ =	shalt  }
0x63: {  	_ =	shalt  }
0x64: {  	_ =	shalt  }
0x65: {  	_ =	shalt  }
0x66: {  	_ =	shalt  }
0x67: {  	_ =	shalt  }
0x68: {  	_ =	shalt  }
0x69: {  	_ =	shalt  }
0x6a: {  	_ =	shalt  }
0x6b: {  	_ =	shalt  }
0x6c: {  	_ =	shalt  }
0x6d: {  	_ =	shalt  }
0x6e: {  	_ =	shalt  }
0x6f: {  	_ =	shalt  }
0x70: {  	_ =	shalt  }
0x71: {  	_ =	shalt  }
0x72: {  	_ =	shalt  }
0x73: {  	_ =	shalt  }
0x74: {  	_ =	shalt  }
0x75: {  	_ =	shalt  }
0x76: {  	_ =	shalt  }
0x77: {  	_ =	shalt  }
0x78: {  	_ =	shalt  }
0x79: {  	_ =	shalt  }
0x7a: {  	_ =	shalt  }
0x7b: {  	_ =	shalt  }
0x7c: {  	_ =	shalt  }
0x7d: {  	_ =	shalt  }
0x7e: {  	_ =	shalt  }
0x7f: {  	_ =	shalt  }
0x80: {  	_ =	shalt  }
0x81: {  	_ =	shalt  }
0x82: {  	_ =	shalt  }
0x83: {  	_ =	shalt  }
0x84: {  	_ =	shalt  }
0x85: {  	_ =	shalt  }
0x86: {  	_ =	shalt  }
0x87: {  	_ =	shalt  }
.Lfunc_end0:
.L_simem_size_0:
called_computation.2_lowered:
.L_overlay_start_0:
0x88: {  	s2 =	sld [smem:$0x3FD9]  }
0x89: {  	s3 =	sld [smem:$0x3FFE];
	_ =	sdelay $0x1  }
0x8a: {  	s1 =	srdreg.scid  }
0x8b: {  	s0 =	sand.u32 $0x1, s1  }
0x8c: {  	s17 =	sshll.u32 s0, $0xA;
	s2 =	sadd.s32 s3, s2  }
0x8d: {  	s2 =	sadd.s32 s2, s17  }
0x8e: {  	[smem:$0x3FC2] =	sst s2  }
0x8f: {  	_ = 	snop  }
0x90: {  	s2 =	sld [smem:$0x3FD0];
	(tm) =	ssettm $0x1  }
0x91: {  	s18 =	sld [smem:$0x3FFB];
	_ =	sdelay $0x3  }
0x92: {  	_ =	strace s18  }
0x93: {  	s3 =	sld [smem:$0x3FFC];
	_ =	sdelay $0x3  }
0x94: {  	_ =	strace s3  }
0x95: {  	s3 =	sld [smem:$0x3FFD];
	_ =	sdelay $0x3  }
0x96: {  	_ =	strace s3  }
0x97: {  	_ =	strace $0x8FFFFFFF  }
0x98: {  	s19 =	sld [smem:$0x3FDB];
	_ =	sdelay $0x1  }
0x99: {  	s4 =	simm.s32 $_scs_section_size  }
0x9a: {  	s5 =	simm.s32 $_size__tile_overlayer_lowered;
	s6 =	simm.s32 $_tile_overlayer_lowered  }
0x9b: {  	s22 =	simm.s32 $0x1BFF;
	s21 =	sshll.u32 s6, $0x1;
	s3 =	sadd.s32 s4, s19  }
0x9c: {  	s7 =	simm.s32 $0x0;
	s20 =	sshll.u32 s5, $0x1;
	s5 =	sadd.s32 s21, s3  }
0x9d: {  	[timem:s7], [sflag:s22] =	dma.local [hbm:s5], s20  }
0x9e: {  	_ =	swait.ge [sflag:s22], s20  }
0x9f: {  	s4 =	ssub.s32 $0x0, s20;
	[sflag:s22] =	ssyncset.done $0x0  }
0xa0: {  	[sflag:s22] =	ssyncadd.s32 s4;
	_ =	sdelay $0x1  }
0xa1: {  	s23 =	simm.s32 $0x1B8B  }
0xa2: {  	_ =	swait.ge [sflag:s23], $0x1  }
0xa3: {  	[sflag:s23] =	ssyncset.done $0x0  }
0xa4: {  	s25 =	simm.s32 $0x1B8E;
	s24 =	sld [smem:$0x3FFE];
	[sflag:s23] =	ssyncadd.s32 $0xFFFFFFFF  }
0xa5: {  	s26 =	simm.s32 $execute0_lowered;
	[smem:$0x3FD2] =	sst s25  }
0xa6: {  	s5 =	sshll.u32 s26, $0x1;
	_ =	strace $0x8000004C;
	[dreg:$0x1] =	wrdreg $0xFFFFFFFF  }
0xa7: {  	s28 =	simm.s32 $_size_execute0_lowered;
	s3 =	sadd.s32 s3, s5;
	[dreg:$0x0] =	wrdreg $0x0  }
0xa8: {  	s5 =	sshll.u32 s28, $0x1;
	[dreg:$0x2] =	wrdreg s3  }
0xa9: {  	[dreg:$0x3] =	wrdreg s5  }
0xaa: {  	[dreg:$0x4] =	wrdreg $0xC0  }
0xab: {  	_ =	task [dreg:s7], $0x5FFFF  }
0xac: {  	[dreg:$0x1] =	wrdreg $0xFFFFFFFF  }
0xad: {  	[dreg:$0x0] =	wrdreg $0x60  }
0xae: {  	[dreg:$0x2] =	wrdreg s24  }
0xaf: {  	[dreg:$0x3] =	wrdreg s2  }
0xb0: {  	[dreg:$0x4] =	wrdreg $0xA8000  }
0xb1: {  	[dreg:$0x5] =	wrdreg $0x9  }
0xb2: {  	_ =	task.clear_ibuf [dreg:s7], $0x6FFFF;
	_ =	strace $0x9000004C  }
0xb3: {  	s29 =	simm.s32 $0x9;
	_ =	strace $0x8000004E  }
0xb4: {  	_ =	swait.ge [sflag:s29], $0x1  }
0xb5: {  	[sflag:s29] =	ssyncadd.s32 $0xFFFFFFFF  }
0xb6: {  	_ =	strace $0x9000004E  }
0xb7: {  	_ =	sfence  }
0xb8: {  	s30 =	sld [smem:$0x0];
	_ =	sdelay $0x2  }
0xb9: {  	s31 =	sshll.u32 s1, $0xD;
	s1 =	sshrl.u32 s1, $0x2  }
0xba: {  	s3 =	sand.u32 $0x4000, s31;
	s1 =	sadd.s32 s1, s30  }
0xbb: {  	s0 =	sor.u32 s3, s0;
	s1 =	sshll.u32 s1, $0x11  }
0xbc: {  	s0 =	sor.u32 s1, s0  }
0xbd: {  	s0 =	sadd.s32 $0x8F2B, s0  }
0xbe: {  	[sflag:s0] =	ssyncadd.remote.s32 $0x1  }
0xbf: {  	_ =	sfence.sel $0xFFFF  }
0xc0: {  	[dreg:$0x0] =	wrdreg $0xFFFFFFFF;
	(pc) =	sbr.abs _section_cstart, $3  }
0xc1: {  	[dreg:$0x1] =	wrdreg $0xFFFFFFFF  }
0xc2: {  	_ =	task.clear_ibuf [dreg:s7], $0x2FFFF;
	_ =	strace $0x9FFFFFFF  }
0xc3: {  	(tm) =	ssettm $0x7FFFFFFF  }
tec
execute0_lowered:
.L_overlay_start_1:
0x0: {  	(tag) =	ssettag $0x1  }
0x1: {  	s0 =	rddreg [dreg:$0x0]  }
0x2: {  	s2 =	rddreg [dreg:$0x1]  }
0x3: {  	s1 =	rddreg [dreg:$0x2]  }
0x4: {  	s3 =	srdreg.scid;
	s11 =	stileid.u32  }
0x5: {  	s28 =	simm.s32 $0x8800;
	s29 =	simm.s32 $0x1;
	s30 =	simm.s32 $0x2  }
0x6: {  	s31 =	simm.s32 $0x3;
	s13 =	simm.s32 $0x0;
	s5 =	sand.u32 $0x1, s3  }
0x7: {  	s3 =	simm.s32 $0x0;
	s7 =	smul.u32 $0x14000, s11;
	s4 =	sadd.s32 $0x71A00, s0  }
0x8: {  	s8 =	sadd.s32 $0xDA00, s0;
	s14 =	sshll.u32 s11, $0x1;
	s15 =	smul.u32 $0x50000, s11  }
0x9: {  	s12 =	sadd.s32 $0x2800, s0;
	s17 =	sshll.u32 s11, $0x6;
	s11 =	simm.s32 $0x2700  }
0xa: {  	s6 =	smul.u32 $0x140000, s5;
	[smem:$0x7FF] =	sst s3;
	s9 =	ssub.s32 $0x2, s5  }
0xb: {  	s5 =	sor.u32 s5, s14;
	_ =	strace $0x8000004D;
	s10 =	sshrl.u32 s9, $0x1  }
0xc: {  	s5 =	smul.u32 $0x5000, s5;
	[dreg:$0x4] =	wrdreg s12;
	s16 =	sshrl.u32 s15, $0x2  }
0xd: {  	s12 =	simm.s32 $0x2780;
	s6 =	sadd.s32 s7, s6;
	s9 =	ssub.s32 s9, s10  }
0xe: {  	s18 =	sadd.s32 s16, s1;
	s10 =	simm.s32 $0x2680;
	s6 =	sshrl.u32 s6, $0x3  }
0xf: {  	s5 =	sshrl.u32 s5, $0x3;
	s26 =	smax.u32 s9, $0x1;
	s9 =	simm.s32 $0x2600  }
0x10: {  	s0 =	sadd.s32 s6, s0;
	s6 =	sor.u32 $0x1C09, s17;
	s19 =	sadd.s32 $0x280, s5  }
0x11: {  	s20 =	sadd.s32 s2, s5;
	s21 =	sadd.s32 s8, s5;
	[dreg:$0xe] =	wrdreg s26  }
0x12: {  	s23 =	sadd.s32 $0x500, s5;
	s5 =	sadd.s32 $0x780, s5;
	[dreg:$0x5] =	wrdreg s20  }
0x13: {  	s17 =	sshrl.u32 s18, $0x3;
	[dreg:$0x6] =	wrdreg s21;
	s22 =	sadd.s32 s2, s19  }
0x14: {  	s18 =	simm.s32 $0x9;
	s7 =	sadd.s32 s8, s19;
	[dreg:$0x7] =	wrdreg s22  }
0x15: {  	s26 =	simm.s32 $0x180;
	s24 =	sadd.s32 s2, s23;
	[dreg:$0x8] =	wrdreg s7  }
0x16: {  	s2 =	sadd.s32 s2, s5;
	s25 =	sadd.s32 s8, s5;
	[dreg:$0x9] =	wrdreg s24  }
0x17: {  	s0 =	sadd.s32 $0x99A00, s0;
	s19 =	simm.s32 $0x1400;
	[dreg:$0xb] =	wrdreg s2  }
0x18: {  	s20 =	simm.s32 $0x40;
	s21 =	simm.s32 $0x2800;
	[dreg:$0xc] =	wrdreg s25  }
0x19: {  	s5 =	simm.s32 $0x6;
	s7 =	sadd.s32 s8, s23;
	[dreg:$0xd] =	wrdreg s0  }
0x1a: {  	s22 =	simm.s32 $0x80;
	s23 =	simm.s32 $0x4800;
	s24 =	simm.s32 $0x100  }
0x1b: {  	s25 =	simm.s32 $0x6800;
	s0 =	simm.s32 $0x4;
	s2 =	simm.s32 $0x5  }
0x1c: {  	s8 =	simm.s32 $0x8;
	[dreg:$0xa] =	wrdreg s7;
	s7 =	simm.s32 $0x7  }
.LBB2_1:
0x1d: {  	s14 =	rddreg [dreg:$0x4]  }
0x1e: {  	[spmem:s17], [sflag:s6] =	dma.local [hbm:s14], $0x2800  }
0x1f: {  	_ =	swait.ge [sflag:s18], $0x2800  }
0x20: {  	[sflag:s18] =	ssyncset.done $0x0  }
0x21: {  	[sflag:s18] =	ssyncadd.s32 $0xFFFFD800  }
0x22: {  	[bflag:$0x0] =	sbarrier.arrive $0xFFFF  }
0x23: {  	s16 =	rddreg [dreg:$0x5]  }
0x24: {  	[tilespmem:s3], [sflag:$0x9] =	stream.linear.gather [hbm4b:s16+s3], $0x1400, $0x38;
	[tilespmem:$0x1E800] =	vst v63  }
0x25: {  	_ =	swait.ge [sflag:s18], $0x1400  }
0x26: {  	[sflag:s18] =	ssyncset.done $0x0  }
0x27: {  	s15 =	rddreg [dreg:$0x6];
	[sflag:s18] =	ssyncadd.s32 $0xFFFFEC00  }
0x28: {  	[tilespmem:s19], [sflag:$0x9] =	stream.linear.gather [hbm4b:s15+s3], $0x1400, $0x38;
	[tilespmem:$0x1E800] =	vst v63  }
0x29: {  	_ =	swait.ge [sflag:s18], $0x1400  }
0x2a: {  	[sflag:s18] =	ssyncset.done $0x0  }
0x2b: {  	[sflag:s18] =	ssyncadd.s32 $0xFFFFEC00  }
0x2c: {  	[tilespmem:s21], [sflag:$0x1] =	stream.indirect.gather [hbm4b:s4+s20], $0x80, s3, s20, $0xb8;
	[tilespmem:$0x1E800] =	vst v63  }
0x2d: {  	_ = 	snop  }
0x2e: {  	[tilespmem:s23], [sflag:$0x2] =	stream.indirect.gather [hbm4b:s4+s20], $0x80, s22, s20, $0xb8;
	[tilespmem:$0x1E800] =	vst v63  }
0x2f: {  	_ = 	snop  }
0x30: {  	[tilespmem:s25], [sflag:$0x3] =	stream.indirect.gather [hbm4b:s4+s20], $0x80, s24, s20, $0xb8;
	[tilespmem:$0x1E800] =	vst v63  }
0x31: {  	_ = 	snop  }
0x32: {  	[tilespmem:s28], [sflag:$0x4] =	stream.indirect.gather [hbm4b:s4+s20], $0x80, s26, s20, $0xb8;
	[tilespmem:$0x1E800] =	vst v63  }
0x33: {  	_ =	swait.ge [sflag:s29], $0x2000  }
0x34: {  	[sflag:s29] =	ssyncset.done $0x0  }
0x35: {  	s16 =	simm.s32 $0x1400;
	[sflag:s29] =	ssyncadd.s32 $0xFFFFE000  }
0x36: {  	[spmem:s1] =	stream.indirect.scatter.add.f32 [tilespmem:s21], [sflag:$0x5], $0x80, s16, s20, $0xb8;
	[tilespmem:$0x1E800] =	vst v63  }
0x37: {  	_ =	swait.ge [sflag:s30], $0x2000  }
0x38: {  	[sflag:s30] =	ssyncset.done $0x0  }
0x39: {  	s15 =	simm.s32 $0x1480;
	[sflag:s30] =	ssyncadd.s32 $0xFFFFE000  }
0x3a: {  	[spmem:s1] =	stream.indirect.scatter.add.f32 [tilespmem:s23], [sflag:$0x6], $0x80, s15, s20, $0xb8;
	[tilespmem:$0x1E800] =	vst v63  }
0x3b: {  	_ =	swait.ge [sflag:s31], $0x2000  }
0x3c: {  	[sflag:s31] =	ssyncset.done $0x0  }
0x3d: {  	s16 =	simm.s32 $0x1500;
	[sflag:s31] =	ssyncadd.s32 $0xFFFFE000  }
0x3e: {  	[spmem:s1] =	stream.indirect.scatter.add.f32 [tilespmem:s25], [sflag:$0x7], $0x80, s16, s20, $0xb8;
	[tilespmem:$0x1E800] =	vst v63  }
0x3f: {  	_ =	swait.ge [sflag:s0], $0x2000  }
0x40: {  	[sflag:s0] =	ssyncset.done $0x0  }
0x41: {  	s15 =	simm.s32 $0x1580;
	[sflag:s0] =	ssyncadd.s32 $0xFFFFE000  }
0x42: {  	[spmem:s1] =	stream.indirect.scatter.add.f32 [tilespmem:s28], [sflag:$0x8], $0x80, s15, s20, $0xb8;
	[tilespmem:$0x1E800] =	vst v63  }
0x43: {  	_ =	swait.ge [sflag:s2], $0x2000  }
0x44: {  	[sflag:s2] =	ssyncset.done $0x0  }
0x45: {  	s16 =	simm.s32 $0x200;
	[sflag:s2] =	ssyncadd.s32 $0xFFFFE000  }
0x46: {  	[tilespmem:s21], [sflag:$0x1] =	stream.indirect.gather [hbm4b:s4+s20], $0x80, s16, s20, $0xb8;
	[tilespmem:$0x1E800] =	vst v63  }
0x47: {  	_ =	swait.ge [sflag:s5], $0x2000  }
0x48: {  	[sflag:s5] =	ssyncset.done $0x0  }
0x49: {  	s15 =	simm.s32 $0x280;
	[sflag:s5] =	ssyncadd.s32 $0xFFFFE000  }
0x4a: {  	[tilespmem:s23], [sflag:$0x2] =	stream.indirect.gather [hbm4b:s4+s20], $0x80, s15, s20, $0xb8;
	[tilespmem:$0x1E800] =	vst v63  }
0x4b: {  	_ =	swait.ge [sflag:s7], $0x2000  }
0x4c: {  	[sflag:s7] =	ssyncset.done $0x0  }
0x4d: {  	s16 =	simm.s32 $0x300;
	[sflag:s7] =	ssyncadd.s32 $0xFFFFE000  }
0x4e: {  	[tilespmem:s25], [sflag:$0x3] =	stream.indirect.gather [hbm4b:s4+s20], $0x80, s16, s20, $0xb8;
	[tilespmem:$0x1E800] =	vst v63  }
0x4f: {  	_ =	swait.ge [sflag:s8], $0x2000  }
0x50: {  	[sflag:s8] =	ssyncset.done $0x0  }
0x51: {  	s14 =	simm.s32 $0x800;
	s15 =	simm.s32 $0x380;
	[sflag:s8] =	ssyncadd.s32 $0xFFFFE000  }
.LBB2_2:
0x52: {  	[tilespmem:s28], [sflag:$0x4] =	stream.indirect.gather [hbm4b:s4+s20], $0x80, s15, s20, $0xb8;
	[tilespmem:$0x1E800] =	vst v63  }
0x53: {  	s15 =	smov.u32 s14  }
0x54: {  	p0 =	sne.s32 s14, $0x4000;
	s14 =	sadd.s32 $0x800, s14;
	_ =	swait.ge [sflag:s29], $0x2000  }
0x55: {  	s15 =	sshra.s32 s15, $0x2;
	[sflag:s29] =	ssyncset.done $0x0  }
0x56: {  	s16 =	sadd.s32 $0x1400, s15;
	[sflag:s29] =	ssyncadd.s32 $0xFFFFE000  }
0x57: {  	[spmem:s1] =	stream.indirect.scatter.add.f32 [tilespmem:s21], [sflag:$0x5], $0x80, s16, s20, $0xb8;
	[tilespmem:$0x1E800] =	vst v63  }
0x58: {  	_ =	swait.ge [sflag:s30], $0x2000  }
0x59: {  	[sflag:s30] =	ssyncset.done $0x0  }
0x5a: {  	s16 =	sadd.s32 $0x1480, s15;
	[sflag:s30] =	ssyncadd.s32 $0xFFFFE000  }
0x5b: {  	[spmem:s1] =	stream.indirect.scatter.add.f32 [tilespmem:s23], [sflag:$0x6], $0x80, s16, s20, $0xb8;
	[tilespmem:$0x1E800] =	vst v63  }
0x5c: {  	_ =	swait.ge [sflag:s31], $0x2000  }
0x5d: {  	[sflag:s31] =	ssyncset.done $0x0  }
0x5e: {  	s16 =	sadd.s32 $0x1500, s15;
	[sflag:s31] =	ssyncadd.s32 $0xFFFFE000  }
0x5f: {  	[spmem:s1] =	stream.indirect.scatter.add.f32 [tilespmem:s25], [sflag:$0x7], $0x80, s16, s20, $0xb8;
	[tilespmem:$0x1E800] =	vst v63  }
0x60: {  	_ =	swait.ge [sflag:s0], $0x2000  }
0x61: {  	[sflag:s0] =	ssyncset.done $0x0  }
0x62: {  	s16 =	sadd.s32 $0x1580, s15;
	[sflag:s0] =	ssyncadd.s32 $0xFFFFE000  }
0x63: {  	[spmem:s1] =	stream.indirect.scatter.add.f32 [tilespmem:s28], [sflag:$0x8], $0x80, s16, s20, $0xb8;
	[tilespmem:$0x1E800] =	vst v63  }
0x64: {  	_ =	swait.ge [sflag:s2], $0x2000  }
0x65: {  	[sflag:s2] =	ssyncset.done $0x0  }
0x66: {  	s16 =	sadd.s32 $0x200, s15;
	[sflag:s2] =	ssyncadd.s32 $0xFFFFE000  }
0x67: {  	[tilespmem:s21], [sflag:$0x1] =	stream.indirect.gather [hbm4b:s4+s20], $0x80, s16, s20, $0xb8;
	[tilespmem:$0x1E800] =	vst v63  }
0x68: {  	_ =	swait.ge [sflag:s5], $0x2000  }
0x69: {  	[sflag:s5] =	ssyncset.done $0x0  }
0x6a: {  	s16 =	sadd.s32 $0x280, s15;
	[sflag:s5] =	ssyncadd.s32 $0xFFFFE000  }
0x6b: {  	[tilespmem:s23], [sflag:$0x2] =	stream.indirect.gather [hbm4b:s4+s20], $0x80, s16, s20, $0xb8;
	[tilespmem:$0x1E800] =	vst v63  }
0x6c: {  	_ =	swait.ge [sflag:s7], $0x2000  }
0x6d: {  	[sflag:s7] =	ssyncset.done $0x0  }
.Ltmp0:
0x6e: {  	s16 =	sadd.s32 $0x300, s15;
	[sflag:s7] =	ssyncadd.s32 $0xFFFFE000;
	(pc) =	sbr.rel @p0 .LBB2_2-.Ltmp0, $4  }
0x6f: {  	[tilespmem:s25], [sflag:$0x3] =	stream.indirect.gather [hbm4b:s4+s20], $0x80, s16, s20, $0xb8;
	[tilespmem:$0x1E800] =	vst v63  }
0x70: {  	_ =	swait.ge [sflag:s8], $0x2000  }
0x71: {  	[sflag:s8] =	ssyncset.done $0x0  }
0x72: {  	s15 =	sadd.s32 $0x380, s15;
	[sflag:s8] =	ssyncadd.s32 $0xFFFFE000  }
0x73: {  	[tilespmem:s28], [sflag:$0x4] =	stream.indirect.gather [hbm4b:s4+s20], $0x80, s15, s20, $0xb8;
	[tilespmem:$0x1E800] =	vst v63  }
0x74: {  	_ =	swait.ge [sflag:s29], $0x2000  }
0x75: {  	[sflag:s29] =	ssyncset.done $0x0  }
0x76: {  	[sflag:s29] =	ssyncadd.s32 $0xFFFFE000  }
0x77: {  	[spmem:s1] =	stream.indirect.scatter.add.f32 [tilespmem:s21], [sflag:$0x5], $0x80, s9, s20, $0xb8;
	[tilespmem:$0x1E800] =	vst v63  }
0x78: {  	_ =	swait.ge [sflag:s30], $0x2000  }
0x79: {  	[sflag:s30] =	ssyncset.done $0x0  }
0x7a: {  	[sflag:s30] =	ssyncadd.s32 $0xFFFFE000  }
0x7b: {  	[spmem:s1] =	stream.indirect.scatter.add.f32 [tilespmem:s23], [sflag:$0x6], $0x80, s10, s20, $0xb8;
	[tilespmem:$0x1E800] =	vst v63  }
0x7c: {  	_ =	swait.ge [sflag:s31], $0x2000  }
0x7d: {  	[sflag:s31] =	ssyncset.done $0x0  }
0x7e: {  	[sflag:s31] =	ssyncadd.s32 $0xFFFFE000  }
0x7f: {  	[spmem:s1] =	stream.indirect.scatter.add.f32 [tilespmem:s25], [sflag:$0x7], $0x80, s11, s20, $0xb8;
	[tilespmem:$0x1E800] =	vst v63  }
0x80: {  	_ =	swait.ge [sflag:s0], $0x2000  }
0x81: {  	[sflag:s0] =	ssyncset.done $0x0  }
0x82: {  	[sflag:s0] =	ssyncadd.s32 $0xFFFFE000  }
0x83: {  	[spmem:s1] =	stream.indirect.scatter.add.f32 [tilespmem:s28], [sflag:$0x8], $0x80, s12, s20, $0xb8;
	[tilespmem:$0x1E800] =	vst v63  }
0x84: {  	_ =	swait.ge [sflag:s2], $0x2000  }
0x85: {  	[sflag:s2] =	ssyncset.done $0x0  }
0x86: {  	[sflag:s2] =	ssyncadd.s32 $0xFFFFE000  }
0x87: {  	_ =	swait.ge [sflag:s5], $0x2000  }
0x88: {  	[sflag:s5] =	ssyncset.done $0x0  }
0x89: {  	[sflag:s5] =	ssyncadd.s32 $0xFFFFE000  }
0x8a: {  	_ =	swait.ge [sflag:s7], $0x2000  }
0x8b: {  	[sflag:s7] =	ssyncset.done $0x0  }
0x8c: {  	[sflag:s7] =	ssyncadd.s32 $0xFFFFE000  }
0x8d: {  	_ =	swait.ge [sflag:s8], $0x2000  }
0x8e: {  	[sflag:s8] =	ssyncset.done $0x0  }
0x8f: {  	s14 =	simm.s32 $0x0;
	s16 =	rddreg [dreg:$0x7];
	[sflag:s8] =	ssyncadd.s32 $0xFFFFE000  }
0x90: {  	[tilespmem:s14], [sflag:$0x9] =	stream.linear.gather [hbm4b:s16+s14], $0x1400, $0x38;
	[tilespmem:$0x1E800] =	vst v63  }
0x91: {  	_ =	swait.ge [sflag:s18], $0x1400  }
0x92: {  	[sflag:s18] =	ssyncset.done $0x0  }
0x93: {  	s16 =	rddreg [dreg:$0x8];
	[sflag:s18] =	ssyncadd.s32 $0xFFFFEC00  }
0x94: {  	[tilespmem:s19], [sflag:$0x9] =	stream.linear.gather [hbm4b:s16+s14], $0x1400, $0x38;
	[tilespmem:$0x1E800] =	vst v63  }
0x95: {  	_ =	swait.ge [sflag:s18], $0x1400  }
0x96: {  	[sflag:s18] =	ssyncset.done $0x0  }
0x97: {  	[sflag:s18] =	ssyncadd.s32 $0xFFFFEC00  }
0x98: {  	[tilespmem:s21], [sflag:$0x1] =	stream.indirect.gather [hbm4b:s4+s20], $0x80, s14, s20, $0xb8;
	[tilespmem:$0x1E800] =	vst v63  }
0x99: {  	_ = 	snop  }
0x9a: {  	[tilespmem:s23], [sflag:$0x2] =	stream.indirect.gather [hbm4b:s4+s20], $0x80, s22, s20, $0xb8;
	[tilespmem:$0x1E800] =	vst v63  }
0x9b: {  	_ = 	snop  }
0x9c: {  	[tilespmem:s25], [sflag:$0x3] =	stream.indirect.gather [hbm4b:s4+s20], $0x80, s24, s20, $0xb8;
	[tilespmem:$0x1E800] =	vst v63  }
0x9d: {  	_ = 	snop  }
0x9e: {  	[tilespmem:s28], [sflag:$0x4] =	stream.indirect.gather [hbm4b:s4+s20], $0x80, s26, s20, $0xb8;
	[tilespmem:$0x1E800] =	vst v63  }
0x9f: {  	_ =	swait.ge [sflag:s29], $0x2000  }
0xa0: {  	[sflag:s29] =	ssyncset.done $0x0  }
0xa1: {  	s16 =	simm.s32 $0x1400;
	[sflag:s29] =	ssyncadd.s32 $0xFFFFE000  }
0xa2: {  	[spmem:s1] =	stream.indirect.scatter.add.f32 [tilespmem:s21], [sflag:$0x5], $0x80, s16, s20, $0xb8;
	[tilespmem:$0x1E800] =	vst v63  }
0xa3: {  	_ =	swait.ge [sflag:s30], $0x2000  }
0xa4: {  	[sflag:s30] =	ssyncset.done $0x0  }
0xa5: {  	s15 =	simm.s32 $0x1480;
	[sflag:s30] =	ssyncadd.s32 $0xFFFFE000  }
0xa6: {  	[spmem:s1] =	stream.indirect.scatter.add.f32 [tilespmem:s23], [sflag:$0x6], $0x80, s15, s20, $0xb8;
	[tilespmem:$0x1E800] =	vst v63  }
0xa7: {  	_ =	swait.ge [sflag:s31], $0x2000  }
0xa8: {  	[sflag:s31] =	ssyncset.done $0x0  }
0xa9: {  	s16 =	simm.s32 $0x1500;
	[sflag:s31] =	ssyncadd.s32 $0xFFFFE000  }
0xaa: {  	[spmem:s1] =	stream.indirect.scatter.add.f32 [tilespmem:s25], [sflag:$0x7], $0x80, s16, s20, $0xb8;
	[tilespmem:$0x1E800] =	vst v63  }
0xab: {  	_ =	swait.ge [sflag:s0], $0x2000  }
0xac: {  	[sflag:s0] =	ssyncset.done $0x0  }
0xad: {  	s15 =	simm.s32 $0x1580;
	[sflag:s0] =	ssyncadd.s32 $0xFFFFE000  }
0xae: {  	[spmem:s1] =	stream.indirect.scatter.add.f32 [tilespmem:s28], [sflag:$0x8], $0x80, s15, s20, $0xb8;
	[tilespmem:$0x1E800] =	vst v63  }
0xaf: {  	_ =	swait.ge [sflag:s2], $0x2000  }
0xb0: {  	[sflag:s2] =	ssyncset.done $0x0  }
0xb1: {  	s16 =	simm.s32 $0x200;
	[sflag:s2] =	ssyncadd.s32 $0xFFFFE000  }
0xb2: {  	[tilespmem:s21], [sflag:$0x1] =	stream.indirect.gather [hbm4b:s4+s20], $0x80, s16, s20, $0xb8;
	[tilespmem:$0x1E800] =	vst v63  }
0xb3: {  	_ =	swait.ge [sflag:s5], $0x2000  }
0xb4: {  	[sflag:s5] =	ssyncset.done $0x0  }
0xb5: {  	s15 =	simm.s32 $0x280;
	[sflag:s5] =	ssyncadd.s32 $0xFFFFE000  }
0xb6: {  	[tilespmem:s23], [sflag:$0x2] =	stream.indirect.gather [hbm4b:s4+s20], $0x80, s15, s20, $0xb8;
	[tilespmem:$0x1E800] =	vst v63  }
0xb7: {  	_ =	swait.ge [sflag:s7], $0x2000  }
0xb8: {  	[sflag:s7] =	ssyncset.done $0x0  }
0xb9: {  	s16 =	simm.s32 $0x300;
	[sflag:s7] =	ssyncadd.s32 $0xFFFFE000  }
0xba: {  	[tilespmem:s25], [sflag:$0x3] =	stream.indirect.gather [hbm4b:s4+s20], $0x80, s16, s20, $0xb8;
	[tilespmem:$0x1E800] =	vst v63  }
0xbb: {  	_ =	swait.ge [sflag:s8], $0x2000  }
0xbc: {  	[sflag:s8] =	ssyncset.done $0x0  }
0xbd: {  	s14 =	simm.s32 $0x800;
	s15 =	simm.s32 $0x380;
	[sflag:s8] =	ssyncadd.s32 $0xFFFFE000  }
.LBB2_4:
0xbe: {  	[tilespmem:s28], [sflag:$0x4] =	stream.indirect.gather [hbm4b:s4+s20], $0x80, s15, s20, $0xb8;
	[tilespmem:$0x1E800] =	vst v63  }
0xbf: {  	s15 =	smov.u32 s14  }
0xc0: {  	p0 =	sne.s32 s14, $0x4000;
	s14 =	sadd.s32 $0x800, s14;
	_ =	swait.ge [sflag:s29], $0x2000  }
0xc1: {  	s15 =	sshra.s32 s15, $0x2;
	[sflag:s29] =	ssyncset.done $0x0  }
0xc2: {  	s16 =	sadd.s32 $0x1400, s15;
	[sflag:s29] =	ssyncadd.s32 $0xFFFFE000  }
0xc3: {  	[spmem:s1] =	stream.indirect.scatter.add.f32 [tilespmem:s21], [sflag:$0x5], $0x80, s16, s20, $0xb8;
	[tilespmem:$0x1E800] =	vst v63  }
0xc4: {  	_ =	swait.ge [sflag:s30], $0x2000  }
0xc5: {  	[sflag:s30] =	ssyncset.done $0x0  }
0xc6: {  	s16 =	sadd.s32 $0x1480, s15;
	[sflag:s30] =	ssyncadd.s32 $0xFFFFE000  }
0xc7: {  	[spmem:s1] =	stream.indirect.scatter.add.f32 [tilespmem:s23], [sflag:$0x6], $0x80, s16, s20, $0xb8;
	[tilespmem:$0x1E800] =	vst v63  }
0xc8: {  	_ =	swait.ge [sflag:s31], $0x2000  }
0xc9: {  	[sflag:s31] =	ssyncset.done $0x0  }
0xca: {  	s16 =	sadd.s32 $0x1500, s15;
	[sflag:s31] =	ssyncadd.s32 $0xFFFFE000  }
0xcb: {  	[spmem:s1] =	stream.indirect.scatter.add.f32 [tilespmem:s25], [sflag:$0x7], $0x80, s16, s20, $0xb8;
	[tilespmem:$0x1E800] =	vst v63  }
0xcc: {  	_ =	swait.ge [sflag:s0], $0x2000  }
0xcd: {  	[sflag:s0] =	ssyncset.done $0x0  }
0xce: {  	s16 =	sadd.s32 $0x1580, s15;
	[sflag:s0] =	ssyncadd.s32 $0xFFFFE000  }
0xcf: {  	[spmem:s1] =	stream.indirect.scatter.add.f32 [tilespmem:s28], [sflag:$0x8], $0x80, s16, s20, $0xb8;
	[tilespmem:$0x1E800] =	vst v63  }
0xd0: {  	_ =	swait.ge [sflag:s2], $0x2000  }
0xd1: {  	[sflag:s2] =	ssyncset.done $0x0  }
0xd2: {  	s16 =	sadd.s32 $0x200, s15;
	[sflag:s2] =	ssyncadd.s32 $0xFFFFE000  }
0xd3: {  	[tilespmem:s21], [sflag:$0x1] =	stream.indirect.gather [hbm4b:s4+s20], $0x80, s16, s20, $0xb8;
	[tilespmem:$0x1E800] =	vst v63  }
0xd4: {  	_ =	swait.ge [sflag:s5], $0x2000  }
0xd5: {  	[sflag:s5] =	ssyncset.done $0x0  }
0xd6: {  	s16 =	sadd.s32 $0x280, s15;
	[sflag:s5] =	ssyncadd.s32 $0xFFFFE000  }
0xd7: {  	[tilespmem:s23], [sflag:$0x2] =	stream.indirect.gather [hbm4b:s4+s20], $0x80, s16, s20, $0xb8;
	[tilespmem:$0x1E800] =	vst v63  }
0xd8: {  	_ =	swait.ge [sflag:s7], $0x2000  }
0xd9: {  	[sflag:s7] =	ssyncset.done $0x0  }
.Ltmp1:
0xda: {  	s16 =	sadd.s32 $0x300, s15;
	[sflag:s7] =	ssyncadd.s32 $0xFFFFE000;
	(pc) =	sbr.rel @p0 .LBB2_4-.Ltmp1, $4  }
0xdb: {  	[tilespmem:s25], [sflag:$0x3] =	stream.indirect.gather [hbm4b:s4+s20], $0x80, s16, s20, $0xb8;
	[tilespmem:$0x1E800] =	vst v63  }
0xdc: {  	_ =	swait.ge [sflag:s8], $0x2000  }
0xdd: {  	[sflag:s8] =	ssyncset.done $0x0  }
0xde: {  	s15 =	sadd.s32 $0x380, s15;
	[sflag:s8] =	ssyncadd.s32 $0xFFFFE000  }
0xdf: {  	[tilespmem:s28], [sflag:$0x4] =	stream.indirect.gather [hbm4b:s4+s20], $0x80, s15, s20, $0xb8;
	[tilespmem:$0x1E800] =	vst v63  }
0xe0: {  	_ =	swait.ge [sflag:s29], $0x2000  }
0xe1: {  	[sflag:s29] =	ssyncset.done $0x0  }
0xe2: {  	[sflag:s29] =	ssyncadd.s32 $0xFFFFE000  }
0xe3: {  	[spmem:s1] =	stream.indirect.scatter.add.f32 [tilespmem:s21], [sflag:$0x5], $0x80, s9, s20, $0xb8;
	[tilespmem:$0x1E800] =	vst v63  }
0xe4: {  	_ =	swait.ge [sflag:s30], $0x2000  }
0xe5: {  	[sflag:s30] =	ssyncset.done $0x0  }
0xe6: {  	[sflag:s30] =	ssyncadd.s32 $0xFFFFE000  }
0xe7: {  	[spmem:s1] =	stream.indirect.scatter.add.f32 [tilespmem:s23], [sflag:$0x6], $0x80, s10, s20, $0xb8;
	[tilespmem:$0x1E800] =	vst v63  }
0xe8: {  	_ =	swait.ge [sflag:s31], $0x2000  }
0xe9: {  	[sflag:s31] =	ssyncset.done $0x0  }
0xea: {  	[sflag:s31] =	ssyncadd.s32 $0xFFFFE000  }
0xeb: {  	[spmem:s1] =	stream.indirect.scatter.add.f32 [tilespmem:s25], [sflag:$0x7], $0x80, s11, s20, $0xb8;
	[tilespmem:$0x1E800] =	vst v63  }
0xec: {  	_ =	swait.ge [sflag:s0], $0x2000  }
0xed: {  	[sflag:s0] =	ssyncset.done $0x0  }
0xee: {  	[sflag:s0] =	ssyncadd.s32 $0xFFFFE000  }
0xef: {  	[spmem:s1] =	stream.indirect.scatter.add.f32 [tilespmem:s28], [sflag:$0x8], $0x80, s12, s20, $0xb8;
	[tilespmem:$0x1E800] =	vst v63  }
0xf0: {  	_ =	swait.ge [sflag:s2], $0x2000  }
0xf1: {  	[sflag:s2] =	ssyncset.done $0x0  }
0xf2: {  	[sflag:s2] =	ssyncadd.s32 $0xFFFFE000  }
0xf3: {  	_ =	swait.ge [sflag:s5], $0x2000  }
0xf4: {  	[sflag:s5] =	ssyncset.done $0x0  }
0xf5: {  	[sflag:s5] =	ssyncadd.s32 $0xFFFFE000  }
0xf6: {  	_ =	swait.ge [sflag:s7], $0x2000  }
0xf7: {  	[sflag:s7] =	ssyncset.done $0x0  }
0xf8: {  	[sflag:s7] =	ssyncadd.s32 $0xFFFFE000  }
0xf9: {  	_ =	swait.ge [sflag:s8], $0x2000  }
0xfa: {  	[sflag:s8] =	ssyncset.done $0x0  }
0xfb: {  	s14 =	simm.s32 $0x0;
	s16 =	rddreg [dreg:$0x9];
	[sflag:s8] =	ssyncadd.s32 $0xFFFFE000  }
0xfc: {  	[tilespmem:s14], [sflag:$0x9] =	stream.linear.gather [hbm4b:s16+s14], $0x1400, $0x38;
	[tilespmem:$0x1E800] =	vst v63  }
0xfd: {  	_ =	swait.ge [sflag:s18], $0x1400  }
0xfe: {  	[sflag:s18] =	ssyncset.done $0x0  }
0xff: {  	s16 =	rddreg [dreg:$0xa];
	[sflag:s18] =	ssyncadd.s32 $0xFFFFEC00  }
0x100: {  	[tilespmem:s19], [sflag:$0x9] =	stream.linear.gather [hbm4b:s16+s14], $0x1400, $0x38;
	[tilespmem:$0x1E800] =	vst v63  }
0x101: {  	_ =	swait.ge [sflag:s18], $0x1400  }
0x102: {  	[sflag:s18] =	ssyncset.done $0x0  }
0x103: {  	[sflag:s18] =	ssyncadd.s32 $0xFFFFEC00  }
0x104: {  	[tilespmem:s21], [sflag:$0x1] =	stream.indirect.gather [hbm4b:s4+s20], $0x80, s14, s20, $0xb8;
	[tilespmem:$0x1E800] =	vst v63  }
0x105: {  	_ = 	snop  }
0x106: {  	[tilespmem:s23], [sflag:$0x2] =	stream.indirect.gather [hbm4b:s4+s20], $0x80, s22, s20, $0xb8;
	[tilespmem:$0x1E800] =	vst v63  }
0x107: {  	_ = 	snop  }
0x108: {  	[tilespmem:s25], [sflag:$0x3] =	stream.indirect.gather [hbm4b:s4+s20], $0x80, s24, s20, $0xb8;
	[tilespmem:$0x1E800] =	vst v63  }
0x109: {  	_ = 	snop  }
0x10a: {  	[tilespmem:s28], [sflag:$0x4] =	stream.indirect.gather [hbm4b:s4+s20], $0x80, s26, s20, $0xb8;
	[tilespmem:$0x1E800] =	vst v63  }
0x10b: {  	_ =	swait.ge [sflag:s29], $0x2000  }
0x10c: {  	[sflag:s29] =	ssyncset.done $0x0  }
0x10d: {  	s16 =	simm.s32 $0x1400;
	[sflag:s29] =	ssyncadd.s32 $0xFFFFE000  }
0x10e: {  	[spmem:s1] =	stream.indirect.scatter.add.f32 [tilespmem:s21], [sflag:$0x5], $0x80, s16, s20, $0xb8;
	[tilespmem:$0x1E800] =	vst v63  }
0x10f: {  	_ =	swait.ge [sflag:s30], $0x2000  }
0x110: {  	[sflag:s30] =	ssyncset.done $0x0  }
0x111: {  	s15 =	simm.s32 $0x1480;
	[sflag:s30] =	ssyncadd.s32 $0xFFFFE000  }
0x112: {  	[spmem:s1] =	stream.indirect.scatter.add.f32 [tilespmem:s23], [sflag:$0x6], $0x80, s15, s20, $0xb8;
	[tilespmem:$0x1E800] =	vst v63  }
0x113: {  	_ =	swait.ge [sflag:s31], $0x2000  }
0x114: {  	[sflag:s31] =	ssyncset.done $0x0  }
0x115: {  	s16 =	simm.s32 $0x1500;
	[sflag:s31] =	ssyncadd.s32 $0xFFFFE000  }
0x116: {  	[spmem:s1] =	stream.indirect.scatter.add.f32 [tilespmem:s25], [sflag:$0x7], $0x80, s16, s20, $0xb8;
	[tilespmem:$0x1E800] =	vst v63  }
0x117: {  	_ =	swait.ge [sflag:s0], $0x2000  }
0x118: {  	[sflag:s0] =	ssyncset.done $0x0  }
0x119: {  	s15 =	simm.s32 $0x1580;
	[sflag:s0] =	ssyncadd.s32 $0xFFFFE000  }
0x11a: {  	[spmem:s1] =	stream.indirect.scatter.add.f32 [tilespmem:s28], [sflag:$0x8], $0x80, s15, s20, $0xb8;
	[tilespmem:$0x1E800] =	vst v63  }
0x11b: {  	_ =	swait.ge [sflag:s2], $0x2000  }
0x11c: {  	[sflag:s2] =	ssyncset.done $0x0  }
0x11d: {  	s16 =	simm.s32 $0x200;
	[sflag:s2] =	ssyncadd.s32 $0xFFFFE000  }
0x11e: {  	[tilespmem:s21], [sflag:$0x1] =	stream.indirect.gather [hbm4b:s4+s20], $0x80, s16, s20, $0xb8;
	[tilespmem:$0x1E800] =	vst v63  }
0x11f: {  	_ =	swait.ge [sflag:s5], $0x2000  }
0x120: {  	[sflag:s5] =	ssyncset.done $0x0  }
0x121: {  	s15 =	simm.s32 $0x280;
	[sflag:s5] =	ssyncadd.s32 $0xFFFFE000  }
0x122: {  	[tilespmem:s23], [sflag:$0x2] =	stream.indirect.gather [hbm4b:s4+s20], $0x80, s15, s20, $0xb8;
	[tilespmem:$0x1E800] =	vst v63  }
0x123: {  	_ =	swait.ge [sflag:s7], $0x2000  }
0x124: {  	[sflag:s7] =	ssyncset.done $0x0  }
0x125: {  	s16 =	simm.s32 $0x300;
	[sflag:s7] =	ssyncadd.s32 $0xFFFFE000  }
0x126: {  	[tilespmem:s25], [sflag:$0x3] =	stream.indirect.gather [hbm4b:s4+s20], $0x80, s16, s20, $0xb8;
	[tilespmem:$0x1E800] =	vst v63  }
0x127: {  	_ =	swait.ge [sflag:s8], $0x2000  }
0x128: {  	[sflag:s8] =	ssyncset.done $0x0  }
0x129: {  	s14 =	simm.s32 $0x800;
	s15 =	simm.s32 $0x380;
	[sflag:s8] =	ssyncadd.s32 $0xFFFFE000  }
.LBB2_6:
0x12a: {  	[tilespmem:s28], [sflag:$0x4] =	stream.indirect.gather [hbm4b:s4+s20], $0x80, s15, s20, $0xb8;
	[tilespmem:$0x1E800] =	vst v63  }
0x12b: {  	s15 =	smov.u32 s14  }
0x12c: {  	p0 =	sne.s32 s14, $0x4000;
	s14 =	sadd.s32 $0x800, s14;
	_ =	swait.ge [sflag:s29], $0x2000  }
0x12d: {  	s15 =	sshra.s32 s15, $0x2;
	[sflag:s29] =	ssyncset.done $0x0  }
0x12e: {  	s16 =	sadd.s32 $0x1400, s15;
	[sflag:s29] =	ssyncadd.s32 $0xFFFFE000  }
0x12f: {  	[spmem:s1] =	stream.indirect.scatter.add.f32 [tilespmem:s21], [sflag:$0x5], $0x80, s16, s20, $0xb8;
	[tilespmem:$0x1E800] =	vst v63  }
0x130: {  	_ =	swait.ge [sflag:s30], $0x2000  }
0x131: {  	[sflag:s30] =	ssyncset.done $0x0  }
0x132: {  	s16 =	sadd.s32 $0x1480, s15;
	[sflag:s30] =	ssyncadd.s32 $0xFFFFE000  }
0x133: {  	[spmem:s1] =	stream.indirect.scatter.add.f32 [tilespmem:s23], [sflag:$0x6], $0x80, s16, s20, $0xb8;
	[tilespmem:$0x1E800] =	vst v63  }
0x134: {  	_ =	swait.ge [sflag:s31], $0x2000  }
0x135: {  	[sflag:s31] =	ssyncset.done $0x0  }
0x136: {  	s16 =	sadd.s32 $0x1500, s15;
	[sflag:s31] =	ssyncadd.s32 $0xFFFFE000  }
0x137: {  	[spmem:s1] =	stream.indirect.scatter.add.f32 [tilespmem:s25], [sflag:$0x7], $0x80, s16, s20, $0xb8;
	[tilespmem:$0x1E800] =	vst v63  }
0x138: {  	_ =	swait.ge [sflag:s0], $0x2000  }
0x139: {  	[sflag:s0] =	ssyncset.done $0x0  }
0x13a: {  	s16 =	sadd.s32 $0x1580, s15;
	[sflag:s0] =	ssyncadd.s32 $0xFFFFE000  }
0x13b: {  	[spmem:s1] =	stream.indirect.scatter.add.f32 [tilespmem:s28], [sflag:$0x8], $0x80, s16, s20, $0xb8;
	[tilespmem:$0x1E800] =	vst v63  }
0x13c: {  	_ =	swait.ge [sflag:s2], $0x2000  }
0x13d: {  	[sflag:s2] =	ssyncset.done $0x0  }
0x13e: {  	s16 =	sadd.s32 $0x200, s15;
	[sflag:s2] =	ssyncadd.s32 $0xFFFFE000  }
0x13f: {  	[tilespmem:s21], [sflag:$0x1] =	stream.indirect.gather [hbm4b:s4+s20], $0x80, s16, s20, $0xb8;
	[tilespmem:$0x1E800] =	vst v63  }
0x140: {  	_ =	swait.ge [sflag:s5], $0x2000  }
0x141: {  	[sflag:s5] =	ssyncset.done $0x0  }
0x142: {  	s16 =	sadd.s32 $0x280, s15;
	[sflag:s5] =	ssyncadd.s32 $0xFFFFE000  }
0x143: {  	[tilespmem:s23], [sflag:$0x2] =	stream.indirect.gather [hbm4b:s4+s20], $0x80, s16, s20, $0xb8;
	[tilespmem:$0x1E800] =	vst v63  }
0x144: {  	_ =	swait.ge [sflag:s7], $0x2000  }
0x145: {  	[sflag:s7] =	ssyncset.done $0x0  }
.Ltmp2:
0x146: {  	s16 =	sadd.s32 $0x300, s15;
	[sflag:s7] =	ssyncadd.s32 $0xFFFFE000;
	(pc) =	sbr.rel @p0 .LBB2_6-.Ltmp2, $4  }
0x147: {  	[tilespmem:s25], [sflag:$0x3] =	stream.indirect.gather [hbm4b:s4+s20], $0x80, s16, s20, $0xb8;
	[tilespmem:$0x1E800] =	vst v63  }
0x148: {  	_ =	swait.ge [sflag:s8], $0x2000  }
0x149: {  	[sflag:s8] =	ssyncset.done $0x0  }
0x14a: {  	s15 =	sadd.s32 $0x380, s15;
	[sflag:s8] =	ssyncadd.s32 $0xFFFFE000  }
0x14b: {  	[tilespmem:s28], [sflag:$0x4] =	stream.indirect.gather [hbm4b:s4+s20], $0x80, s15, s20, $0xb8;
	[tilespmem:$0x1E800] =	vst v63  }
0x14c: {  	_ =	swait.ge [sflag:s29], $0x2000  }
0x14d: {  	[sflag:s29] =	ssyncset.done $0x0  }
0x14e: {  	[sflag:s29] =	ssyncadd.s32 $0xFFFFE000  }
0x14f: {  	[spmem:s1] =	stream.indirect.scatter.add.f32 [tilespmem:s21], [sflag:$0x5], $0x80, s9, s20, $0xb8;
	[tilespmem:$0x1E800] =	vst v63  }
0x150: {  	_ =	swait.ge [sflag:s30], $0x2000  }
0x151: {  	[sflag:s30] =	ssyncset.done $0x0  }
0x152: {  	[sflag:s30] =	ssyncadd.s32 $0xFFFFE000  }
0x153: {  	[spmem:s1] =	stream.indirect.scatter.add.f32 [tilespmem:s23], [sflag:$0x6], $0x80, s10, s20, $0xb8;
	[tilespmem:$0x1E800] =	vst v63  }
0x154: {  	_ =	swait.ge [sflag:s31], $0x2000  }
0x155: {  	[sflag:s31] =	ssyncset.done $0x0  }
0x156: {  	[sflag:s31] =	ssyncadd.s32 $0xFFFFE000  }
0x157: {  	[spmem:s1] =	stream.indirect.scatter.add.f32 [tilespmem:s25], [sflag:$0x7], $0x80, s11, s20, $0xb8;
	[tilespmem:$0x1E800] =	vst v63  }
0x158: {  	_ =	swait.ge [sflag:s0], $0x2000  }
0x159: {  	[sflag:s0] =	ssyncset.done $0x0  }
0x15a: {  	[sflag:s0] =	ssyncadd.s32 $0xFFFFE000  }
0x15b: {  	[spmem:s1] =	stream.indirect.scatter.add.f32 [tilespmem:s28], [sflag:$0x8], $0x80, s12, s20, $0xb8;
	[tilespmem:$0x1E800] =	vst v63  }
0x15c: {  	_ =	swait.ge [sflag:s2], $0x2000  }
0x15d: {  	[sflag:s2] =	ssyncset.done $0x0  }
0x15e: {  	[sflag:s2] =	ssyncadd.s32 $0xFFFFE000  }
0x15f: {  	_ =	swait.ge [sflag:s5], $0x2000  }
0x160: {  	[sflag:s5] =	ssyncset.done $0x0  }
0x161: {  	[sflag:s5] =	ssyncadd.s32 $0xFFFFE000  }
0x162: {  	_ =	swait.ge [sflag:s7], $0x2000  }
0x163: {  	[sflag:s7] =	ssyncset.done $0x0  }
0x164: {  	[sflag:s7] =	ssyncadd.s32 $0xFFFFE000  }
0x165: {  	_ =	swait.ge [sflag:s8], $0x2000  }
0x166: {  	[sflag:s8] =	ssyncset.done $0x0  }
0x167: {  	s14 =	simm.s32 $0x0;
	s16 =	rddreg [dreg:$0xb];
	[sflag:s8] =	ssyncadd.s32 $0xFFFFE000  }
0x168: {  	[tilespmem:s14], [sflag:$0x9] =	stream.linear.gather [hbm4b:s16+s14], $0x1400, $0x38;
	[tilespmem:$0x1E800] =	vst v63  }
0x169: {  	_ =	swait.ge [sflag:s18], $0x1400  }
0x16a: {  	[sflag:s18] =	ssyncset.done $0x0  }
0x16b: {  	s16 =	rddreg [dreg:$0xc];
	[sflag:s18] =	ssyncadd.s32 $0xFFFFEC00  }
0x16c: {  	[tilespmem:s19], [sflag:$0x9] =	stream.linear.gather [hbm4b:s16+s14], $0x1400, $0x38;
	[tilespmem:$0x1E800] =	vst v63  }
0x16d: {  	_ =	swait.ge [sflag:s18], $0x1400  }
0x16e: {  	[sflag:s18] =	ssyncset.done $0x0  }
0x16f: {  	[sflag:s18] =	ssyncadd.s32 $0xFFFFEC00  }
0x170: {  	[tilespmem:s21], [sflag:$0x1] =	stream.indirect.gather [hbm4b:s4+s20], $0x80, s14, s20, $0xb8;
	[tilespmem:$0x1E800] =	vst v63  }
0x171: {  	_ = 	snop  }
0x172: {  	[tilespmem:s23], [sflag:$0x2] =	stream.indirect.gather [hbm4b:s4+s20], $0x80, s22, s20, $0xb8;
	[tilespmem:$0x1E800] =	vst v63  }
0x173: {  	_ = 	snop  }
0x174: {  	[tilespmem:s25], [sflag:$0x3] =	stream.indirect.gather [hbm4b:s4+s20], $0x80, s24, s20, $0xb8;
	[tilespmem:$0x1E800] =	vst v63  }
0x175: {  	_ = 	snop  }
0x176: {  	[tilespmem:s28], [sflag:$0x4] =	stream.indirect.gather [hbm4b:s4+s20], $0x80, s26, s20, $0xb8;
	[tilespmem:$0x1E800] =	vst v63  }
0x177: {  	_ =	swait.ge [sflag:s29], $0x2000  }
0x178: {  	[sflag:s29] =	ssyncset.done $0x0  }
0x179: {  	s16 =	simm.s32 $0x1400;
	[sflag:s29] =	ssyncadd.s32 $0xFFFFE000  }
0x17a: {  	[spmem:s1] =	stream.indirect.scatter.add.f32 [tilespmem:s21], [sflag:$0x5], $0x80, s16, s20, $0xb8;
	[tilespmem:$0x1E800] =	vst v63  }
0x17b: {  	_ =	swait.ge [sflag:s30], $0x2000  }
0x17c: {  	[sflag:s30] =	ssyncset.done $0x0  }
0x17d: {  	s15 =	simm.s32 $0x1480;
	[sflag:s30] =	ssyncadd.s32 $0xFFFFE000  }
0x17e: {  	[spmem:s1] =	stream.indirect.scatter.add.f32 [tilespmem:s23], [sflag:$0x6], $0x80, s15, s20, $0xb8;
	[tilespmem:$0x1E800] =	vst v63  }
0x17f: {  	_ =	swait.ge [sflag:s31], $0x2000  }
0x180: {  	[sflag:s31] =	ssyncset.done $0x0  }
0x181: {  	s16 =	simm.s32 $0x1500;
	[sflag:s31] =	ssyncadd.s32 $0xFFFFE000  }
0x182: {  	[spmem:s1] =	stream.indirect.scatter.add.f32 [tilespmem:s25], [sflag:$0x7], $0x80, s16, s20, $0xb8;
	[tilespmem:$0x1E800] =	vst v63  }
0x183: {  	_ =	swait.ge [sflag:s0], $0x2000  }
0x184: {  	[sflag:s0] =	ssyncset.done $0x0  }
0x185: {  	s15 =	simm.s32 $0x1580;
	[sflag:s0] =	ssyncadd.s32 $0xFFFFE000  }
0x186: {  	[spmem:s1] =	stream.indirect.scatter.add.f32 [tilespmem:s28], [sflag:$0x8], $0x80, s15, s20, $0xb8;
	[tilespmem:$0x1E800] =	vst v63  }
0x187: {  	_ =	swait.ge [sflag:s2], $0x2000  }
0x188: {  	[sflag:s2] =	ssyncset.done $0x0  }
0x189: {  	s16 =	simm.s32 $0x200;
	[sflag:s2] =	ssyncadd.s32 $0xFFFFE000  }
0x18a: {  	[tilespmem:s21], [sflag:$0x1] =	stream.indirect.gather [hbm4b:s4+s20], $0x80, s16, s20, $0xb8;
	[tilespmem:$0x1E800] =	vst v63  }
0x18b: {  	_ =	swait.ge [sflag:s5], $0x2000  }
0x18c: {  	[sflag:s5] =	ssyncset.done $0x0  }
0x18d: {  	s15 =	simm.s32 $0x280;
	[sflag:s5] =	ssyncadd.s32 $0xFFFFE000  }
0x18e: {  	[tilespmem:s23], [sflag:$0x2] =	stream.indirect.gather [hbm4b:s4+s20], $0x80, s15, s20, $0xb8;
	[tilespmem:$0x1E800] =	vst v63  }
0x18f: {  	_ =	swait.ge [sflag:s7], $0x2000  }
0x190: {  	[sflag:s7] =	ssyncset.done $0x0  }
0x191: {  	s16 =	simm.s32 $0x300;
	[sflag:s7] =	ssyncadd.s32 $0xFFFFE000  }
0x192: {  	[tilespmem:s25], [sflag:$0x3] =	stream.indirect.gather [hbm4b:s4+s20], $0x80, s16, s20, $0xb8;
	[tilespmem:$0x1E800] =	vst v63  }
0x193: {  	_ =	swait.ge [sflag:s8], $0x2000  }
0x194: {  	[sflag:s8] =	ssyncset.done $0x0  }
0x195: {  	s14 =	simm.s32 $0x800;
	s15 =	simm.s32 $0x380;
	[sflag:s8] =	ssyncadd.s32 $0xFFFFE000  }
.LBB2_8:
0x196: {  	[tilespmem:s28], [sflag:$0x4] =	stream.indirect.gather [hbm4b:s4+s20], $0x80, s15, s20, $0xb8;
	[tilespmem:$0x1E800] =	vst v63  }
0x197: {  	s15 =	smov.u32 s14  }
0x198: {  	p0 =	sne.s32 s14, $0x4000;
	s14 =	sadd.s32 $0x800, s14;
	_ =	swait.ge [sflag:s29], $0x2000  }
0x199: {  	s15 =	sshra.s32 s15, $0x2;
	[sflag:s29] =	ssyncset.done $0x0  }
0x19a: {  	s16 =	sadd.s32 $0x1400, s15;
	[sflag:s29] =	ssyncadd.s32 $0xFFFFE000  }
0x19b: {  	[spmem:s1] =	stream.indirect.scatter.add.f32 [tilespmem:s21], [sflag:$0x5], $0x80, s16, s20, $0xb8;
	[tilespmem:$0x1E800] =	vst v63  }
0x19c: {  	_ =	swait.ge [sflag:s30], $0x2000  }
0x19d: {  	[sflag:s30] =	ssyncset.done $0x0  }
0x19e: {  	s16 =	sadd.s32 $0x1480, s15;
	[sflag:s30] =	ssyncadd.s32 $0xFFFFE000  }
0x19f: {  	[spmem:s1] =	stream.indirect.scatter.add.f32 [tilespmem:s23], [sflag:$0x6], $0x80, s16, s20, $0xb8;
	[tilespmem:$0x1E800] =	vst v63  }
0x1a0: {  	_ =	swait.ge [sflag:s31], $0x2000  }
0x1a1: {  	[sflag:s31] =	ssyncset.done $0x0  }
0x1a2: {  	s16 =	sadd.s32 $0x1500, s15;
	[sflag:s31] =	ssyncadd.s32 $0xFFFFE000  }
0x1a3: {  	[spmem:s1] =	stream.indirect.scatter.add.f32 [tilespmem:s25], [sflag:$0x7], $0x80, s16, s20, $0xb8;
	[tilespmem:$0x1E800] =	vst v63  }
0x1a4: {  	_ =	swait.ge [sflag:s0], $0x2000  }
0x1a5: {  	[sflag:s0] =	ssyncset.done $0x0  }
0x1a6: {  	s16 =	sadd.s32 $0x1580, s15;
	[sflag:s0] =	ssyncadd.s32 $0xFFFFE000  }
0x1a7: {  	[spmem:s1] =	stream.indirect.scatter.add.f32 [tilespmem:s28], [sflag:$0x8], $0x80, s16, s20, $0xb8;
	[tilespmem:$0x1E800] =	vst v63  }
0x1a8: {  	_ =	swait.ge [sflag:s2], $0x2000  }
0x1a9: {  	[sflag:s2] =	ssyncset.done $0x0  }
0x1aa: {  	s16 =	sadd.s32 $0x200, s15;
	[sflag:s2] =	ssyncadd.s32 $0xFFFFE000  }
0x1ab: {  	[tilespmem:s21], [sflag:$0x1] =	stream.indirect.gather [hbm4b:s4+s20], $0x80, s16, s20, $0xb8;
	[tilespmem:$0x1E800] =	vst v63  }
0x1ac: {  	_ =	swait.ge [sflag:s5], $0x2000  }
0x1ad: {  	[sflag:s5] =	ssyncset.done $0x0  }
0x1ae: {  	s16 =	sadd.s32 $0x280, s15;
	[sflag:s5] =	ssyncadd.s32 $0xFFFFE000  }
0x1af: {  	[tilespmem:s23], [sflag:$0x2] =	stream.indirect.gather [hbm4b:s4+s20], $0x80, s16, s20, $0xb8;
	[tilespmem:$0x1E800] =	vst v63  }
0x1b0: {  	_ =	swait.ge [sflag:s7], $0x2000  }
0x1b1: {  	[sflag:s7] =	ssyncset.done $0x0  }
.Ltmp3:
0x1b2: {  	s16 =	sadd.s32 $0x300, s15;
	[sflag:s7] =	ssyncadd.s32 $0xFFFFE000;
	(pc) =	sbr.rel @p0 .LBB2_8-.Ltmp3, $4  }
0x1b3: {  	[tilespmem:s25], [sflag:$0x3] =	stream.indirect.gather [hbm4b:s4+s20], $0x80, s16, s20, $0xb8;
	[tilespmem:$0x1E800] =	vst v63  }
0x1b4: {  	_ =	swait.ge [sflag:s8], $0x2000  }
0x1b5: {  	[sflag:s8] =	ssyncset.done $0x0  }
0x1b6: {  	s15 =	sadd.s32 $0x380, s15;
	[sflag:s8] =	ssyncadd.s32 $0xFFFFE000  }
0x1b7: {  	[tilespmem:s28], [sflag:$0x4] =	stream.indirect.gather [hbm4b:s4+s20], $0x80, s15, s20, $0xb8;
	[tilespmem:$0x1E800] =	vst v63  }
0x1b8: {  	_ =	swait.ge [sflag:s29], $0x2000  }
0x1b9: {  	[sflag:s29] =	ssyncset.done $0x0  }
0x1ba: {  	[sflag:s29] =	ssyncadd.s32 $0xFFFFE000  }
0x1bb: {  	[spmem:s1] =	stream.indirect.scatter.add.f32 [tilespmem:s21], [sflag:$0x5], $0x80, s9, s20, $0xb8;
	[tilespmem:$0x1E800] =	vst v63  }
0x1bc: {  	_ =	swait.ge [sflag:s30], $0x2000  }
0x1bd: {  	[sflag:s30] =	ssyncset.done $0x0  }
0x1be: {  	[sflag:s30] =	ssyncadd.s32 $0xFFFFE000  }
0x1bf: {  	[spmem:s1] =	stream.indirect.scatter.add.f32 [tilespmem:s23], [sflag:$0x6], $0x80, s10, s20, $0xb8;
	[tilespmem:$0x1E800] =	vst v63  }
0x1c0: {  	_ =	swait.ge [sflag:s31], $0x2000  }
0x1c1: {  	[sflag:s31] =	ssyncset.done $0x0  }
0x1c2: {  	[sflag:s31] =	ssyncadd.s32 $0xFFFFE000  }
0x1c3: {  	[spmem:s1] =	stream.indirect.scatter.add.f32 [tilespmem:s25], [sflag:$0x7], $0x80, s11, s20, $0xb8;
	[tilespmem:$0x1E800] =	vst v63  }
0x1c4: {  	_ =	swait.ge [sflag:s0], $0x2000  }
0x1c5: {  	[sflag:s0] =	ssyncset.done $0x0  }
0x1c6: {  	[sflag:s0] =	ssyncadd.s32 $0xFFFFE000  }
0x1c7: {  	[spmem:s1] =	stream.indirect.scatter.add.f32 [tilespmem:s28], [sflag:$0x8], $0x80, s12, s20, $0xb8;
	[tilespmem:$0x1E800] =	vst v63  }
0x1c8: {  	_ =	swait.ge [sflag:s2], $0x2000  }
0x1c9: {  	[sflag:s2] =	ssyncset.done $0x0  }
0x1ca: {  	[sflag:s2] =	ssyncadd.s32 $0xFFFFE000  }
0x1cb: {  	_ =	swait.ge [sflag:s5], $0x2000  }
0x1cc: {  	[sflag:s5] =	ssyncset.done $0x0  }
0x1cd: {  	[sflag:s5] =	ssyncadd.s32 $0xFFFFE000  }
0x1ce: {  	_ =	swait.ge [sflag:s7], $0x2000  }
0x1cf: {  	[sflag:s7] =	ssyncset.done $0x0  }
0x1d0: {  	[sflag:s7] =	ssyncadd.s32 $0xFFFFE000  }
0x1d1: {  	_ =	swait.ge [sflag:s8], $0x2000  }
0x1d2: {  	[sflag:s8] =	ssyncset.done $0x0  }
0x1d3: {  	[sflag:s8] =	ssyncadd.s32 $0xFFFFE000  }
0x1d4: {  	[bflag:$0x0] =	sbarrier.arrive $0xFFFF  }
0x1d5: {  	s14 =	rddreg [dreg:$0xd]  }
0x1d6: {  	[hbm:s14], [sflag:s6] =	dma.local [spmem:s17], $0x2800  }
0x1d7: {  	_ =	swait.ge [sflag:s18], $0x2800  }
0x1d8: {  	s13 =	sadd.s32 $0x1, s13;
	s16 =	rddreg [dreg:$0xe]  }
0x1d9: {  	p0 =	sne.s32 s13, s16  }
.Ltmp4:
0x1da: {  	_ = 	snop;
	(pc) =	sbr.rel @p0 .LBB2_1-.Ltmp4, $3  }
0x1db: {  	_ =	sdelay $0x1  }
0x1dc: {  	[sflag:s18] =	ssyncset.done $0x0  }
0x1dd: {  	[sflag:s18] =	ssyncadd.s32 $0xFFFFD800  }
0x1de: {  	_ =	sfence.sel $0x180000  }
0x1df: {  	[bflag:$0x0] =	sbarrier.arrive $0xFFFF  }
0x1e0: {  	_ =	strace $0x9000004D  }
0x1e1: {  	s0 =	stileid.u32;
	[bflag:$0x2] =	sbarrier.arrive $0xFFFF  }
0x1e2: {  	p0 =	sne.s32 s0, $0x0;
	s0 =	rddreg [dreg:$0x3]  }
0x1e3: {  	s0 =	sadd.s32 @!p0 $0x100000, s0  }
0x1e4: {  	[sflag:s0] =	ssyncadd.tile.s32 @!p0 $0x1;
	_ =	shalt  }
.Lfunc_end2:
_tile_overlayer_lowered:
.L_overlay_start_2:
0x1e5: {  	(tag) =	ssettag $0x2  }
0x1e6: {  	s0 =	rddreg [dreg:$0x0];
	s2 =	stileid.u32  }
0x1e7: {  	s1 =	rddreg [dreg:$0x1];
	p0 =	sne.s32 s2, $0x0  }
0x1e8: {  	s3 =	rddreg [dreg:$0x2];
	[bflag:$0x3] =	sbarrier.arrive $0xFFFF;
	s2 =	simm.s32 @!p0 $0x1C09  }
0x1e9: {  	[timem:s3], [sflag:s2] =	dma.local @!p0 [hbm:s0], s1  }
0x1ea: {  	s0 =	simm.s32 @!p0 $0x9  }
0x1eb: {  	_ =	swait.ge @!p0 [sflag:s0], s1  }
0x1ec: {  	s1 =	ssub.s32 @!p0 $0x0, s1;
	[sflag:s0] =	ssyncset.done @!p0 $0x0  }
0x1ed: {  	[sflag:s0] =	ssyncadd.s32 @!p0 s1  }
0x1ee: {  	[bflag:$0x3] =	sbarrier.arrive $0xFFFF  }
0x1ef: {  	_ =	shalt  }

// kernel: kernel.8.cloned.1.call-start
scs
__scs_entry_jumppad:
0x0: {  	(pc) =	sbr.rel $0x88, $3  }
0x1: {  	(tag) =	ssettag $0x0;
	lr =	simm.s32 $0x1  }
0x2: {  	[smem:$0x3F9B] =	sst lr;
	_ =	strace $0xD0000000  }
0x3: {  	_ = 	snop  }
0x4: {  	_ = 	snop  }
0x5: {  	_ = 	snop  }
0x6: {  	_ = 	snop  }
0x7: {  	_ = 	snop  }
__scs_overlays_trampoline_lowered:
0x8: {  	[smem:$0x3FAA] =	sst s0  }
0x9: {  	[smem:$0x3FAB] =	sst s1  }
0xa: {  	[smem:$0x3FAC] =	sst s2  }
0xb: {  	[smem:$0x3FAD] =	sst s3  }
0xc: {  	[smem:$0x3FAE] =	sst s4  }
0xd: {  	[smem:$0x3FAF] =	sst s5  }
0xe: {  	[smem:$0x3FB0] =	sst s6  }
0xf: {  	[smem:$0x3FB1] =	sst s7  }
0x10: {  	[smem:$0x3FB2] =	sst s8  }
0x11: {  	[smem:$0x3FB3] =	sst s9;
	s0 =	simm.s32 @!p0 $0x0  }
0x12: {  	s1 =	sld [smem:$0x3F99];
	s0 =	simm.s32 @p0 $0x1  }
0x13: {  	[smem:$0x3FB4] =	sst s0;
	s0 =	simm.s32 @!p1 $0x0  }
0x14: {  	s2 =	sld [smem:$0x3F98];
	s0 =	simm.s32 @p1 $0x1  }
0x15: {  	[smem:$0x3FB5] =	sst s0;
	s0 =	simm.s32 @!p2 $0x0  }
0x16: {  	s3 =	sld [smem:$0x3FDB];
	s0 =	simm.s32 @p2 $0x1  }
0x17: {  	s4 =	simm.s32 $0x1BF5;
	[smem:$0x3FB7] =	sst s0  }
0x18: {  	s0 =	sld [smem:$0x3F9A];
	_ =	swait.ge [sflag:s4], $0x0  }
0x19: {  	s7 =	sld [smem:$0x3F9B]  }
0x1a: {  	s8 =	sadd.s32 $0xFFFFE003, lr  }
0x1b: {  	s9 =	sadd.s32 $0xFFFFFEF7, lr;
	s5 =	simm.s32 $0xFFFFFFFF;
	p2 =	slt.u32 s8, $0xFFFFF086  }
0x1c: {  	p1 =	slt.u32 s9, $0xF7A;
	s5 =	simm.s32 @!p2 $0x0  }
0x1d: {  	s5 =	simm.s32 @p1 $0x1;
	p0 =	seq.s32 s7, s2  }
0x1e: {  	s7 =	smul.u32 @!p0 $0xF7A, s2;
	p2 =	seq.s32 @!p0 s5, $0x0  }
0x1f: {  	s9 =	smul.u32 $0xF7A, s1;
	s8 =	simm.s32 @!p0 $0x1BF5;
	p2 =	por !p2, p0  }
0x20: {  	[sflag:s8] =	ssyncset.s32 @!p0 $0xFFFFF086;
	s6 =	sadd.s32 @!p0 s3, s7;
	s7 =	simm.s32 @!p0 $0x108  }
0x21: {  	s3 =	sadd.s32 s3, s9;
	s6 =	sadd.s32 @!p0 $0x88, s6;
	s7 =	simm.s32 @p2 $0x1082  }
0x22: {  	[simem:s7], [sflag:s8] =	dma.local @!p0 [hbm:s6], $0xF7A  }
0x23: {  	s9 =	sor.u32 $0xD0000000, s2;
	s6 =	simm.s32 $0x108;
	_ =	swait.ge @!p0 [sflag:s8], $0x0  }
0x24: {  	s3 =	sadd.s32 $0x88, s3;
	s6 =	simm.s32 @!p1 $0x1082;
	[sflag:s4] =	ssyncset.s32 $0xFFFFF086  }
0x25: {  	[simem:s6], [sflag:s4] =	dma.local [hbm:s3], $0xF7A  }
0x26: {  	[smem:$0x3F9B] =	sst s1;
	(tag) =	ssettag s2;
	_ =	strace s9  }
0x27: {  	s1 =	sld [smem:$0x3FAB]  }
0x28: {  	s2 =	sld [smem:$0x3FAC]  }
0x29: {  	s4 =	sld [smem:$0x3FAE]  }
0x2a: {  	p0 =	seq.s32 s5, $0x0;
	s5 =	sld [smem:$0x3FAF]  }
0x2b: {  	s6 =	sld [smem:$0x3FB0]  }
0x2c: {  	s7 =	sld [smem:$0x3FB1]  }
0x2d: {  	s3 =	simm.s32 $0x108;
	s8 =	sld [smem:$0x3FB2]  }
0x2e: {  	s3 =	simm.s32 @!p0 $0x1082;
	s9 =	sld [smem:$0x3FB3]  }
0x2f: {  	lr =	sadd.s32 s0, s3;
	s0 =	sld [smem:$0x3FAA]  }
0x30: {  	s3 =	sld [smem:$0x3FAD]  }
0x31: {  	[smem:$0x3FB6] =	sst s10  }
0x32: {  	s10 =	sld [smem:$0x3FB4];
	_ =	sdelay $0x3  }
0x33: {  	p0 =	seq.s32 s10, $0x1;
	s10 =	sld [smem:$0x3FB6];
	_ =	sdelay $0x3  }
0x34: {  	[smem:$0x3FB6] =	sst s10  }
0x35: {  	s10 =	sld [smem:$0x3FB5];
	_ =	sdelay $0x3  }
0x36: {  	p1 =	seq.s32 s10, $0x1;
	s10 =	sld [smem:$0x3FB6];
	_ =	sdelay $0x3  }
0x37: {  	[smem:$0x3FB6] =	sst s10  }
0x38: {  	s10 =	sld [smem:$0x3FB7]  }
0x39: {  	_ = 	snop;
	(pc) =	sbr.ind lr, $3  }
0x3a: {  	_ = 	snop  }
0x3b: {  	_ = 	snop  }
0x3c: {  	p2 =	seq.s32 s10, $0x1;
	s10 =	sld [smem:$0x3FB6]  }
0x3d: {  	_ =	shalt  }
0x3e: {  	_ =	shalt  }
0x3f: {  	_ =	shalt  }
0x40: {  	_ =	shalt  }
0x41: {  	_ =	shalt  }
0x42: {  	_ =	shalt  }
0x43: {  	_ =	shalt  }
0x44: {  	_ =	shalt  }
0x45: {  	_ =	shalt  }
0x46: {  	_ =	shalt  }
0x47: {  	_ =	shalt  }
0x48: {  	_ =	shalt  }
0x49: {  	_ =	shalt  }
0x4a: {  	_ =	shalt  }
0x4b: {  	_ =	shalt  }
0x4c: {  	_ =	shalt  }
0x4d: {  	_ =	shalt  }
0x4e: {  	_ =	shalt  }
0x4f: {  	_ =	shalt  }
0x50: {  	_ =	shalt  }
0x51: {  	_ =	shalt  }
0x52: {  	_ =	shalt  }
0x53: {  	_ =	shalt  }
0x54: {  	_ =	shalt  }
0x55: {  	_ =	shalt  }
0x56: {  	_ =	shalt  }
0x57: {  	_ =	shalt  }
0x58: {  	_ =	shalt  }
0x59: {  	_ =	shalt  }
0x5a: {  	_ =	shalt  }
0x5b: {  	_ =	shalt  }
0x5c: {  	_ =	shalt  }
0x5d: {  	_ =	shalt  }
0x5e: {  	_ =	shalt  }
0x5f: {  	_ =	shalt  }
0x60: {  	_ =	shalt  }
0x61: {  	_ =	shalt  }
0x62: {  	_ =	shalt  }
0x63: {  	_ =	shalt  }
0x64: {  	_ =	shalt  }
0x65: {  	_ =	shalt  }
0x66: {  	_ =	shalt  }
0x67: {  	_ =	shalt  }
0x68: {  	_ =	shalt  }
0x69: {  	_ =	shalt  }
0x6a: {  	_ =	shalt  }
0x6b: {  	_ =	shalt  }
0x6c: {  	_ =	shalt  }
0x6d: {  	_ =	shalt  }
0x6e: {  	_ =	shalt  }
0x6f: {  	_ =	shalt  }
0x70: {  	_ =	shalt  }
0x71: {  	_ =	shalt  }
0x72: {  	_ =	shalt  }
0x73: {  	_ =	shalt  }
0x74: {  	_ =	shalt  }
0x75: {  	_ =	shalt  }
0x76: {  	_ =	shalt  }
0x77: {  	_ =	shalt  }
0x78: {  	_ =	shalt  }
0x79: {  	_ =	shalt  }
0x7a: {  	_ =	shalt  }
0x7b: {  	_ =	shalt  }
0x7c: {  	_ =	shalt  }
0x7d: {  	_ =	shalt  }
0x7e: {  	_ =	shalt  }
0x7f: {  	_ =	shalt  }
0x80: {  	_ =	shalt  }
0x81: {  	_ =	shalt  }
0x82: {  	_ =	shalt  }
0x83: {  	_ =	shalt  }
0x84: {  	_ =	shalt  }
0x85: {  	_ =	shalt  }
0x86: {  	_ =	shalt  }
0x87: {  	_ =	shalt  }
.Lfunc_end0:
.L_simem_size_0:
called_computation_lowered:
.L_overlay_start_0:
0x88: {  	s2 =	sld [smem:$0x3FD9]  }
0x89: {  	s3 =	sld [smem:$0x3FFE];
	_ =	sdelay $0x1  }
0x8a: {  	s1 =	srdreg.scid  }
0x8b: {  	s0 =	sand.u32 $0x1, s1  }
0x8c: {  	s16 =	sshll.u32 s0, $0xA;
	s2 =	sadd.s32 s3, s2  }
0x8d: {  	s2 =	sadd.s32 s2, s16  }
0x8e: {  	[smem:$0x3FC2] =	sst s2  }
0x8f: {  	_ = 	snop  }
0x90: {  	(tm) =	ssettm $0x1  }
0x91: {  	s17 =	sld [smem:$0x3FFB];
	_ =	sdelay $0x3  }
0x92: {  	_ =	strace s17  }
0x93: {  	s2 =	sld [smem:$0x3FFC];
	_ =	sdelay $0x3  }
0x94: {  	_ =	strace s2  }
0x95: {  	s2 =	sld [smem:$0x3FFD];
	_ =	sdelay $0x3  }
0x96: {  	_ =	strace s2  }
0x97: {  	_ =	strace $0x8FFFFFFF  }
0x98: {  	s18 =	sld [smem:$0x3FDB];
	_ =	sdelay $0x1  }
0x99: {  	s19 =	simm.s32 $_scs_section_size  }
0x9a: {  	s4 =	simm.s32 $_size__tile_overlayer_lowered;
	s5 =	simm.s32 $_tile_overlayer_lowered  }
0x9b: {  	s22 =	simm.s32 $0x1BFF;
	s21 =	sshll.u32 s5, $0x1;
	s2 =	sadd.s32 s19, s18  }
0x9c: {  	s6 =	simm.s32 $0x0;
	s20 =	sshll.u32 s4, $0x1;
	s4 =	sadd.s32 s21, s2  }
0x9d: {  	[timem:s6], [sflag:s22] =	dma.local [hbm:s4], s20  }
0x9e: {  	_ =	swait.ge [sflag:s22], s20  }
0x9f: {  	s3 =	ssub.s32 $0x0, s20;
	[sflag:s22] =	ssyncset.done $0x0  }
0xa0: {  	[sflag:s22] =	ssyncadd.s32 s3;
	_ =	sdelay $0x1  }
0xa1: {  	s23 =	simm.s32 $0x1B8B  }
0xa2: {  	_ =	swait.ge [sflag:s23], $0x1  }
0xa3: {  	[sflag:s23] =	ssyncset.done $0x0  }
0xa4: {  	s25 =	simm.s32 $0x1B8E;
	s24 =	sld [smem:$0x3FFE];
	[sflag:s23] =	ssyncadd.s32 $0xFFFFFFFF  }
0xa5: {  	s26 =	simm.s32 $execute0_lowered;
	[smem:$0x3FD2] =	sst s25  }
0xa6: {  	s4 =	sshll.u32 s26, $0x1;
	_ =	strace $0x80000046;
	[dreg:$0x1] =	wrdreg $0xFFFFFFFF  }
0xa7: {  	s28 =	simm.s32 $_size_execute0_lowered;
	s2 =	sadd.s32 s2, s4;
	[dreg:$0x0] =	wrdreg $0x0  }
0xa8: {  	s4 =	sshll.u32 s28, $0x1;
	[dreg:$0x2] =	wrdreg s2  }
0xa9: {  	[dreg:$0x3] =	wrdreg s4  }
0xaa: {  	[dreg:$0x4] =	wrdreg $0xC0  }
0xab: {  	_ =	task [dreg:s6], $0x5FFFF  }
0xac: {  	[dreg:$0x1] =	wrdreg $0xFFFFFFFF  }
0xad: {  	[dreg:$0x0] =	wrdreg $0x60  }
0xae: {  	[dreg:$0x2] =	wrdreg s24  }
0xaf: {  	[dreg:$0x3] =	wrdreg $0x50800  }
0xb0: {  	[dreg:$0x4] =	wrdreg $0x9  }
0xb1: {  	_ =	task.clear_ibuf [dreg:s6], $0x5FFFF;
	_ =	strace $0x90000046  }
0xb2: {  	s29 =	simm.s32 $0x9;
	_ =	strace $0x80000048  }
0xb3: {  	_ =	swait.ge [sflag:s29], $0x1  }
0xb4: {  	[sflag:s29] =	ssyncadd.s32 $0xFFFFFFFF  }
0xb5: {  	_ =	strace $0x90000048  }
0xb6: {  	_ =	sfence  }
0xb7: {  	s30 =	sld [smem:$0x0];
	_ =	sdelay $0x2  }
0xb8: {  	s31 =	sshll.u32 s1, $0xD;
	s1 =	sshrl.u32 s1, $0x2  }
0xb9: {  	s3 =	sand.u32 $0x4000, s31;
	s1 =	sadd.s32 s1, s30  }
0xba: {  	s0 =	sor.u32 s3, s0;
	s1 =	sshll.u32 s1, $0x11  }
0xbb: {  	s0 =	sor.u32 s1, s0  }
0xbc: {  	s0 =	sadd.s32 $0x8F2B, s0  }
0xbd: {  	[sflag:s0] =	ssyncadd.remote.s32 $0x1  }
0xbe: {  	_ =	sfence.sel $0xFFFF  }
0xbf: {  	[dreg:$0x0] =	wrdreg $0xFFFFFFFF;
	(pc) =	sbr.abs _section_cstart, $3  }
0xc0: {  	[dreg:$0x1] =	wrdreg $0xFFFFFFFF  }
0xc1: {  	_ =	task.clear_ibuf [dreg:s6], $0x2FFFF;
	_ =	strace $0x9FFFFFFF  }
0xc2: {  	(tm) =	ssettm $0x7FFFFFFF  }
0xc3: {  	_ =	shalt  }
tec
execute0_lowered:
.L_overlay_start_1:
0x0: {  	(tag) =	ssettag $0x1  }
0x1: {  	s5 =	rddreg [dreg:$0x0]  }
0x2: {  	s0 =	srdreg.scid;
	s8 =	stileid.u32  }
0x3: {  	s1 =	rddreg [dreg:$0x1];
	s2 =	simm.s32 $0x0;
	s12 =	simm.s32 $0x50  }
0x4: {  	s13 =	simm.s32 $0x0;
	s3 =	sand.u32 $0x1, s0;
	s0 =	rddreg [dreg:$0x2]  }
0x5: {  	s4 =	sshll.u32 s8, $0x1;
	[smem:$0x7FF] =	sst s2;
	p0 =	sne.s32 s8, $0x0  }
0x6: {  	s8 =	simm.s32 $0x1;
	s4 =	sor.u32 s3, s4;
	s7 =	smul.u32 $0x500, s3  }
0x7: {  	_ =	strace $0x80000047;
	s9 =	ssub.s32 $0x2, s3;
	s4 =	smul.u32 $0x500, s4  }
0x8: {  	s3 =	sadd.s32 $0xCA00, s5;
	s11 =	sshrl.u32 @!p0 s1, $0x3;
	s10 =	sshrl.u32 s9, $0x1  }
0x9: {  	s7 =	sadd.s32 s7, s5;
	s9 =	ssub.s32 s9, s10;
	s6 =	sadd.s32 s4, s5  }
0xa: {  	s10 =	simm.s32 $0x5000;
	s4 =	sadd.s32 $0xC800, s5;
	s5 =	sadd.s32 $0x2800, s6  }
0xb: {  	v0 =	vimm.f32 $1.000000000e+00;
	s6 =	sadd.s32 $0xD000, s7;
	s7 =	smax.u32 s9, $0x1;
	s9 =	simm.s32 $0x2800  }
.LBB2_1:
0xc: {  	[tilespmem:s2], [sflag:$0x1] =	stream.linear.gather [hbm4b:s5+s2], $0x2800, $0x38;
	[tilespmem:$0x5300] =	vst v63  }
0xd: {  	_ =	swait.ge [sflag:s8], $0x2800  }
0xe: {  	[sflag:s8] =	ssyncset.done $0x0  }
0xf: {  	[sflag:s8] =	ssyncadd.s32 $0xFFFFD800  }
0x10: {  	[tilespmem:s9], [sflag:$0x1] =	stream.linear.gather [hbm4b:s3+s2], $0x2800, $0x38;
	[tilespmem:$0x5300] =	vst v63  }
0x11: {  	_ =	swait.ge [sflag:s8], $0x2800  }
0x12: {  	[sflag:s8] =	ssyncset.done $0x0  }
0x13: {  	[sflag:s8] =	ssyncadd.s32 $0xFFFFD800  }
0x14: {  	[tilespmem:s10], [sflag:$0x1] =	stream.linear.gather [hbm4b:s4+s2], $0x80, $0x38;
	[tilespmem:$0x5300] =	vst v63  }
0x15: {  	_ =	swait.ge [sflag:s8], $0x80  }
0x16: {  	[sflag:s8] =	ssyncset.done $0x0  }
0x17: {  	s14 =	simm.s32 @!p0 $0x1C01;
	[sflag:s8] =	ssyncadd.s32 $0xFFFFFF80  }
0x18: {  	[spmem:s11], [sflag:s14] =	dma.local @!p0 [hbm:s3], $0x500  }
0x19: {  	s14 =	simm.s32 @!p0 $0x1  }
0x1a: {  	_ =	swait.ge @!p0 [sflag:s14], $0x500  }
0x1b: {  	[sflag:s14] =	ssyncset.done @!p0 $0x0  }
0x1c: {  	[sflag:s14] =	ssyncadd.s32 @!p0 $0xFFFFFB00;
	s14 =	simm.s32 $0x1C0  }
.LBB2_2:
0x1d: {  	s15 =	sshra.s32 s14, $0x2  }
0x1e: {  	v1 =	vld [tilespmem:s15+$0xFFFFFF90];
	_ =	sdelay $0x7  }
0x1f: {  	[tilespmem:v1+s9+$0x0] =	vst.idx.add.f32.msk $0xffff, v0  }
0x20: {  	v1 =	vld [tilespmem:s15+$0xFFFFFFA0];
	_ =	sdelay $0x7  }
0x21: {  	[tilespmem:v1+s9+$0x0] =	vst.idx.add.f32.msk $0xffff, v0  }
0x22: {  	v1 =	vld [tilespmem:s15+$0xFFFFFFB0];
	_ =	sdelay $0x7  }
0x23: {  	[tilespmem:v1+s9+$0x0] =	vst.idx.add.f32.msk $0xffff, v0  }
0x24: {  	v1 =	vld [tilespmem:s15+$0xFFFFFFC0];
	_ =	sdelay $0x7  }
0x25: {  	[tilespmem:v1+s9+$0x0] =	vst.idx.add.f32.msk $0xffff, v0  }
0x26: {  	v1 =	vld [tilespmem:s15+$0xFFFFFFD0];
	_ =	sdelay $0x7  }
0x27: {  	[tilespmem:v1+s9+$0x0] =	vst.idx.add.f32.msk $0xffff, v0  }
0x28: {  	v1 =	vld [tilespmem:s15+$0xFFFFFFE0];
	_ =	sdelay $0x7  }
0x29: {  	[tilespmem:v1+s9+$0x0] =	vst.idx.add.f32.msk $0xffff, v0  }
0x2a: {  	v1 =	vld [tilespmem:s15+$0xFFFFFFF0];
	_ =	sdelay $0x7  }
0x2b: {  	[tilespmem:v1+s9+$0x0] =	vst.idx.add.f32.msk $0xffff, v0  }
0x2c: {  	v1 =	vld [tilespmem:s15+$0x0];
	_ =	sdelay $0x2  }
0x2d: {  	p1 =	sne.s32 s14, $0x9FC0  }
.Ltmp0:
0x2e: {  	_ = 	snop;
	(pc) =	sbr.rel @p1 .LBB2_2-.Ltmp0, $2  }
0x2f: {  	_ =	sdelay $0x2  }
0x30: {  	s14 =	sadd.s32 $0x200, s14;
	[tilespmem:v1+s9+$0x0] =	vst.idx.add.f32.msk $0xffff, v0  }
0x31: {  	[bflag:$0x0] =	sbarrier.arrive $0xFFFF  }
0x32: {  	[spmem:s1] =	stream.indirect.scatter.add.f32 [tilespmem:s9], [sflag:$0x1], $0x80, s10, s12, $0xb8;
	[tilespmem:$0x5300] =	vst v63  }
0x33: {  	_ =	swait.ge [sflag:s8], $0x2800  }
0x34: {  	[sflag:s8] =	ssyncset.done $0x0  }
0x35: {  	s13 =	sadd.s32 $0x1, s13;
	[sflag:s8] =	ssyncadd.s32 $0xFFFFD800  }
0x36: {  	s14 =	simm.s32 @!p0 $0x1C01;
	p1 =	sne.s32 s13, s7;
	[bflag:$0x0] =	sbarrier.arrive $0xFFFF  }
0x37: {  	[hbm:s6], [sflag:s14] =	dma.local @!p0 [spmem:s11], $0x500  }
.Ltmp1:
0x38: {  	_ = 	snop;
	(pc) =	sbr.rel @p1 .LBB2_1-.Ltmp1, $4  }
0x39: {  	s14 =	simm.s32 @!p0 $0x1  }
0x3a: {  	_ =	swait.ge @!p0 [sflag:s14], $0x500  }
0x3b: {  	[sflag:s14] =	ssyncset.done @!p0 $0x0  }
0x3c: {  	[sflag:s14] =	ssyncadd.s32 @!p0 $0xFFFFFB00  }
0x3d: {  	_ =	sfence.sel $0x180000  }
0x3e: {  	[bflag:$0x0] =	sbarrier.arrive $0xFFFF  }
0x3f: {  	_ =	strace $0x90000047  }
0x40: {  	s0 =	sadd.s32 @!p0 $0x100000, s0;
	[bflag:$0x2] =	sbarrier.arrive $0xFFFF  }
0x41: {  	[sflag:s0] =	ssyncadd.tile.s32 @!p0 $0x1;
	_ =	shalt  }
.Lfunc_end2:
_tile_overlayer_lowered:
.L_overlay_start_2:
0x42: {  	(tag) =	ssettag $0x2  }
0x43: {  	s0 =	rddreg [dreg:$0x0];
	s2 =	stileid.u32  }
0x44: {  	s1 =	rddreg [dreg:$0x1];
	p0 =	sne.s32 s2, $0x0  }
0x45: {  	s3 =	rddreg [dreg:$0x2];
	[bflag:$0x3] =	sbarrier.arrive $0xFFFF;
	s2 =	simm.s32 @!p0 $0x1C01  }
0x46: {  	[timem:s3], [sflag:s2] =	dma.local @!p0 [hbm:s0], s1  }
0x47: {  	s0 =	simm.s32 @!p0 $0x1  }
0x48: {  	_ =	swait.ge @!p0 [sflag:s0], s1  }
0x49: {  	s1 =	ssub.s32 @!p0 $0x0, s1;
	[sflag:s0] =	ssyncset.done @!p0 $0x0  }
0x4a: {  	[sflag:s0] =	ssyncadd.s32 @!p0 s1  }
0x4b: {  	[bflag:$0x3] =	sbarrier.arrive $0xFFFF  }
0x4c: {  	_ =	shalt  }

</sc_bundles>
